<compile_context>
chip_gen: v7x
topology: tpu7x:2x2x1
jax: 0.10.2.dev20260603
libtpu: 0.0.44.dev20260713+nightly
codegen_flags: <defaults>
</compile_context>

<pallas_src>
import functools

import jax
import jax.numpy as jnp
from jax import lax
from jax.experimental import pallas as pl
from jax.experimental.pallas import tpu as pltpu
import jax.experimental.pallas.tpu_sc as plsc

N = 10000
E = 320000
NHID = 128
NLAYER = 3
D_EDGE = 16
EMB = 15
NTYPES = 100
NGRAPH = 16
NOUT = 1

NC = 2
NS = 16
NW = NC * NS
EPT = E // NW
C = 80
NCHUNK = EPT // C
NPAD = 10240
RPT = NPAD // NS
F32 = jnp.float32



def _encode_body(xt_ref, feat_ref, emb_ref, o_ref):
    xt = xt_ref[...]
    oh = (xt == lax.broadcasted_iota(jnp.int32, (N, NTYPES), 1)).astype(F32)
    o_ref[...] = jnp.dot(oh, emb_ref[...],
                         preferred_element_type=F32,
                 precision=lax.Precision.HIGHEST) + feat_ref[...]


def _encode(x_type2, feat_pad, emb_pad):
    return pl.pallas_call(
        _encode_body,
        out_shape=jax.ShapeDtypeStruct((N, NHID), F32),
    )(x_type2, feat_pad, emb_pad)


EBLK = 2000


def _edge_mlp_body(a_ref, w_ref, b_ref, o_ref):
    h = jnp.dot(a_ref[...], w_ref[...], preferred_element_type=F32)
    o_ref[...] = jnp.maximum(h + b_ref[...], 0.0)


def _edge_mlp(attr8, w_bd, b_tile):
    g = (E // 8) // EBLK
    return pl.pallas_call(
        _edge_mlp_body,
        grid=(g,),
        in_specs=[
            pl.BlockSpec((EBLK, 8 * D_EDGE), lambda i: (i, 0)),
            pl.BlockSpec((8 * D_EDGE, 8 * NHID), lambda i: (0, 0)),
            pl.BlockSpec((1, 8 * NHID), lambda i: (0, 0)),
        ],
        out_specs=pl.BlockSpec((EBLK, 8 * NHID), lambda i: (i, 0)),
        out_shape=jax.ShapeDtypeStruct((E // 8, 8 * NHID), F32),
    )(attr8, w_bd, b_tile)


def _conv_mm_body(x_ref, agg_ref, w_ref, o_ref):
    s = x_ref[...] + agg_ref[0, :N] + agg_ref[1, :N]
    o_ref[...] = jnp.dot(s, w_ref[...], preferred_element_type=F32)


def _conv_mm(x, agg2, w):
    return pl.pallas_call(
        _conv_mm_body,
        out_shape=jax.ShapeDtypeStruct((N, NHID), F32),
    )(x, agg2, w)


def _head_body(x_ref, batch_ref, w1_ref, b1_ref, g_ref, b_ref, w2_ref, b2_ref,
               o_ref):
    bt = batch_ref[...]
    oh = (bt == lax.broadcasted_iota(jnp.int32, (NGRAPH, N), 0)).astype(F32)
    pooled = jnp.dot(oh, x_ref[...], preferred_element_type=F32,
                 precision=lax.Precision.HIGHEST)
    h = jnp.dot(pooled, w1_ref[...], preferred_element_type=F32) + b1_ref[...]
    mu = jnp.mean(h, axis=0, keepdims=True)
    var = jnp.mean(jnp.square(h - mu), axis=0, keepdims=True)
    h = (h - mu) / jnp.sqrt(var + 1e-5) * g_ref[...] + b_ref[...]
    h = jnp.maximum(h, 0.0)
    o_ref[...] = jnp.dot(h, w2_ref[...], preferred_element_type=F32) + b2_ref[...]


def _head(x, batch2, w1, b1, g, b, w2_pad, b2_pad):
    return pl.pallas_call(
        _head_body,
        out_shape=jax.ShapeDtypeStruct((NGRAPH, NHID), F32),
    )(x, batch2, w1, b1, g, b, w2_pad, b2_pad)



@functools.lru_cache(maxsize=None)
def _make_aggregate(with_ew: bool):
    mesh = plsc.VectorSubcoreMesh(core_axis_name="c", subcore_axis_name="s",
                                  num_cores=NC, num_subcores=NS)

    scratch = [
        pltpu.VMEM((NCHUNK, C), jnp.int32),
        pltpu.VMEM((NCHUNK, C), jnp.int32),
        pltpu.VMEM((C, NHID), F32),
        pltpu.VMEM_SHARED((NPAD, NHID), F32),
        pltpu.SemaphoreType.DMA,
    ]
    if with_ew:
        scratch.insert(2, pltpu.VMEM((C,), F32))

    def body(*refs):
        if with_ew:
            (e_hbm, x_hbm, src3, dst3, ewf, out_hbm,
             src_v, dst_v, ew_c, m_buf, acc, sem) = refs
        else:
            (e_hbm, x_hbm, src3, dst3, out_hbm,
             src_v, dst_v, m_buf, acc, sem) = refs
        cid = lax.axis_index("c")
        sid = lax.axis_index("s")
        wid = cid * NS + sid

        pltpu.sync_copy(src3.at[wid], src_v)
        pltpu.sync_copy(dst3.at[wid], dst_v)

        zv = jnp.zeros((16,), F32)

        def zrow(i, _):
            for k in range(NHID // 16):
                m_buf[i, pl.ds(k * 16, 16)] = zv
            return 0

        lax.fori_loop(0, C, zrow, 0, unroll=False)
        row0 = sid * RPT
        for t in range(RPT // C):
            pltpu.sync_copy(m_buf, acc.at[pl.ds(row0 + t * C, C)])
        plsc.subcore_barrier()

        ebase = wid * EPT

        def chunk(j, _):
            pltpu.sync_copy(e_hbm.at[pl.ds(ebase + j * C, C)], m_buf)
            pltpu.async_copy(x_hbm.at[src_v.at[j]], m_buf, sem,
                             add=True).wait()

            if with_ew:
                pltpu.sync_copy(ewf.at[pl.ds(ebase + j * C, C)], ew_c)

                def egrp(g, _):
                    ew16 = ew_c[pl.ds(g * 16, 16)]
                    for i in range(16):
                        ews = lax.gather(
                            ew16,
                            jnp.full((16, 1), i, jnp.int32),
                            lax.GatherDimensionNumbers(
                                offset_dims=(),
                                collapsed_slice_dims=(0,),
                                start_index_map=(0,)),
                            (1,),
                            mode=lax.GatherScatterMode.PROMISE_IN_BOUNDS)
                        row = g * 16 + i
                        for k in range(NHID // 16):
                            sl = pl.ds(k * 16, 16)
                            m_buf[row, sl] = (
                                jnp.maximum(m_buf[row, sl], 0.0) * ews)
                    return 0

                lax.fori_loop(0, C // 16, egrp, 0, unroll=False)
            else:
                def erow(i, _):
                    for k in range(NHID // 16):
                        sl = pl.ds(k * 16, 16)
                        m_buf[i, sl] = jnp.maximum(m_buf[i, sl], 0.0)
                    return 0

                lax.fori_loop(0, C, erow, 0, unroll=False)

            pltpu.sync_copy(m_buf, acc.at[dst_v.at[j]], add=True)
            return 0

        lax.fori_loop(0, NCHUNK, chunk, 0, unroll=False)
        plsc.subcore_barrier()
        pltpu.sync_copy(acc.at[pl.ds(row0, RPT)],
                        out_hbm.at[cid].at[pl.ds(row0, RPT)])

    kern = pl.kernel(
        body,
        out_type=jax.ShapeDtypeStruct((NC, NPAD, NHID), F32),
        mesh=mesh,
        scratch_types=scratch,
    )
    return kern


def _aggregate_ew(*args):
    return _make_aggregate(True)(*args)


def _aggregate(*args):
    return _make_aggregate(False)(*args)



def kernel(x_type, x_feat, edge_index, edge_attr, batch, node_emb,
           W_e, b_e, W_c, bn_g, bn_b, W_o1, b_o1, o_g, o_b, W_o2, b_o2):
    x_type2 = x_type.reshape(N, 1).astype(jnp.int32)
    feat_pad = jnp.pad(x_feat, ((0, 0), (NHID - EMB, 0)))
    emb_pad = jnp.pad(node_emb, ((0, 0), (0, EMB)))

    attr8 = edge_attr.reshape(E // 8, 8 * D_EDGE)
    w_bd_l = []
    for l in range(NLAYER):
        w_bd = jnp.zeros((8 * D_EDGE, 8 * NHID), F32)
        for j in range(8):
            w_bd = w_bd.at[j * D_EDGE:(j + 1) * D_EDGE,
                           j * NHID:(j + 1) * NHID].set(W_e[l])
        w_bd_l.append(w_bd)
        del w_bd
    b_tile = jnp.tile(b_e, (1, 8)).reshape(NLAYER, 1, 8 * NHID)

    src3 = edge_index[0].reshape(NW, NCHUNK, C).astype(jnp.int32)
    dst3 = edge_index[1].reshape(NW, NCHUNK, C).astype(jnp.int32)
    ewf = edge_attr[:, 1].reshape(E)

    batch2 = batch.reshape(1, N).astype(jnp.int32)
    w2_pad = jnp.pad(W_o2, ((0, 0), (0, NHID - NOUT)))
    b2_pad = jnp.pad(b_o2, ((0, NHID - NOUT))).reshape(1, NHID)

    x = _encode(x_type2, feat_pad, emb_pad)
    for l in range(NLAYER):
        e8 = _edge_mlp(attr8, w_bd_l[l], b_tile[l])
        e_full = e8.reshape(E, NHID)
        if l == 0:
            agg2 = _aggregate_ew(e_full, x, src3, dst3, ewf)
        else:
            agg2 = _aggregate(e_full, x, src3, dst3)
        h = _conv_mm(x, agg2, W_c[l])
        mu = jnp.mean(h, axis=0, keepdims=True)
        var = jnp.var(h, axis=0, keepdims=True)
        h = (h - mu) / jnp.sqrt(var + 1e-5) * bn_g[l] + bn_b[l]
        x = jax.nn.relu(h) + x
    res = _head(x, batch2, W_o1, b_o1.reshape(1, NHID),
                o_g.reshape(1, NHID), o_b.reshape(1, NHID), w2_pad, b2_pad)
    return res[:, :NOUT]

# --- scband reference (transcript-rebuilt; emitter-appended) ---
"""Pipeline reference for scband-rgnn-graph-58841051955247 (READ-ONLY COPY).

The authoritative reference and input builder live on the scoring server;
editing this copy changes nothing except your own understanding.
"""

import jax, jax.numpy as jnp
import numpy as np

N = 10000
E = 320000
NHID = 128
NLAYER = 3
D_EDGE = 16
EMB = 15
NTYPES = 100
NGRAPH = 16
NOUT = 1


def _batch_norm(h, g, b, eps=1e-5):
    mu = jnp.mean(h, axis=0, keepdims=True)
    var = jnp.var(h, axis=0, keepdims=True)
    return (h - mu) / jnp.sqrt(var + eps) * g + b


def setup_inputs(seed: int = 0) -> dict:
    key = jax.random.key(seed)
    ks = jax.random.split(key, 16)
    x_type = jax.random.randint(ks[0], (N,), 0, NTYPES)
    x_feat = jax.random.normal(ks[1], (N, EMB), jnp.float32)
    edge_index = jax.random.randint(ks[2], (2, E), 0, N)
    edge_attr = jax.random.normal(ks[3], (E, D_EDGE), jnp.float32)
    batch = jnp.sort(jax.random.randint(ks[4], (N,), 0, NGRAPH))
    node_emb = jax.random.normal(ks[5], (NTYPES, NHID - EMB), jnp.float32) * 0.1
    W_e = jax.random.normal(ks[6], (NLAYER, D_EDGE, NHID), jnp.float32) * 0.05
    b_e = jnp.zeros((NLAYER, NHID), jnp.float32)
    W_c = jax.random.normal(ks[7], (NLAYER, NHID, NHID), jnp.float32) * 0.05
    bn_g = jnp.ones((NLAYER, NHID), jnp.float32)
    bn_b = jnp.zeros((NLAYER, NHID), jnp.float32)
    W_o1 = jax.random.normal(ks[8], (NHID, NHID), jnp.float32) * 0.05
    b_o1 = jnp.zeros((NHID,), jnp.float32)
    o_g = jnp.ones((NHID,), jnp.float32)
    o_b = jnp.zeros((NHID,), jnp.float32)
    W_o2 = jax.random.normal(ks[9], (NHID, NOUT), jnp.float32) * 0.05
    b_o2 = jnp.zeros((NOUT,), jnp.float32)
    return {"x_type": x_type, "x_feat": x_feat, "edge_index": edge_index,
            "edge_attr": edge_attr, "batch": batch, "node_emb": node_emb,
            "W_e": W_e, "b_e": b_e, "W_c": W_c, "bn_g": bn_g, "bn_b": bn_b,
            "W_o1": W_o1, "b_o1": b_o1, "o_g": o_g, "o_b": o_b,
            "W_o2": W_o2, "b_o2": b_o2}


def reference(x_type, x_feat, edge_index, edge_attr, batch, node_emb,
              W_e, b_e, W_c, bn_g, bn_b, W_o1, b_o1, o_g, o_b, W_o2, b_o2):
    # input_encoder: discrete node-type embedding -> [N, NHID-EMB], concat raw feats
    x0 = jnp.take(node_emb, x_type, axis=0)
    x = jnp.concatenate([x0, x_feat], axis=-1)  # [N, NHID]
    previous_x = x
    src = edge_index[0]
    dst = edge_index[1]
    ew = edge_attr[:, 1]  # first-layer edge weight (data.edge_attr[:, 1])
    for l in range(NLAYER):
        # edge encoder MLP (1 layer, final activation)
        e = jax.nn.relu(edge_attr @ W_e[l] + b_e[l])  # [E, NHID]
        # GINE-style conv: msg = relu(x_src + e), first layer scaled by edge weight
        m = jax.nn.relu(jnp.take(x, src, axis=0) + e)
        if l == 0:
            m = m * ew[:, None]
        agg = jax.ops.segment_sum(m, dst, num_segments=N)
        h = (x + agg) @ W_c[l]  # conv linear (bias=False since bn='BN')
        h = _batch_norm(h, bn_g[l], bn_b[l])
        h = jax.nn.relu(h)
        # dropout=0 -> identity; residual
        x = h + previous_x
        previous_x = x
    # pooling='add'
    pooled = jax.ops.segment_sum(x, batch, num_segments=NGRAPH)  # [NGRAPH, NHID]
    # output_encoder: MLP nlayer=2, with_norm=True, no final activation
    h = pooled @ W_o1 + b_o1
    h = _batch_norm(h, o_g, o_b)
    h = jax.nn.relu(h)
    out = h @ W_o2 + b_o2
    return out

if __name__ == "__main__":
    import jax
    _d = setup_inputs()
    print(jax.jit(kernel)(*tuple(_d.values())))

</pallas_src>

<mosaic_0001>
#map = affine_map<(d0, d1) -> (0, 0)>
#map1 = affine_map<(d0, d1) -> (0, 0, 0)>
module attributes {stable_mosaic.version = 14 : i64} {
  func.func @body(%arg0: i32, %arg1: i32, %arg2: memref<320000x128xf32, #tpu.memory_space<hbm>>, %arg3: memref<10000x128xf32, #tpu.memory_space<hbm>>, %arg4: memref<32x125x80xi32, #tpu.memory_space<hbm>>, %arg5: memref<32x125x80xi32, #tpu.memory_space<hbm>>, %arg6: memref<2x10240x128xf32, #tpu.memory_space<hbm>>, %arg7: memref<125x80xi32, #tpu.memory_space<vmem>>, %arg8: memref<125x80xi32, #tpu.memory_space<vmem>>, %arg9: memref<80x128xf32, #tpu.memory_space<vmem>>, %arg10: memref<10240x128xf32, #tpu.memory_space<vmem_shared>>, %arg11: memref<!tpu.dma_semaphore, #tpu.memory_space<semaphore_mem>>) attributes {dimension_semantics = [#tpu.dimension_semantics<core_parallel>, #tpu.dimension_semantics<subcore_parallel>], iteration_bounds = array<i64: 2, 16>, scalar_prefetch = 0 : i64, scratch_operands = 5 : i64, tpu.core_type = #tpu.core_type<sc_vector_subcore>, window_params = [{transform_indices = #map}, {transform_indices = #map}, {transform_indices = #map1}, {transform_indices = #map1}, {transform_indices = #map1}]} {
    %mul3A = arith.constant 16 : i32
    %mul3A_0 = arith.muli %arg0, %mul3A : i32
    %add3A = arith.addi %mul3A_0, %arg1 : i32
    "tpu.region"() ({
      %run_scoped3A = tpu.sem_alloc : memref<!tpu.dma_semaphore, #tpu.memory_space<semaphore_mem>>
      %dma_start3A = arith.constant 0 : i32
      %dma_start3A_36 = arith.constant 0 : i32
      %dma_start3A_37 = tpu.memref_slice %arg4[%add3A, %dma_start3A, %dma_start3A_36] : memref<32x125x80xi32, #tpu.memory_space<hbm>> -> memref<1x125x80xi32, #tpu.memory_space<hbm>>
      %dma_start3A_38 = tpu.memref_squeeze %dma_start3A_37 : memref<1x125x80xi32, #tpu.memory_space<hbm>> -> memref<125x80xi32, #tpu.memory_space<hbm>>
      %dma_start3A_39 = arith.constant 0 : i32
      %dma_start3A_40 = arith.constant 0 : i32
      %dma_start3A_41 = tpu.memref_slice %arg4[%add3A, %dma_start3A_39, %dma_start3A_40] : memref<32x125x80xi32, #tpu.memory_space<hbm>> -> memref<1x125x80xi32, #tpu.memory_space<hbm>>
      %dma_start3A_42 = tpu.memref_squeeze %dma_start3A_41 : memref<1x125x80xi32, #tpu.memory_space<hbm>> -> memref<125x80xi32, #tpu.memory_space<hbm>>
      tpu.enqueue_dma source(%dma_start3A_42 : memref<125x80xi32, #tpu.memory_space<hbm>>) target(%arg7 : memref<125x80xi32, #tpu.memory_space<vmem>>) target_semaphore(%run_scoped3A : memref<!tpu.dma_semaphore, #tpu.memory_space<semaphore_mem>>)
      %dma_wait3A = arith.constant 0 : i32
      %dma_wait3A_43 = arith.constant 0 : i32
      %dma_wait3A_44 = tpu.memref_slice %arg4[%add3A, %dma_wait3A, %dma_wait3A_43] : memref<32x125x80xi32, #tpu.memory_space<hbm>> -> memref<1x125x80xi32, #tpu.memory_space<hbm>>
      %dma_wait3A_45 = tpu.memref_squeeze %dma_wait3A_44 : memref<1x125x80xi32, #tpu.memory_space<hbm>> -> memref<125x80xi32, #tpu.memory_space<hbm>>
      %dma_wait3A_46 = arith.constant 0 : i32
      %dma_wait3A_47 = arith.constant 0 : i32
      %dma_wait3A_48 = tpu.memref_slice %arg4[%add3A, %dma_wait3A_46, %dma_wait3A_47] : memref<32x125x80xi32, #tpu.memory_space<hbm>> -> memref<1x125x80xi32, #tpu.memory_space<hbm>>
      %dma_wait3A_49 = tpu.memref_squeeze %dma_wait3A_48 : memref<1x125x80xi32, #tpu.memory_space<hbm>> -> memref<125x80xi32, #tpu.memory_space<hbm>>
      tpu.wait_dma2 semaphore(%run_scoped3A : memref<!tpu.dma_semaphore, #tpu.memory_space<semaphore_mem>>) src(%dma_wait3A_49 : memref<125x80xi32, #tpu.memory_space<hbm>>) dst(%arg7 : memref<125x80xi32, #tpu.memory_space<vmem>>)
      tpu.yield
    }) : () -> ()
    "tpu.region"() ({
      %run_scoped3A = tpu.sem_alloc : memref<!tpu.dma_semaphore, #tpu.memory_space<semaphore_mem>>
      %dma_start3A = arith.constant 0 : i32
      %dma_start3A_36 = arith.constant 0 : i32
      %dma_start3A_37 = tpu.memref_slice %arg5[%add3A, %dma_start3A, %dma_start3A_36] : memref<32x125x80xi32, #tpu.memory_space<hbm>> -> memref<1x125x80xi32, #tpu.memory_space<hbm>>
      %dma_start3A_38 = tpu.memref_squeeze %dma_start3A_37 : memref<1x125x80xi32, #tpu.memory_space<hbm>> -> memref<125x80xi32, #tpu.memory_space<hbm>>
      %dma_start3A_39 = arith.constant 0 : i32
      %dma_start3A_40 = arith.constant 0 : i32
      %dma_start3A_41 = tpu.memref_slice %arg5[%add3A, %dma_start3A_39, %dma_start3A_40] : memref<32x125x80xi32, #tpu.memory_space<hbm>> -> memref<1x125x80xi32, #tpu.memory_space<hbm>>
      %dma_start3A_42 = tpu.memref_squeeze %dma_start3A_41 : memref<1x125x80xi32, #tpu.memory_space<hbm>> -> memref<125x80xi32, #tpu.memory_space<hbm>>
      tpu.enqueue_dma source(%dma_start3A_42 : memref<125x80xi32, #tpu.memory_space<hbm>>) target(%arg8 : memref<125x80xi32, #tpu.memory_space<vmem>>) target_semaphore(%run_scoped3A : memref<!tpu.dma_semaphore, #tpu.memory_space<semaphore_mem>>)
      %dma_wait3A = arith.constant 0 : i32
      %dma_wait3A_43 = arith.constant 0 : i32
      %dma_wait3A_44 = tpu.memref_slice %arg5[%add3A, %dma_wait3A, %dma_wait3A_43] : memref<32x125x80xi32, #tpu.memory_space<hbm>> -> memref<1x125x80xi32, #tpu.memory_space<hbm>>
      %dma_wait3A_45 = tpu.memref_squeeze %dma_wait3A_44 : memref<1x125x80xi32, #tpu.memory_space<hbm>> -> memref<125x80xi32, #tpu.memory_space<hbm>>
      %dma_wait3A_46 = arith.constant 0 : i32
      %dma_wait3A_47 = arith.constant 0 : i32
      %dma_wait3A_48 = tpu.memref_slice %arg5[%add3A, %dma_wait3A_46, %dma_wait3A_47] : memref<32x125x80xi32, #tpu.memory_space<hbm>> -> memref<1x125x80xi32, #tpu.memory_space<hbm>>
      %dma_wait3A_49 = tpu.memref_squeeze %dma_wait3A_48 : memref<1x125x80xi32, #tpu.memory_space<hbm>> -> memref<125x80xi32, #tpu.memory_space<hbm>>
      tpu.wait_dma2 semaphore(%run_scoped3A : memref<!tpu.dma_semaphore, #tpu.memory_space<semaphore_mem>>) src(%dma_wait3A_49 : memref<125x80xi32, #tpu.memory_space<hbm>>) dst(%arg8 : memref<125x80xi32, #tpu.memory_space<vmem>>)
      tpu.yield
    }) : () -> ()
    %broadcast_in_dim3A = arith.constant 0.000000e+00 : f32
    %broadcast_in_dim3A_1 = vector.broadcast %broadcast_in_dim3A : f32 to vector<16xf32>
    %scan3A = arith.constant 0 : i32
    %scan3A_2 = arith.constant 0 : i32
    %scan3A_3 = arith.constant 80 : i32
    %scan3A_4 = arith.addi %scan3A_2, %scan3A_3 : i32
    %scan3A_5 = arith.constant 1 : i32
    %scan3A_6 = scf.for %scan3A_36 = %scan3A_2 to %scan3A_4 step %scan3A_5 iter_args(%scan3A_37 = %scan3A) -> (i32)  : i32 {
      %swap3A = arith.index_cast %scan3A_36 : i32 to index
      %swap3A_38 = arith.constant 0 : index
      %swap3A_39 = tpu.vector_load %arg9[%swap3A, %swap3A_38] {strides = array<i32>} : memref<80x128xf32, #tpu.memory_space<vmem>>, vector<1x16xf32>,
      %swap3A_40 = vector.shape_cast %swap3A_39 : vector<1x16xf32> to vector<16xf32>
      %swap3A_41 = vector.shape_cast %broadcast_in_dim3A_1 : vector<16xf32> to vector<1x16xf32>
      tpu.vector_store %arg9[%swap3A, %swap3A_38], %swap3A_41 {strides = array<i32>} : memref<80x128xf32, #tpu.memory_space<vmem>>, vector<1x16xf32>,
      %swap3A_42 = arith.index_cast %scan3A_36 : i32 to index
      %swap3A_43 = arith.constant 16 : index
      %swap3A_44 = tpu.vector_load %arg9[%swap3A_42, %swap3A_43] {strides = array<i32>} : memref<80x128xf32, #tpu.memory_space<vmem>>, vector<1x16xf32>,
      %swap3A_45 = vector.shape_cast %swap3A_44 : vector<1x16xf32> to vector<16xf32>
      %swap3A_46 = vector.shape_cast %broadcast_in_dim3A_1 : vector<16xf32> to vector<1x16xf32>
      tpu.vector_store %arg9[%swap3A_42, %swap3A_43], %swap3A_46 {strides = array<i32>} : memref<80x128xf32, #tpu.memory_space<vmem>>, vector<1x16xf32>,
      %swap3A_47 = arith.index_cast %scan3A_36 : i32 to index
      %swap3A_48 = arith.constant 32 : index
      %swap3A_49 = tpu.vector_load %arg9[%swap3A_47, %swap3A_48] {strides = array<i32>} : memref<80x128xf32, #tpu.memory_space<vmem>>, vector<1x16xf32>,
      %swap3A_50 = vector.shape_cast %swap3A_49 : vector<1x16xf32> to vector<16xf32>
      %swap3A_51 = vector.shape_cast %broadcast_in_dim3A_1 : vector<16xf32> to vector<1x16xf32>
      tpu.vector_store %arg9[%swap3A_47, %swap3A_48], %swap3A_51 {strides = array<i32>} : memref<80x128xf32, #tpu.memory_space<vmem>>, vector<1x16xf32>,
      %swap3A_52 = arith.index_cast %scan3A_36 : i32 to index
      %swap3A_53 = arith.constant 48 : index
      %swap3A_54 = tpu.vector_load %arg9[%swap3A_52, %swap3A_53] {strides = array<i32>} : memref<80x128xf32, #tpu.memory_space<vmem>>, vector<1x16xf32>,
      %swap3A_55 = vector.shape_cast %swap3A_54 : vector<1x16xf32> to vector<16xf32>
      %swap3A_56 = vector.shape_cast %broadcast_in_dim3A_1 : vector<16xf32> to vector<1x16xf32>
      tpu.vector_store %arg9[%swap3A_52, %swap3A_53], %swap3A_56 {strides = array<i32>} : memref<80x128xf32, #tpu.memory_space<vmem>>, vector<1x16xf32>,
      %swap3A_57 = arith.index_cast %scan3A_36 : i32 to index
      %swap3A_58 = arith.constant 64 : index
      %swap3A_59 = tpu.vector_load %arg9[%swap3A_57, %swap3A_58] {strides = array<i32>} : memref<80x128xf32, #tpu.memory_space<vmem>>, vector<1x16xf32>,
      %swap3A_60 = vector.shape_cast %swap3A_59 : vector<1x16xf32> to vector<16xf32>
      %swap3A_61 = vector.shape_cast %broadcast_in_dim3A_1 : vector<16xf32> to vector<1x16xf32>
      tpu.vector_store %arg9[%swap3A_57, %swap3A_58], %swap3A_61 {strides = array<i32>} : memref<80x128xf32, #tpu.memory_space<vmem>>, vector<1x16xf32>,
      %swap3A_62 = arith.index_cast %scan3A_36 : i32 to index
      %swap3A_63 = arith.constant 80 : index
      %swap3A_64 = tpu.vector_load %arg9[%swap3A_62, %swap3A_63] {strides = array<i32>} : memref<80x128xf32, #tpu.memory_space<vmem>>, vector<1x16xf32>,
      %swap3A_65 = vector.shape_cast %swap3A_64 : vector<1x16xf32> to vector<16xf32>
      %swap3A_66 = vector.shape_cast %broadcast_in_dim3A_1 : vector<16xf32> to vector<1x16xf32>
      tpu.vector_store %arg9[%swap3A_62, %swap3A_63], %swap3A_66 {strides = array<i32>} : memref<80x128xf32, #tpu.memory_space<vmem>>, vector<1x16xf32>,
      %swap3A_67 = arith.index_cast %scan3A_36 : i32 to index
      %swap3A_68 = arith.constant 96 : index
      %swap3A_69 = tpu.vector_load %arg9[%swap3A_67, %swap3A_68] {strides = array<i32>} : memref<80x128xf32, #tpu.memory_space<vmem>>, vector<1x16xf32>,
      %swap3A_70 = vector.shape_cast %swap3A_69 : vector<1x16xf32> to vector<16xf32>
      %swap3A_71 = vector.shape_cast %broadcast_in_dim3A_1 : vector<16xf32> to vector<1x16xf32>
      tpu.vector_store %arg9[%swap3A_67, %swap3A_68], %swap3A_71 {strides = array<i32>} : memref<80x128xf32, #tpu.memory_space<vmem>>, vector<1x16xf32>,
      %swap3A_72 = arith.index_cast %scan3A_36 : i32 to index
      %swap3A_73 = arith.constant 112 : index
      %swap3A_74 = tpu.vector_load %arg9[%swap3A_72, %swap3A_73] {strides = array<i32>} : memref<80x128xf32, #tpu.memory_space<vmem>>, vector<1x16xf32>,
      %swap3A_75 = vector.shape_cast %swap3A_74 : vector<1x16xf32> to vector<16xf32>
      %swap3A_76 = vector.shape_cast %broadcast_in_dim3A_1 : vector<16xf32> to vector<1x16xf32>
      tpu.vector_store %arg9[%swap3A_72, %swap3A_73], %swap3A_76 {strides = array<i32>} : memref<80x128xf32, #tpu.memory_space<vmem>>, vector<1x16xf32>,
      %scan3A_77 = arith.constant 0 : i32
      scf.yield %scan3A_77 : i32
    }
    %scan3A_7 = arith.constant 80 : i32
    %mul3A_8 = arith.constant 640 : i32
    %mul3A_9 = arith.muli %arg1, %mul3A_8 : i32
    %add3A_10 = arith.constant 0 : i32
    %add3A_11 = arith.addi %mul3A_9, %add3A_10 : i32
    "tpu.region"() ({
      %run_scoped3A = tpu.sem_alloc : memref<!tpu.dma_semaphore, #tpu.memory_space<semaphore_mem>>
      %dma_start3A = arith.constant 0 : i32
      %dma_start3A_36 = tpu.memref_slice %arg10[%add3A_11, %dma_start3A] : memref<10240x128xf32, #tpu.memory_space<vmem_shared>> -> memref<80x128xf32, #tpu.memory_space<vmem_shared>>
      %dma_start3A_37 = arith.constant 0 : i32
      %dma_start3A_38 = tpu.memref_slice %arg10[%add3A_11, %dma_start3A_37] : memref<10240x128xf32, #tpu.memory_space<vmem_shared>> -> memref<80x128xf32, #tpu.memory_space<vmem_shared>>
      tpu.enqueue_dma source(%arg9 : memref<80x128xf32, #tpu.memory_space<vmem>>) target(%dma_start3A_38 : memref<80x128xf32, #tpu.memory_space<vmem_shared>>) target_semaphore(%run_scoped3A : memref<!tpu.dma_semaphore, #tpu.memory_space<semaphore_mem>>)
      %dma_wait3A = arith.constant 0 : i32
      %dma_wait3A_39 = tpu.memref_slice %arg10[%add3A_11, %dma_wait3A] : memref<10240x128xf32, #tpu.memory_space<vmem_shared>> -> memref<80x128xf32, #tpu.memory_space<vmem_shared>>
      %dma_wait3A_40 = arith.constant 0 : i32
      %dma_wait3A_41 = tpu.memref_slice %arg10[%add3A_11, %dma_wait3A_40] : memref<10240x128xf32, #tpu.memory_space<vmem_shared>> -> memref<80x128xf32, #tpu.memory_space<vmem_shared>>
      tpu.wait_dma2 semaphore(%run_scoped3A : memref<!tpu.dma_semaphore, #tpu.memory_space<semaphore_mem>>) src(%arg9 : memref<80x128xf32, #tpu.memory_space<vmem>>) dst(%dma_wait3A_41 : memref<80x128xf32, #tpu.memory_space<vmem_shared>>)
      tpu.yield
    }) : () -> ()
    %add3A_12 = arith.constant 80 : i32
    %add3A_13 = arith.addi %mul3A_9, %add3A_12 : i32
    "tpu.region"() ({
      %run_scoped3A = tpu.sem_alloc : memref<!tpu.dma_semaphore, #tpu.memory_space<semaphore_mem>>
      %dma_start3A = arith.constant 0 : i32
      %dma_start3A_36 = tpu.memref_slice %arg10[%add3A_13, %dma_start3A] : memref<10240x128xf32, #tpu.memory_space<vmem_shared>> -> memref<80x128xf32, #tpu.memory_space<vmem_shared>>
      %dma_start3A_37 = arith.constant 0 : i32
      %dma_start3A_38 = tpu.memref_slice %arg10[%add3A_13, %dma_start3A_37] : memref<10240x128xf32, #tpu.memory_space<vmem_shared>> -> memref<80x128xf32, #tpu.memory_space<vmem_shared>>
      tpu.enqueue_dma source(%arg9 : memref<80x128xf32, #tpu.memory_space<vmem>>) target(%dma_start3A_38 : memref<80x128xf32, #tpu.memory_space<vmem_shared>>) target_semaphore(%run_scoped3A : memref<!tpu.dma_semaphore, #tpu.memory_space<semaphore_mem>>)
      %dma_wait3A = arith.constant 0 : i32
      %dma_wait3A_39 = tpu.memref_slice %arg10[%add3A_13, %dma_wait3A] : memref<10240x128xf32, #tpu.memory_space<vmem_shared>> -> memref<80x128xf32, #tpu.memory_space<vmem_shared>>
      %dma_wait3A_40 = arith.constant 0 : i32
      %dma_wait3A_41 = tpu.memref_slice %arg10[%add3A_13, %dma_wait3A_40] : memref<10240x128xf32, #tpu.memory_space<vmem_shared>> -> memref<80x128xf32, #tpu.memory_space<vmem_shared>>
      tpu.wait_dma2 semaphore(%run_scoped3A : memref<!tpu.dma_semaphore, #tpu.memory_space<semaphore_mem>>) src(%arg9 : memref<80x128xf32, #tpu.memory_space<vmem>>) dst(%dma_wait3A_41 : memref<80x128xf32, #tpu.memory_space<vmem_shared>>)
      tpu.yield
    }) : () -> ()
    %add3A_14 = arith.constant 160 : i32
    %add3A_15 = arith.addi %mul3A_9, %add3A_14 : i32
    "tpu.region"() ({
      %run_scoped3A = tpu.sem_alloc : memref<!tpu.dma_semaphore, #tpu.memory_space<semaphore_mem>>
      %dma_start3A = arith.constant 0 : i32
      %dma_start3A_36 = tpu.memref_slice %arg10[%add3A_15, %dma_start3A] : memref<10240x128xf32, #tpu.memory_space<vmem_shared>> -> memref<80x128xf32, #tpu.memory_space<vmem_shared>>
      %dma_start3A_37 = arith.constant 0 : i32
      %dma_start3A_38 = tpu.memref_slice %arg10[%add3A_15, %dma_start3A_37] : memref<10240x128xf32, #tpu.memory_space<vmem_shared>> -> memref<80x128xf32, #tpu.memory_space<vmem_shared>>
      tpu.enqueue_dma source(%arg9 : memref<80x128xf32, #tpu.memory_space<vmem>>) target(%dma_start3A_38 : memref<80x128xf32, #tpu.memory_space<vmem_shared>>) target_semaphore(%run_scoped3A : memref<!tpu.dma_semaphore, #tpu.memory_space<semaphore_mem>>)
      %dma_wait3A = arith.constant 0 : i32
      %dma_wait3A_39 = tpu.memref_slice %arg10[%add3A_15, %dma_wait3A] : memref<10240x128xf32, #tpu.memory_space<vmem_shared>> -> memref<80x128xf32, #tpu.memory_space<vmem_shared>>
      %dma_wait3A_40 = arith.constant 0 : i32
      %dma_wait3A_41 = tpu.memref_slice %arg10[%add3A_15, %dma_wait3A_40] : memref<10240x128xf32, #tpu.memory_space<vmem_shared>> -> memref<80x128xf32, #tpu.memory_space<vmem_shared>>
      tpu.wait_dma2 semaphore(%run_scoped3A : memref<!tpu.dma_semaphore, #tpu.memory_space<semaphore_mem>>) src(%arg9 : memref<80x128xf32, #tpu.memory_space<vmem>>) dst(%dma_wait3A_41 : memref<80x128xf32, #tpu.memory_space<vmem_shared>>)
      tpu.yield
    }) : () -> ()
    %add3A_16 = arith.constant 240 : i32
    %add3A_17 = arith.addi %mul3A_9, %add3A_16 : i32
    "tpu.region"() ({
      %run_scoped3A = tpu.sem_alloc : memref<!tpu.dma_semaphore, #tpu.memory_space<semaphore_mem>>
      %dma_start3A = arith.constant 0 : i32
      %dma_start3A_36 = tpu.memref_slice %arg10[%add3A_17, %dma_start3A] : memref<10240x128xf32, #tpu.memory_space<vmem_shared>> -> memref<80x128xf32, #tpu.memory_space<vmem_shared>>
      %dma_start3A_37 = arith.constant 0 : i32
      %dma_start3A_38 = tpu.memref_slice %arg10[%add3A_17, %dma_start3A_37] : memref<10240x128xf32, #tpu.memory_space<vmem_shared>> -> memref<80x128xf32, #tpu.memory_space<vmem_shared>>
      tpu.enqueue_dma source(%arg9 : memref<80x128xf32, #tpu.memory_space<vmem>>) target(%dma_start3A_38 : memref<80x128xf32, #tpu.memory_space<vmem_shared>>) target_semaphore(%run_scoped3A : memref<!tpu.dma_semaphore, #tpu.memory_space<semaphore_mem>>)
      %dma_wait3A = arith.constant 0 : i32
      %dma_wait3A_39 = tpu.memref_slice %arg10[%add3A_17, %dma_wait3A] : memref<10240x128xf32, #tpu.memory_space<vmem_shared>> -> memref<80x128xf32, #tpu.memory_space<vmem_shared>>
      %dma_wait3A_40 = arith.constant 0 : i32
      %dma_wait3A_41 = tpu.memref_slice %arg10[%add3A_17, %dma_wait3A_40] : memref<10240x128xf32, #tpu.memory_space<vmem_shared>> -> memref<80x128xf32, #tpu.memory_space<vmem_shared>>
      tpu.wait_dma2 semaphore(%run_scoped3A : memref<!tpu.dma_semaphore, #tpu.memory_space<semaphore_mem>>) src(%arg9 : memref<80x128xf32, #tpu.memory_space<vmem>>) dst(%dma_wait3A_41 : memref<80x128xf32, #tpu.memory_space<vmem_shared>>)
      tpu.yield
    }) : () -> ()
    %add3A_18 = arith.constant 320 : i32
    %add3A_19 = arith.addi %mul3A_9, %add3A_18 : i32
    "tpu.region"() ({
      %run_scoped3A = tpu.sem_alloc : memref<!tpu.dma_semaphore, #tpu.memory_space<semaphore_mem>>
      %dma_start3A = arith.constant 0 : i32
      %dma_start3A_36 = tpu.memref_slice %arg10[%add3A_19, %dma_start3A] : memref<10240x128xf32, #tpu.memory_space<vmem_shared>> -> memref<80x128xf32, #tpu.memory_space<vmem_shared>>
      %dma_start3A_37 = arith.constant 0 : i32
      %dma_start3A_38 = tpu.memref_slice %arg10[%add3A_19, %dma_start3A_37] : memref<10240x128xf32, #tpu.memory_space<vmem_shared>> -> memref<80x128xf32, #tpu.memory_space<vmem_shared>>
      tpu.enqueue_dma source(%arg9 : memref<80x128xf32, #tpu.memory_space<vmem>>) target(%dma_start3A_38 : memref<80x128xf32, #tpu.memory_space<vmem_shared>>) target_semaphore(%run_scoped3A : memref<!tpu.dma_semaphore, #tpu.memory_space<semaphore_mem>>)
      %dma_wait3A = arith.constant 0 : i32
      %dma_wait3A_39 = tpu.memref_slice %arg10[%add3A_19, %dma_wait3A] : memref<10240x128xf32, #tpu.memory_space<vmem_shared>> -> memref<80x128xf32, #tpu.memory_space<vmem_shared>>
      %dma_wait3A_40 = arith.constant 0 : i32
      %dma_wait3A_41 = tpu.memref_slice %arg10[%add3A_19, %dma_wait3A_40] : memref<10240x128xf32, #tpu.memory_space<vmem_shared>> -> memref<80x128xf32, #tpu.memory_space<vmem_shared>>
      tpu.wait_dma2 semaphore(%run_scoped3A : memref<!tpu.dma_semaphore, #tpu.memory_space<semaphore_mem>>) src(%arg9 : memref<80x128xf32, #tpu.memory_space<vmem>>) dst(%dma_wait3A_41 : memref<80x128xf32, #tpu.memory_space<vmem_shared>>)
      tpu.yield
    }) : () -> ()
    %add3A_20 = arith.constant 400 : i32
    %add3A_21 = arith.addi %mul3A_9, %add3A_20 : i32
    "tpu.region"() ({
      %run_scoped3A = tpu.sem_alloc : memref<!tpu.dma_semaphore, #tpu.memory_space<semaphore_mem>>
      %dma_start3A = arith.constant 0 : i32
      %dma_start3A_36 = tpu.memref_slice %arg10[%add3A_21, %dma_start3A] : memref<10240x128xf32, #tpu.memory_space<vmem_shared>> -> memref<80x128xf32, #tpu.memory_space<vmem_shared>>
      %dma_start3A_37 = arith.constant 0 : i32
      %dma_start3A_38 = tpu.memref_slice %arg10[%add3A_21, %dma_start3A_37] : memref<10240x128xf32, #tpu.memory_space<vmem_shared>> -> memref<80x128xf32, #tpu.memory_space<vmem_shared>>
      tpu.enqueue_dma source(%arg9 : memref<80x128xf32, #tpu.memory_space<vmem>>) target(%dma_start3A_38 : memref<80x128xf32, #tpu.memory_space<vmem_shared>>) target_semaphore(%run_scoped3A : memref<!tpu.dma_semaphore, #tpu.memory_space<semaphore_mem>>)
      %dma_wait3A = arith.constant 0 : i32
      %dma_wait3A_39 = tpu.memref_slice %arg10[%add3A_21, %dma_wait3A] : memref<10240x128xf32, #tpu.memory_space<vmem_shared>> -> memref<80x128xf32, #tpu.memory_space<vmem_shared>>
      %dma_wait3A_40 = arith.constant 0 : i32
      %dma_wait3A_41 = tpu.memref_slice %arg10[%add3A_21, %dma_wait3A_40] : memref<10240x128xf32, #tpu.memory_space<vmem_shared>> -> memref<80x128xf32, #tpu.memory_space<vmem_shared>>
      tpu.wait_dma2 semaphore(%run_scoped3A : memref<!tpu.dma_semaphore, #tpu.memory_space<semaphore_mem>>) src(%arg9 : memref<80x128xf32, #tpu.memory_space<vmem>>) dst(%dma_wait3A_41 : memref<80x128xf32, #tpu.memory_space<vmem_shared>>)
      tpu.yield
    }) : () -> ()
    %add3A_22 = arith.constant 480 : i32
    %add3A_23 = arith.addi %mul3A_9, %add3A_22 : i32
    "tpu.region"() ({
      %run_scoped3A = tpu.sem_alloc : memref<!tpu.dma_semaphore, #tpu.memory_space<semaphore_mem>>
      %dma_start3A = arith.constant 0 : i32
      %dma_start3A_36 = tpu.memref_slice %arg10[%add3A_23, %dma_start3A] : memref<10240x128xf32, #tpu.memory_space<vmem_shared>> -> memref<80x128xf32, #tpu.memory_space<vmem_shared>>
      %dma_start3A_37 = arith.constant 0 : i32
      %dma_start3A_38 = tpu.memref_slice %arg10[%add3A_23, %dma_start3A_37] : memref<10240x128xf32, #tpu.memory_space<vmem_shared>> -> memref<80x128xf32, #tpu.memory_space<vmem_shared>>
      tpu.enqueue_dma source(%arg9 : memref<80x128xf32, #tpu.memory_space<vmem>>) target(%dma_start3A_38 : memref<80x128xf32, #tpu.memory_space<vmem_shared>>) target_semaphore(%run_scoped3A : memref<!tpu.dma_semaphore, #tpu.memory_space<semaphore_mem>>)
      %dma_wait3A = arith.constant 0 : i32
      %dma_wait3A_39 = tpu.memref_slice %arg10[%add3A_23, %dma_wait3A] : memref<10240x128xf32, #tpu.memory_space<vmem_shared>> -> memref<80x128xf32, #tpu.memory_space<vmem_shared>>
      %dma_wait3A_40 = arith.constant 0 : i32
      %dma_wait3A_41 = tpu.memref_slice %arg10[%add3A_23, %dma_wait3A_40] : memref<10240x128xf32, #tpu.memory_space<vmem_shared>> -> memref<80x128xf32, #tpu.memory_space<vmem_shared>>
      tpu.wait_dma2 semaphore(%run_scoped3A : memref<!tpu.dma_semaphore, #tpu.memory_space<semaphore_mem>>) src(%arg9 : memref<80x128xf32, #tpu.memory_space<vmem>>) dst(%dma_wait3A_41 : memref<80x128xf32, #tpu.memory_space<vmem_shared>>)
      tpu.yield
    }) : () -> ()
    %add3A_24 = arith.constant 560 : i32
    %add3A_25 = arith.addi %mul3A_9, %add3A_24 : i32
    "tpu.region"() ({
      %run_scoped3A = tpu.sem_alloc : memref<!tpu.dma_semaphore, #tpu.memory_space<semaphore_mem>>
      %dma_start3A = arith.constant 0 : i32
      %dma_start3A_36 = tpu.memref_slice %arg10[%add3A_25, %dma_start3A] : memref<10240x128xf32, #tpu.memory_space<vmem_shared>> -> memref<80x128xf32, #tpu.memory_space<vmem_shared>>
      %dma_start3A_37 = arith.constant 0 : i32
      %dma_start3A_38 = tpu.memref_slice %arg10[%add3A_25, %dma_start3A_37] : memref<10240x128xf32, #tpu.memory_space<vmem_shared>> -> memref<80x128xf32, #tpu.memory_space<vmem_shared>>
      tpu.enqueue_dma source(%arg9 : memref<80x128xf32, #tpu.memory_space<vmem>>) target(%dma_start3A_38 : memref<80x128xf32, #tpu.memory_space<vmem_shared>>) target_semaphore(%run_scoped3A : memref<!tpu.dma_semaphore, #tpu.memory_space<semaphore_mem>>)
      %dma_wait3A = arith.constant 0 : i32
      %dma_wait3A_39 = tpu.memref_slice %arg10[%add3A_25, %dma_wait3A] : memref<10240x128xf32, #tpu.memory_space<vmem_shared>> -> memref<80x128xf32, #tpu.memory_space<vmem_shared>>
      %dma_wait3A_40 = arith.constant 0 : i32
      %dma_wait3A_41 = tpu.memref_slice %arg10[%add3A_25, %dma_wait3A_40] : memref<10240x128xf32, #tpu.memory_space<vmem_shared>> -> memref<80x128xf32, #tpu.memory_space<vmem_shared>>
      tpu.wait_dma2 semaphore(%run_scoped3A : memref<!tpu.dma_semaphore, #tpu.memory_space<semaphore_mem>>) src(%arg9 : memref<80x128xf32, #tpu.memory_space<vmem>>) dst(%dma_wait3A_41 : memref<80x128xf32, #tpu.memory_space<vmem_shared>>)
      tpu.yield
    }) : () -> ()
    %barrier3A = arith.constant 0 : index
    tpu.barrier barrier_id(%barrier3A)
    %mul3A_26 = arith.constant 10000 : i32
    %mul3A_27 = arith.muli %add3A, %mul3A_26 : i32
    %scan3A_28 = arith.constant 0 : i32
    %scan3A_29 = arith.constant 0 : i32
    %scan3A_30 = arith.constant 125 : i32
    %scan3A_31 = arith.addi %scan3A_29, %scan3A_30 : i32
    %scan3A_32 = arith.constant 1 : i32
    %scan3A_33 = scf.for %scan3A_36 = %scan3A_29 to %scan3A_31 step %scan3A_32 iter_args(%scan3A_37 = %scan3A_28) -> (i32)  : i32 {
      %mul3A_38 = arith.constant 80 : i32
      %mul3A_39 = arith.muli %scan3A_36, %mul3A_38 : i32
      %add3A_40 = arith.addi %mul3A_27, %mul3A_39 : i32
      "tpu.region"() ({
        %run_scoped3A = tpu.sem_alloc : memref<!tpu.dma_semaphore, #tpu.memory_space<semaphore_mem>>
        %dma_start3A_59 = arith.constant 0 : i32
        %dma_start3A_60 = tpu.memref_slice %arg2[%add3A_40, %dma_start3A_59] : memref<320000x128xf32, #tpu.memory_space<hbm>> -> memref<80x128xf32, #tpu.memory_space<hbm>>
        %dma_start3A_61 = arith.constant 0 : i32
        %dma_start3A_62 = tpu.memref_slice %arg2[%add3A_40, %dma_start3A_61] : memref<320000x128xf32, #tpu.memory_space<hbm>> -> memref<80x128xf32, #tpu.memory_space<hbm>>
        tpu.enqueue_dma source(%dma_start3A_62 : memref<80x128xf32, #tpu.memory_space<hbm>>) target(%arg9 : memref<80x128xf32, #tpu.memory_space<vmem>>) target_semaphore(%run_scoped3A : memref<!tpu.dma_semaphore, #tpu.memory_space<semaphore_mem>>)
        %dma_wait3A_63 = arith.constant 0 : i32
        %dma_wait3A_64 = tpu.memref_slice %arg2[%add3A_40, %dma_wait3A_63] : memref<320000x128xf32, #tpu.memory_space<hbm>> -> memref<80x128xf32, #tpu.memory_space<hbm>>
        %dma_wait3A_65 = arith.constant 0 : i32
        %dma_wait3A_66 = tpu.memref_slice %arg2[%add3A_40, %dma_wait3A_65] : memref<320000x128xf32, #tpu.memory_space<hbm>> -> memref<80x128xf32, #tpu.memory_space<hbm>>
        tpu.wait_dma2 semaphore(%run_scoped3A : memref<!tpu.dma_semaphore, #tpu.memory_space<semaphore_mem>>) src(%dma_wait3A_66 : memref<80x128xf32, #tpu.memory_space<hbm>>) dst(%arg9 : memref<80x128xf32, #tpu.memory_space<vmem>>)
        tpu.yield
      }) : () -> ()
      %dma_start3A = arith.constant 0 : i32
      %dma_start3A_41 = tpu.memref_slice %arg7[%scan3A_36, %dma_start3A] : memref<125x80xi32, #tpu.memory_space<vmem>> -> memref<1x80xi32, #tpu.memory_space<vmem>>
      %dma_start3A_42 = tpu.memref_squeeze %dma_start3A_41 : memref<1x80xi32, #tpu.memory_space<vmem>> -> memref<80xi32, #tpu.memory_space<vmem>>
      %dma_start3A_43 = arith.constant 0 : i32
      %dma_start3A_44 = arith.constant 0 : i32
      %dma_start3A_45 = tpu.memref_slice %arg3[%dma_start3A_43, %dma_start3A_44] : memref<10000x128xf32, #tpu.memory_space<hbm>> -> memref<10000x128xf32, #tpu.memory_space<hbm>>
      tpu.enqueue_indirect_dma source(%dma_start3A_45 : memref<10000x128xf32, #tpu.memory_space<hbm>>) target(%arg9 : memref<80x128xf32, #tpu.memory_space<vmem>>) offsets(%dma_start3A_42 : memref<80xi32, #tpu.memory_space<vmem>>) semaphore(%arg11 : memref<!tpu.dma_semaphore, #tpu.memory_space<semaphore_mem>>) {add = true}
      %dma_wait3A = arith.constant 0 : i32
      %dma_wait3A_46 = tpu.memref_slice %arg7[%scan3A_36, %dma_wait3A] : memref<125x80xi32, #tpu.memory_space<vmem>> -> memref<1x80xi32, #tpu.memory_space<vmem>>
      %dma_wait3A_47 = tpu.memref_squeeze %dma_wait3A_46 : memref<1x80xi32, #tpu.memory_space<vmem>> -> memref<80xi32, #tpu.memory_space<vmem>>
      %dma_wait3A_48 = arith.constant 0 : i32
      %dma_wait3A_49 = arith.constant 0 : i32
      %dma_wait3A_50 = tpu.memref_slice %arg3[%dma_wait3A_48, %dma_wait3A_49] : memref<10000x128xf32, #tpu.memory_space<hbm>> -> memref<10000x128xf32, #tpu.memory_space<hbm>>
      tpu.wait_indirect_dma semaphore(%arg11 : memref<!tpu.dma_semaphore, #tpu.memory_space<semaphore_mem>>) src(%dma_wait3A_50 : memref<10000x128xf32, #tpu.memory_space<hbm>>) dst(%arg9 : memref<80x128xf32, #tpu.memory_space<vmem>>)
      %scan3A_51 = arith.constant 0 : i32
      %scan3A_52 = arith.constant 0 : i32
      %scan3A_53 = arith.constant 80 : i32
      %scan3A_54 = arith.addi %scan3A_52, %scan3A_53 : i32
      %scan3A_55 = arith.constant 1 : i32
      %scan3A_56 = scf.for %scan3A_59 = %scan3A_52 to %scan3A_54 step %scan3A_55 iter_args(%scan3A_60 = %scan3A_51) -> (i32)  : i32 {
        %get3A = arith.index_cast %scan3A_59 : i32 to index
        %get3A_61 = arith.constant 0 : index
        %get3A_62 = tpu.vector_load %arg9[%get3A, %get3A_61] {strides = array<i32>} : memref<80x128xf32, #tpu.memory_space<vmem>>, vector<1x16xf32>,
        %get3A_63 = vector.shape_cast %get3A_62 : vector<1x16xf32> to vector<16xf32>
        %max3A = arith.constant 0.000000e+00 : f32
        %max3A_64 = vector.broadcast %max3A : f32 to vector<16xf32>
        %max3A_65 = arith.maximumf %get3A_63, %max3A_64 : vector<16xf32>
        %swap3A = arith.index_cast %scan3A_59 : i32 to index
        %swap3A_66 = arith.constant 0 : index
        %swap3A_67 = tpu.vector_load %arg9[%swap3A, %swap3A_66] {strides = array<i32>} : memref<80x128xf32, #tpu.memory_space<vmem>>, vector<1x16xf32>,
        %swap3A_68 = vector.shape_cast %swap3A_67 : vector<1x16xf32> to vector<16xf32>
        %swap3A_69 = vector.shape_cast %max3A_65 : vector<16xf32> to vector<1x16xf32>
        tpu.vector_store %arg9[%swap3A, %swap3A_66], %swap3A_69 {strides = array<i32>} : memref<80x128xf32, #tpu.memory_space<vmem>>, vector<1x16xf32>,
        %get3A_70 = arith.index_cast %scan3A_59 : i32 to index
        %get3A_71 = arith.constant 16 : index
        %get3A_72 = tpu.vector_load %arg9[%get3A_70, %get3A_71] {strides = array<i32>} : memref<80x128xf32, #tpu.memory_space<vmem>>, vector<1x16xf32>,
        %get3A_73 = vector.shape_cast %get3A_72 : vector<1x16xf32> to vector<16xf32>
        %max3A_74 = arith.constant 0.000000e+00 : f32
        %max3A_75 = vector.broadcast %max3A_74 : f32 to vector<16xf32>
        %max3A_76 = arith.maximumf %get3A_73, %max3A_75 : vector<16xf32>
        %swap3A_77 = arith.index_cast %scan3A_59 : i32 to index
        %swap3A_78 = arith.constant 16 : index
        %swap3A_79 = tpu.vector_load %arg9[%swap3A_77, %swap3A_78] {strides = array<i32>} : memref<80x128xf32, #tpu.memory_space<vmem>>, vector<1x16xf32>,
        %swap3A_80 = vector.shape_cast %swap3A_79 : vector<1x16xf32> to vector<16xf32>
        %swap3A_81 = vector.shape_cast %max3A_76 : vector<16xf32> to vector<1x16xf32>
        tpu.vector_store %arg9[%swap3A_77, %swap3A_78], %swap3A_81 {strides = array<i32>} : memref<80x128xf32, #tpu.memory_space<vmem>>, vector<1x16xf32>,
        %get3A_82 = arith.index_cast %scan3A_59 : i32 to index
        %get3A_83 = arith.constant 32 : index
        %get3A_84 = tpu.vector_load %arg9[%get3A_82, %get3A_83] {strides = array<i32>} : memref<80x128xf32, #tpu.memory_space<vmem>>, vector<1x16xf32>,
        %get3A_85 = vector.shape_cast %get3A_84 : vector<1x16xf32> to vector<16xf32>
        %max3A_86 = arith.constant 0.000000e+00 : f32
        %max3A_87 = vector.broadcast %max3A_86 : f32 to vector<16xf32>
        %max3A_88 = arith.maximumf %get3A_85, %max3A_87 : vector<16xf32>
        %swap3A_89 = arith.index_cast %scan3A_59 : i32 to index
        %swap3A_90 = arith.constant 32 : index
        %swap3A_91 = tpu.vector_load %arg9[%swap3A_89, %swap3A_90] {strides = array<i32>} : memref<80x128xf32, #tpu.memory_space<vmem>>, vector<1x16xf32>,
        %swap3A_92 = vector.shape_cast %swap3A_91 : vector<1x16xf32> to vector<16xf32>
        %swap3A_93 = vector.shape_cast %max3A_88 : vector<16xf32> to vector<1x16xf32>
        tpu.vector_store %arg9[%swap3A_89, %swap3A_90], %swap3A_93 {strides = array<i32>} : memref<80x128xf32, #tpu.memory_space<vmem>>, vector<1x16xf32>,
        %get3A_94 = arith.index_cast %scan3A_59 : i32 to index
        %get3A_95 = arith.constant 48 : index
        %get3A_96 = tpu.vector_load %arg9[%get3A_94, %get3A_95] {strides = array<i32>} : memref<80x128xf32, #tpu.memory_space<vmem>>, vector<1x16xf32>,
        %get3A_97 = vector.shape_cast %get3A_96 : vector<1x16xf32> to vector<16xf32>
        %max3A_98 = arith.constant 0.000000e+00 : f32
        %max3A_99 = vector.broadcast %max3A_98 : f32 to vector<16xf32>
        %max3A_100 = arith.maximumf %get3A_97, %max3A_99 : vector<16xf32>
        %swap3A_101 = arith.index_cast %scan3A_59 : i32 to index
        %swap3A_102 = arith.constant 48 : index
        %swap3A_103 = tpu.vector_load %arg9[%swap3A_101, %swap3A_102] {strides = array<i32>} : memref<80x128xf32, #tpu.memory_space<vmem>>, vector<1x16xf32>,
        %swap3A_104 = vector.shape_cast %swap3A_103 : vector<1x16xf32> to vector<16xf32>
        %swap3A_105 = vector.shape_cast %max3A_100 : vector<16xf32> to vector<1x16xf32>
        tpu.vector_store %arg9[%swap3A_101, %swap3A_102], %swap3A_105 {strides = array<i32>} : memref<80x128xf32, #tpu.memory_space<vmem>>, vector<1x16xf32>,
        %get3A_106 = arith.index_cast %scan3A_59 : i32 to index
        %get3A_107 = arith.constant 64 : index
        %get3A_108 = tpu.vector_load %arg9[%get3A_106, %get3A_107] {strides = array<i32>} : memref<80x128xf32, #tpu.memory_space<vmem>>, vector<1x16xf32>,
        %get3A_109 = vector.shape_cast %get3A_108 : vector<1x16xf32> to vector<16xf32>
        %max3A_110 = arith.constant 0.000000e+00 : f32
        %max3A_111 = vector.broadcast %max3A_110 : f32 to vector<16xf32>
        %max3A_112 = arith.maximumf %get3A_109, %max3A_111 : vector<16xf32>
        %swap3A_113 = arith.index_cast %scan3A_59 : i32 to index
        %swap3A_114 = arith.constant 64 : index
        %swap3A_115 = tpu.vector_load %arg9[%swap3A_113, %swap3A_114] {strides = array<i32>} : memref<80x128xf32, #tpu.memory_space<vmem>>, vector<1x16xf32>,
        %swap3A_116 = vector.shape_cast %swap3A_115 : vector<1x16xf32> to vector<16xf32>
        %swap3A_117 = vector.shape_cast %max3A_112 : vector<16xf32> to vector<1x16xf32>
        tpu.vector_store %arg9[%swap3A_113, %swap3A_114], %swap3A_117 {strides = array<i32>} : memref<80x128xf32, #tpu.memory_space<vmem>>, vector<1x16xf32>,
        %get3A_118 = arith.index_cast %scan3A_59 : i32 to index
        %get3A_119 = arith.constant 80 : index
        %get3A_120 = tpu.vector_load %arg9[%get3A_118, %get3A_119] {strides = array<i32>} : memref<80x128xf32, #tpu.memory_space<vmem>>, vector<1x16xf32>,
        %get3A_121 = vector.shape_cast %get3A_120 : vector<1x16xf32> to vector<16xf32>
        %max3A_122 = arith.constant 0.000000e+00 : f32
        %max3A_123 = vector.broadcast %max3A_122 : f32 to vector<16xf32>
        %max3A_124 = arith.maximumf %get3A_121, %max3A_123 : vector<16xf32>
        %swap3A_125 = arith.index_cast %scan3A_59 : i32 to index
        %swap3A_126 = arith.constant 80 : index
        %swap3A_127 = tpu.vector_load %arg9[%swap3A_125, %swap3A_126] {strides = array<i32>} : memref<80x128xf32, #tpu.memory_space<vmem>>, vector<1x16xf32>,
        %swap3A_128 = vector.shape_cast %swap3A_127 : vector<1x16xf32> to vector<16xf32>
        %swap3A_129 = vector.shape_cast %max3A_124 : vector<16xf32> to vector<1x16xf32>
        tpu.vector_store %arg9[%swap3A_125, %swap3A_126], %swap3A_129 {strides = array<i32>} : memref<80x128xf32, #tpu.memory_space<vmem>>, vector<1x16xf32>,
        %get3A_130 = arith.index_cast %scan3A_59 : i32 to index
        %get3A_131 = arith.constant 96 : index
        %get3A_132 = tpu.vector_load %arg9[%get3A_130, %get3A_131] {strides = array<i32>} : memref<80x128xf32, #tpu.memory_space<vmem>>, vector<1x16xf32>,
        %get3A_133 = vector.shape_cast %get3A_132 : vector<1x16xf32> to vector<16xf32>
        %max3A_134 = arith.constant 0.000000e+00 : f32
        %max3A_135 = vector.broadcast %max3A_134 : f32 to vector<16xf32>
        %max3A_136 = arith.maximumf %get3A_133, %max3A_135 : vector<16xf32>
        %swap3A_137 = arith.index_cast %scan3A_59 : i32 to index
        %swap3A_138 = arith.constant 96 : index
        %swap3A_139 = tpu.vector_load %arg9[%swap3A_137, %swap3A_138] {strides = array<i32>} : memref<80x128xf32, #tpu.memory_space<vmem>>, vector<1x16xf32>,
        %swap3A_140 = vector.shape_cast %swap3A_139 : vector<1x16xf32> to vector<16xf32>
        %swap3A_141 = vector.shape_cast %max3A_136 : vector<16xf32> to vector<1x16xf32>
        tpu.vector_store %arg9[%swap3A_137, %swap3A_138], %swap3A_141 {strides = array<i32>} : memref<80x128xf32, #tpu.memory_space<vmem>>, vector<1x16xf32>,
        %get3A_142 = arith.index_cast %scan3A_59 : i32 to index
        %get3A_143 = arith.constant 112 : index
        %get3A_144 = tpu.vector_load %arg9[%get3A_142, %get3A_143] {strides = array<i32>} : memref<80x128xf32, #tpu.memory_space<vmem>>, vector<1x16xf32>,
        %get3A_145 = vector.shape_cast %get3A_144 : vector<1x16xf32> to vector<16xf32>
        %max3A_146 = arith.constant 0.000000e+00 : f32
        %max3A_147 = vector.broadcast %max3A_146 : f32 to vector<16xf32>
        %max3A_148 = arith.maximumf %get3A_145, %max3A_147 : vector<16xf32>
        %swap3A_149 = arith.index_cast %scan3A_59 : i32 to index
        %swap3A_150 = arith.constant 112 : index
        %swap3A_151 = tpu.vector_load %arg9[%swap3A_149, %swap3A_150] {strides = array<i32>} : memref<80x128xf32, #tpu.memory_space<vmem>>, vector<1x16xf32>,
        %swap3A_152 = vector.shape_cast %swap3A_151 : vector<1x16xf32> to vector<16xf32>
        %swap3A_153 = vector.shape_cast %max3A_148 : vector<16xf32> to vector<1x16xf32>
        tpu.vector_store %arg9[%swap3A_149, %swap3A_150], %swap3A_153 {strides = array<i32>} : memref<80x128xf32, #tpu.memory_space<vmem>>, vector<1x16xf32>,
        %scan3A_154 = arith.constant 0 : i32
        scf.yield %scan3A_154 : i32
      }
      %scan3A_57 = arith.constant 80 : i32
      "tpu.region"() ({
        %run_scoped3A = tpu.sem_alloc : memref<!tpu.dma_semaphore, #tpu.memory_space<semaphore_mem>>
        %dma_start3A_59 = arith.constant 0 : i32
        %dma_start3A_60 = tpu.memref_slice %arg8[%scan3A_36, %dma_start3A_59] : memref<125x80xi32, #tpu.memory_space<vmem>> -> memref<1x80xi32, #tpu.memory_space<vmem>>
        %dma_start3A_61 = tpu.memref_squeeze %dma_start3A_60 : memref<1x80xi32, #tpu.memory_space<vmem>> -> memref<80xi32, #tpu.memory_space<vmem>>
        %dma_start3A_62 = arith.constant 0 : i32
        %dma_start3A_63 = arith.constant 0 : i32
        %dma_start3A_64 = tpu.memref_slice %arg10[%dma_start3A_62, %dma_start3A_63] : memref<10240x128xf32, #tpu.memory_space<vmem_shared>> -> memref<10240x128xf32, #tpu.memory_space<vmem_shared>>
        tpu.enqueue_indirect_dma source(%arg9 : memref<80x128xf32, #tpu.memory_space<vmem>>) target(%dma_start3A_64 : memref<10240x128xf32, #tpu.memory_space<vmem_shared>>) offsets(%dma_start3A_61 : memref<80xi32, #tpu.memory_space<vmem>>) semaphore(%run_scoped3A : memref<!tpu.dma_semaphore, #tpu.memory_space<semaphore_mem>>) {add = true}
        %dma_wait3A_65 = arith.constant 0 : i32
        %dma_wait3A_66 = tpu.memref_slice %arg8[%scan3A_36, %dma_wait3A_65] : memref<125x80xi32, #tpu.memory_space<vmem>> -> memref<1x80xi32, #tpu.memory_space<vmem>>
        %dma_wait3A_67 = tpu.memref_squeeze %dma_wait3A_66 : memref<1x80xi32, #tpu.memory_space<vmem>> -> memref<80xi32, #tpu.memory_space<vmem>>
        %dma_wait3A_68 = arith.constant 0 : i32
        %dma_wait3A_69 = arith.constant 0 : i32
        %dma_wait3A_70 = tpu.memref_slice %arg10[%dma_wait3A_68, %dma_wait3A_69] : memref<10240x128xf32, #tpu.memory_space<vmem_shared>> -> memref<10240x128xf32, #tpu.memory_space<vmem_shared>>
        tpu.wait_indirect_dma semaphore(%run_scoped3A : memref<!tpu.dma_semaphore, #tpu.memory_space<semaphore_mem>>) src(%arg9 : memref<80x128xf32, #tpu.memory_space<vmem>>) dst(%dma_wait3A_70 : memref<10240x128xf32, #tpu.memory_space<vmem_shared>>)
        tpu.yield
      }) : () -> ()
      %scan3A_58 = arith.constant 0 : i32
      scf.yield %scan3A_58 : i32
    }
    %scan3A_34 = arith.constant 125 : i32
    %barrier3A_35 = arith.constant 0 : index
    tpu.barrier barrier_id(%barrier3A_35)
    "tpu.region"() ({
      %run_scoped3A = tpu.sem_alloc : memref<!tpu.dma_semaphore, #tpu.memory_space<semaphore_mem>>
      %dma_start3A = arith.constant 0 : i32
      %dma_start3A_36 = arith.constant 0 : i32
      %dma_start3A_37 = tpu.memref_slice %arg6[%arg0, %dma_start3A, %dma_start3A_36] : memref<2x10240x128xf32, #tpu.memory_space<hbm>> -> memref<1x10240x128xf32, #tpu.memory_space<hbm>>
      %dma_start3A_38 = tpu.memref_squeeze %dma_start3A_37 : memref<1x10240x128xf32, #tpu.memory_space<hbm>> -> memref<10240x128xf32, #tpu.memory_space<hbm>>
      %dma_start3A_39 = arith.constant 0 : i32
      %dma_start3A_40 = tpu.memref_slice %dma_start3A_38[%mul3A_9, %dma_start3A_39] : memref<10240x128xf32, #tpu.memory_space<hbm>> -> memref<640x128xf32, #tpu.memory_space<hbm>>
      %dma_start3A_41 = arith.constant 0 : i32
      %dma_start3A_42 = tpu.memref_slice %arg10[%mul3A_9, %dma_start3A_41] : memref<10240x128xf32, #tpu.memory_space<vmem_shared>> -> memref<640x128xf32, #tpu.memory_space<vmem_shared>>
      tpu.enqueue_dma source(%dma_start3A_42 : memref<640x128xf32, #tpu.memory_space<vmem_shared>>) target(%dma_start3A_40 : memref<640x128xf32, #tpu.memory_space<hbm>>) target_semaphore(%run_scoped3A : memref<!tpu.dma_semaphore, #tpu.memory_space<semaphore_mem>>)
      %dma_wait3A = arith.constant 0 : i32
      %dma_wait3A_43 = arith.constant 0 : i32
      %dma_wait3A_44 = tpu.memref_slice %arg6[%arg0, %dma_wait3A, %dma_wait3A_43] : memref<2x10240x128xf32, #tpu.memory_space<hbm>> -> memref<1x10240x128xf32, #tpu.memory_space<hbm>>
      %dma_wait3A_45 = tpu.memref_squeeze %dma_wait3A_44 : memref<1x10240x128xf32, #tpu.memory_space<hbm>> -> memref<10240x128xf32, #tpu.memory_space<hbm>>
      %dma_wait3A_46 = arith.constant 0 : i32
      %dma_wait3A_47 = tpu.memref_slice %dma_wait3A_45[%mul3A_9, %dma_wait3A_46] : memref<10240x128xf32, #tpu.memory_space<hbm>> -> memref<640x128xf32, #tpu.memory_space<hbm>>
      %dma_wait3A_48 = arith.constant 0 : i32
      %dma_wait3A_49 = tpu.memref_slice %arg10[%mul3A_9, %dma_wait3A_48] : memref<10240x128xf32, #tpu.memory_space<vmem_shared>> -> memref<640x128xf32, #tpu.memory_space<vmem_shared>>
      tpu.wait_dma2 semaphore(%run_scoped3A : memref<!tpu.dma_semaphore, #tpu.memory_space<semaphore_mem>>) src(%dma_wait3A_49 : memref<640x128xf32, #tpu.memory_space<vmem_shared>>) dst(%dma_wait3A_47 : memref<640x128xf32, #tpu.memory_space<hbm>>)
      tpu.yield
    }) : () -> ()
    return
  }
}

#map = affine_map<(d0, d1) -> (0, 0)>
#map1 = affine_map<(d0, d1) -> (0, 0, 0)>
#map2 = affine_map<(d0, d1) -> (0)>
module attributes {stable_mosaic.version = 14 : i64} {
  func.func @body(%arg0: i32, %arg1: i32, %arg2: memref<320000x128xf32, #tpu.memory_space<hbm>>, %arg3: memref<10000x128xf32, #tpu.memory_space<hbm>>, %arg4: memref<32x125x80xi32, #tpu.memory_space<hbm>>, %arg5: memref<32x125x80xi32, #tpu.memory_space<hbm>>, %arg6: memref<320000xf32, #tpu.memory_space<hbm>>, %arg7: memref<2x10240x128xf32, #tpu.memory_space<hbm>>, %arg8: memref<125x80xi32, #tpu.memory_space<vmem>>, %arg9: memref<125x80xi32, #tpu.memory_space<vmem>>, %arg10: memref<80xf32, #tpu.memory_space<vmem>>, %arg11: memref<80x128xf32, #tpu.memory_space<vmem>>, %arg12: memref<10240x128xf32, #tpu.memory_space<vmem_shared>>, %arg13: memref<!tpu.dma_semaphore, #tpu.memory_space<semaphore_mem>>) attributes {dimension_semantics = [#tpu.dimension_semantics<core_parallel>, #tpu.dimension_semantics<subcore_parallel>], iteration_bounds = array<i64: 2, 16>, scalar_prefetch = 0 : i64, scratch_operands = 6 : i64, tpu.core_type = #tpu.core_type<sc_vector_subcore>, window_params = [{transform_indices = #map}, {transform_indices = #map}, {transform_indices = #map1}, {transform_indices = #map1}, {transform_indices = #map2}, {transform_indices = #map1}]} {
    %mul3A = arith.constant 16 : i32
    %mul3A_0 = arith.muli %arg0, %mul3A : i32
    %add3A = arith.addi %mul3A_0, %arg1 : i32
    "tpu.region"() ({
      %run_scoped3A = tpu.sem_alloc : memref<!tpu.dma_semaphore, #tpu.memory_space<semaphore_mem>>
      %dma_start3A = arith.constant 0 : i32
      %dma_start3A_36 = arith.constant 0 : i32
      %dma_start3A_37 = tpu.memref_slice %arg4[%add3A, %dma_start3A, %dma_start3A_36] : memref<32x125x80xi32, #tpu.memory_space<hbm>> -> memref<1x125x80xi32, #tpu.memory_space<hbm>>
      %dma_start3A_38 = tpu.memref_squeeze %dma_start3A_37 : memref<1x125x80xi32, #tpu.memory_space<hbm>> -> memref<125x80xi32, #tpu.memory_space<hbm>>
      %dma_start3A_39 = arith.constant 0 : i32
      %dma_start3A_40 = arith.constant 0 : i32
      %dma_start3A_41 = tpu.memref_slice %arg4[%add3A, %dma_start3A_39, %dma_start3A_40] : memref<32x125x80xi32, #tpu.memory_space<hbm>> -> memref<1x125x80xi32, #tpu.memory_space<hbm>>
      %dma_start3A_42 = tpu.memref_squeeze %dma_start3A_41 : memref<1x125x80xi32, #tpu.memory_space<hbm>> -> memref<125x80xi32, #tpu.memory_space<hbm>>
      tpu.enqueue_dma source(%dma_start3A_42 : memref<125x80xi32, #tpu.memory_space<hbm>>) target(%arg8 : memref<125x80xi32, #tpu.memory_space<vmem>>) target_semaphore(%run_scoped3A : memref<!tpu.dma_semaphore, #tpu.memory_space<semaphore_mem>>)
      %dma_wait3A = arith.constant 0 : i32
      %dma_wait3A_43 = arith.constant 0 : i32
      %dma_wait3A_44 = tpu.memref_slice %arg4[%add3A, %dma_wait3A, %dma_wait3A_43] : memref<32x125x80xi32, #tpu.memory_space<hbm>> -> memref<1x125x80xi32, #tpu.memory_space<hbm>>
      %dma_wait3A_45 = tpu.memref_squeeze %dma_wait3A_44 : memref<1x125x80xi32, #tpu.memory_space<hbm>> -> memref<125x80xi32, #tpu.memory_space<hbm>>
      %dma_wait3A_46 = arith.constant 0 : i32
      %dma_wait3A_47 = arith.constant 0 : i32
      %dma_wait3A_48 = tpu.memref_slice %arg4[%add3A, %dma_wait3A_46, %dma_wait3A_47] : memref<32x125x80xi32, #tpu.memory_space<hbm>> -> memref<1x125x80xi32, #tpu.memory_space<hbm>>
      %dma_wait3A_49 = tpu.memref_squeeze %dma_wait3A_48 : memref<1x125x80xi32, #tpu.memory_space<hbm>> -> memref<125x80xi32, #tpu.memory_space<hbm>>
      tpu.wait_dma2 semaphore(%run_scoped3A : memref<!tpu.dma_semaphore, #tpu.memory_space<semaphore_mem>>) src(%dma_wait3A_49 : memref<125x80xi32, #tpu.memory_space<hbm>>) dst(%arg8 : memref<125x80xi32, #tpu.memory_space<vmem>>)
      tpu.yield
    }) : () -> ()
    "tpu.region"() ({
      %run_scoped3A = tpu.sem_alloc : memref<!tpu.dma_semaphore, #tpu.memory_space<semaphore_mem>>
      %dma_start3A = arith.constant 0 : i32
      %dma_start3A_36 = arith.constant 0 : i32
      %dma_start3A_37 = tpu.memref_slice %arg5[%add3A, %dma_start3A, %dma_start3A_36] : memref<32x125x80xi32, #tpu.memory_space<hbm>> -> memref<1x125x80xi32, #tpu.memory_space<hbm>>
      %dma_start3A_38 = tpu.memref_squeeze %dma_start3A_37 : memref<1x125x80xi32, #tpu.memory_space<hbm>> -> memref<125x80xi32, #tpu.memory_space<hbm>>
      %dma_start3A_39 = arith.constant 0 : i32
      %dma_start3A_40 = arith.constant 0 : i32
      %dma_start3A_41 = tpu.memref_slice %arg5[%add3A, %dma_start3A_39, %dma_start3A_40] : memref<32x125x80xi32, #tpu.memory_space<hbm>> -> memref<1x125x80xi32, #tpu.memory_space<hbm>>
      %dma_start3A_42 = tpu.memref_squeeze %dma_start3A_41 : memref<1x125x80xi32, #tpu.memory_space<hbm>> -> memref<125x80xi32, #tpu.memory_space<hbm>>
      tpu.enqueue_dma source(%dma_start3A_42 : memref<125x80xi32, #tpu.memory_space<hbm>>) target(%arg9 : memref<125x80xi32, #tpu.memory_space<vmem>>) target_semaphore(%run_scoped3A : memref<!tpu.dma_semaphore, #tpu.memory_space<semaphore_mem>>)
      %dma_wait3A = arith.constant 0 : i32
      %dma_wait3A_43 = arith.constant 0 : i32
      %dma_wait3A_44 = tpu.memref_slice %arg5[%add3A, %dma_wait3A, %dma_wait3A_43] : memref<32x125x80xi32, #tpu.memory_space<hbm>> -> memref<1x125x80xi32, #tpu.memory_space<hbm>>
      %dma_wait3A_45 = tpu.memref_squeeze %dma_wait3A_44 : memref<1x125x80xi32, #tpu.memory_space<hbm>> -> memref<125x80xi32, #tpu.memory_space<hbm>>
      %dma_wait3A_46 = arith.constant 0 : i32
      %dma_wait3A_47 = arith.constant 0 : i32
      %dma_wait3A_48 = tpu.memref_slice %arg5[%add3A, %dma_wait3A_46, %dma_wait3A_47] : memref<32x125x80xi32, #tpu.memory_space<hbm>> -> memref<1x125x80xi32, #tpu.memory_space<hbm>>
      %dma_wait3A_49 = tpu.memref_squeeze %dma_wait3A_48 : memref<1x125x80xi32, #tpu.memory_space<hbm>> -> memref<125x80xi32, #tpu.memory_space<hbm>>
      tpu.wait_dma2 semaphore(%run_scoped3A : memref<!tpu.dma_semaphore, #tpu.memory_space<semaphore_mem>>) src(%dma_wait3A_49 : memref<125x80xi32, #tpu.memory_space<hbm>>) dst(%arg9 : memref<125x80xi32, #tpu.memory_space<vmem>>)
      tpu.yield
    }) : () -> ()
    %broadcast_in_dim3A = arith.constant 0.000000e+00 : f32
    %broadcast_in_dim3A_1 = vector.broadcast %broadcast_in_dim3A : f32 to vector<16xf32>
    %scan3A = arith.constant 0 : i32
    %scan3A_2 = arith.constant 0 : i32
    %scan3A_3 = arith.constant 80 : i32
    %scan3A_4 = arith.addi %scan3A_2, %scan3A_3 : i32
    %scan3A_5 = arith.constant 1 : i32
    %scan3A_6 = scf.for %scan3A_36 = %scan3A_2 to %scan3A_4 step %scan3A_5 iter_args(%scan3A_37 = %scan3A) -> (i32)  : i32 {
      %swap3A = arith.index_cast %scan3A_36 : i32 to index
      %swap3A_38 = arith.constant 0 : index
      %swap3A_39 = tpu.vector_load %arg11[%swap3A, %swap3A_38] {strides = array<i32>} : memref<80x128xf32, #tpu.memory_space<vmem>>, vector<1x16xf32>,
      %swap3A_40 = vector.shape_cast %swap3A_39 : vector<1x16xf32> to vector<16xf32>
      %swap3A_41 = vector.shape_cast %broadcast_in_dim3A_1 : vector<16xf32> to vector<1x16xf32>
      tpu.vector_store %arg11[%swap3A, %swap3A_38], %swap3A_41 {strides = array<i32>} : memref<80x128xf32, #tpu.memory_space<vmem>>, vector<1x16xf32>,
      %swap3A_42 = arith.index_cast %scan3A_36 : i32 to index
      %swap3A_43 = arith.constant 16 : index
      %swap3A_44 = tpu.vector_load %arg11[%swap3A_42, %swap3A_43] {strides = array<i32>} : memref<80x128xf32, #tpu.memory_space<vmem>>, vector<1x16xf32>,
      %swap3A_45 = vector.shape_cast %swap3A_44 : vector<1x16xf32> to vector<16xf32>
      %swap3A_46 = vector.shape_cast %broadcast_in_dim3A_1 : vector<16xf32> to vector<1x16xf32>
      tpu.vector_store %arg11[%swap3A_42, %swap3A_43], %swap3A_46 {strides = array<i32>} : memref<80x128xf32, #tpu.memory_space<vmem>>, vector<1x16xf32>,
      %swap3A_47 = arith.index_cast %scan3A_36 : i32 to index
      %swap3A_48 = arith.constant 32 : index
      %swap3A_49 = tpu.vector_load %arg11[%swap3A_47, %swap3A_48] {strides = array<i32>} : memref<80x128xf32, #tpu.memory_space<vmem>>, vector<1x16xf32>,
      %swap3A_50 = vector.shape_cast %swap3A_49 : vector<1x16xf32> to vector<16xf32>
      %swap3A_51 = vector.shape_cast %broadcast_in_dim3A_1 : vector<16xf32> to vector<1x16xf32>
      tpu.vector_store %arg11[%swap3A_47, %swap3A_48], %swap3A_51 {strides = array<i32>} : memref<80x128xf32, #tpu.memory_space<vmem>>, vector<1x16xf32>,
      %swap3A_52 = arith.index_cast %scan3A_36 : i32 to index
      %swap3A_53 = arith.constant 48 : index
      %swap3A_54 = tpu.vector_load %arg11[%swap3A_52, %swap3A_53] {strides = array<i32>} : memref<80x128xf32, #tpu.memory_space<vmem>>, vector<1x16xf32>,
      %swap3A_55 = vector.shape_cast %swap3A_54 : vector<1x16xf32> to vector<16xf32>
      %swap3A_56 = vector.shape_cast %broadcast_in_dim3A_1 : vector<16xf32> to vector<1x16xf32>
      tpu.vector_store %arg11[%swap3A_52, %swap3A_53], %swap3A_56 {strides = array<i32>} : memref<80x128xf32, #tpu.memory_space<vmem>>, vector<1x16xf32>,
      %swap3A_57 = arith.index_cast %scan3A_36 : i32 to index
      %swap3A_58 = arith.constant 64 : index
      %swap3A_59 = tpu.vector_load %arg11[%swap3A_57, %swap3A_58] {strides = array<i32>} : memref<80x128xf32, #tpu.memory_space<vmem>>, vector<1x16xf32>,
      %swap3A_60 = vector.shape_cast %swap3A_59 : vector<1x16xf32> to vector<16xf32>
      %swap3A_61 = vector.shape_cast %broadcast_in_dim3A_1 : vector<16xf32> to vector<1x16xf32>
      tpu.vector_store %arg11[%swap3A_57, %swap3A_58], %swap3A_61 {strides = array<i32>} : memref<80x128xf32, #tpu.memory_space<vmem>>, vector<1x16xf32>,
      %swap3A_62 = arith.index_cast %scan3A_36 : i32 to index
      %swap3A_63 = arith.constant 80 : index
      %swap3A_64 = tpu.vector_load %arg11[%swap3A_62, %swap3A_63] {strides = array<i32>} : memref<80x128xf32, #tpu.memory_space<vmem>>, vector<1x16xf32>,
      %swap3A_65 = vector.shape_cast %swap3A_64 : vector<1x16xf32> to vector<16xf32>
      %swap3A_66 = vector.shape_cast %broadcast_in_dim3A_1 : vector<16xf32> to vector<1x16xf32>
      tpu.vector_store %arg11[%swap3A_62, %swap3A_63], %swap3A_66 {strides = array<i32>} : memref<80x128xf32, #tpu.memory_space<vmem>>, vector<1x16xf32>,
      %swap3A_67 = arith.index_cast %scan3A_36 : i32 to index
      %swap3A_68 = arith.constant 96 : index
      %swap3A_69 = tpu.vector_load %arg11[%swap3A_67, %swap3A_68] {strides = array<i32>} : memref<80x128xf32, #tpu.memory_space<vmem>>, vector<1x16xf32>,
      %swap3A_70 = vector.shape_cast %swap3A_69 : vector<1x16xf32> to vector<16xf32>
      %swap3A_71 = vector.shape_cast %broadcast_in_dim3A_1 : vector<16xf32> to vector<1x16xf32>
      tpu.vector_store %arg11[%swap3A_67, %swap3A_68], %swap3A_71 {strides = array<i32>} : memref<80x128xf32, #tpu.memory_space<vmem>>, vector<1x16xf32>,
      %swap3A_72 = arith.index_cast %scan3A_36 : i32 to index
      %swap3A_73 = arith.constant 112 : index
      %swap3A_74 = tpu.vector_load %arg11[%swap3A_72, %swap3A_73] {strides = array<i32>} : memref<80x128xf32, #tpu.memory_space<vmem>>, vector<1x16xf32>,
      %swap3A_75 = vector.shape_cast %swap3A_74 : vector<1x16xf32> to vector<16xf32>
      %swap3A_76 = vector.shape_cast %broadcast_in_dim3A_1 : vector<16xf32> to vector<1x16xf32>
      tpu.vector_store %arg11[%swap3A_72, %swap3A_73], %swap3A_76 {strides = array<i32>} : memref<80x128xf32, #tpu.memory_space<vmem>>, vector<1x16xf32>,
      %scan3A_77 = arith.constant 0 : i32
      scf.yield %scan3A_77 : i32
    }
    %scan3A_7 = arith.constant 80 : i32
    %mul3A_8 = arith.constant 640 : i32
    %mul3A_9 = arith.muli %arg1, %mul3A_8 : i32
    %add3A_10 = arith.constant 0 : i32
    %add3A_11 = arith.addi %mul3A_9, %add3A_10 : i32
    "tpu.region"() ({
      %run_scoped3A = tpu.sem_alloc : memref<!tpu.dma_semaphore, #tpu.memory_space<semaphore_mem>>
      %dma_start3A = arith.constant 0 : i32
      %dma_start3A_36 = tpu.memref_slice %arg12[%add3A_11, %dma_start3A] : memref<10240x128xf32, #tpu.memory_space<vmem_shared>> -> memref<80x128xf32, #tpu.memory_space<vmem_shared>>
      %dma_start3A_37 = arith.constant 0 : i32
      %dma_start3A_38 = tpu.memref_slice %arg12[%add3A_11, %dma_start3A_37] : memref<10240x128xf32, #tpu.memory_space<vmem_shared>> -> memref<80x128xf32, #tpu.memory_space<vmem_shared>>
      tpu.enqueue_dma source(%arg11 : memref<80x128xf32, #tpu.memory_space<vmem>>) target(%dma_start3A_38 : memref<80x128xf32, #tpu.memory_space<vmem_shared>>) target_semaphore(%run_scoped3A : memref<!tpu.dma_semaphore, #tpu.memory_space<semaphore_mem>>)
      %dma_wait3A = arith.constant 0 : i32
      %dma_wait3A_39 = tpu.memref_slice %arg12[%add3A_11, %dma_wait3A] : memref<10240x128xf32, #tpu.memory_space<vmem_shared>> -> memref<80x128xf32, #tpu.memory_space<vmem_shared>>
      %dma_wait3A_40 = arith.constant 0 : i32
      %dma_wait3A_41 = tpu.memref_slice %arg12[%add3A_11, %dma_wait3A_40] : memref<10240x128xf32, #tpu.memory_space<vmem_shared>> -> memref<80x128xf32, #tpu.memory_space<vmem_shared>>
      tpu.wait_dma2 semaphore(%run_scoped3A : memref<!tpu.dma_semaphore, #tpu.memory_space<semaphore_mem>>) src(%arg11 : memref<80x128xf32, #tpu.memory_space<vmem>>) dst(%dma_wait3A_41 : memref<80x128xf32, #tpu.memory_space<vmem_shared>>)
      tpu.yield
    }) : () -> ()
    %add3A_12 = arith.constant 80 : i32
    %add3A_13 = arith.addi %mul3A_9, %add3A_12 : i32
    "tpu.region"() ({
      %run_scoped3A = tpu.sem_alloc : memref<!tpu.dma_semaphore, #tpu.memory_space<semaphore_mem>>
      %dma_start3A = arith.constant 0 : i32
      %dma_start3A_36 = tpu.memref_slice %arg12[%add3A_13, %dma_start3A] : memref<10240x128xf32, #tpu.memory_space<vmem_shared>> -> memref<80x128xf32, #tpu.memory_space<vmem_shared>>
      %dma_start3A_37 = arith.constant 0 : i32
      %dma_start3A_38 = tpu.memref_slice %arg12[%add3A_13, %dma_start3A_37] : memref<10240x128xf32, #tpu.memory_space<vmem_shared>> -> memref<80x128xf32, #tpu.memory_space<vmem_shared>>
      tpu.enqueue_dma source(%arg11 : memref<80x128xf32, #tpu.memory_space<vmem>>) target(%dma_start3A_38 : memref<80x128xf32, #tpu.memory_space<vmem_shared>>) target_semaphore(%run_scoped3A : memref<!tpu.dma_semaphore, #tpu.memory_space<semaphore_mem>>)
      %dma_wait3A = arith.constant 0 : i32
      %dma_wait3A_39 = tpu.memref_slice %arg12[%add3A_13, %dma_wait3A] : memref<10240x128xf32, #tpu.memory_space<vmem_shared>> -> memref<80x128xf32, #tpu.memory_space<vmem_shared>>
      %dma_wait3A_40 = arith.constant 0 : i32
      %dma_wait3A_41 = tpu.memref_slice %arg12[%add3A_13, %dma_wait3A_40] : memref<10240x128xf32, #tpu.memory_space<vmem_shared>> -> memref<80x128xf32, #tpu.memory_space<vmem_shared>>
      tpu.wait_dma2 semaphore(%run_scoped3A : memref<!tpu.dma_semaphore, #tpu.memory_space<semaphore_mem>>) src(%arg11 : memref<80x128xf32, #tpu.memory_space<vmem>>) dst(%dma_wait3A_41 : memref<80x128xf32, #tpu.memory_space<vmem_shared>>)
      tpu.yield
    }) : () -> ()
    %add3A_14 = arith.constant 160 : i32
    %add3A_15 = arith.addi %mul3A_9, %add3A_14 : i32
    "tpu.region"() ({
      %run_scoped3A = tpu.sem_alloc : memref<!tpu.dma_semaphore, #tpu.memory_space<semaphore_mem>>
      %dma_start3A = arith.constant 0 : i32
      %dma_start3A_36 = tpu.memref_slice %arg12[%add3A_15, %dma_start3A] : memref<10240x128xf32, #tpu.memory_space<vmem_shared>> -> memref<80x128xf32, #tpu.memory_space<vmem_shared>>
      %dma_start3A_37 = arith.constant 0 : i32
      %dma_start3A_38 = tpu.memref_slice %arg12[%add3A_15, %dma_start3A_37] : memref<10240x128xf32, #tpu.memory_space<vmem_shared>> -> memref<80x128xf32, #tpu.memory_space<vmem_shared>>
      tpu.enqueue_dma source(%arg11 : memref<80x128xf32, #tpu.memory_space<vmem>>) target(%dma_start3A_38 : memref<80x128xf32, #tpu.memory_space<vmem_shared>>) target_semaphore(%run_scoped3A : memref<!tpu.dma_semaphore, #tpu.memory_space<semaphore_mem>>)
      %dma_wait3A = arith.constant 0 : i32
      %dma_wait3A_39 = tpu.memref_slice %arg12[%add3A_15, %dma_wait3A] : memref<10240x128xf32, #tpu.memory_space<vmem_shared>> -> memref<80x128xf32, #tpu.memory_space<vmem_shared>>
      %dma_wait3A_40 = arith.constant 0 : i32
      %dma_wait3A_41 = tpu.memref_slice %arg12[%add3A_15, %dma_wait3A_40] : memref<10240x128xf32, #tpu.memory_space<vmem_shared>> -> memref<80x128xf32, #tpu.memory_space<vmem_shared>>
      tpu.wait_dma2 semaphore(%run_scoped3A : memref<!tpu.dma_semaphore, #tpu.memory_space<semaphore_mem>>) src(%arg11 : memref<80x128xf32, #tpu.memory_space<vmem>>) dst(%dma_wait3A_41 : memref<80x128xf32, #tpu.memory_space<vmem_shared>>)
      tpu.yield
    }) : () -> ()
    %add3A_16 = arith.constant 240 : i32
    %add3A_17 = arith.addi %mul3A_9, %add3A_16 : i32
    "tpu.region"() ({
      %run_scoped3A = tpu.sem_alloc : memref<!tpu.dma_semaphore, #tpu.memory_space<semaphore_mem>>
      %dma_start3A = arith.constant 0 : i32
      %dma_start3A_36 = tpu.memref_slice %arg12[%add3A_17, %dma_start3A] : memref<10240x128xf32, #tpu.memory_space<vmem_shared>> -> memref<80x128xf32, #tpu.memory_space<vmem_shared>>
      %dma_start3A_37 = arith.constant 0 : i32
      %dma_start3A_38 = tpu.memref_slice %arg12[%add3A_17, %dma_start3A_37] : memref<10240x128xf32, #tpu.memory_space<vmem_shared>> -> memref<80x128xf32, #tpu.memory_space<vmem_shared>>
      tpu.enqueue_dma source(%arg11 : memref<80x128xf32, #tpu.memory_space<vmem>>) target(%dma_start3A_38 : memref<80x128xf32, #tpu.memory_space<vmem_shared>>) target_semaphore(%run_scoped3A : memref<!tpu.dma_semaphore, #tpu.memory_space<semaphore_mem>>)
      %dma_wait3A = arith.constant 0 : i32
      %dma_wait3A_39 = tpu.memref_slice %arg12[%add3A_17, %dma_wait3A] : memref<10240x128xf32, #tpu.memory_space<vmem_shared>> -> memref<80x128xf32, #tpu.memory_space<vmem_shared>>
      %dma_wait3A_40 = arith.constant 0 : i32
      %dma_wait3A_41 = tpu.memref_slice %arg12[%add3A_17, %dma_wait3A_40] : memref<10240x128xf32, #tpu.memory_space<vmem_shared>> -> memref<80x128xf32, #tpu.memory_space<vmem_shared>>
      tpu.wait_dma2 semaphore(%run_scoped3A : memref<!tpu.dma_semaphore, #tpu.memory_space<semaphore_mem>>) src(%arg11 : memref<80x128xf32, #tpu.memory_space<vmem>>) dst(%dma_wait3A_41 : memref<80x128xf32, #tpu.memory_space<vmem_shared>>)
      tpu.yield
    }) : () -> ()
    %add3A_18 = arith.constant 320 : i32
    %add3A_19 = arith.addi %mul3A_9, %add3A_18 : i32
    "tpu.region"() ({
      %run_scoped3A = tpu.sem_alloc : memref<!tpu.dma_semaphore, #tpu.memory_space<semaphore_mem>>
      %dma_start3A = arith.constant 0 : i32
      %dma_start3A_36 = tpu.memref_slice %arg12[%add3A_19, %dma_start3A] : memref<10240x128xf32, #tpu.memory_space<vmem_shared>> -> memref<80x128xf32, #tpu.memory_space<vmem_shared>>
      %dma_start3A_37 = arith.constant 0 : i32
      %dma_start3A_38 = tpu.memref_slice %arg12[%add3A_19, %dma_start3A_37] : memref<10240x128xf32, #tpu.memory_space<vmem_shared>> -> memref<80x128xf32, #tpu.memory_space<vmem_shared>>
      tpu.enqueue_dma source(%arg11 : memref<80x128xf32, #tpu.memory_space<vmem>>) target(%dma_start3A_38 : memref<80x128xf32, #tpu.memory_space<vmem_shared>>) target_semaphore(%run_scoped3A : memref<!tpu.dma_semaphore, #tpu.memory_space<semaphore_mem>>)
      %dma_wait3A = arith.constant 0 : i32
      %dma_wait3A_39 = tpu.memref_slice %arg12[%add3A_19, %dma_wait3A] : memref<10240x128xf32, #tpu.memory_space<vmem_shared>> -> memref<80x128xf32, #tpu.memory_space<vmem_shared>>
      %dma_wait3A_40 = arith.constant 0 : i32
      %dma_wait3A_41 = tpu.memref_slice %arg12[%add3A_19, %dma_wait3A_40] : memref<10240x128xf32, #tpu.memory_space<vmem_shared>> -> memref<80x128xf32, #tpu.memory_space<vmem_shared>>
      tpu.wait_dma2 semaphore(%run_scoped3A : memref<!tpu.dma_semaphore, #tpu.memory_space<semaphore_mem>>) src(%arg11 : memref<80x128xf32, #tpu.memory_space<vmem>>) dst(%dma_wait3A_41 : memref<80x128xf32, #tpu.memory_space<vmem_shared>>)
      tpu.yield
    }) : () -> ()
    %add3A_20 = arith.constant 400 : i32
    %add3A_21 = arith.addi %mul3A_9, %add3A_20 : i32
    "tpu.region"() ({
      %run_scoped3A = tpu.sem_alloc : memref<!tpu.dma_semaphore, #tpu.memory_space<semaphore_mem>>
      %dma_start3A = arith.constant 0 : i32
      %dma_start3A_36 = tpu.memref_slice %arg12[%add3A_21, %dma_start3A] : memref<10240x128xf32, #tpu.memory_space<vmem_shared>> -> memref<80x128xf32, #tpu.memory_space<vmem_shared>>
      %dma_start3A_37 = arith.constant 0 : i32
      %dma_start3A_38 = tpu.memref_slice %arg12[%add3A_21, %dma_start3A_37] : memref<10240x128xf32, #tpu.memory_space<vmem_shared>> -> memref<80x128xf32, #tpu.memory_space<vmem_shared>>
      tpu.enqueue_dma source(%arg11 : memref<80x128xf32, #tpu.memory_space<vmem>>) target(%dma_start3A_38 : memref<80x128xf32, #tpu.memory_space<vmem_shared>>) target_semaphore(%run_scoped3A : memref<!tpu.dma_semaphore, #tpu.memory_space<semaphore_mem>>)
      %dma_wait3A = arith.constant 0 : i32
      %dma_wait3A_39 = tpu.memref_slice %arg12[%add3A_21, %dma_wait3A] : memref<10240x128xf32, #tpu.memory_space<vmem_shared>> -> memref<80x128xf32, #tpu.memory_space<vmem_shared>>
      %dma_wait3A_40 = arith.constant 0 : i32
      %dma_wait3A_41 = tpu.memref_slice %arg12[%add3A_21, %dma_wait3A_40] : memref<10240x128xf32, #tpu.memory_space<vmem_shared>> -> memref<80x128xf32, #tpu.memory_space<vmem_shared>>
      tpu.wait_dma2 semaphore(%run_scoped3A : memref<!tpu.dma_semaphore, #tpu.memory_space<semaphore_mem>>) src(%arg11 : memref<80x128xf32, #tpu.memory_space<vmem>>) dst(%dma_wait3A_41 : memref<80x128xf32, #tpu.memory_space<vmem_shared>>)
      tpu.yield
    }) : () -> ()
    %add3A_22 = arith.constant 480 : i32
    %add3A_23 = arith.addi %mul3A_9, %add3A_22 : i32
    "tpu.region"() ({
      %run_scoped3A = tpu.sem_alloc : memref<!tpu.dma_semaphore, #tpu.memory_space<semaphore_mem>>
      %dma_start3A = arith.constant 0 : i32
      %dma_start3A_36 = tpu.memref_slice %arg12[%add3A_23, %dma_start3A] : memref<10240x128xf32, #tpu.memory_space<vmem_shared>> -> memref<80x128xf32, #tpu.memory_space<vmem_shared>>
      %dma_start3A_37 = arith.constant 0 : i32
      %dma_start3A_38 = tpu.memref_slice %arg12[%add3A_23, %dma_start3A_37] : memref<10240x128xf32, #tpu.memory_space<vmem_shared>> -> memref<80x128xf32, #tpu.memory_space<vmem_shared>>
      tpu.enqueue_dma source(%arg11 : memref<80x128xf32, #tpu.memory_space<vmem>>) target(%dma_start3A_38 : memref<80x128xf32, #tpu.memory_space<vmem_shared>>) target_semaphore(%run_scoped3A : memref<!tpu.dma_semaphore, #tpu.memory_space<semaphore_mem>>)
      %dma_wait3A = arith.constant 0 : i32
      %dma_wait3A_39 = tpu.memref_slice %arg12[%add3A_23, %dma_wait3A] : memref<10240x128xf32, #tpu.memory_space<vmem_shared>> -> memref<80x128xf32, #tpu.memory_space<vmem_shared>>
      %dma_wait3A_40 = arith.constant 0 : i32
      %dma_wait3A_41 = tpu.memref_slice %arg12[%add3A_23, %dma_wait3A_40] : memref<10240x128xf32, #tpu.memory_space<vmem_shared>> -> memref<80x128xf32, #tpu.memory_space<vmem_shared>>
      tpu.wait_dma2 semaphore(%run_scoped3A : memref<!tpu.dma_semaphore, #tpu.memory_space<semaphore_mem>>) src(%arg11 : memref<80x128xf32, #tpu.memory_space<vmem>>) dst(%dma_wait3A_41 : memref<80x128xf32, #tpu.memory_space<vmem_shared>>)
      tpu.yield
    }) : () -> ()
    %add3A_24 = arith.constant 560 : i32
    %add3A_25 = arith.addi %mul3A_9, %add3A_24 : i32
    "tpu.region"() ({
      %run_scoped3A = tpu.sem_alloc : memref<!tpu.dma_semaphore, #tpu.memory_space<semaphore_mem>>
      %dma_start3A = arith.constant 0 : i32
      %dma_start3A_36 = tpu.memref_slice %arg12[%add3A_25, %dma_start3A] : memref<10240x128xf32, #tpu.memory_space<vmem_shared>> -> memref<80x128xf32, #tpu.memory_space<vmem_shared>>
      %dma_start3A_37 = arith.constant 0 : i32
      %dma_start3A_38 = tpu.memref_slice %arg12[%add3A_25, %dma_start3A_37] : memref<10240x128xf32, #tpu.memory_space<vmem_shared>> -> memref<80x128xf32, #tpu.memory_space<vmem_shared>>
      tpu.enqueue_dma source(%arg11 : memref<80x128xf32, #tpu.memory_space<vmem>>) target(%dma_start3A_38 : memref<80x128xf32, #tpu.memory_space<vmem_shared>>) target_semaphore(%run_scoped3A : memref<!tpu.dma_semaphore, #tpu.memory_space<semaphore_mem>>)
      %dma_wait3A = arith.constant 0 : i32
      %dma_wait3A_39 = tpu.memref_slice %arg12[%add3A_25, %dma_wait3A] : memref<10240x128xf32, #tpu.memory_space<vmem_shared>> -> memref<80x128xf32, #tpu.memory_space<vmem_shared>>
      %dma_wait3A_40 = arith.constant 0 : i32
      %dma_wait3A_41 = tpu.memref_slice %arg12[%add3A_25, %dma_wait3A_40] : memref<10240x128xf32, #tpu.memory_space<vmem_shared>> -> memref<80x128xf32, #tpu.memory_space<vmem_shared>>
      tpu.wait_dma2 semaphore(%run_scoped3A : memref<!tpu.dma_semaphore, #tpu.memory_space<semaphore_mem>>) src(%arg11 : memref<80x128xf32, #tpu.memory_space<vmem>>) dst(%dma_wait3A_41 : memref<80x128xf32, #tpu.memory_space<vmem_shared>>)
      tpu.yield
    }) : () -> ()
    %barrier3A = arith.constant 0 : index
    tpu.barrier barrier_id(%barrier3A)
    %mul3A_26 = arith.constant 10000 : i32
    %mul3A_27 = arith.muli %add3A, %mul3A_26 : i32
    %scan3A_28 = arith.constant 0 : i32
    %scan3A_29 = arith.constant 0 : i32
    %scan3A_30 = arith.constant 125 : i32
    %scan3A_31 = arith.addi %scan3A_29, %scan3A_30 : i32
    %scan3A_32 = arith.constant 1 : i32
    %scan3A_33 = scf.for %scan3A_36 = %scan3A_29 to %scan3A_31 step %scan3A_32 iter_args(%scan3A_37 = %scan3A_28) -> (i32)  : i32 {
      %mul3A_38 = arith.constant 80 : i32
      %mul3A_39 = arith.muli %scan3A_36, %mul3A_38 : i32
      %add3A_40 = arith.addi %mul3A_27, %mul3A_39 : i32
      "tpu.region"() ({
        %run_scoped3A = tpu.sem_alloc : memref<!tpu.dma_semaphore, #tpu.memory_space<semaphore_mem>>
        %dma_start3A_62 = arith.constant 0 : i32
        %dma_start3A_63 = tpu.memref_slice %arg2[%add3A_40, %dma_start3A_62] : memref<320000x128xf32, #tpu.memory_space<hbm>> -> memref<80x128xf32, #tpu.memory_space<hbm>>
        %dma_start3A_64 = arith.constant 0 : i32
        %dma_start3A_65 = tpu.memref_slice %arg2[%add3A_40, %dma_start3A_64] : memref<320000x128xf32, #tpu.memory_space<hbm>> -> memref<80x128xf32, #tpu.memory_space<hbm>>
        tpu.enqueue_dma source(%dma_start3A_65 : memref<80x128xf32, #tpu.memory_space<hbm>>) target(%arg11 : memref<80x128xf32, #tpu.memory_space<vmem>>) target_semaphore(%run_scoped3A : memref<!tpu.dma_semaphore, #tpu.memory_space<semaphore_mem>>)
        %dma_wait3A_66 = arith.constant 0 : i32
        %dma_wait3A_67 = tpu.memref_slice %arg2[%add3A_40, %dma_wait3A_66] : memref<320000x128xf32, #tpu.memory_space<hbm>> -> memref<80x128xf32, #tpu.memory_space<hbm>>
        %dma_wait3A_68 = arith.constant 0 : i32
        %dma_wait3A_69 = tpu.memref_slice %arg2[%add3A_40, %dma_wait3A_68] : memref<320000x128xf32, #tpu.memory_space<hbm>> -> memref<80x128xf32, #tpu.memory_space<hbm>>
        tpu.wait_dma2 semaphore(%run_scoped3A : memref<!tpu.dma_semaphore, #tpu.memory_space<semaphore_mem>>) src(%dma_wait3A_69 : memref<80x128xf32, #tpu.memory_space<hbm>>) dst(%arg11 : memref<80x128xf32, #tpu.memory_space<vmem>>)
        tpu.yield
      }) : () -> ()
      %dma_start3A = arith.constant 0 : i32
      %dma_start3A_41 = tpu.memref_slice %arg8[%scan3A_36, %dma_start3A] : memref<125x80xi32, #tpu.memory_space<vmem>> -> memref<1x80xi32, #tpu.memory_space<vmem>>
      %dma_start3A_42 = tpu.memref_squeeze %dma_start3A_41 : memref<1x80xi32, #tpu.memory_space<vmem>> -> memref<80xi32, #tpu.memory_space<vmem>>
      %dma_start3A_43 = arith.constant 0 : i32
      %dma_start3A_44 = arith.constant 0 : i32
      %dma_start3A_45 = tpu.memref_slice %arg3[%dma_start3A_43, %dma_start3A_44] : memref<10000x128xf32, #tpu.memory_space<hbm>> -> memref<10000x128xf32, #tpu.memory_space<hbm>>
      tpu.enqueue_indirect_dma source(%dma_start3A_45 : memref<10000x128xf32, #tpu.memory_space<hbm>>) target(%arg11 : memref<80x128xf32, #tpu.memory_space<vmem>>) offsets(%dma_start3A_42 : memref<80xi32, #tpu.memory_space<vmem>>) semaphore(%arg13 : memref<!tpu.dma_semaphore, #tpu.memory_space<semaphore_mem>>) {add = true}
      %dma_wait3A = arith.constant 0 : i32
      %dma_wait3A_46 = tpu.memref_slice %arg8[%scan3A_36, %dma_wait3A] : memref<125x80xi32, #tpu.memory_space<vmem>> -> memref<1x80xi32, #tpu.memory_space<vmem>>
      %dma_wait3A_47 = tpu.memref_squeeze %dma_wait3A_46 : memref<1x80xi32, #tpu.memory_space<vmem>> -> memref<80xi32, #tpu.memory_space<vmem>>
      %dma_wait3A_48 = arith.constant 0 : i32
      %dma_wait3A_49 = arith.constant 0 : i32
      %dma_wait3A_50 = tpu.memref_slice %arg3[%dma_wait3A_48, %dma_wait3A_49] : memref<10000x128xf32, #tpu.memory_space<hbm>> -> memref<10000x128xf32, #tpu.memory_space<hbm>>
      tpu.wait_indirect_dma semaphore(%arg13 : memref<!tpu.dma_semaphore, #tpu.memory_space<semaphore_mem>>) src(%dma_wait3A_50 : memref<10000x128xf32, #tpu.memory_space<hbm>>) dst(%arg11 : memref<80x128xf32, #tpu.memory_space<vmem>>)
      %mul3A_51 = arith.constant 80 : i32
      %mul3A_52 = arith.muli %scan3A_36, %mul3A_51 : i32
      %add3A_53 = arith.addi %mul3A_27, %mul3A_52 : i32
      "tpu.region"() ({
        %run_scoped3A = tpu.sem_alloc : memref<!tpu.dma_semaphore, #tpu.memory_space<semaphore_mem>>
        %dma_start3A_62 = tpu.memref_slice %arg6[%add3A_53] : memref<320000xf32, #tpu.memory_space<hbm>> -> memref<80xf32, #tpu.memory_space<hbm>>
        %dma_start3A_63 = tpu.memref_slice %arg6[%add3A_53] : memref<320000xf32, #tpu.memory_space<hbm>> -> memref<80xf32, #tpu.memory_space<hbm>>
        tpu.enqueue_dma source(%dma_start3A_63 : memref<80xf32, #tpu.memory_space<hbm>>) target(%arg10 : memref<80xf32, #tpu.memory_space<vmem>>) target_semaphore(%run_scoped3A : memref<!tpu.dma_semaphore, #tpu.memory_space<semaphore_mem>>)
        %dma_wait3A_64 = tpu.memref_slice %arg6[%add3A_53] : memref<320000xf32, #tpu.memory_space<hbm>> -> memref<80xf32, #tpu.memory_space<hbm>>
        %dma_wait3A_65 = tpu.memref_slice %arg6[%add3A_53] : memref<320000xf32, #tpu.memory_space<hbm>> -> memref<80xf32, #tpu.memory_space<hbm>>
        tpu.wait_dma2 semaphore(%run_scoped3A : memref<!tpu.dma_semaphore, #tpu.memory_space<semaphore_mem>>) src(%dma_wait3A_65 : memref<80xf32, #tpu.memory_space<hbm>>) dst(%arg10 : memref<80xf32, #tpu.memory_space<vmem>>)
        tpu.yield
      }) : () -> ()
      %scan3A_54 = arith.constant 0 : i32
      %scan3A_55 = arith.constant 0 : i32
      %scan3A_56 = arith.constant 5 : i32
      %scan3A_57 = arith.addi %scan3A_55, %scan3A_56 : i32
      %scan3A_58 = arith.constant 1 : i32
      %scan3A_59 = scf.for %scan3A_62 = %scan3A_55 to %scan3A_57 step %scan3A_58 iter_args(%scan3A_63 = %scan3A_54) -> (i32)  : i32 {
        %mul3A_64 = arith.constant 16 : i32
        %mul3A_65 = arith.muli %scan3A_62, %mul3A_64 : i32
        %get3A = arith.index_cast %mul3A_65 : i32 to index
        %get3A_66 = tpu.vector_load %arg10[%get3A] {strides = array<i32>} : memref<80xf32, #tpu.memory_space<vmem>>, vector<16xf32>,
        %get3A_67 = vector.shape_cast %get3A_66 : vector<16xf32> to vector<16xf32>
        %broadcast_in_dim3A_68 = arith.constant 0 : i32
        %broadcast_in_dim3A_69 = vector.broadcast %broadcast_in_dim3A_68 : i32 to vector<16x1xi32>
        %gather3A = vector.shape_cast %broadcast_in_dim3A_69 : vector<16x1xi32> to vector<16xi32>
        %gather3A_70 = tpu.dynamic_gather %get3A_67[%gather3A] in [0] : vector<16xf32>, vector<16xi32> -> vector<16xf32>
        %mul3A_71 = arith.constant 16 : i32
        %mul3A_72 = arith.muli %scan3A_62, %mul3A_71 : i32
        %add3A_73 = arith.constant 0 : i32
        %add3A_74 = arith.addi %mul3A_72, %add3A_73 : i32
        %get3A_75 = arith.index_cast %add3A_74 : i32 to index
        %get3A_76 = arith.constant 0 : index
        %get3A_77 = tpu.vector_load %arg11[%get3A_75, %get3A_76] {strides = array<i32>} : memref<80x128xf32, #tpu.memory_space<vmem>>, vector<1x16xf32>,
        %get3A_78 = vector.shape_cast %get3A_77 : vector<1x16xf32> to vector<16xf32>
        %max3A = arith.constant 0.000000e+00 : f32
        %max3A_79 = vector.broadcast %max3A : f32 to vector<16xf32>
        %max3A_80 = arith.maximumf %get3A_78, %max3A_79 : vector<16xf32>
        %mul3A_81 = arith.mulf %max3A_80, %gather3A_70 : vector<16xf32>
        %swap3A = arith.index_cast %add3A_74 : i32 to index
        %swap3A_82 = arith.constant 0 : index
        %swap3A_83 = tpu.vector_load %arg11[%swap3A, %swap3A_82] {strides = array<i32>} : memref<80x128xf32, #tpu.memory_space<vmem>>, vector<1x16xf32>,
        %swap3A_84 = vector.shape_cast %swap3A_83 : vector<1x16xf32> to vector<16xf32>
        %swap3A_85 = vector.shape_cast %mul3A_81 : vector<16xf32> to vector<1x16xf32>
        tpu.vector_store %arg11[%swap3A, %swap3A_82], %swap3A_85 {strides = array<i32>} : memref<80x128xf32, #tpu.memory_space<vmem>>, vector<1x16xf32>,
        %get3A_86 = arith.index_cast %add3A_74 : i32 to index
        %get3A_87 = arith.constant 16 : index
        %get3A_88 = tpu.vector_load %arg11[%get3A_86, %get3A_87] {strides = array<i32>} : memref<80x128xf32, #tpu.memory_space<vmem>>, vector<1x16xf32>,
        %get3A_89 = vector.shape_cast %get3A_88 : vector<1x16xf32> to vector<16xf32>
        %max3A_90 = arith.constant 0.000000e+00 : f32
        %max3A_91 = vector.broadcast %max3A_90 : f32 to vector<16xf32>
        %max3A_92 = arith.maximumf %get3A_89, %max3A_91 : vector<16xf32>
        %mul3A_93 = arith.mulf %max3A_92, %gather3A_70 : vector<16xf32>
        %swap3A_94 = arith.index_cast %add3A_74 : i32 to index
        %swap3A_95 = arith.constant 16 : index
        %swap3A_96 = tpu.vector_load %arg11[%swap3A_94, %swap3A_95] {strides = array<i32>} : memref<80x128xf32, #tpu.memory_space<vmem>>, vector<1x16xf32>,
        %swap3A_97 = vector.shape_cast %swap3A_96 : vector<1x16xf32> to vector<16xf32>
        %swap3A_98 = vector.shape_cast %mul3A_93 : vector<16xf32> to vector<1x16xf32>
        tpu.vector_store %arg11[%swap3A_94, %swap3A_95], %swap3A_98 {strides = array<i32>} : memref<80x128xf32, #tpu.memory_space<vmem>>, vector<1x16xf32>,
        %get3A_99 = arith.index_cast %add3A_74 : i32 to index
        %get3A_100 = arith.constant 32 : index
        %get3A_101 = tpu.vector_load %arg11[%get3A_99, %get3A_100] {strides = array<i32>} : memref<80x128xf32, #tpu.memory_space<vmem>>, vector<1x16xf32>,
        %get3A_102 = vector.shape_cast %get3A_101 : vector<1x16xf32> to vector<16xf32>
        %max3A_103 = arith.constant 0.000000e+00 : f32
        %max3A_104 = vector.broadcast %max3A_103 : f32 to vector<16xf32>
        %max3A_105 = arith.maximumf %get3A_102, %max3A_104 : vector<16xf32>
        %mul3A_106 = arith.mulf %max3A_105, %gather3A_70 : vector<16xf32>
        %swap3A_107 = arith.index_cast %add3A_74 : i32 to index
        %swap3A_108 = arith.constant 32 : index
        %swap3A_109 = tpu.vector_load %arg11[%swap3A_107, %swap3A_108] {strides = array<i32>} : memref<80x128xf32, #tpu.memory_space<vmem>>, vector<1x16xf32>,
        %swap3A_110 = vector.shape_cast %swap3A_109 : vector<1x16xf32> to vector<16xf32>
        %swap3A_111 = vector.shape_cast %mul3A_106 : vector<16xf32> to vector<1x16xf32>
        tpu.vector_store %arg11[%swap3A_107, %swap3A_108], %swap3A_111 {strides = array<i32>} : memref<80x128xf32, #tpu.memory_space<vmem>>, vector<1x16xf32>,
        %get3A_112 = arith.index_cast %add3A_74 : i32 to index
        %get3A_113 = arith.constant 48 : index
        %get3A_114 = tpu.vector_load %arg11[%get3A_112, %get3A_113] {strides = array<i32>} : memref<80x128xf32, #tpu.memory_space<vmem>>, vector<1x16xf32>,
        %get3A_115 = vector.shape_cast %get3A_114 : vector<1x16xf32> to vector<16xf32>
        %max3A_116 = arith.constant 0.000000e+00 : f32
        %max3A_117 = vector.broadcast %max3A_116 : f32 to vector<16xf32>
        %max3A_118 = arith.maximumf %get3A_115, %max3A_117 : vector<16xf32>
        %mul3A_119 = arith.mulf %max3A_118, %gather3A_70 : vector<16xf32>
        %swap3A_120 = arith.index_cast %add3A_74 : i32 to index
        %swap3A_121 = arith.constant 48 : index
        %swap3A_122 = tpu.vector_load %arg11[%swap3A_120, %swap3A_121] {strides = array<i32>} : memref<80x128xf32, #tpu.memory_space<vmem>>, vector<1x16xf32>,
        %swap3A_123 = vector.shape_cast %swap3A_122 : vector<1x16xf32> to vector<16xf32>
        %swap3A_124 = vector.shape_cast %mul3A_119 : vector<16xf32> to vector<1x16xf32>
        tpu.vector_store %arg11[%swap3A_120, %swap3A_121], %swap3A_124 {strides = array<i32>} : memref<80x128xf32, #tpu.memory_space<vmem>>, vector<1x16xf32>,
        %get3A_125 = arith.index_cast %add3A_74 : i32 to index
        %get3A_126 = arith.constant 64 : index
        %get3A_127 = tpu.vector_load %arg11[%get3A_125, %get3A_126] {strides = array<i32>} : memref<80x128xf32, #tpu.memory_space<vmem>>, vector<1x16xf32>,
        %get3A_128 = vector.shape_cast %get3A_127 : vector<1x16xf32> to vector<16xf32>
        %max3A_129 = arith.constant 0.000000e+00 : f32
        %max3A_130 = vector.broadcast %max3A_129 : f32 to vector<16xf32>
        %max3A_131 = arith.maximumf %get3A_128, %max3A_130 : vector<16xf32>
        %mul3A_132 = arith.mulf %max3A_131, %gather3A_70 : vector<16xf32>
        %swap3A_133 = arith.index_cast %add3A_74 : i32 to index
        %swap3A_134 = arith.constant 64 : index
        %swap3A_135 = tpu.vector_load %arg11[%swap3A_133, %swap3A_134] {strides = array<i32>} : memref<80x128xf32, #tpu.memory_space<vmem>>, vector<1x16xf32>,
        %swap3A_136 = vector.shape_cast %swap3A_135 : vector<1x16xf32> to vector<16xf32>
        %swap3A_137 = vector.shape_cast %mul3A_132 : vector<16xf32> to vector<1x16xf32>
        tpu.vector_store %arg11[%swap3A_133, %swap3A_134], %swap3A_137 {strides = array<i32>} : memref<80x128xf32, #tpu.memory_space<vmem>>, vector<1x16xf32>,
        %get3A_138 = arith.index_cast %add3A_74 : i32 to index
        %get3A_139 = arith.constant 80 : index
        %get3A_140 = tpu.vector_load %arg11[%get3A_138, %get3A_139] {strides = array<i32>} : memref<80x128xf32, #tpu.memory_space<vmem>>, vector<1x16xf32>,
        %get3A_141 = vector.shape_cast %get3A_140 : vector<1x16xf32> to vector<16xf32>
        %max3A_142 = arith.constant 0.000000e+00 : f32
        %max3A_143 = vector.broadcast %max3A_142 : f32 to vector<16xf32>
        %max3A_144 = arith.maximumf %get3A_141, %max3A_143 : vector<16xf32>
        %mul3A_145 = arith.mulf %max3A_144, %gather3A_70 : vector<16xf32>
        %swap3A_146 = arith.index_cast %add3A_74 : i32 to index
        %swap3A_147 = arith.constant 80 : index
        %swap3A_148 = tpu.vector_load %arg11[%swap3A_146, %swap3A_147] {strides = array<i32>} : memref<80x128xf32, #tpu.memory_space<vmem>>, vector<1x16xf32>,
        %swap3A_149 = vector.shape_cast %swap3A_148 : vector<1x16xf32> to vector<16xf32>
        %swap3A_150 = vector.shape_cast %mul3A_145 : vector<16xf32> to vector<1x16xf32>
        tpu.vector_store %arg11[%swap3A_146, %swap3A_147], %swap3A_150 {strides = array<i32>} : memref<80x128xf32, #tpu.memory_space<vmem>>, vector<1x16xf32>,
        %get3A_151 = arith.index_cast %add3A_74 : i32 to index
        %get3A_152 = arith.constant 96 : index
        %get3A_153 = tpu.vector_load %arg11[%get3A_151, %get3A_152] {strides = array<i32>} : memref<80x128xf32, #tpu.memory_space<vmem>>, vector<1x16xf32>,
        %get3A_154 = vector.shape_cast %get3A_153 : vector<1x16xf32> to vector<16xf32>
        %max3A_155 = arith.constant 0.000000e+00 : f32
        %max3A_156 = vector.broadcast %max3A_155 : f32 to vector<16xf32>
        %max3A_157 = arith.maximumf %get3A_154, %max3A_156 : vector<16xf32>
        %mul3A_158 = arith.mulf %max3A_157, %gather3A_70 : vector<16xf32>
        %swap3A_159 = arith.index_cast %add3A_74 : i32 to index
        %swap3A_160 = arith.constant 96 : index
        %swap3A_161 = tpu.vector_load %arg11[%swap3A_159, %swap3A_160] {strides = array<i32>} : memref<80x128xf32, #tpu.memory_space<vmem>>, vector<1x16xf32>,
        %swap3A_162 = vector.shape_cast %swap3A_161 : vector<1x16xf32> to vector<16xf32>
        %swap3A_163 = vector.shape_cast %mul3A_158 : vector<16xf32> to vector<1x16xf32>
        tpu.vector_store %arg11[%swap3A_159, %swap3A_160], %swap3A_163 {strides = array<i32>} : memref<80x128xf32, #tpu.memory_space<vmem>>, vector<1x16xf32>,
        %get3A_164 = arith.index_cast %add3A_74 : i32 to index
        %get3A_165 = arith.constant 112 : index
        %get3A_166 = tpu.vector_load %arg11[%get3A_164, %get3A_165] {strides = array<i32>} : memref<80x128xf32, #tpu.memory_space<vmem>>, vector<1x16xf32>,
        %get3A_167 = vector.shape_cast %get3A_166 : vector<1x16xf32> to vector<16xf32>
        %max3A_168 = arith.constant 0.000000e+00 : f32
        %max3A_169 = vector.broadcast %max3A_168 : f32 to vector<16xf32>
        %max3A_170 = arith.maximumf %get3A_167, %max3A_169 : vector<16xf32>
        %mul3A_171 = arith.mulf %max3A_170, %gather3A_70 : vector<16xf32>
        %swap3A_172 = arith.index_cast %add3A_74 : i32 to index
        %swap3A_173 = arith.constant 112 : index
        %swap3A_174 = tpu.vector_load %arg11[%swap3A_172, %swap3A_173] {strides = array<i32>} : memref<80x128xf32, #tpu.memory_space<vmem>>, vector<1x16xf32>,
        %swap3A_175 = vector.shape_cast %swap3A_174 : vector<1x16xf32> to vector<16xf32>
        %swap3A_176 = vector.shape_cast %mul3A_171 : vector<16xf32> to vector<1x16xf32>
        tpu.vector_store %arg11[%swap3A_172, %swap3A_173], %swap3A_176 {strides = array<i32>} : memref<80x128xf32, #tpu.memory_space<vmem>>, vector<1x16xf32>,
        %broadcast_in_dim3A_177 = arith.constant 1 : i32
        %broadcast_in_dim3A_178 = vector.broadcast %broadcast_in_dim3A_177 : i32 to vector<16x1xi32>
        %gather3A_179 = vector.shape_cast %broadcast_in_dim3A_178 : vector<16x1xi32> to vector<16xi32>
        %gather3A_180 = tpu.dynamic_gather %get3A_67[%gather3A_179] in [0] : vector<16xf32>, vector<16xi32> -> vector<16xf32>
        %mul3A_181 = arith.constant 16 : i32
        %mul3A_182 = arith.muli %scan3A_62, %mul3A_181 : i32
        %add3A_183 = arith.constant 1 : i32
        %add3A_184 = arith.addi %mul3A_182, %add3A_183 : i32
        %get3A_185 = arith.index_cast %add3A_184 : i32 to index
        %get3A_186 = arith.constant 0 : index
        %get3A_187 = tpu.vector_load %arg11[%get3A_185, %get3A_186] {strides = array<i32>} : memref<80x128xf32, #tpu.memory_space<vmem>>, vector<1x16xf32>,
        %get3A_188 = vector.shape_cast %get3A_187 : vector<1x16xf32> to vector<16xf32>
        %max3A_189 = arith.constant 0.000000e+00 : f32
        %max3A_190 = vector.broadcast %max3A_189 : f32 to vector<16xf32>
        %max3A_191 = arith.maximumf %get3A_188, %max3A_190 : vector<16xf32>
        %mul3A_192 = arith.mulf %max3A_191, %gather3A_180 : vector<16xf32>
        %swap3A_193 = arith.index_cast %add3A_184 : i32 to index
        %swap3A_194 = arith.constant 0 : index
        %swap3A_195 = tpu.vector_load %arg11[%swap3A_193, %swap3A_194] {strides = array<i32>} : memref<80x128xf32, #tpu.memory_space<vmem>>, vector<1x16xf32>,
        %swap3A_196 = vector.shape_cast %swap3A_195 : vector<1x16xf32> to vector<16xf32>
        %swap3A_197 = vector.shape_cast %mul3A_192 : vector<16xf32> to vector<1x16xf32>
        tpu.vector_store %arg11[%swap3A_193, %swap3A_194], %swap3A_197 {strides = array<i32>} : memref<80x128xf32, #tpu.memory_space<vmem>>, vector<1x16xf32>,
        %get3A_198 = arith.index_cast %add3A_184 : i32 to index
        %get3A_199 = arith.constant 16 : index
        %get3A_200 = tpu.vector_load %arg11[%get3A_198, %get3A_199] {strides = array<i32>} : memref<80x128xf32, #tpu.memory_space<vmem>>, vector<1x16xf32>,
        %get3A_201 = vector.shape_cast %get3A_200 : vector<1x16xf32> to vector<16xf32>
        %max3A_202 = arith.constant 0.000000e+00 : f32
        %max3A_203 = vector.broadcast %max3A_202 : f32 to vector<16xf32>
        %max3A_204 = arith.maximumf %get3A_201, %max3A_203 : vector<16xf32>
        %mul3A_205 = arith.mulf %max3A_204, %gather3A_180 : vector<16xf32>
        %swap3A_206 = arith.index_cast %add3A_184 : i32 to index
        %swap3A_207 = arith.constant 16 : index
        %swap3A_208 = tpu.vector_load %arg11[%swap3A_206, %swap3A_207] {strides = array<i32>} : memref<80x128xf32, #tpu.memory_space<vmem>>, vector<1x16xf32>,
        %swap3A_209 = vector.shape_cast %swap3A_208 : vector<1x16xf32> to vector<16xf32>
        %swap3A_210 = vector.shape_cast %mul3A_205 : vector<16xf32> to vector<1x16xf32>
        tpu.vector_store %arg11[%swap3A_206, %swap3A_207], %swap3A_210 {strides = array<i32>} : memref<80x128xf32, #tpu.memory_space<vmem>>, vector<1x16xf32>,
        %get3A_211 = arith.index_cast %add3A_184 : i32 to index
        %get3A_212 = arith.constant 32 : index
        %get3A_213 = tpu.vector_load %arg11[%get3A_211, %get3A_212] {strides = array<i32>} : memref<80x128xf32, #tpu.memory_space<vmem>>, vector<1x16xf32>,
        %get3A_214 = vector.shape_cast %get3A_213 : vector<1x16xf32> to vector<16xf32>
        %max3A_215 = arith.constant 0.000000e+00 : f32
        %max3A_216 = vector.broadcast %max3A_215 : f32 to vector<16xf32>
        %max3A_217 = arith.maximumf %get3A_214, %max3A_216 : vector<16xf32>
        %mul3A_218 = arith.mulf %max3A_217, %gather3A_180 : vector<16xf32>
        %swap3A_219 = arith.index_cast %add3A_184 : i32 to index
        %swap3A_220 = arith.constant 32 : index
        %swap3A_221 = tpu.vector_load %arg11[%swap3A_219, %swap3A_220] {strides = array<i32>} : memref<80x128xf32, #tpu.memory_space<vmem>>, vector<1x16xf32>,
        %swap3A_222 = vector.shape_cast %swap3A_221 : vector<1x16xf32> to vector<16xf32>
        %swap3A_223 = vector.shape_cast %mul3A_218 : vector<16xf32> to vector<1x16xf32>
        tpu.vector_store %arg11[%swap3A_219, %swap3A_220], %swap3A_223 {strides = array<i32>} : memref<80x128xf32, #tpu.memory_space<vmem>>, vector<1x16xf32>,
        %get3A_224 = arith.index_cast %add3A_184 : i32 to index
        %get3A_225 = arith.constant 48 : index
        %get3A_226 = tpu.vector_load %arg11[%get3A_224, %get3A_225] {strides = array<i32>} : memref<80x128xf32, #tpu.memory_space<vmem>>, vector<1x16xf32>,
        %get3A_227 = vector.shape_cast %get3A_226 : vector<1x16xf32> to vector<16xf32>
        %max3A_228 = arith.constant 0.000000e+00 : f32
        %max3A_229 = vector.broadcast %max3A_228 : f32 to vector<16xf32>
        %max3A_230 = arith.maximumf %get3A_227, %max3A_229 : vector<16xf32>
        %mul3A_231 = arith.mulf %max3A_230, %gather3A_180 : vector<16xf32>
        %swap3A_232 = arith.index_cast %add3A_184 : i32 to index
        %swap3A_233 = arith.constant 48 : index
        %swap3A_234 = tpu.vector_load %arg11[%swap3A_232, %swap3A_233] {strides = array<i32>} : memref<80x128xf32, #tpu.memory_space<vmem>>, vector<1x16xf32>,
        %swap3A_235 = vector.shape_cast %swap3A_234 : vector<1x16xf32> to vector<16xf32>
        %swap3A_236 = vector.shape_cast %mul3A_231 : vector<16xf32> to vector<1x16xf32>
        tpu.vector_store %arg11[%swap3A_232, %swap3A_233], %swap3A_236 {strides = array<i32>} : memref<80x128xf32, #tpu.memory_space<vmem>>, vector<1x16xf32>,
        %get3A_237 = arith.index_cast %add3A_184 : i32 to index
        %get3A_238 = arith.constant 64 : index
        %get3A_239 = tpu.vector_load %arg11[%get3A_237, %get3A_238] {strides = array<i32>} : memref<80x128xf32, #tpu.memory_space<vmem>>, vector<1x16xf32>,
        %get3A_240 = vector.shape_cast %get3A_239 : vector<1x16xf32> to vector<16xf32>
        %max3A_241 = arith.constant 0.000000e+00 : f32
        %max3A_242 = vector.broadcast %max3A_241 : f32 to vector<16xf32>
        %max3A_243 = arith.maximumf %get3A_240, %max3A_242 : vector<16xf32>
        %mul3A_244 = arith.mulf %max3A_243, %gather3A_180 : vector<16xf32>
        %swap3A_245 = arith.index_cast %add3A_184 : i32 to index
        %swap3A_246 = arith.constant 64 : index
        %swap3A_247 = tpu.vector_load %arg11[%swap3A_245, %swap3A_246] {strides = array<i32>} : memref<80x128xf32, #tpu.memory_space<vmem>>, vector<1x16xf32>,
        %swap3A_248 = vector.shape_cast %swap3A_247 : vector<1x16xf32> to vector<16xf32>
        %swap3A_249 = vector.shape_cast %mul3A_244 : vector<16xf32> to vector<1x16xf32>
        tpu.vector_store %arg11[%swap3A_245, %swap3A_246], %swap3A_249 {strides = array<i32>} : memref<80x128xf32, #tpu.memory_space<vmem>>, vector<1x16xf32>,
        %get3A_250 = arith.index_cast %add3A_184 : i32 to index
        %get3A_251 = arith.constant 80 : index
        %get3A_252 = tpu.vector_load %arg11[%get3A_250, %get3A_251] {strides = array<i32>} : memref<80x128xf32, #tpu.memory_space<vmem>>, vector<1x16xf32>,
        %get3A_253 = vector.shape_cast %get3A_252 : vector<1x16xf32> to vector<16xf32>
        %max3A_254 = arith.constant 0.000000e+00 : f32
        %max3A_255 = vector.broadcast %max3A_254 : f32 to vector<16xf32>
        %max3A_256 = arith.maximumf %get3A_253, %max3A_255 : vector<16xf32>
        %mul3A_257 = arith.mulf %max3A_256, %gather3A_180 : vector<16xf32>
        %swap3A_258 = arith.index_cast %add3A_184 : i32 to index
        %swap3A_259 = arith.constant 80 : index
        %swap3A_260 = tpu.vector_load %arg11[%swap3A_258, %swap3A_259] {strides = array<i32>} : memref<80x128xf32, #tpu.memory_space<vmem>>, vector<1x16xf32>,
        %swap3A_261 = vector.shape_cast %swap3A_260 : vector<1x16xf32> to vector<16xf32>
        %swap3A_262 = vector.shape_cast %mul3A_257 : vector<16xf32> to vector<1x16xf32>
        tpu.vector_store %arg11[%swap3A_258, %swap3A_259], %swap3A_262 {strides = array<i32>} : memref<80x128xf32, #tpu.memory_space<vmem>>, vector<1x16xf32>,
        %get3A_263 = arith.index_cast %add3A_184 : i32 to index
        %get3A_264 = arith.constant 96 : index
        %get3A_265 = tpu.vector_load %arg11[%get3A_263, %get3A_264] {strides = array<i32>} : memref<80x128xf32, #tpu.memory_space<vmem>>, vector<1x16xf32>,
        %get3A_266 = vector.shape_cast %get3A_265 : vector<1x16xf32> to vector<16xf32>
        %max3A_267 = arith.constant 0.000000e+00 : f32
        %max3A_268 = vector.broadcast %max3A_267 : f32 to vector<16xf32>
        %max3A_269 = arith.maximumf %get3A_266, %max3A_268 : vector<16xf32>
        %mul3A_270 = arith.mulf %max3A_269, %gather3A_180 : vector<16xf32>
        %swap3A_271 = arith.index_cast %add3A_184 : i32 to index
        %swap3A_272 = arith.constant 96 : index
        %swap3A_273 = tpu.vector_load %arg11[%swap3A_271, %swap3A_272] {strides = array<i32>} : memref<80x128xf32, #tpu.memory_space<vmem>>, vector<1x16xf32>,
        %swap3A_274 = vector.shape_cast %swap3A_273 : vector<1x16xf32> to vector<16xf32>
        %swap3A_275 = vector.shape_cast %mul3A_270 : vector<16xf32> to vector<1x16xf32>
        tpu.vector_store %arg11[%swap3A_271, %swap3A_272], %swap3A_275 {strides = array<i32>} : memref<80x128xf32, #tpu.memory_space<vmem>>, vector<1x16xf32>,
        %get3A_276 = arith.index_cast %add3A_184 : i32 to index
        %get3A_277 = arith.constant 112 : index
        %get3A_278 = tpu.vector_load %arg11[%get3A_276, %get3A_277] {strides = array<i32>} : memref<80x128xf32, #tpu.memory_space<vmem>>, vector<1x16xf32>,
        %get3A_279 = vector.shape_cast %get3A_278 : vector<1x16xf32> to vector<16xf32>
        %max3A_280 = arith.constant 0.000000e+00 : f32
        %max3A_281 = vector.broadcast %max3A_280 : f32 to vector<16xf32>
        %max3A_282 = arith.maximumf %get3A_279, %max3A_281 : vector<16xf32>
        %mul3A_283 = arith.mulf %max3A_282, %gather3A_180 : vector<16xf32>
        %swap3A_284 = arith.index_cast %add3A_184 : i32 to index
        %swap3A_285 = arith.constant 112 : index
        %swap3A_286 = tpu.vector_load %arg11[%swap3A_284, %swap3A_285] {strides = array<i32>} : memref<80x128xf32, #tpu.memory_space<vmem>>, vector<1x16xf32>,
        %swap3A_287 = vector.shape_cast %swap3A_286 : vector<1x16xf32> to vector<16xf32>
        %swap3A_288 = vector.shape_cast %mul3A_283 : vector<16xf32> to vector<1x16xf32>
        tpu.vector_store %arg11[%swap3A_284, %swap3A_285], %swap3A_288 {strides = array<i32>} : memref<80x128xf32, #tpu.memory_space<vmem>>, vector<1x16xf32>,
        %broadcast_in_dim3A_289 = arith.constant 2 : i32
        %broadcast_in_dim3A_290 = vector.broadcast %broadcast_in_dim3A_289 : i32 to vector<16x1xi32>
        %gather3A_291 = vector.shape_cast %broadcast_in_dim3A_290 : vector<16x1xi32> to vector<16xi32>
        %gather3A_292 = tpu.dynamic_gather %get3A_67[%gather3A_291] in [0] : vector<16xf32>, vector<16xi32> -> vector<16xf32>
        %mul3A_293 = arith.constant 16 : i32
        %mul3A_294 = arith.muli %scan3A_62, %mul3A_293 : i32
        %add3A_295 = arith.constant 2 : i32
        %add3A_296 = arith.addi %mul3A_294, %add3A_295 : i32
        %get3A_297 = arith.index_cast %add3A_296 : i32 to index
        %get3A_298 = arith.constant 0 : index
        %get3A_299 = tpu.vector_load %arg11[%get3A_297, %get3A_298] {strides = array<i32>} : memref<80x128xf32, #tpu.memory_space<vmem>>, vector<1x16xf32>,
        %get3A_300 = vector.shape_cast %get3A_299 : vector<1x16xf32> to vector<16xf32>
        %max3A_301 = arith.constant 0.000000e+00 : f32
        %max3A_302 = vector.broadcast %max3A_301 : f32 to vector<16xf32>
        %max3A_303 = arith.maximumf %get3A_300, %max3A_302 : vector<16xf32>
        %mul3A_304 = arith.mulf %max3A_303, %gather3A_292 : vector<16xf32>
        %swap3A_305 = arith.index_cast %add3A_296 : i32 to index
        %swap3A_306 = arith.constant 0 : index
        %swap3A_307 = tpu.vector_load %arg11[%swap3A_305, %swap3A_306] {strides = array<i32>} : memref<80x128xf32, #tpu.memory_space<vmem>>, vector<1x16xf32>,
        %swap3A_308 = vector.shape_cast %swap3A_307 : vector<1x16xf32> to vector<16xf32>
        %swap3A_309 = vector.shape_cast %mul3A_304 : vector<16xf32> to vector<1x16xf32>
        tpu.vector_store %arg11[%swap3A_305, %swap3A_306], %swap3A_309 {strides = array<i32>} : memref<80x128xf32, #tpu.memory_space<vmem>>, vector<1x16xf32>,
        %get3A_310 = arith.index_cast %add3A_296 : i32 to index
        %get3A_311 = arith.constant 16 : index
        %get3A_312 = tpu.vector_load %arg11[%get3A_310, %get3A_311] {strides = array<i32>} : memref<80x128xf32, #tpu.memory_space<vmem>>, vector<1x16xf32>,
        %get3A_313 = vector.shape_cast %get3A_312 : vector<1x16xf32> to vector<16xf32>
        %max3A_314 = arith.constant 0.000000e+00 : f32
        %max3A_315 = vector.broadcast %max3A_314 : f32 to vector<16xf32>
        %max3A_316 = arith.maximumf %get3A_313, %max3A_315 : vector<16xf32>
        %mul3A_317 = arith.mulf %max3A_316, %gather3A_292 : vector<16xf32>
        %swap3A_318 = arith.index_cast %add3A_296 : i32 to index
        %swap3A_319 = arith.constant 16 : index
        %swap3A_320 = tpu.vector_load %arg11[%swap3A_318, %swap3A_319] {strides = array<i32>} : memref<80x128xf32, #tpu.memory_space<vmem>>, vector<1x16xf32>,
        %swap3A_321 = vector.shape_cast %swap3A_320 : vector<1x16xf32> to vector<16xf32>
        %swap3A_322 = vector.shape_cast %mul3A_317 : vector<16xf32> to vector<1x16xf32>
        tpu.vector_store %arg11[%swap3A_318, %swap3A_319], %swap3A_322 {strides = array<i32>} : memref<80x128xf32, #tpu.memory_space<vmem>>, vector<1x16xf32>,
        %get3A_323 = arith.index_cast %add3A_296 : i32 to index
        %get3A_324 = arith.constant 32 : index
        %get3A_325 = tpu.vector_load %arg11[%get3A_323, %get3A_324] {strides = array<i32>} : memref<80x128xf32, #tpu.memory_space<vmem>>, vector<1x16xf32>,
        %get3A_326 = vector.shape_cast %get3A_325 : vector<1x16xf32> to vector<16xf32>
        %max3A_327 = arith.constant 0.000000e+00 : f32
        %max3A_328 = vector.broadcast %max3A_327 : f32 to vector<16xf32>
        %max3A_329 = arith.maximumf %get3A_326, %max3A_328 : vector<16xf32>
        %mul3A_330 = arith.mulf %max3A_329, %gather3A_292 : vector<16xf32>
        %swap3A_331 = arith.index_cast %add3A_296 : i32 to index
        %swap3A_332 = arith.constant 32 : index
        %swap3A_333 = tpu.vector_load %arg11[%swap3A_331, %swap3A_332] {strides = array<i32>} : memref<80x128xf32, #tpu.memory_space<vmem>>, vector<1x16xf32>,
        %swap3A_334 = vector.shape_cast %swap3A_333 : vector<1x16xf32> to vector<16xf32>
        %swap3A_335 = vector.shape_cast %mul3A_330 : vector<16xf32> to vector<1x16xf32>
        tpu.vector_store %arg11[%swap3A_331, %swap3A_332], %swap3A_335 {strides = array<i32>} : memref<80x128xf32, #tpu.memory_space<vmem>>, vector<1x16xf32>,
        %get3A_336 = arith.index_cast %add3A_296 : i32 to index
        %get3A_337 = arith.constant 48 : index
        %get3A_338 = tpu.vector_load %arg11[%get3A_336, %get3A_337] {strides = array<i32>} : memref<80x128xf32, #tpu.memory_space<vmem>>, vector<1x16xf32>,
        %get3A_339 = vector.shape_cast %get3A_338 : vector<1x16xf32> to vector<16xf32>
        %max3A_340 = arith.constant 0.000000e+00 : f32
        %max3A_341 = vector.broadcast %max3A_340 : f32 to vector<16xf32>
        %max3A_342 = arith.maximumf %get3A_339, %max3A_341 : vector<16xf32>
        %mul3A_343 = arith.mulf %max3A_342, %gather3A_292 : vector<16xf32>
        %swap3A_344 = arith.index_cast %add3A_296 : i32 to index
        %swap3A_345 = arith.constant 48 : index
        %swap3A_346 = tpu.vector_load %arg11[%swap3A_344, %swap3A_345] {strides = array<i32>} : memref<80x128xf32, #tpu.memory_space<vmem>>, vector<1x16xf32>,
        %swap3A_347 = vector.shape_cast %swap3A_346 : vector<1x16xf32> to vector<16xf32>
        %swap3A_348 = vector.shape_cast %mul3A_343 : vector<16xf32> to vector<1x16xf32>
        tpu.vector_store %arg11[%swap3A_344, %swap3A_345], %swap3A_348 {strides = array<i32>} : memref<80x128xf32, #tpu.memory_space<vmem>>, vector<1x16xf32>,
        %get3A_349 = arith.index_cast %add3A_296 : i32 to index
        %get3A_350 = arith.constant 64 : index
        %get3A_351 = tpu.vector_load %arg11[%get3A_349, %get3A_350] {strides = array<i32>} : memref<80x128xf32, #tpu.memory_space<vmem>>, vector<1x16xf32>,
        %get3A_352 = vector.shape_cast %get3A_351 : vector<1x16xf32> to vector<16xf32>
        %max3A_353 = arith.constant 0.000000e+00 : f32
        %max3A_354 = vector.broadcast %max3A_353 : f32 to vector<16xf32>
        %max3A_355 = arith.maximumf %get3A_352, %max3A_354 : vector<16xf32>
        %mul3A_356 = arith.mulf %max3A_355, %gather3A_292 : vector<16xf32>
        %swap3A_357 = arith.index_cast %add3A_296 : i32 to index
        %swap3A_358 = arith.constant 64 : index
        %swap3A_359 = tpu.vector_load %arg11[%swap3A_357, %swap3A_358] {strides = array<i32>} : memref<80x128xf32, #tpu.memory_space<vmem>>, vector<1x16xf32>,
        %swap3A_360 = vector.shape_cast %swap3A_359 : vector<1x16xf32> to vector<16xf32>
        %swap3A_361 = vector.shape_cast %mul3A_356 : vector<16xf32> to vector<1x16xf32>
        tpu.vector_store %arg11[%swap3A_357, %swap3A_358], %swap3A_361 {strides = array<i32>} : memref<80x128xf32, #tpu.memory_space<vmem>>, vector<1x16xf32>,
        %get3A_362 = arith.index_cast %add3A_296 : i32 to index
        %get3A_363 = arith.constant 80 : index
        %get3A_364 = tpu.vector_load %arg11[%get3A_362, %get3A_363] {strides = array<i32>} : memref<80x128xf32, #tpu.memory_space<vmem>>, vector<1x16xf32>,
        %get3A_365 = vector.shape_cast %get3A_364 : vector<1x16xf32> to vector<16xf32>
        %max3A_366 = arith.constant 0.000000e+00 : f32
        %max3A_367 = vector.broadcast %max3A_366 : f32 to vector<16xf32>
        %max3A_368 = arith.maximumf %get3A_365, %max3A_367 : vector<16xf32>
        %mul3A_369 = arith.mulf %max3A_368, %gather3A_292 : vector<16xf32>
        %swap3A_370 = arith.index_cast %add3A_296 : i32 to index
        %swap3A_371 = arith.constant 80 : index
        %swap3A_372 = tpu.vector_load %arg11[%swap3A_370, %swap3A_371] {strides = array<i32>} : memref<80x128xf32, #tpu.memory_space<vmem>>, vector<1x16xf32>,
        %swap3A_373 = vector.shape_cast %swap3A_372 : vector<1x16xf32> to vector<16xf32>
        %swap3A_374 = vector.shape_cast %mul3A_369 : vector<16xf32> to vector<1x16xf32>
        tpu.vector_store %arg11[%swap3A_370, %swap3A_371], %swap3A_374 {strides = array<i32>} : memref<80x128xf32, #tpu.memory_space<vmem>>, vector<1x16xf32>,
        %get3A_375 = arith.index_cast %add3A_296 : i32 to index
        %get3A_376 = arith.constant 96 : index
        %get3A_377 = tpu.vector_load %arg11[%get3A_375, %get3A_376] {strides = array<i32>} : memref<80x128xf32, #tpu.memory_space<vmem>>, vector<1x16xf32>,
        %get3A_378 = vector.shape_cast %get3A_377 : vector<1x16xf32> to vector<16xf32>
        %max3A_379 = arith.constant 0.000000e+00 : f32
        %max3A_380 = vector.broadcast %max3A_379 : f32 to vector<16xf32>
        %max3A_381 = arith.maximumf %get3A_378, %max3A_380 : vector<16xf32>
        %mul3A_382 = arith.mulf %max3A_381, %gather3A_292 : vector<16xf32>
        %swap3A_383 = arith.index_cast %add3A_296 : i32 to index
        %swap3A_384 = arith.constant 96 : index
        %swap3A_385 = tpu.vector_load %arg11[%swap3A_383, %swap3A_384] {strides = array<i32>} : memref<80x128xf32, #tpu.memory_space<vmem>>, vector<1x16xf32>,
        %swap3A_386 = vector.shape_cast %swap3A_385 : vector<1x16xf32> to vector<16xf32>
        %swap3A_387 = vector.shape_cast %mul3A_382 : vector<16xf32> to vector<1x16xf32>
        tpu.vector_store %arg11[%swap3A_383, %swap3A_384], %swap3A_387 {strides = array<i32>} : memref<80x128xf32, #tpu.memory_space<vmem>>, vector<1x16xf32>,
        %get3A_388 = arith.index_cast %add3A_296 : i32 to index
        %get3A_389 = arith.constant 112 : index
        %get3A_390 = tpu.vector_load %arg11[%get3A_388, %get3A_389] {strides = array<i32>} : memref<80x128xf32, #tpu.memory_space<vmem>>, vector<1x16xf32>,
        %get3A_391 = vector.shape_cast %get3A_390 : vector<1x16xf32> to vector<16xf32>
        %max3A_392 = arith.constant 0.000000e+00 : f32
        %max3A_393 = vector.broadcast %max3A_392 : f32 to vector<16xf32>
        %max3A_394 = arith.maximumf %get3A_391, %max3A_393 : vector<16xf32>
        %mul3A_395 = arith.mulf %max3A_394, %gather3A_292 : vector<16xf32>
        %swap3A_396 = arith.index_cast %add3A_296 : i32 to index
        %swap3A_397 = arith.constant 112 : index
        %swap3A_398 = tpu.vector_load %arg11[%swap3A_396, %swap3A_397] {strides = array<i32>} : memref<80x128xf32, #tpu.memory_space<vmem>>, vector<1x16xf32>,
        %swap3A_399 = vector.shape_cast %swap3A_398 : vector<1x16xf32> to vector<16xf32>
        %swap3A_400 = vector.shape_cast %mul3A_395 : vector<16xf32> to vector<1x16xf32>
        tpu.vector_store %arg11[%swap3A_396, %swap3A_397], %swap3A_400 {strides = array<i32>} : memref<80x128xf32, #tpu.memory_space<vmem>>, vector<1x16xf32>,
        %broadcast_in_dim3A_401 = arith.constant 3 : i32
        %broadcast_in_dim3A_402 = vector.broadcast %broadcast_in_dim3A_401 : i32 to vector<16x1xi32>
        %gather3A_403 = vector.shape_cast %broadcast_in_dim3A_402 : vector<16x1xi32> to vector<16xi32>
        %gather3A_404 = tpu.dynamic_gather %get3A_67[%gather3A_403] in [0] : vector<16xf32>, vector<16xi32> -> vector<16xf32>
        %mul3A_405 = arith.constant 16 : i32
        %mul3A_406 = arith.muli %scan3A_62, %mul3A_405 : i32
        %add3A_407 = arith.constant 3 : i32
        %add3A_408 = arith.addi %mul3A_406, %add3A_407 : i32
        %get3A_409 = arith.index_cast %add3A_408 : i32 to index
        %get3A_410 = arith.constant 0 : index
        %get3A_411 = tpu.vector_load %arg11[%get3A_409, %get3A_410] {strides = array<i32>} : memref<80x128xf32, #tpu.memory_space<vmem>>, vector<1x16xf32>,
        %get3A_412 = vector.shape_cast %get3A_411 : vector<1x16xf32> to vector<16xf32>
        %max3A_413 = arith.constant 0.000000e+00 : f32
        %max3A_414 = vector.broadcast %max3A_413 : f32 to vector<16xf32>
        %max3A_415 = arith.maximumf %get3A_412, %max3A_414 : vector<16xf32>
        %mul3A_416 = arith.mulf %max3A_415, %gather3A_404 : vector<16xf32>
        %swap3A_417 = arith.index_cast %add3A_408 : i32 to index
        %swap3A_418 = arith.constant 0 : index
        %swap3A_419 = tpu.vector_load %arg11[%swap3A_417, %swap3A_418] {strides = array<i32>} : memref<80x128xf32, #tpu.memory_space<vmem>>, vector<1x16xf32>,
        %swap3A_420 = vector.shape_cast %swap3A_419 : vector<1x16xf32> to vector<16xf32>
        %swap3A_421 = vector.shape_cast %mul3A_416 : vector<16xf32> to vector<1x16xf32>
        tpu.vector_store %arg11[%swap3A_417, %swap3A_418], %swap3A_421 {strides = array<i32>} : memref<80x128xf32, #tpu.memory_space<vmem>>, vector<1x16xf32>,
        %get3A_422 = arith.index_cast %add3A_408 : i32 to index
        %get3A_423 = arith.constant 16 : index
        %get3A_424 = tpu.vector_load %arg11[%get3A_422, %get3A_423] {strides = array<i32>} : memref<80x128xf32, #tpu.memory_space<vmem>>, vector<1x16xf32>,
        %get3A_425 = vector.shape_cast %get3A_424 : vector<1x16xf32> to vector<16xf32>
        %max3A_426 = arith.constant 0.000000e+00 : f32
        %max3A_427 = vector.broadcast %max3A_426 : f32 to vector<16xf32>
        %max3A_428 = arith.maximumf %get3A_425, %max3A_427 : vector<16xf32>
        %mul3A_429 = arith.mulf %max3A_428, %gather3A_404 : vector<16xf32>
        %swap3A_430 = arith.index_cast %add3A_408 : i32 to index
        %swap3A_431 = arith.constant 16 : index
        %swap3A_432 = tpu.vector_load %arg11[%swap3A_430, %swap3A_431] {strides = array<i32>} : memref<80x128xf32, #tpu.memory_space<vmem>>, vector<1x16xf32>,
        %swap3A_433 = vector.shape_cast %swap3A_432 : vector<1x16xf32> to vector<16xf32>
        %swap3A_434 = vector.shape_cast %mul3A_429 : vector<16xf32> to vector<1x16xf32>
        tpu.vector_store %arg11[%swap3A_430, %swap3A_431], %swap3A_434 {strides = array<i32>} : memref<80x128xf32, #tpu.memory_space<vmem>>, vector<1x16xf32>,
        %get3A_435 = arith.index_cast %add3A_408 : i32 to index
        %get3A_436 = arith.constant 32 : index
        %get3A_437 = tpu.vector_load %arg11[%get3A_435, %get3A_436] {strides = array<i32>} : memref<80x128xf32, #tpu.memory_space<vmem>>, vector<1x16xf32>,
        %get3A_438 = vector.shape_cast %get3A_437 : vector<1x16xf32> to vector<16xf32>
        %max3A_439 = arith.constant 0.000000e+00 : f32
        %max3A_440 = vector.broadcast %max3A_439 : f32 to vector<16xf32>
        %max3A_441 = arith.maximumf %get3A_438, %max3A_440 : vector<16xf32>
        %mul3A_442 = arith.mulf %max3A_441, %gather3A_404 : vector<16xf32>
        %swap3A_443 = arith.index_cast %add3A_408 : i32 to index
        %swap3A_444 = arith.constant 32 : index
        %swap3A_445 = tpu.vector_load %arg11[%swap3A_443, %swap3A_444] {strides = array<i32>} : memref<80x128xf32, #tpu.memory_space<vmem>>, vector<1x16xf32>,
        %swap3A_446 = vector.shape_cast %swap3A_445 : vector<1x16xf32> to vector<16xf32>
        %swap3A_447 = vector.shape_cast %mul3A_442 : vector<16xf32> to vector<1x16xf32>
        tpu.vector_store %arg11[%swap3A_443, %swap3A_444], %swap3A_447 {strides = array<i32>} : memref<80x128xf32, #tpu.memory_space<vmem>>, vector<1x16xf32>,
        %get3A_448 = arith.index_cast %add3A_408 : i32 to index
        %get3A_449 = arith.constant 48 : index
        %get3A_450 = tpu.vector_load %arg11[%get3A_448, %get3A_449] {strides = array<i32>} : memref<80x128xf32, #tpu.memory_space<vmem>>, vector<1x16xf32>,
        %get3A_451 = vector.shape_cast %get3A_450 : vector<1x16xf32> to vector<16xf32>
        %max3A_452 = arith.constant 0.000000e+00 : f32
        %max3A_453 = vector.broadcast %max3A_452 : f32 to vector<16xf32>
        %max3A_454 = arith.maximumf %get3A_451, %max3A_453 : vector<16xf32>
        %mul3A_455 = arith.mulf %max3A_454, %gather3A_404 : vector<16xf32>
        %swap3A_456 = arith.index_cast %add3A_408 : i32 to index
        %swap3A_457 = arith.constant 48 : index
        %swap3A_458 = tpu.vector_load %arg11[%swap3A_456, %swap3A_457] {strides = array<i32>} : memref<80x128xf32, #tpu.memory_space<vmem>>, vector<1x16xf32>,
        %swap3A_459 = vector.shape_cast %swap3A_458 : vector<1x16xf32> to vector<16xf32>
        %swap3A_460 = vector.shape_cast %mul3A_455 : vector<16xf32> to vector<1x16xf32>
        tpu.vector_store %arg11[%swap3A_456, %swap3A_457], %swap3A_460 {strides = array<i32>} : memref<80x128xf32, #tpu.memory_space<vmem>>, vector<1x16xf32>,
        %get3A_461 = arith.index_cast %add3A_408 : i32 to index
        %get3A_462 = arith.constant 64 : index
        %get3A_463 = tpu.vector_load %arg11[%get3A_461, %get3A_462] {strides = array<i32>} : memref<80x128xf32, #tpu.memory_space<vmem>>, vector<1x16xf32>,
        %get3A_464 = vector.shape_cast %get3A_463 : vector<1x16xf32> to vector<16xf32>
        %max3A_465 = arith.constant 0.000000e+00 : f32
        %max3A_466 = vector.broadcast %max3A_465 : f32 to vector<16xf32>
        %max3A_467 = arith.maximumf %get3A_464, %max3A_466 : vector<16xf32>
        %mul3A_468 = arith.mulf %max3A_467, %gather3A_404 : vector<16xf32>
        %swap3A_469 = arith.index_cast %add3A_408 : i32 to index
        %swap3A_470 = arith.constant 64 : index
        %swap3A_471 = tpu.vector_load %arg11[%swap3A_469, %swap3A_470] {strides = array<i32>} : memref<80x128xf32, #tpu.memory_space<vmem>>, vector<1x16xf32>,
        %swap3A_472 = vector.shape_cast %swap3A_471 : vector<1x16xf32> to vector<16xf32>
        %swap3A_473 = vector.shape_cast %mul3A_468 : vector<16xf32> to vector<1x16xf32>
        tpu.vector_store %arg11[%swap3A_469, %swap3A_470], %swap3A_473 {strides = array<i32>} : memref<80x128xf32, #tpu.memory_space<vmem>>, vector<1x16xf32>,
        %get3A_474 = arith.index_cast %add3A_408 : i32 to index
        %get3A_475 = arith.constant 80 : index
        %get3A_476 = tpu.vector_load %arg11[%get3A_474, %get3A_475] {strides = array<i32>} : memref<80x128xf32, #tpu.memory_space<vmem>>, vector<1x16xf32>,
        %get3A_477 = vector.shape_cast %get3A_476 : vector<1x16xf32> to vector<16xf32>
        %max3A_478 = arith.constant 0.000000e+00 : f32
        %max3A_479 = vector.broadcast %max3A_478 : f32 to vector<16xf32>
        %max3A_480 = arith.maximumf %get3A_477, %max3A_479 : vector<16xf32>
        %mul3A_481 = arith.mulf %max3A_480, %gather3A_404 : vector<16xf32>
        %swap3A_482 = arith.index_cast %add3A_408 : i32 to index
        %swap3A_483 = arith.constant 80 : index
        %swap3A_484 = tpu.vector_load %arg11[%swap3A_482, %swap3A_483] {strides = array<i32>} : memref<80x128xf32, #tpu.memory_space<vmem>>, vector<1x16xf32>,
        %swap3A_485 = vector.shape_cast %swap3A_484 : vector<1x16xf32> to vector<16xf32>
        %swap3A_486 = vector.shape_cast %mul3A_481 : vector<16xf32> to vector<1x16xf32>
        tpu.vector_store %arg11[%swap3A_482, %swap3A_483], %swap3A_486 {strides = array<i32>} : memref<80x128xf32, #tpu.memory_space<vmem>>, vector<1x16xf32>,
        %get3A_487 = arith.index_cast %add3A_408 : i32 to index
        %get3A_488 = arith.constant 96 : index
        %get3A_489 = tpu.vector_load %arg11[%get3A_487, %get3A_488] {strides = array<i32>} : memref<80x128xf32, #tpu.memory_space<vmem>>, vector<1x16xf32>,
        %get3A_490 = vector.shape_cast %get3A_489 : vector<1x16xf32> to vector<16xf32>
        %max3A_491 = arith.constant 0.000000e+00 : f32
        %max3A_492 = vector.broadcast %max3A_491 : f32 to vector<16xf32>
        %max3A_493 = arith.maximumf %get3A_490, %max3A_492 : vector<16xf32>
        %mul3A_494 = arith.mulf %max3A_493, %gather3A_404 : vector<16xf32>
        %swap3A_495 = arith.index_cast %add3A_408 : i32 to index
        %swap3A_496 = arith.constant 96 : index
        %swap3A_497 = tpu.vector_load %arg11[%swap3A_495, %swap3A_496] {strides = array<i32>} : memref<80x128xf32, #tpu.memory_space<vmem>>, vector<1x16xf32>,
        %swap3A_498 = vector.shape_cast %swap3A_497 : vector<1x16xf32> to vector<16xf32>
        %swap3A_499 = vector.shape_cast %mul3A_494 : vector<16xf32> to vector<1x16xf32>
        tpu.vector_store %arg11[%swap3A_495, %swap3A_496], %swap3A_499 {strides = array<i32>} : memref<80x128xf32, #tpu.memory_space<vmem>>, vector<1x16xf32>,
        %get3A_500 = arith.index_cast %add3A_408 : i32 to index
        %get3A_501 = arith.constant 112 : index
        %get3A_502 = tpu.vector_load %arg11[%get3A_500, %get3A_501] {strides = array<i32>} : memref<80x128xf32, #tpu.memory_space<vmem>>, vector<1x16xf32>,
        %get3A_503 = vector.shape_cast %get3A_502 : vector<1x16xf32> to vector<16xf32>
        %max3A_504 = arith.constant 0.000000e+00 : f32
        %max3A_505 = vector.broadcast %max3A_504 : f32 to vector<16xf32>
        %max3A_506 = arith.maximumf %get3A_503, %max3A_505 : vector<16xf32>
        %mul3A_507 = arith.mulf %max3A_506, %gather3A_404 : vector<16xf32>
        %swap3A_508 = arith.index_cast %add3A_408 : i32 to index
        %swap3A_509 = arith.constant 112 : index
        %swap3A_510 = tpu.vector_load %arg11[%swap3A_508, %swap3A_509] {strides = array<i32>} : memref<80x128xf32, #tpu.memory_space<vmem>>, vector<1x16xf32>,
        %swap3A_511 = vector.shape_cast %swap3A_510 : vector<1x16xf32> to vector<16xf32>
        %swap3A_512 = vector.shape_cast %mul3A_507 : vector<16xf32> to vector<1x16xf32>
        tpu.vector_store %arg11[%swap3A_508, %swap3A_509], %swap3A_512 {strides = array<i32>} : memref<80x128xf32, #tpu.memory_space<vmem>>, vector<1x16xf32>,
        %broadcast_in_dim3A_513 = arith.constant 4 : i32
        %broadcast_in_dim3A_514 = vector.broadcast %broadcast_in_dim3A_513 : i32 to vector<16x1xi32>
        %gather3A_515 = vector.shape_cast %broadcast_in_dim3A_514 : vector<16x1xi32> to vector<16xi32>
        %gather3A_516 = tpu.dynamic_gather %get3A_67[%gather3A_515] in [0] : vector<16xf32>, vector<16xi32> -> vector<16xf32>
        %mul3A_517 = arith.constant 16 : i32
        %mul3A_518 = arith.muli %scan3A_62, %mul3A_517 : i32
        %add3A_519 = arith.constant 4 : i32
        %add3A_520 = arith.addi %mul3A_518, %add3A_519 : i32
        %get3A_521 = arith.index_cast %add3A_520 : i32 to index
        %get3A_522 = arith.constant 0 : index
        %get3A_523 = tpu.vector_load %arg11[%get3A_521, %get3A_522] {strides = array<i32>} : memref<80x128xf32, #tpu.memory_space<vmem>>, vector<1x16xf32>,
        %get3A_524 = vector.shape_cast %get3A_523 : vector<1x16xf32> to vector<16xf32>
        %max3A_525 = arith.constant 0.000000e+00 : f32
        %max3A_526 = vector.broadcast %max3A_525 : f32 to vector<16xf32>
        %max3A_527 = arith.maximumf %get3A_524, %max3A_526 : vector<16xf32>
        %mul3A_528 = arith.mulf %max3A_527, %gather3A_516 : vector<16xf32>
        %swap3A_529 = arith.index_cast %add3A_520 : i32 to index
        %swap3A_530 = arith.constant 0 : index
        %swap3A_531 = tpu.vector_load %arg11[%swap3A_529, %swap3A_530] {strides = array<i32>} : memref<80x128xf32, #tpu.memory_space<vmem>>, vector<1x16xf32>,
        %swap3A_532 = vector.shape_cast %swap3A_531 : vector<1x16xf32> to vector<16xf32>
        %swap3A_533 = vector.shape_cast %mul3A_528 : vector<16xf32> to vector<1x16xf32>
        tpu.vector_store %arg11[%swap3A_529, %swap3A_530], %swap3A_533 {strides = array<i32>} : memref<80x128xf32, #tpu.memory_space<vmem>>, vector<1x16xf32>,
        %get3A_534 = arith.index_cast %add3A_520 : i32 to index
        %get3A_535 = arith.constant 16 : index
        %get3A_536 = tpu.vector_load %arg11[%get3A_534, %get3A_535] {strides = array<i32>} : memref<80x128xf32, #tpu.memory_space<vmem>>, vector<1x16xf32>,
        %get3A_537 = vector.shape_cast %get3A_536 : vector<1x16xf32> to vector<16xf32>
        %max3A_538 = arith.constant 0.000000e+00 : f32
        %max3A_539 = vector.broadcast %max3A_538 : f32 to vector<16xf32>
        %max3A_540 = arith.maximumf %get3A_537, %max3A_539 : vector<16xf32>
        %mul3A_541 = arith.mulf %max3A_540, %gather3A_516 : vector<16xf32>
        %swap3A_542 = arith.index_cast %add3A_520 : i32 to index
        %swap3A_543 = arith.constant 16 : index
        %swap3A_544 = tpu.vector_load %arg11[%swap3A_542, %swap3A_543] {strides = array<i32>} : memref<80x128xf32, #tpu.memory_space<vmem>>, vector<1x16xf32>,
        %swap3A_545 = vector.shape_cast %swap3A_544 : vector<1x16xf32> to vector<16xf32>
        %swap3A_546 = vector.shape_cast %mul3A_541 : vector<16xf32> to vector<1x16xf32>
        tpu.vector_store %arg11[%swap3A_542, %swap3A_543], %swap3A_546 {strides = array<i32>} : memref<80x128xf32, #tpu.memory_space<vmem>>, vector<1x16xf32>,
        %get3A_547 = arith.index_cast %add3A_520 : i32 to index
        %get3A_548 = arith.constant 32 : index
        %get3A_549 = tpu.vector_load %arg11[%get3A_547, %get3A_548] {strides = array<i32>} : memref<80x128xf32, #tpu.memory_space<vmem>>, vector<1x16xf32>,
        %get3A_550 = vector.shape_cast %get3A_549 : vector<1x16xf32> to vector<16xf32>
        %max3A_551 = arith.constant 0.000000e+00 : f32
        %max3A_552 = vector.broadcast %max3A_551 : f32 to vector<16xf32>
        %max3A_553 = arith.maximumf %get3A_550, %max3A_552 : vector<16xf32>
        %mul3A_554 = arith.mulf %max3A_553, %gather3A_516 : vector<16xf32>
        %swap3A_555 = arith.index_cast %add3A_520 : i32 to index
        %swap3A_556 = arith.constant 32 : index
        %swap3A_557 = tpu.vector_load %arg11[%swap3A_555, %swap3A_556] {strides = array<i32>} : memref<80x128xf32, #tpu.memory_space<vmem>>, vector<1x16xf32>,
        %swap3A_558 = vector.shape_cast %swap3A_557 : vector<1x16xf32> to vector<16xf32>
        %swap3A_559 = vector.shape_cast %mul3A_554 : vector<16xf32> to vector<1x16xf32>
        tpu.vector_store %arg11[%swap3A_555, %swap3A_556], %swap3A_559 {strides = array<i32>} : memref<80x128xf32, #tpu.memory_space<vmem>>, vector<1x16xf32>,
        %get3A_560 = arith.index_cast %add3A_520 : i32 to index
        %get3A_561 = arith.constant 48 : index
        %get3A_562 = tpu.vector_load %arg11[%get3A_560, %get3A_561] {strides = array<i32>} : memref<80x128xf32, #tpu.memory_space<vmem>>, vector<1x16xf32>,
        %get3A_563 = vector.shape_cast %get3A_562 : vector<1x16xf32> to vector<16xf32>
        %max3A_564 = arith.constant 0.000000e+00 : f32
        %max3A_565 = vector.broadcast %max3A_564 : f32 to vector<16xf32>
        %max3A_566 = arith.maximumf %get3A_563, %max3A_565 : vector<16xf32>
        %mul3A_567 = arith.mulf %max3A_566, %gather3A_516 : vector<16xf32>
        %swap3A_568 = arith.index_cast %add3A_520 : i32 to index
        %swap3A_569 = arith.constant 48 : index
        %swap3A_570 = tpu.vector_load %arg11[%swap3A_568, %swap3A_569] {strides = array<i32>} : memref<80x128xf32, #tpu.memory_space<vmem>>, vector<1x16xf32>,
        %swap3A_571 = vector.shape_cast %swap3A_570 : vector<1x16xf32> to vector<16xf32>
        %swap3A_572 = vector.shape_cast %mul3A_567 : vector<16xf32> to vector<1x16xf32>
        tpu.vector_store %arg11[%swap3A_568, %swap3A_569], %swap3A_572 {strides = array<i32>} : memref<80x128xf32, #tpu.memory_space<vmem>>, vector<1x16xf32>,
        %get3A_573 = arith.index_cast %add3A_520 : i32 to index
        %get3A_574 = arith.constant 64 : index
        %get3A_575 = tpu.vector_load %arg11[%get3A_573, %get3A_574] {strides = array<i32>} : memref<80x128xf32, #tpu.memory_space<vmem>>, vector<1x16xf32>,
        %get3A_576 = vector.shape_cast %get3A_575 : vector<1x16xf32> to vector<16xf32>
        %max3A_577 = arith.constant 0.000000e+00 : f32
        %max3A_578 = vector.broadcast %max3A_577 : f32 to vector<16xf32>
        %max3A_579 = arith.maximumf %get3A_576, %max3A_578 : vector<16xf32>
        %mul3A_580 = arith.mulf %max3A_579, %gather3A_516 : vector<16xf32>
        %swap3A_581 = arith.index_cast %add3A_520 : i32 to index
        %swap3A_582 = arith.constant 64 : index
        %swap3A_583 = tpu.vector_load %arg11[%swap3A_581, %swap3A_582] {strides = array<i32>} : memref<80x128xf32, #tpu.memory_space<vmem>>, vector<1x16xf32>,
        %swap3A_584 = vector.shape_cast %swap3A_583 : vector<1x16xf32> to vector<16xf32>
        %swap3A_585 = vector.shape_cast %mul3A_580 : vector<16xf32> to vector<1x16xf32>
        tpu.vector_store %arg11[%swap3A_581, %swap3A_582], %swap3A_585 {strides = array<i32>} : memref<80x128xf32, #tpu.memory_space<vmem>>, vector<1x16xf32>,
        %get3A_586 = arith.index_cast %add3A_520 : i32 to index
        %get3A_587 = arith.constant 80 : index
        %get3A_588 = tpu.vector_load %arg11[%get3A_586, %get3A_587] {strides = array<i32>} : memref<80x128xf32, #tpu.memory_space<vmem>>, vector<1x16xf32>,
        %get3A_589 = vector.shape_cast %get3A_588 : vector<1x16xf32> to vector<16xf32>
        %max3A_590 = arith.constant 0.000000e+00 : f32
        %max3A_591 = vector.broadcast %max3A_590 : f32 to vector<16xf32>
        %max3A_592 = arith.maximumf %get3A_589, %max3A_591 : vector<16xf32>
        %mul3A_593 = arith.mulf %max3A_592, %gather3A_516 : vector<16xf32>
        %swap3A_594 = arith.index_cast %add3A_520 : i32 to index
        %swap3A_595 = arith.constant 80 : index
        %swap3A_596 = tpu.vector_load %arg11[%swap3A_594, %swap3A_595] {strides = array<i32>} : memref<80x128xf32, #tpu.memory_space<vmem>>, vector<1x16xf32>,
        %swap3A_597 = vector.shape_cast %swap3A_596 : vector<1x16xf32> to vector<16xf32>
        %swap3A_598 = vector.shape_cast %mul3A_593 : vector<16xf32> to vector<1x16xf32>
        tpu.vector_store %arg11[%swap3A_594, %swap3A_595], %swap3A_598 {strides = array<i32>} : memref<80x128xf32, #tpu.memory_space<vmem>>, vector<1x16xf32>,
        %get3A_599 = arith.index_cast %add3A_520 : i32 to index
        %get3A_600 = arith.constant 96 : index
        %get3A_601 = tpu.vector_load %arg11[%get3A_599, %get3A_600] {strides = array<i32>} : memref<80x128xf32, #tpu.memory_space<vmem>>, vector<1x16xf32>,
        %get3A_602 = vector.shape_cast %get3A_601 : vector<1x16xf32> to vector<16xf32>
        %max3A_603 = arith.constant 0.000000e+00 : f32
        %max3A_604 = vector.broadcast %max3A_603 : f32 to vector<16xf32>
        %max3A_605 = arith.maximumf %get3A_602, %max3A_604 : vector<16xf32>
        %mul3A_606 = arith.mulf %max3A_605, %gather3A_516 : vector<16xf32>
        %swap3A_607 = arith.index_cast %add3A_520 : i32 to index
        %swap3A_608 = arith.constant 96 : index
        %swap3A_609 = tpu.vector_load %arg11[%swap3A_607, %swap3A_608] {strides = array<i32>} : memref<80x128xf32, #tpu.memory_space<vmem>>, vector<1x16xf32>,
        %swap3A_610 = vector.shape_cast %swap3A_609 : vector<1x16xf32> to vector<16xf32>
        %swap3A_611 = vector.shape_cast %mul3A_606 : vector<16xf32> to vector<1x16xf32>
        tpu.vector_store %arg11[%swap3A_607, %swap3A_608], %swap3A_611 {strides = array<i32>} : memref<80x128xf32, #tpu.memory_space<vmem>>, vector<1x16xf32>,
        %get3A_612 = arith.index_cast %add3A_520 : i32 to index
        %get3A_613 = arith.constant 112 : index
        %get3A_614 = tpu.vector_load %arg11[%get3A_612, %get3A_613] {strides = array<i32>} : memref<80x128xf32, #tpu.memory_space<vmem>>, vector<1x16xf32>,
        %get3A_615 = vector.shape_cast %get3A_614 : vector<1x16xf32> to vector<16xf32>
        %max3A_616 = arith.constant 0.000000e+00 : f32
        %max3A_617 = vector.broadcast %max3A_616 : f32 to vector<16xf32>
        %max3A_618 = arith.maximumf %get3A_615, %max3A_617 : vector<16xf32>
        %mul3A_619 = arith.mulf %max3A_618, %gather3A_516 : vector<16xf32>
        %swap3A_620 = arith.index_cast %add3A_520 : i32 to index
        %swap3A_621 = arith.constant 112 : index
        %swap3A_622 = tpu.vector_load %arg11[%swap3A_620, %swap3A_621] {strides = array<i32>} : memref<80x128xf32, #tpu.memory_space<vmem>>, vector<1x16xf32>,
        %swap3A_623 = vector.shape_cast %swap3A_622 : vector<1x16xf32> to vector<16xf32>
        %swap3A_624 = vector.shape_cast %mul3A_619 : vector<16xf32> to vector<1x16xf32>
        tpu.vector_store %arg11[%swap3A_620, %swap3A_621], %swap3A_624 {strides = array<i32>} : memref<80x128xf32, #tpu.memory_space<vmem>>, vector<1x16xf32>,
        %broadcast_in_dim3A_625 = arith.constant 5 : i32
        %broadcast_in_dim3A_626 = vector.broadcast %broadcast_in_dim3A_625 : i32 to vector<16x1xi32>
        %gather3A_627 = vector.shape_cast %broadcast_in_dim3A_626 : vector<16x1xi32> to vector<16xi32>
        %gather3A_628 = tpu.dynamic_gather %get3A_67[%gather3A_627] in [0] : vector<16xf32>, vector<16xi32> -> vector<16xf32>
        %mul3A_629 = arith.constant 16 : i32
        %mul3A_630 = arith.muli %scan3A_62, %mul3A_629 : i32
        %add3A_631 = arith.constant 5 : i32
        %add3A_632 = arith.addi %mul3A_630, %add3A_631 : i32
        %get3A_633 = arith.index_cast %add3A_632 : i32 to index
        %get3A_634 = arith.constant 0 : index
        %get3A_635 = tpu.vector_load %arg11[%get3A_633, %get3A_634] {strides = array<i32>} : memref<80x128xf32, #tpu.memory_space<vmem>>, vector<1x16xf32>,
        %get3A_636 = vector.shape_cast %get3A_635 : vector<1x16xf32> to vector<16xf32>
        %max3A_637 = arith.constant 0.000000e+00 : f32
        %max3A_638 = vector.broadcast %max3A_637 : f32 to vector<16xf32>
        %max3A_639 = arith.maximumf %get3A_636, %max3A_638 : vector<16xf32>
        %mul3A_640 = arith.mulf %max3A_639, %gather3A_628 : vector<16xf32>
        %swap3A_641 = arith.index_cast %add3A_632 : i32 to index
        %swap3A_642 = arith.constant 0 : index
        %swap3A_643 = tpu.vector_load %arg11[%swap3A_641, %swap3A_642] {strides = array<i32>} : memref<80x128xf32, #tpu.memory_space<vmem>>, vector<1x16xf32>,
        %swap3A_644 = vector.shape_cast %swap3A_643 : vector<1x16xf32> to vector<16xf32>
        %swap3A_645 = vector.shape_cast %mul3A_640 : vector<16xf32> to vector<1x16xf32>
        tpu.vector_store %arg11[%swap3A_641, %swap3A_642], %swap3A_645 {strides = array<i32>} : memref<80x128xf32, #tpu.memory_space<vmem>>, vector<1x16xf32>,
        %get3A_646 = arith.index_cast %add3A_632 : i32 to index
        %get3A_647 = arith.constant 16 : index
        %get3A_648 = tpu.vector_load %arg11[%get3A_646, %get3A_647] {strides = array<i32>} : memref<80x128xf32, #tpu.memory_space<vmem>>, vector<1x16xf32>,
        %get3A_649 = vector.shape_cast %get3A_648 : vector<1x16xf32> to vector<16xf32>
        %max3A_650 = arith.constant 0.000000e+00 : f32
        %max3A_651 = vector.broadcast %max3A_650 : f32 to vector<16xf32>
        %max3A_652 = arith.maximumf %get3A_649, %max3A_651 : vector<16xf32>
        %mul3A_653 = arith.mulf %max3A_652, %gather3A_628 : vector<16xf32>
        %swap3A_654 = arith.index_cast %add3A_632 : i32 to index
        %swap3A_655 = arith.constant 16 : index
        %swap3A_656 = tpu.vector_load %arg11[%swap3A_654, %swap3A_655] {strides = array<i32>} : memref<80x128xf32, #tpu.memory_space<vmem>>, vector<1x16xf32>,
        %swap3A_657 = vector.shape_cast %swap3A_656 : vector<1x16xf32> to vector<16xf32>
        %swap3A_658 = vector.shape_cast %mul3A_653 : vector<16xf32> to vector<1x16xf32>
        tpu.vector_store %arg11[%swap3A_654, %swap3A_655], %swap3A_658 {strides = array<i32>} : memref<80x128xf32, #tpu.memory_space<vmem>>, vector<1x16xf32>,
        %get3A_659 = arith.index_cast %add3A_632 : i32 to index
        %get3A_660 = arith.constant 32 : index
        %get3A_661 = tpu.vector_load %arg11[%get3A_659, %get3A_660] {strides = array<i32>} : memref<80x128xf32, #tpu.memory_space<vmem>>, vector<1x16xf32>,
        %get3A_662 = vector.shape_cast %get3A_661 : vector<1x16xf32> to vector<16xf32>
        %max3A_663 = arith.constant 0.000000e+00 : f32
        %max3A_664 = vector.broadcast %max3A_663 : f32 to vector<16xf32>
        %max3A_665 = arith.maximumf %get3A_662, %max3A_664 : vector<16xf32>
        %mul3A_666 = arith.mulf %max3A_665, %gather3A_628 : vector<16xf32>
        %swap3A_667 = arith.index_cast %add3A_632 : i32 to index
        %swap3A_668 = arith.constant 32 : index
        %swap3A_669 = tpu.vector_load %arg11[%swap3A_667, %swap3A_668] {strides = array<i32>} : memref<80x128xf32, #tpu.memory_space<vmem>>, vector<1x16xf32>,
        %swap3A_670 = vector.shape_cast %swap3A_669 : vector<1x16xf32> to vector<16xf32>
        %swap3A_671 = vector.shape_cast %mul3A_666 : vector<16xf32> to vector<1x16xf32>
        tpu.vector_store %arg11[%swap3A_667, %swap3A_668], %swap3A_671 {strides = array<i32>} : memref<80x128xf32, #tpu.memory_space<vmem>>, vector<1x16xf32>,
        %get3A_672 = arith.index_cast %add3A_632 : i32 to index
        %get3A_673 = arith.constant 48 : index
        %get3A_674 = tpu.vector_load %arg11[%get3A_672, %get3A_673] {strides = array<i32>} : memref<80x128xf32, #tpu.memory_space<vmem>>, vector<1x16xf32>,
        %get3A_675 = vector.shape_cast %get3A_674 : vector<1x16xf32> to vector<16xf32>
        %max3A_676 = arith.constant 0.000000e+00 : f32
        %max3A_677 = vector.broadcast %max3A_676 : f32 to vector<16xf32>
        %max3A_678 = arith.maximumf %get3A_675, %max3A_677 : vector<16xf32>
        %mul3A_679 = arith.mulf %max3A_678, %gather3A_628 : vector<16xf32>
        %swap3A_680 = arith.index_cast %add3A_632 : i32 to index
        %swap3A_681 = arith.constant 48 : index
        %swap3A_682 = tpu.vector_load %arg11[%swap3A_680, %swap3A_681] {strides = array<i32>} : memref<80x128xf32, #tpu.memory_space<vmem>>, vector<1x16xf32>,
        %swap3A_683 = vector.shape_cast %swap3A_682 : vector<1x16xf32> to vector<16xf32>
        %swap3A_684 = vector.shape_cast %mul3A_679 : vector<16xf32> to vector<1x16xf32>
        tpu.vector_store %arg11[%swap3A_680, %swap3A_681], %swap3A_684 {strides = array<i32>} : memref<80x128xf32, #tpu.memory_space<vmem>>, vector<1x16xf32>,
        %get3A_685 = arith.index_cast %add3A_632 : i32 to index
        %get3A_686 = arith.constant 64 : index
        %get3A_687 = tpu.vector_load %arg11[%get3A_685, %get3A_686] {strides = array<i32>} : memref<80x128xf32, #tpu.memory_space<vmem>>, vector<1x16xf32>,
        %get3A_688 = vector.shape_cast %get3A_687 : vector<1x16xf32> to vector<16xf32>
        %max3A_689 = arith.constant 0.000000e+00 : f32
        %max3A_690 = vector.broadcast %max3A_689 : f32 to vector<16xf32>
        %max3A_691 = arith.maximumf %get3A_688, %max3A_690 : vector<16xf32>
        %mul3A_692 = arith.mulf %max3A_691, %gather3A_628 : vector<16xf32>
        %swap3A_693 = arith.index_cast %add3A_632 : i32 to index
        %swap3A_694 = arith.constant 64 : index
        %swap3A_695 = tpu.vector_load %arg11[%swap3A_693, %swap3A_694] {strides = array<i32>} : memref<80x128xf32, #tpu.memory_space<vmem>>, vector<1x16xf32>,
        %swap3A_696 = vector.shape_cast %swap3A_695 : vector<1x16xf32> to vector<16xf32>
        %swap3A_697 = vector.shape_cast %mul3A_692 : vector<16xf32> to vector<1x16xf32>
        tpu.vector_store %arg11[%swap3A_693, %swap3A_694], %swap3A_697 {strides = array<i32>} : memref<80x128xf32, #tpu.memory_space<vmem>>, vector<1x16xf32>,
        %get3A_698 = arith.index_cast %add3A_632 : i32 to index
        %get3A_699 = arith.constant 80 : index
        %get3A_700 = tpu.vector_load %arg11[%get3A_698, %get3A_699] {strides = array<i32>} : memref<80x128xf32, #tpu.memory_space<vmem>>, vector<1x16xf32>,
        %get3A_701 = vector.shape_cast %get3A_700 : vector<1x16xf32> to vector<16xf32>
        %max3A_702 = arith.constant 0.000000e+00 : f32
        %max3A_703 = vector.broadcast %max3A_702 : f32 to vector<16xf32>
        %max3A_704 = arith.maximumf %get3A_701, %max3A_703 : vector<16xf32>
        %mul3A_705 = arith.mulf %max3A_704, %gather3A_628 : vector<16xf32>
        %swap3A_706 = arith.index_cast %add3A_632 : i32 to index
        %swap3A_707 = arith.constant 80 : index
        %swap3A_708 = tpu.vector_load %arg11[%swap3A_706, %swap3A_707] {strides = array<i32>} : memref<80x128xf32, #tpu.memory_space<vmem>>, vector<1x16xf32>,
        %swap3A_709 = vector.shape_cast %swap3A_708 : vector<1x16xf32> to vector<16xf32>
        %swap3A_710 = vector.shape_cast %mul3A_705 : vector<16xf32> to vector<1x16xf32>
        tpu.vector_store %arg11[%swap3A_706, %swap3A_707], %swap3A_710 {strides = array<i32>} : memref<80x128xf32, #tpu.memory_space<vmem>>, vector<1x16xf32>,
        %get3A_711 = arith.index_cast %add3A_632 : i32 to index
        %get3A_712 = arith.constant 96 : index
        %get3A_713 = tpu.vector_load %arg11[%get3A_711, %get3A_712] {strides = array<i32>} : memref<80x128xf32, #tpu.memory_space<vmem>>, vector<1x16xf32>,
        %get3A_714 = vector.shape_cast %get3A_713 : vector<1x16xf32> to vector<16xf32>
        %max3A_715 = arith.constant 0.000000e+00 : f32
        %max3A_716 = vector.broadcast %max3A_715 : f32 to vector<16xf32>
        %max3A_717 = arith.maximumf %get3A_714, %max3A_716 : vector<16xf32>
        %mul3A_718 = arith.mulf %max3A_717, %gather3A_628 : vector<16xf32>
        %swap3A_719 = arith.index_cast %add3A_632 : i32 to index
        %swap3A_720 = arith.constant 96 : index
        %swap3A_721 = tpu.vector_load %arg11[%swap3A_719, %swap3A_720] {strides = array<i32>} : memref<80x128xf32, #tpu.memory_space<vmem>>, vector<1x16xf32>,
        %swap3A_722 = vector.shape_cast %swap3A_721 : vector<1x16xf32> to vector<16xf32>
        %swap3A_723 = vector.shape_cast %mul3A_718 : vector<16xf32> to vector<1x16xf32>
        tpu.vector_store %arg11[%swap3A_719, %swap3A_720], %swap3A_723 {strides = array<i32>} : memref<80x128xf32, #tpu.memory_space<vmem>>, vector<1x16xf32>,
        %get3A_724 = arith.index_cast %add3A_632 : i32 to index
        %get3A_725 = arith.constant 112 : index
        %get3A_726 = tpu.vector_load %arg11[%get3A_724, %get3A_725] {strides = array<i32>} : memref<80x128xf32, #tpu.memory_space<vmem>>, vector<1x16xf32>,
        %get3A_727 = vector.shape_cast %get3A_726 : vector<1x16xf32> to vector<16xf32>
        %max3A_728 = arith.constant 0.000000e+00 : f32
        %max3A_729 = vector.broadcast %max3A_728 : f32 to vector<16xf32>
        %max3A_730 = arith.maximumf %get3A_727, %max3A_729 : vector<16xf32>
        %mul3A_731 = arith.mulf %max3A_730, %gather3A_628 : vector<16xf32>
        %swap3A_732 = arith.index_cast %add3A_632 : i32 to index
        %swap3A_733 = arith.constant 112 : index
        %swap3A_734 = tpu.vector_load %arg11[%swap3A_732, %swap3A_733] {strides = array<i32>} : memref<80x128xf32, #tpu.memory_space<vmem>>, vector<1x16xf32>,
        %swap3A_735 = vector.shape_cast %swap3A_734 : vector<1x16xf32> to vector<16xf32>
        %swap3A_736 = vector.shape_cast %mul3A_731 : vector<16xf32> to vector<1x16xf32>
        tpu.vector_store %arg11[%swap3A_732, %swap3A_733], %swap3A_736 {strides = array<i32>} : memref<80x128xf32, #tpu.memory_space<vmem>>, vector<1x16xf32>,
        %broadcast_in_dim3A_737 = arith.constant 6 : i32
        %broadcast_in_dim3A_738 = vector.broadcast %broadcast_in_dim3A_737 : i32 to vector<16x1xi32>
        %gather3A_739 = vector.shape_cast %broadcast_in_dim3A_738 : vector<16x1xi32> to vector<16xi32>
        %gather3A_740 = tpu.dynamic_gather %get3A_67[%gather3A_739] in [0] : vector<16xf32>, vector<16xi32> -> vector<16xf32>
        %mul3A_741 = arith.constant 16 : i32
        %mul3A_742 = arith.muli %scan3A_62, %mul3A_741 : i32
        %add3A_743 = arith.constant 6 : i32
        %add3A_744 = arith.addi %mul3A_742, %add3A_743 : i32
        %get3A_745 = arith.index_cast %add3A_744 : i32 to index
        %get3A_746 = arith.constant 0 : index
        %get3A_747 = tpu.vector_load %arg11[%get3A_745, %get3A_746] {strides = array<i32>} : memref<80x128xf32, #tpu.memory_space<vmem>>, vector<1x16xf32>,
        %get3A_748 = vector.shape_cast %get3A_747 : vector<1x16xf32> to vector<16xf32>
        %max3A_749 = arith.constant 0.000000e+00 : f32
        %max3A_750 = vector.broadcast %max3A_749 : f32 to vector<16xf32>
        %max3A_751 = arith.maximumf %get3A_748, %max3A_750 : vector<16xf32>
        %mul3A_752 = arith.mulf %max3A_751, %gather3A_740 : vector<16xf32>
        %swap3A_753 = arith.index_cast %add3A_744 : i32 to index
        %swap3A_754 = arith.constant 0 : index
        %swap3A_755 = tpu.vector_load %arg11[%swap3A_753, %swap3A_754] {strides = array<i32>} : memref<80x128xf32, #tpu.memory_space<vmem>>, vector<1x16xf32>,
        %swap3A_756 = vector.shape_cast %swap3A_755 : vector<1x16xf32> to vector<16xf32>
        %swap3A_757 = vector.shape_cast %mul3A_752 : vector<16xf32> to vector<1x16xf32>
        tpu.vector_store %arg11[%swap3A_753, %swap3A_754], %swap3A_757 {strides = array<i32>} : memref<80x128xf32, #tpu.memory_space<vmem>>, vector<1x16xf32>,
        %get3A_758 = arith.index_cast %add3A_744 : i32 to index
        %get3A_759 = arith.constant 16 : index
        %get3A_760 = tpu.vector_load %arg11[%get3A_758, %get3A_759] {strides = array<i32>} : memref<80x128xf32, #tpu.memory_space<vmem>>, vector<1x16xf32>,
        %get3A_761 = vector.shape_cast %get3A_760 : vector<1x16xf32> to vector<16xf32>
        %max3A_762 = arith.constant 0.000000e+00 : f32
        %max3A_763 = vector.broadcast %max3A_762 : f32 to vector<16xf32>
        %max3A_764 = arith.maximumf %get3A_761, %max3A_763 : vector<16xf32>
        %mul3A_765 = arith.mulf %max3A_764, %gather3A_740 : vector<16xf32>
        %swap3A_766 = arith.index_cast %add3A_744 : i32 to index
        %swap3A_767 = arith.constant 16 : index
        %swap3A_768 = tpu.vector_load %arg11[%swap3A_766, %swap3A_767] {strides = array<i32>} : memref<80x128xf32, #tpu.memory_space<vmem>>, vector<1x16xf32>,
        %swap3A_769 = vector.shape_cast %swap3A_768 : vector<1x16xf32> to vector<16xf32>
        %swap3A_770 = vector.shape_cast %mul3A_765 : vector<16xf32> to vector<1x16xf32>
        tpu.vector_store %arg11[%swap3A_766, %swap3A_767], %swap3A_770 {strides = array<i32>} : memref<80x128xf32, #tpu.memory_space<vmem>>, vector<1x16xf32>,
        %get3A_771 = arith.index_cast %add3A_744 : i32 to index
        %get3A_772 = arith.constant 32 : index
        %get3A_773 = tpu.vector_load %arg11[%get3A_771, %get3A_772] {strides = array<i32>} : memref<80x128xf32, #tpu.memory_space<vmem>>, vector<1x16xf32>,
        %get3A_774 = vector.shape_cast %get3A_773 : vector<1x16xf32> to vector<16xf32>
        %max3A_775 = arith.constant 0.000000e+00 : f32
        %max3A_776 = vector.broadcast %max3A_775 : f32 to vector<16xf32>
        %max3A_777 = arith.maximumf %get3A_774, %max3A_776 : vector<16xf32>
        %mul3A_778 = arith.mulf %max3A_777, %gather3A_740 : vector<16xf32>
        %swap3A_779 = arith.index_cast %add3A_744 : i32 to index
        %swap3A_780 = arith.constant 32 : index
        %swap3A_781 = tpu.vector_load %arg11[%swap3A_779, %swap3A_780] {strides = array<i32>} : memref<80x128xf32, #tpu.memory_space<vmem>>, vector<1x16xf32>,
        %swap3A_782 = vector.shape_cast %swap3A_781 : vector<1x16xf32> to vector<16xf32>
        %swap3A_783 = vector.shape_cast %mul3A_778 : vector<16xf32> to vector<1x16xf32>
        tpu.vector_store %arg11[%swap3A_779, %swap3A_780], %swap3A_783 {strides = array<i32>} : memref<80x128xf32, #tpu.memory_space<vmem>>, vector<1x16xf32>,
        %get3A_784 = arith.index_cast %add3A_744 : i32 to index
        %get3A_785 = arith.constant 48 : index
        %get3A_786 = tpu.vector_load %arg11[%get3A_784, %get3A_785] {strides = array<i32>} : memref<80x128xf32, #tpu.memory_space<vmem>>, vector<1x16xf32>,
        %get3A_787 = vector.shape_cast %get3A_786 : vector<1x16xf32> to vector<16xf32>
        %max3A_788 = arith.constant 0.000000e+00 : f32
        %max3A_789 = vector.broadcast %max3A_788 : f32 to vector<16xf32>
        %max3A_790 = arith.maximumf %get3A_787, %max3A_789 : vector<16xf32>
        %mul3A_791 = arith.mulf %max3A_790, %gather3A_740 : vector<16xf32>
        %swap3A_792 = arith.index_cast %add3A_744 : i32 to index
        %swap3A_793 = arith.constant 48 : index
        %swap3A_794 = tpu.vector_load %arg11[%swap3A_792, %swap3A_793] {strides = array<i32>} : memref<80x128xf32, #tpu.memory_space<vmem>>, vector<1x16xf32>,
        %swap3A_795 = vector.shape_cast %swap3A_794 : vector<1x16xf32> to vector<16xf32>
        %swap3A_796 = vector.shape_cast %mul3A_791 : vector<16xf32> to vector<1x16xf32>
        tpu.vector_store %arg11[%swap3A_792, %swap3A_793], %swap3A_796 {strides = array<i32>} : memref<80x128xf32, #tpu.memory_space<vmem>>, vector<1x16xf32>,
        %get3A_797 = arith.index_cast %add3A_744 : i32 to index
        %get3A_798 = arith.constant 64 : index
        %get3A_799 = tpu.vector_load %arg11[%get3A_797, %get3A_798] {strides = array<i32>} : memref<80x128xf32, #tpu.memory_space<vmem>>, vector<1x16xf32>,
        %get3A_800 = vector.shape_cast %get3A_799 : vector<1x16xf32> to vector<16xf32>
        %max3A_801 = arith.constant 0.000000e+00 : f32
        %max3A_802 = vector.broadcast %max3A_801 : f32 to vector<16xf32>
        %max3A_803 = arith.maximumf %get3A_800, %max3A_802 : vector<16xf32>
        %mul3A_804 = arith.mulf %max3A_803, %gather3A_740 : vector<16xf32>
        %swap3A_805 = arith.index_cast %add3A_744 : i32 to index
        %swap3A_806 = arith.constant 64 : index
        %swap3A_807 = tpu.vector_load %arg11[%swap3A_805, %swap3A_806] {strides = array<i32>} : memref<80x128xf32, #tpu.memory_space<vmem>>, vector<1x16xf32>,
        %swap3A_808 = vector.shape_cast %swap3A_807 : vector<1x16xf32> to vector<16xf32>
        %swap3A_809 = vector.shape_cast %mul3A_804 : vector<16xf32> to vector<1x16xf32>
        tpu.vector_store %arg11[%swap3A_805, %swap3A_806], %swap3A_809 {strides = array<i32>} : memref<80x128xf32, #tpu.memory_space<vmem>>, vector<1x16xf32>,
        %get3A_810 = arith.index_cast %add3A_744 : i32 to index
        %get3A_811 = arith.constant 80 : index
        %get3A_812 = tpu.vector_load %arg11[%get3A_810, %get3A_811] {strides = array<i32>} : memref<80x128xf32, #tpu.memory_space<vmem>>, vector<1x16xf32>,
        %get3A_813 = vector.shape_cast %get3A_812 : vector<1x16xf32> to vector<16xf32>
        %max3A_814 = arith.constant 0.000000e+00 : f32
        %max3A_815 = vector.broadcast %max3A_814 : f32 to vector<16xf32>
        %max3A_816 = arith.maximumf %get3A_813, %max3A_815 : vector<16xf32>
        %mul3A_817 = arith.mulf %max3A_816, %gather3A_740 : vector<16xf32>
        %swap3A_818 = arith.index_cast %add3A_744 : i32 to index
        %swap3A_819 = arith.constant 80 : index
        %swap3A_820 = tpu.vector_load %arg11[%swap3A_818, %swap3A_819] {strides = array<i32>} : memref<80x128xf32, #tpu.memory_space<vmem>>, vector<1x16xf32>,
        %swap3A_821 = vector.shape_cast %swap3A_820 : vector<1x16xf32> to vector<16xf32>
        %swap3A_822 = vector.shape_cast %mul3A_817 : vector<16xf32> to vector<1x16xf32>
        tpu.vector_store %arg11[%swap3A_818, %swap3A_819], %swap3A_822 {strides = array<i32>} : memref<80x128xf32, #tpu.memory_space<vmem>>, vector<1x16xf32>,
        %get3A_823 = arith.index_cast %add3A_744 : i32 to index
        %get3A_824 = arith.constant 96 : index
        %get3A_825 = tpu.vector_load %arg11[%get3A_823, %get3A_824] {strides = array<i32>} : memref<80x128xf32, #tpu.memory_space<vmem>>, vector<1x16xf32>,
        %get3A_826 = vector.shape_cast %get3A_825 : vector<1x16xf32> to vector<16xf32>
        %max3A_827 = arith.constant 0.000000e+00 : f32
        %max3A_828 = vector.broadcast %max3A_827 : f32 to vector<16xf32>
        %max3A_829 = arith.maximumf %get3A_826, %max3A_828 : vector<16xf32>
        %mul3A_830 = arith.mulf %max3A_829, %gather3A_740 : vector<16xf32>
        %swap3A_831 = arith.index_cast %add3A_744 : i32 to index
        %swap3A_832 = arith.constant 96 : index
        %swap3A_833 = tpu.vector_load %arg11[%swap3A_831, %swap3A_832] {strides = array<i32>} : memref<80x128xf32, #tpu.memory_space<vmem>>, vector<1x16xf32>,
        %swap3A_834 = vector.shape_cast %swap3A_833 : vector<1x16xf32> to vector<16xf32>
        %swap3A_835 = vector.shape_cast %mul3A_830 : vector<16xf32> to vector<1x16xf32>
        tpu.vector_store %arg11[%swap3A_831, %swap3A_832], %swap3A_835 {strides = array<i32>} : memref<80x128xf32, #tpu.memory_space<vmem>>, vector<1x16xf32>,
        %get3A_836 = arith.index_cast %add3A_744 : i32 to index
        %get3A_837 = arith.constant 112 : index
        %get3A_838 = tpu.vector_load %arg11[%get3A_836, %get3A_837] {strides = array<i32>} : memref<80x128xf32, #tpu.memory_space<vmem>>, vector<1x16xf32>,
        %get3A_839 = vector.shape_cast %get3A_838 : vector<1x16xf32> to vector<16xf32>
        %max3A_840 = arith.constant 0.000000e+00 : f32
        %max3A_841 = vector.broadcast %max3A_840 : f32 to vector<16xf32>
        %max3A_842 = arith.maximumf %get3A_839, %max3A_841 : vector<16xf32>
        %mul3A_843 = arith.mulf %max3A_842, %gather3A_740 : vector<16xf32>
        %swap3A_844 = arith.index_cast %add3A_744 : i32 to index
        %swap3A_845 = arith.constant 112 : index
        %swap3A_846 = tpu.vector_load %arg11[%swap3A_844, %swap3A_845] {strides = array<i32>} : memref<80x128xf32, #tpu.memory_space<vmem>>, vector<1x16xf32>,
        %swap3A_847 = vector.shape_cast %swap3A_846 : vector<1x16xf32> to vector<16xf32>
        %swap3A_848 = vector.shape_cast %mul3A_843 : vector<16xf32> to vector<1x16xf32>
        tpu.vector_store %arg11[%swap3A_844, %swap3A_845], %swap3A_848 {strides = array<i32>} : memref<80x128xf32, #tpu.memory_space<vmem>>, vector<1x16xf32>,
        %broadcast_in_dim3A_849 = arith.constant 7 : i32
        %broadcast_in_dim3A_850 = vector.broadcast %broadcast_in_dim3A_849 : i32 to vector<16x1xi32>
        %gather3A_851 = vector.shape_cast %broadcast_in_dim3A_850 : vector<16x1xi32> to vector<16xi32>
        %gather3A_852 = tpu.dynamic_gather %get3A_67[%gather3A_851] in [0] : vector<16xf32>, vector<16xi32> -> vector<16xf32>
        %mul3A_853 = arith.constant 16 : i32
        %mul3A_854 = arith.muli %scan3A_62, %mul3A_853 : i32
        %add3A_855 = arith.constant 7 : i32
        %add3A_856 = arith.addi %mul3A_854, %add3A_855 : i32
        %get3A_857 = arith.index_cast %add3A_856 : i32 to index
        %get3A_858 = arith.constant 0 : index
        %get3A_859 = tpu.vector_load %arg11[%get3A_857, %get3A_858] {strides = array<i32>} : memref<80x128xf32, #tpu.memory_space<vmem>>, vector<1x16xf32>,
        %get3A_860 = vector.shape_cast %get3A_859 : vector<1x16xf32> to vector<16xf32>
        %max3A_861 = arith.constant 0.000000e+00 : f32
        %max3A_862 = vector.broadcast %max3A_861 : f32 to vector<16xf32>
        %max3A_863 = arith.maximumf %get3A_860, %max3A_862 : vector<16xf32>
        %mul3A_864 = arith.mulf %max3A_863, %gather3A_852 : vector<16xf32>
        %swap3A_865 = arith.index_cast %add3A_856 : i32 to index
        %swap3A_866 = arith.constant 0 : index
        %swap3A_867 = tpu.vector_load %arg11[%swap3A_865, %swap3A_866] {strides = array<i32>} : memref<80x128xf32, #tpu.memory_space<vmem>>, vector<1x16xf32>,
        %swap3A_868 = vector.shape_cast %swap3A_867 : vector<1x16xf32> to vector<16xf32>
        %swap3A_869 = vector.shape_cast %mul3A_864 : vector<16xf32> to vector<1x16xf32>
        tpu.vector_store %arg11[%swap3A_865, %swap3A_866], %swap3A_869 {strides = array<i32>} : memref<80x128xf32, #tpu.memory_space<vmem>>, vector<1x16xf32>,
        %get3A_870 = arith.index_cast %add3A_856 : i32 to index
        %get3A_871 = arith.constant 16 : index
        %get3A_872 = tpu.vector_load %arg11[%get3A_870, %get3A_871] {strides = array<i32>} : memref<80x128xf32, #tpu.memory_space<vmem>>, vector<1x16xf32>,
        %get3A_873 = vector.shape_cast %get3A_872 : vector<1x16xf32> to vector<16xf32>
        %max3A_874 = arith.constant 0.000000e+00 : f32
        %max3A_875 = vector.broadcast %max3A_874 : f32 to vector<16xf32>
        %max3A_876 = arith.maximumf %get3A_873, %max3A_875 : vector<16xf32>
        %mul3A_877 = arith.mulf %max3A_876, %gather3A_852 : vector<16xf32>
        %swap3A_878 = arith.index_cast %add3A_856 : i32 to index
        %swap3A_879 = arith.constant 16 : index
        %swap3A_880 = tpu.vector_load %arg11[%swap3A_878, %swap3A_879] {strides = array<i32>} : memref<80x128xf32, #tpu.memory_space<vmem>>, vector<1x16xf32>,
        %swap3A_881 = vector.shape_cast %swap3A_880 : vector<1x16xf32> to vector<16xf32>
        %swap3A_882 = vector.shape_cast %mul3A_877 : vector<16xf32> to vector<1x16xf32>
        tpu.vector_store %arg11[%swap3A_878, %swap3A_879], %swap3A_882 {strides = array<i32>} : memref<80x128xf32, #tpu.memory_space<vmem>>, vector<1x16xf32>,
        %get3A_883 = arith.index_cast %add3A_856 : i32 to index
        %get3A_884 = arith.constant 32 : index
        %get3A_885 = tpu.vector_load %arg11[%get3A_883, %get3A_884] {strides = array<i32>} : memref<80x128xf32, #tpu.memory_space<vmem>>, vector<1x16xf32>,
        %get3A_886 = vector.shape_cast %get3A_885 : vector<1x16xf32> to vector<16xf32>
        %max3A_887 = arith.constant 0.000000e+00 : f32
        %max3A_888 = vector.broadcast %max3A_887 : f32 to vector<16xf32>
        %max3A_889 = arith.maximumf %get3A_886, %max3A_888 : vector<16xf32>
        %mul3A_890 = arith.mulf %max3A_889, %gather3A_852 : vector<16xf32>
        %swap3A_891 = arith.index_cast %add3A_856 : i32 to index
        %swap3A_892 = arith.constant 32 : index
        %swap3A_893 = tpu.vector_load %arg11[%swap3A_891, %swap3A_892] {strides = array<i32>} : memref<80x128xf32, #tpu.memory_space<vmem>>, vector<1x16xf32>,
        %swap3A_894 = vector.shape_cast %swap3A_893 : vector<1x16xf32> to vector<16xf32>
        %swap3A_895 = vector.shape_cast %mul3A_890 : vector<16xf32> to vector<1x16xf32>
        tpu.vector_store %arg11[%swap3A_891, %swap3A_892], %swap3A_895 {strides = array<i32>} : memref<80x128xf32, #tpu.memory_space<vmem>>, vector<1x16xf32>,
        %get3A_896 = arith.index_cast %add3A_856 : i32 to index
        %get3A_897 = arith.constant 48 : index
        %get3A_898 = tpu.vector_load %arg11[%get3A_896, %get3A_897] {strides = array<i32>} : memref<80x128xf32, #tpu.memory_space<vmem>>, vector<1x16xf32>,
        %get3A_899 = vector.shape_cast %get3A_898 : vector<1x16xf32> to vector<16xf32>
        %max3A_900 = arith.constant 0.000000e+00 : f32
        %max3A_901 = vector.broadcast %max3A_900 : f32 to vector<16xf32>
        %max3A_902 = arith.maximumf %get3A_899, %max3A_901 : vector<16xf32>
        %mul3A_903 = arith.mulf %max3A_902, %gather3A_852 : vector<16xf32>
        %swap3A_904 = arith.index_cast %add3A_856 : i32 to index
        %swap3A_905 = arith.constant 48 : index
        %swap3A_906 = tpu.vector_load %arg11[%swap3A_904, %swap3A_905] {strides = array<i32>} : memref<80x128xf32, #tpu.memory_space<vmem>>, vector<1x16xf32>,
        %swap3A_907 = vector.shape_cast %swap3A_906 : vector<1x16xf32> to vector<16xf32>
        %swap3A_908 = vector.shape_cast %mul3A_903 : vector<16xf32> to vector<1x16xf32>
        tpu.vector_store %arg11[%swap3A_904, %swap3A_905], %swap3A_908 {strides = array<i32>} : memref<80x128xf32, #tpu.memory_space<vmem>>, vector<1x16xf32>,
        %get3A_909 = arith.index_cast %add3A_856 : i32 to index
        %get3A_910 = arith.constant 64 : index
        %get3A_911 = tpu.vector_load %arg11[%get3A_909, %get3A_910] {strides = array<i32>} : memref<80x128xf32, #tpu.memory_space<vmem>>, vector<1x16xf32>,
        %get3A_912 = vector.shape_cast %get3A_911 : vector<1x16xf32> to vector<16xf32>
        %max3A_913 = arith.constant 0.000000e+00 : f32
        %max3A_914 = vector.broadcast %max3A_913 : f32 to vector<16xf32>
        %max3A_915 = arith.maximumf %get3A_912, %max3A_914 : vector<16xf32>
        %mul3A_916 = arith.mulf %max3A_915, %gather3A_852 : vector<16xf32>
        %swap3A_917 = arith.index_cast %add3A_856 : i32 to index
        %swap3A_918 = arith.constant 64 : index
        %swap3A_919 = tpu.vector_load %arg11[%swap3A_917, %swap3A_918] {strides = array<i32>} : memref<80x128xf32, #tpu.memory_space<vmem>>, vector<1x16xf32>,
        %swap3A_920 = vector.shape_cast %swap3A_919 : vector<1x16xf32> to vector<16xf32>
        %swap3A_921 = vector.shape_cast %mul3A_916 : vector<16xf32> to vector<1x16xf32>
        tpu.vector_store %arg11[%swap3A_917, %swap3A_918], %swap3A_921 {strides = array<i32>} : memref<80x128xf32, #tpu.memory_space<vmem>>, vector<1x16xf32>,
        %get3A_922 = arith.index_cast %add3A_856 : i32 to index
        %get3A_923 = arith.constant 80 : index
        %get3A_924 = tpu.vector_load %arg11[%get3A_922, %get3A_923] {strides = array<i32>} : memref<80x128xf32, #tpu.memory_space<vmem>>, vector<1x16xf32>,
        %get3A_925 = vector.shape_cast %get3A_924 : vector<1x16xf32> to vector<16xf32>
        %max3A_926 = arith.constant 0.000000e+00 : f32
        %max3A_927 = vector.broadcast %max3A_926 : f32 to vector<16xf32>
        %max3A_928 = arith.maximumf %get3A_925, %max3A_927 : vector<16xf32>
        %mul3A_929 = arith.mulf %max3A_928, %gather3A_852 : vector<16xf32>
        %swap3A_930 = arith.index_cast %add3A_856 : i32 to index
        %swap3A_931 = arith.constant 80 : index
        %swap3A_932 = tpu.vector_load %arg11[%swap3A_930, %swap3A_931] {strides = array<i32>} : memref<80x128xf32, #tpu.memory_space<vmem>>, vector<1x16xf32>,
        %swap3A_933 = vector.shape_cast %swap3A_932 : vector<1x16xf32> to vector<16xf32>
        %swap3A_934 = vector.shape_cast %mul3A_929 : vector<16xf32> to vector<1x16xf32>
        tpu.vector_store %arg11[%swap3A_930, %swap3A_931], %swap3A_934 {strides = array<i32>} : memref<80x128xf32, #tpu.memory_space<vmem>>, vector<1x16xf32>,
        %get3A_935 = arith.index_cast %add3A_856 : i32 to index
        %get3A_936 = arith.constant 96 : index
        %get3A_937 = tpu.vector_load %arg11[%get3A_935, %get3A_936] {strides = array<i32>} : memref<80x128xf32, #tpu.memory_space<vmem>>, vector<1x16xf32>,
        %get3A_938 = vector.shape_cast %get3A_937 : vector<1x16xf32> to vector<16xf32>
        %max3A_939 = arith.constant 0.000000e+00 : f32
        %max3A_940 = vector.broadcast %max3A_939 : f32 to vector<16xf32>
        %max3A_941 = arith.maximumf %get3A_938, %max3A_940 : vector<16xf32>
        %mul3A_942 = arith.mulf %max3A_941, %gather3A_852 : vector<16xf32>
        %swap3A_943 = arith.index_cast %add3A_856 : i32 to index
        %swap3A_944 = arith.constant 96 : index
        %swap3A_945 = tpu.vector_load %arg11[%swap3A_943, %swap3A_944] {strides = array<i32>} : memref<80x128xf32, #tpu.memory_space<vmem>>, vector<1x16xf32>,
        %swap3A_946 = vector.shape_cast %swap3A_945 : vector<1x16xf32> to vector<16xf32>
        %swap3A_947 = vector.shape_cast %mul3A_942 : vector<16xf32> to vector<1x16xf32>
        tpu.vector_store %arg11[%swap3A_943, %swap3A_944], %swap3A_947 {strides = array<i32>} : memref<80x128xf32, #tpu.memory_space<vmem>>, vector<1x16xf32>,
        %get3A_948 = arith.index_cast %add3A_856 : i32 to index
        %get3A_949 = arith.constant 112 : index
        %get3A_950 = tpu.vector_load %arg11[%get3A_948, %get3A_949] {strides = array<i32>} : memref<80x128xf32, #tpu.memory_space<vmem>>, vector<1x16xf32>,
        %get3A_951 = vector.shape_cast %get3A_950 : vector<1x16xf32> to vector<16xf32>
        %max3A_952 = arith.constant 0.000000e+00 : f32
        %max3A_953 = vector.broadcast %max3A_952 : f32 to vector<16xf32>
        %max3A_954 = arith.maximumf %get3A_951, %max3A_953 : vector<16xf32>
        %mul3A_955 = arith.mulf %max3A_954, %gather3A_852 : vector<16xf32>
        %swap3A_956 = arith.index_cast %add3A_856 : i32 to index
        %swap3A_957 = arith.constant 112 : index
        %swap3A_958 = tpu.vector_load %arg11[%swap3A_956, %swap3A_957] {strides = array<i32>} : memref<80x128xf32, #tpu.memory_space<vmem>>, vector<1x16xf32>,
        %swap3A_959 = vector.shape_cast %swap3A_958 : vector<1x16xf32> to vector<16xf32>
        %swap3A_960 = vector.shape_cast %mul3A_955 : vector<16xf32> to vector<1x16xf32>
        tpu.vector_store %arg11[%swap3A_956, %swap3A_957], %swap3A_960 {strides = array<i32>} : memref<80x128xf32, #tpu.memory_space<vmem>>, vector<1x16xf32>,
        %broadcast_in_dim3A_961 = arith.constant 8 : i32
        %broadcast_in_dim3A_962 = vector.broadcast %broadcast_in_dim3A_961 : i32 to vector<16x1xi32>
        %gather3A_963 = vector.shape_cast %broadcast_in_dim3A_962 : vector<16x1xi32> to vector<16xi32>
        %gather3A_964 = tpu.dynamic_gather %get3A_67[%gather3A_963] in [0] : vector<16xf32>, vector<16xi32> -> vector<16xf32>
        %mul3A_965 = arith.constant 16 : i32
        %mul3A_966 = arith.muli %scan3A_62, %mul3A_965 : i32
        %add3A_967 = arith.constant 8 : i32
        %add3A_968 = arith.addi %mul3A_966, %add3A_967 : i32
        %get3A_969 = arith.index_cast %add3A_968 : i32 to index
        %get3A_970 = arith.constant 0 : index
        %get3A_971 = tpu.vector_load %arg11[%get3A_969, %get3A_970] {strides = array<i32>} : memref<80x128xf32, #tpu.memory_space<vmem>>, vector<1x16xf32>,
        %get3A_972 = vector.shape_cast %get3A_971 : vector<1x16xf32> to vector<16xf32>
        %max3A_973 = arith.constant 0.000000e+00 : f32
        %max3A_974 = vector.broadcast %max3A_973 : f32 to vector<16xf32>
        %max3A_975 = arith.maximumf %get3A_972, %max3A_974 : vector<16xf32>
        %mul3A_976 = arith.mulf %max3A_975, %gather3A_964 : vector<16xf32>
        %swap3A_977 = arith.index_cast %add3A_968 : i32 to index
        %swap3A_978 = arith.constant 0 : index
        %swap3A_979 = tpu.vector_load %arg11[%swap3A_977, %swap3A_978] {strides = array<i32>} : memref<80x128xf32, #tpu.memory_space<vmem>>, vector<1x16xf32>,
        %swap3A_980 = vector.shape_cast %swap3A_979 : vector<1x16xf32> to vector<16xf32>
        %swap3A_981 = vector.shape_cast %mul3A_976 : vector<16xf32> to vector<1x16xf32>
        tpu.vector_store %arg11[%swap3A_977, %swap3A_978], %swap3A_981 {strides = array<i32>} : memref<80x128xf32, #tpu.memory_space<vmem>>, vector<1x16xf32>,
        %get3A_982 = arith.index_cast %add3A_968 : i32 to index
        %get3A_983 = arith.constant 16 : index
        %get3A_984 = tpu.vector_load %arg11[%get3A_982, %get3A_983] {strides = array<i32>} : memref<80x128xf32, #tpu.memory_space<vmem>>, vector<1x16xf32>,
        %get3A_985 = vector.shape_cast %get3A_984 : vector<1x16xf32> to vector<16xf32>
        %max3A_986 = arith.constant 0.000000e+00 : f32
        %max3A_987 = vector.broadcast %max3A_986 : f32 to vector<16xf32>
        %max3A_988 = arith.maximumf %get3A_985, %max3A_987 : vector<16xf32>
        %mul3A_989 = arith.mulf %max3A_988, %gather3A_964 : vector<16xf32>
        %swap3A_990 = arith.index_cast %add3A_968 : i32 to index
        %swap3A_991 = arith.constant 16 : index
        %swap3A_992 = tpu.vector_load %arg11[%swap3A_990, %swap3A_991] {strides = array<i32>} : memref<80x128xf32, #tpu.memory_space<vmem>>, vector<1x16xf32>,
        %swap3A_993 = vector.shape_cast %swap3A_992 : vector<1x16xf32> to vector<16xf32>
        %swap3A_994 = vector.shape_cast %mul3A_989 : vector<16xf32> to vector<1x16xf32>
        tpu.vector_store %arg11[%swap3A_990, %swap3A_991], %swap3A_994 {strides = array<i32>} : memref<80x128xf32, #tpu.memory_space<vmem>>, vector<1x16xf32>,
        %get3A_995 = arith.index_cast %add3A_968 : i32 to index
        %get3A_996 = arith.constant 32 : index
        %get3A_997 = tpu.vector_load %arg11[%get3A_995, %get3A_996] {strides = array<i32>} : memref<80x128xf32, #tpu.memory_space<vmem>>, vector<1x16xf32>,
        %get3A_998 = vector.shape_cast %get3A_997 : vector<1x16xf32> to vector<16xf32>
        %max3A_999 = arith.constant 0.000000e+00 : f32
        %max3A_1000 = vector.broadcast %max3A_999 : f32 to vector<16xf32>
        %max3A_1001 = arith.maximumf %get3A_998, %max3A_1000 : vector<16xf32>
        %mul3A_1002 = arith.mulf %max3A_1001, %gather3A_964 : vector<16xf32>
        %swap3A_1003 = arith.index_cast %add3A_968 : i32 to index
        %swap3A_1004 = arith.constant 32 : index
        %swap3A_1005 = tpu.vector_load %arg11[%swap3A_1003, %swap3A_1004] {strides = array<i32>} : memref<80x128xf32, #tpu.memory_space<vmem>>, vector<1x16xf32>,
        %swap3A_1006 = vector.shape_cast %swap3A_1005 : vector<1x16xf32> to vector<16xf32>
        %swap3A_1007 = vector.shape_cast %mul3A_1002 : vector<16xf32> to vector<1x16xf32>
        tpu.vector_store %arg11[%swap3A_1003, %swap3A_1004], %swap3A_1007 {strides = array<i32>} : memref<80x128xf32, #tpu.memory_space<vmem>>, vector<1x16xf32>,
        %get3A_1008 = arith.index_cast %add3A_968 : i32 to index
        %get3A_1009 = arith.constant 48 : index
        %get3A_1010 = tpu.vector_load %arg11[%get3A_1008, %get3A_1009] {strides = array<i32>} : memref<80x128xf32, #tpu.memory_space<vmem>>, vector<1x16xf32>,
        %get3A_1011 = vector.shape_cast %get3A_1010 : vector<1x16xf32> to vector<16xf32>
        %max3A_1012 = arith.constant 0.000000e+00 : f32
        %max3A_1013 = vector.broadcast %max3A_1012 : f32 to vector<16xf32>
        %max3A_1014 = arith.maximumf %get3A_1011, %max3A_1013 : vector<16xf32>
        %mul3A_1015 = arith.mulf %max3A_1014, %gather3A_964 : vector<16xf32>
        %swap3A_1016 = arith.index_cast %add3A_968 : i32 to index
        %swap3A_1017 = arith.constant 48 : index
        %swap3A_1018 = tpu.vector_load %arg11[%swap3A_1016, %swap3A_1017] {strides = array<i32>} : memref<80x128xf32, #tpu.memory_space<vmem>>, vector<1x16xf32>,
        %swap3A_1019 = vector.shape_cast %swap3A_1018 : vector<1x16xf32> to vector<16xf32>
        %swap3A_1020 = vector.shape_cast %mul3A_1015 : vector<16xf32> to vector<1x16xf32>
        tpu.vector_store %arg11[%swap3A_1016, %swap3A_1017], %swap3A_1020 {strides = array<i32>} : memref<80x128xf32, #tpu.memory_space<vmem>>, vector<1x16xf32>,
        %get3A_1021 = arith.index_cast %add3A_968 : i32 to index
        %get3A_1022 = arith.constant 64 : index
        %get3A_1023 = tpu.vector_load %arg11[%get3A_1021, %get3A_1022] {strides = array<i32>} : memref<80x128xf32, #tpu.memory_space<vmem>>, vector<1x16xf32>,
        %get3A_1024 = vector.shape_cast %get3A_1023 : vector<1x16xf32> to vector<16xf32>
        %max3A_1025 = arith.constant 0.000000e+00 : f32
        %max3A_1026 = vector.broadcast %max3A_1025 : f32 to vector<16xf32>
        %max3A_1027 = arith.maximumf %get3A_1024, %max3A_1026 : vector<16xf32>
        %mul3A_1028 = arith.mulf %max3A_1027, %gather3A_964 : vector<16xf32>
        %swap3A_1029 = arith.index_cast %add3A_968 : i32 to index
        %swap3A_1030 = arith.constant 64 : index
        %swap3A_1031 = tpu.vector_load %arg11[%swap3A_1029, %swap3A_1030] {strides = array<i32>} : memref<80x128xf32, #tpu.memory_space<vmem>>, vector<1x16xf32>,
        %swap3A_1032 = vector.shape_cast %swap3A_1031 : vector<1x16xf32> to vector<16xf32>
        %swap3A_1033 = vector.shape_cast %mul3A_1028 : vector<16xf32> to vector<1x16xf32>
        tpu.vector_store %arg11[%swap3A_1029, %swap3A_1030], %swap3A_1033 {strides = array<i32>} : memref<80x128xf32, #tpu.memory_space<vmem>>, vector<1x16xf32>,
        %get3A_1034 = arith.index_cast %add3A_968 : i32 to index
        %get3A_1035 = arith.constant 80 : index
        %get3A_1036 = tpu.vector_load %arg11[%get3A_1034, %get3A_1035] {strides = array<i32>} : memref<80x128xf32, #tpu.memory_space<vmem>>, vector<1x16xf32>,
        %get3A_1037 = vector.shape_cast %get3A_1036 : vector<1x16xf32> to vector<16xf32>
        %max3A_1038 = arith.constant 0.000000e+00 : f32
        %max3A_1039 = vector.broadcast %max3A_1038 : f32 to vector<16xf32>
        %max3A_1040 = arith.maximumf %get3A_1037, %max3A_1039 : vector<16xf32>
        %mul3A_1041 = arith.mulf %max3A_1040, %gather3A_964 : vector<16xf32>
        %swap3A_1042 = arith.index_cast %add3A_968 : i32 to index
        %swap3A_1043 = arith.constant 80 : index
        %swap3A_1044 = tpu.vector_load %arg11[%swap3A_1042, %swap3A_1043] {strides = array<i32>} : memref<80x128xf32, #tpu.memory_space<vmem>>, vector<1x16xf32>,
        %swap3A_1045 = vector.shape_cast %swap3A_1044 : vector<1x16xf32> to vector<16xf32>
        %swap3A_1046 = vector.shape_cast %mul3A_1041 : vector<16xf32> to vector<1x16xf32>
        tpu.vector_store %arg11[%swap3A_1042, %swap3A_1043], %swap3A_1046 {strides = array<i32>} : memref<80x128xf32, #tpu.memory_space<vmem>>, vector<1x16xf32>,
        %get3A_1047 = arith.index_cast %add3A_968 : i32 to index
        %get3A_1048 = arith.constant 96 : index
        %get3A_1049 = tpu.vector_load %arg11[%get3A_1047, %get3A_1048] {strides = array<i32>} : memref<80x128xf32, #tpu.memory_space<vmem>>, vector<1x16xf32>,
        %get3A_1050 = vector.shape_cast %get3A_1049 : vector<1x16xf32> to vector<16xf32>
        %max3A_1051 = arith.constant 0.000000e+00 : f32
        %max3A_1052 = vector.broadcast %max3A_1051 : f32 to vector<16xf32>
        %max3A_1053 = arith.maximumf %get3A_1050, %max3A_1052 : vector<16xf32>
        %mul3A_1054 = arith.mulf %max3A_1053, %gather3A_964 : vector<16xf32>
        %swap3A_1055 = arith.index_cast %add3A_968 : i32 to index
        %swap3A_1056 = arith.constant 96 : index
        %swap3A_1057 = tpu.vector_load %arg11[%swap3A_1055, %swap3A_1056] {strides = array<i32>} : memref<80x128xf32, #tpu.memory_space<vmem>>, vector<1x16xf32>,
        %swap3A_1058 = vector.shape_cast %swap3A_1057 : vector<1x16xf32> to vector<16xf32>
        %swap3A_1059 = vector.shape_cast %mul3A_1054 : vector<16xf32> to vector<1x16xf32>
        tpu.vector_store %arg11[%swap3A_1055, %swap3A_1056], %swap3A_1059 {strides = array<i32>} : memref<80x128xf32, #tpu.memory_space<vmem>>, vector<1x16xf32>,
        %get3A_1060 = arith.index_cast %add3A_968 : i32 to index
        %get3A_1061 = arith.constant 112 : index
        %get3A_1062 = tpu.vector_load %arg11[%get3A_1060, %get3A_1061] {strides = array<i32>} : memref<80x128xf32, #tpu.memory_space<vmem>>, vector<1x16xf32>,
        %get3A_1063 = vector.shape_cast %get3A_1062 : vector<1x16xf32> to vector<16xf32>
        %max3A_1064 = arith.constant 0.000000e+00 : f32
        %max3A_1065 = vector.broadcast %max3A_1064 : f32 to vector<16xf32>
        %max3A_1066 = arith.maximumf %get3A_1063, %max3A_1065 : vector<16xf32>
        %mul3A_1067 = arith.mulf %max3A_1066, %gather3A_964 : vector<16xf32>
        %swap3A_1068 = arith.index_cast %add3A_968 : i32 to index
        %swap3A_1069 = arith.constant 112 : index
        %swap3A_1070 = tpu.vector_load %arg11[%swap3A_1068, %swap3A_1069] {strides = array<i32>} : memref<80x128xf32, #tpu.memory_space<vmem>>, vector<1x16xf32>,
        %swap3A_1071 = vector.shape_cast %swap3A_1070 : vector<1x16xf32> to vector<16xf32>
        %swap3A_1072 = vector.shape_cast %mul3A_1067 : vector<16xf32> to vector<1x16xf32>
        tpu.vector_store %arg11[%swap3A_1068, %swap3A_1069], %swap3A_1072 {strides = array<i32>} : memref<80x128xf32, #tpu.memory_space<vmem>>, vector<1x16xf32>,
        %broadcast_in_dim3A_1073 = arith.constant 9 : i32
        %broadcast_in_dim3A_1074 = vector.broadcast %broadcast_in_dim3A_1073 : i32 to vector<16x1xi32>
        %gather3A_1075 = vector.shape_cast %broadcast_in_dim3A_1074 : vector<16x1xi32> to vector<16xi32>
        %gather3A_1076 = tpu.dynamic_gather %get3A_67[%gather3A_1075] in [0] : vector<16xf32>, vector<16xi32> -> vector<16xf32>
        %mul3A_1077 = arith.constant 16 : i32
        %mul3A_1078 = arith.muli %scan3A_62, %mul3A_1077 : i32
        %add3A_1079 = arith.constant 9 : i32
        %add3A_1080 = arith.addi %mul3A_1078, %add3A_1079 : i32
        %get3A_1081 = arith.index_cast %add3A_1080 : i32 to index
        %get3A_1082 = arith.constant 0 : index
        %get3A_1083 = tpu.vector_load %arg11[%get3A_1081, %get3A_1082] {strides = array<i32>} : memref<80x128xf32, #tpu.memory_space<vmem>>, vector<1x16xf32>,
        %get3A_1084 = vector.shape_cast %get3A_1083 : vector<1x16xf32> to vector<16xf32>
        %max3A_1085 = arith.constant 0.000000e+00 : f32
        %max3A_1086 = vector.broadcast %max3A_1085 : f32 to vector<16xf32>
        %max3A_1087 = arith.maximumf %get3A_1084, %max3A_1086 : vector<16xf32>
        %mul3A_1088 = arith.mulf %max3A_1087, %gather3A_1076 : vector<16xf32>
        %swap3A_1089 = arith.index_cast %add3A_1080 : i32 to index
        %swap3A_1090 = arith.constant 0 : index
        %swap3A_1091 = tpu.vector_load %arg11[%swap3A_1089, %swap3A_1090] {strides = array<i32>} : memref<80x128xf32, #tpu.memory_space<vmem>>, vector<1x16xf32>,
        %swap3A_1092 = vector.shape_cast %swap3A_1091 : vector<1x16xf32> to vector<16xf32>
        %swap3A_1093 = vector.shape_cast %mul3A_1088 : vector<16xf32> to vector<1x16xf32>
        tpu.vector_store %arg11[%swap3A_1089, %swap3A_1090], %swap3A_1093 {strides = array<i32>} : memref<80x128xf32, #tpu.memory_space<vmem>>, vector<1x16xf32>,
        %get3A_1094 = arith.index_cast %add3A_1080 : i32 to index
        %get3A_1095 = arith.constant 16 : index
        %get3A_1096 = tpu.vector_load %arg11[%get3A_1094, %get3A_1095] {strides = array<i32>} : memref<80x128xf32, #tpu.memory_space<vmem>>, vector<1x16xf32>,
        %get3A_1097 = vector.shape_cast %get3A_1096 : vector<1x16xf32> to vector<16xf32>
        %max3A_1098 = arith.constant 0.000000e+00 : f32
        %max3A_1099 = vector.broadcast %max3A_1098 : f32 to vector<16xf32>
        %max3A_1100 = arith.maximumf %get3A_1097, %max3A_1099 : vector<16xf32>
        %mul3A_1101 = arith.mulf %max3A_1100, %gather3A_1076 : vector<16xf32>
        %swap3A_1102 = arith.index_cast %add3A_1080 : i32 to index
        %swap3A_1103 = arith.constant 16 : index
        %swap3A_1104 = tpu.vector_load %arg11[%swap3A_1102, %swap3A_1103] {strides = array<i32>} : memref<80x128xf32, #tpu.memory_space<vmem>>, vector<1x16xf32>,
        %swap3A_1105 = vector.shape_cast %swap3A_1104 : vector<1x16xf32> to vector<16xf32>
        %swap3A_1106 = vector.shape_cast %mul3A_1101 : vector<16xf32> to vector<1x16xf32>
        tpu.vector_store %arg11[%swap3A_1102, %swap3A_1103], %swap3A_1106 {strides = array<i32>} : memref<80x128xf32, #tpu.memory_space<vmem>>, vector<1x16xf32>,
        %get3A_1107 = arith.index_cast %add3A_1080 : i32 to index
        %get3A_1108 = arith.constant 32 : index
        %get3A_1109 = tpu.vector_load %arg11[%get3A_1107, %get3A_1108] {strides = array<i32>} : memref<80x128xf32, #tpu.memory_space<vmem>>, vector<1x16xf32>,
        %get3A_1110 = vector.shape_cast %get3A_1109 : vector<1x16xf32> to vector<16xf32>
        %max3A_1111 = arith.constant 0.000000e+00 : f32
        %max3A_1112 = vector.broadcast %max3A_1111 : f32 to vector<16xf32>
        %max3A_1113 = arith.maximumf %get3A_1110, %max3A_1112 : vector<16xf32>
        %mul3A_1114 = arith.mulf %max3A_1113, %gather3A_1076 : vector<16xf32>
        %swap3A_1115 = arith.index_cast %add3A_1080 : i32 to index
        %swap3A_1116 = arith.constant 32 : index
        %swap3A_1117 = tpu.vector_load %arg11[%swap3A_1115, %swap3A_1116] {strides = array<i32>} : memref<80x128xf32, #tpu.memory_space<vmem>>, vector<1x16xf32>,
        %swap3A_1118 = vector.shape_cast %swap3A_1117 : vector<1x16xf32> to vector<16xf32>
        %swap3A_1119 = vector.shape_cast %mul3A_1114 : vector<16xf32> to vector<1x16xf32>
        tpu.vector_store %arg11[%swap3A_1115, %swap3A_1116], %swap3A_1119 {strides = array<i32>} : memref<80x128xf32, #tpu.memory_space<vmem>>, vector<1x16xf32>,
        %get3A_1120 = arith.index_cast %add3A_1080 : i32 to index
        %get3A_1121 = arith.constant 48 : index
        %get3A_1122 = tpu.vector_load %arg11[%get3A_1120, %get3A_1121] {strides = array<i32>} : memref<80x128xf32, #tpu.memory_space<vmem>>, vector<1x16xf32>,
        %get3A_1123 = vector.shape_cast %get3A_1122 : vector<1x16xf32> to vector<16xf32>
        %max3A_1124 = arith.constant 0.000000e+00 : f32
        %max3A_1125 = vector.broadcast %max3A_1124 : f32 to vector<16xf32>
        %max3A_1126 = arith.maximumf %get3A_1123, %max3A_1125 : vector<16xf32>
        %mul3A_1127 = arith.mulf %max3A_1126, %gather3A_1076 : vector<16xf32>
        %swap3A_1128 = arith.index_cast %add3A_1080 : i32 to index
        %swap3A_1129 = arith.constant 48 : index
        %swap3A_1130 = tpu.vector_load %arg11[%swap3A_1128, %swap3A_1129] {strides = array<i32>} : memref<80x128xf32, #tpu.memory_space<vmem>>, vector<1x16xf32>,
        %swap3A_1131 = vector.shape_cast %swap3A_1130 : vector<1x16xf32> to vector<16xf32>
        %swap3A_1132 = vector.shape_cast %mul3A_1127 : vector<16xf32> to vector<1x16xf32>
        tpu.vector_store %arg11[%swap3A_1128, %swap3A_1129], %swap3A_1132 {strides = array<i32>} : memref<80x128xf32, #tpu.memory_space<vmem>>, vector<1x16xf32>,
        %get3A_1133 = arith.index_cast %add3A_1080 : i32 to index
        %get3A_1134 = arith.constant 64 : index
        %get3A_1135 = tpu.vector_load %arg11[%get3A_1133, %get3A_1134] {strides = array<i32>} : memref<80x128xf32, #tpu.memory_space<vmem>>, vector<1x16xf32>,
        %get3A_1136 = vector.shape_cast %get3A_1135 : vector<1x16xf32> to vector<16xf32>
        %max3A_1137 = arith.constant 0.000000e+00 : f32
        %max3A_1138 = vector.broadcast %max3A_1137 : f32 to vector<16xf32>
        %max3A_1139 = arith.maximumf %get3A_1136, %max3A_1138 : vector<16xf32>
        %mul3A_1140 = arith.mulf %max3A_1139, %gather3A_1076 : vector<16xf32>
        %swap3A_1141 = arith.index_cast %add3A_1080 : i32 to index
        %swap3A_1142 = arith.constant 64 : index
        %swap3A_1143 = tpu.vector_load %arg11[%swap3A_1141, %swap3A_1142] {strides = array<i32>} : memref<80x128xf32, #tpu.memory_space<vmem>>, vector<1x16xf32>,
        %swap3A_1144 = vector.shape_cast %swap3A_1143 : vector<1x16xf32> to vector<16xf32>
        %swap3A_1145 = vector.shape_cast %mul3A_1140 : vector<16xf32> to vector<1x16xf32>
        tpu.vector_store %arg11[%swap3A_1141, %swap3A_1142], %swap3A_1145 {strides = array<i32>} : memref<80x128xf32, #tpu.memory_space<vmem>>, vector<1x16xf32>,
        %get3A_1146 = arith.index_cast %add3A_1080 : i32 to index
        %get3A_1147 = arith.constant 80 : index
        %get3A_1148 = tpu.vector_load %arg11[%get3A_1146, %get3A_1147] {strides = array<i32>} : memref<80x128xf32, #tpu.memory_space<vmem>>, vector<1x16xf32>,
        %get3A_1149 = vector.shape_cast %get3A_1148 : vector<1x16xf32> to vector<16xf32>
        %max3A_1150 = arith.constant 0.000000e+00 : f32
        %max3A_1151 = vector.broadcast %max3A_1150 : f32 to vector<16xf32>
        %max3A_1152 = arith.maximumf %get3A_1149, %max3A_1151 : vector<16xf32>
        %mul3A_1153 = arith.mulf %max3A_1152, %gather3A_1076 : vector<16xf32>
        %swap3A_1154 = arith.index_cast %add3A_1080 : i32 to index
        %swap3A_1155 = arith.constant 80 : index
        %swap3A_1156 = tpu.vector_load %arg11[%swap3A_1154, %swap3A_1155] {strides = array<i32>} : memref<80x128xf32, #tpu.memory_space<vmem>>, vector<1x16xf32>,
        %swap3A_1157 = vector.shape_cast %swap3A_1156 : vector<1x16xf32> to vector<16xf32>
        %swap3A_1158 = vector.shape_cast %mul3A_1153 : vector<16xf32> to vector<1x16xf32>
        tpu.vector_store %arg11[%swap3A_1154, %swap3A_1155], %swap3A_1158 {strides = array<i32>} : memref<80x128xf32, #tpu.memory_space<vmem>>, vector<1x16xf32>,
        %get3A_1159 = arith.index_cast %add3A_1080 : i32 to index
        %get3A_1160 = arith.constant 96 : index
        %get3A_1161 = tpu.vector_load %arg11[%get3A_1159, %get3A_1160] {strides = array<i32>} : memref<80x128xf32, #tpu.memory_space<vmem>>, vector<1x16xf32>,
        %get3A_1162 = vector.shape_cast %get3A_1161 : vector<1x16xf32> to vector<16xf32>
        %max3A_1163 = arith.constant 0.000000e+00 : f32
        %max3A_1164 = vector.broadcast %max3A_1163 : f32 to vector<16xf32>
        %max3A_1165 = arith.maximumf %get3A_1162, %max3A_1164 : vector<16xf32>
        %mul3A_1166 = arith.mulf %max3A_1165, %gather3A_1076 : vector<16xf32>
        %swap3A_1167 = arith.index_cast %add3A_1080 : i32 to index
        %swap3A_1168 = arith.constant 96 : index
        %swap3A_1169 = tpu.vector_load %arg11[%swap3A_1167, %swap3A_1168] {strides = array<i32>} : memref<80x128xf32, #tpu.memory_space<vmem>>, vector<1x16xf32>,
        %swap3A_1170 = vector.shape_cast %swap3A_1169 : vector<1x16xf32> to vector<16xf32>
        %swap3A_1171 = vector.shape_cast %mul3A_1166 : vector<16xf32> to vector<1x16xf32>
        tpu.vector_store %arg11[%swap3A_1167, %swap3A_1168], %swap3A_1171 {strides = array<i32>} : memref<80x128xf32, #tpu.memory_space<vmem>>, vector<1x16xf32>,
        %get3A_1172 = arith.index_cast %add3A_1080 : i32 to index
        %get3A_1173 = arith.constant 112 : index
        %get3A_1174 = tpu.vector_load %arg11[%get3A_1172, %get3A_1173] {strides = array<i32>} : memref<80x128xf32, #tpu.memory_space<vmem>>, vector<1x16xf32>,
        %get3A_1175 = vector.shape_cast %get3A_1174 : vector<1x16xf32> to vector<16xf32>
        %max3A_1176 = arith.constant 0.000000e+00 : f32
        %max3A_1177 = vector.broadcast %max3A_1176 : f32 to vector<16xf32>
        %max3A_1178 = arith.maximumf %get3A_1175, %max3A_1177 : vector<16xf32>
        %mul3A_1179 = arith.mulf %max3A_1178, %gather3A_1076 : vector<16xf32>
        %swap3A_1180 = arith.index_cast %add3A_1080 : i32 to index
        %swap3A_1181 = arith.constant 112 : index
        %swap3A_1182 = tpu.vector_load %arg11[%swap3A_1180, %swap3A_1181] {strides = array<i32>} : memref<80x128xf32, #tpu.memory_space<vmem>>, vector<1x16xf32>,
        %swap3A_1183 = vector.shape_cast %swap3A_1182 : vector<1x16xf32> to vector<16xf32>
        %swap3A_1184 = vector.shape_cast %mul3A_1179 : vector<16xf32> to vector<1x16xf32>
        tpu.vector_store %arg11[%swap3A_1180, %swap3A_1181], %swap3A_1184 {strides = array<i32>} : memref<80x128xf32, #tpu.memory_space<vmem>>, vector<1x16xf32>,
        %broadcast_in_dim3A_1185 = arith.constant 10 : i32
        %broadcast_in_dim3A_1186 = vector.broadcast %broadcast_in_dim3A_1185 : i32 to vector<16x1xi32>
        %gather3A_1187 = vector.shape_cast %broadcast_in_dim3A_1186 : vector<16x1xi32> to vector<16xi32>
        %gather3A_1188 = tpu.dynamic_gather %get3A_67[%gather3A_1187] in [0] : vector<16xf32>, vector<16xi32> -> vector<16xf32>
        %mul3A_1189 = arith.constant 16 : i32
        %mul3A_1190 = arith.muli %scan3A_62, %mul3A_1189 : i32
        %add3A_1191 = arith.constant 10 : i32
        %add3A_1192 = arith.addi %mul3A_1190, %add3A_1191 : i32
        %get3A_1193 = arith.index_cast %add3A_1192 : i32 to index
        %get3A_1194 = arith.constant 0 : index
        %get3A_1195 = tpu.vector_load %arg11[%get3A_1193, %get3A_1194] {strides = array<i32>} : memref<80x128xf32, #tpu.memory_space<vmem>>, vector<1x16xf32>,
        %get3A_1196 = vector.shape_cast %get3A_1195 : vector<1x16xf32> to vector<16xf32>
        %max3A_1197 = arith.constant 0.000000e+00 : f32
        %max3A_1198 = vector.broadcast %max3A_1197 : f32 to vector<16xf32>
        %max3A_1199 = arith.maximumf %get3A_1196, %max3A_1198 : vector<16xf32>
        %mul3A_1200 = arith.mulf %max3A_1199, %gather3A_1188 : vector<16xf32>
        %swap3A_1201 = arith.index_cast %add3A_1192 : i32 to index
        %swap3A_1202 = arith.constant 0 : index
        %swap3A_1203 = tpu.vector_load %arg11[%swap3A_1201, %swap3A_1202] {strides = array<i32>} : memref<80x128xf32, #tpu.memory_space<vmem>>, vector<1x16xf32>,
        %swap3A_1204 = vector.shape_cast %swap3A_1203 : vector<1x16xf32> to vector<16xf32>
        %swap3A_1205 = vector.shape_cast %mul3A_1200 : vector<16xf32> to vector<1x16xf32>
        tpu.vector_store %arg11[%swap3A_1201, %swap3A_1202], %swap3A_1205 {strides = array<i32>} : memref<80x128xf32, #tpu.memory_space<vmem>>, vector<1x16xf32>,
        %get3A_1206 = arith.index_cast %add3A_1192 : i32 to index
        %get3A_1207 = arith.constant 16 : index
        %get3A_1208 = tpu.vector_load %arg11[%get3A_1206, %get3A_1207] {strides = array<i32>} : memref<80x128xf32, #tpu.memory_space<vmem>>, vector<1x16xf32>,
        %get3A_1209 = vector.shape_cast %get3A_1208 : vector<1x16xf32> to vector<16xf32>
        %max3A_1210 = arith.constant 0.000000e+00 : f32
        %max3A_1211 = vector.broadcast %max3A_1210 : f32 to vector<16xf32>
        %max3A_1212 = arith.maximumf %get3A_1209, %max3A_1211 : vector<16xf32>
        %mul3A_1213 = arith.mulf %max3A_1212, %gather3A_1188 : vector<16xf32>
        %swap3A_1214 = arith.index_cast %add3A_1192 : i32 to index
        %swap3A_1215 = arith.constant 16 : index
        %swap3A_1216 = tpu.vector_load %arg11[%swap3A_1214, %swap3A_1215] {strides = array<i32>} : memref<80x128xf32, #tpu.memory_space<vmem>>, vector<1x16xf32>,
        %swap3A_1217 = vector.shape_cast %swap3A_1216 : vector<1x16xf32> to vector<16xf32>
        %swap3A_1218 = vector.shape_cast %mul3A_1213 : vector<16xf32> to vector<1x16xf32>
        tpu.vector_store %arg11[%swap3A_1214, %swap3A_1215], %swap3A_1218 {strides = array<i32>} : memref<80x128xf32, #tpu.memory_space<vmem>>, vector<1x16xf32>,
        %get3A_1219 = arith.index_cast %add3A_1192 : i32 to index
        %get3A_1220 = arith.constant 32 : index
        %get3A_1221 = tpu.vector_load %arg11[%get3A_1219, %get3A_1220] {strides = array<i32>} : memref<80x128xf32, #tpu.memory_space<vmem>>, vector<1x16xf32>,
        %get3A_1222 = vector.shape_cast %get3A_1221 : vector<1x16xf32> to vector<16xf32>
        %max3A_1223 = arith.constant 0.000000e+00 : f32
        %max3A_1224 = vector.broadcast %max3A_1223 : f32 to vector<16xf32>
        %max3A_1225 = arith.maximumf %get3A_1222, %max3A_1224 : vector<16xf32>
        %mul3A_1226 = arith.mulf %max3A_1225, %gather3A_1188 : vector<16xf32>
        %swap3A_1227 = arith.index_cast %add3A_1192 : i32 to index
        %swap3A_1228 = arith.constant 32 : index
        %swap3A_1229 = tpu.vector_load %arg11[%swap3A_1227, %swap3A_1228] {strides = array<i32>} : memref<80x128xf32, #tpu.memory_space<vmem>>, vector<1x16xf32>,
        %swap3A_1230 = vector.shape_cast %swap3A_1229 : vector<1x16xf32> to vector<16xf32>
        %swap3A_1231 = vector.shape_cast %mul3A_1226 : vector<16xf32> to vector<1x16xf32>
        tpu.vector_store %arg11[%swap3A_1227, %swap3A_1228], %swap3A_1231 {strides = array<i32>} : memref<80x128xf32, #tpu.memory_space<vmem>>, vector<1x16xf32>,
        %get3A_1232 = arith.index_cast %add3A_1192 : i32 to index
        %get3A_1233 = arith.constant 48 : index
        %get3A_1234 = tpu.vector_load %arg11[%get3A_1232, %get3A_1233] {strides = array<i32>} : memref<80x128xf32, #tpu.memory_space<vmem>>, vector<1x16xf32>,
        %get3A_1235 = vector.shape_cast %get3A_1234 : vector<1x16xf32> to vector<16xf32>
        %max3A_1236 = arith.constant 0.000000e+00 : f32
        %max3A_1237 = vector.broadcast %max3A_1236 : f32 to vector<16xf32>
        %max3A_1238 = arith.maximumf %get3A_1235, %max3A_1237 : vector<16xf32>
        %mul3A_1239 = arith.mulf %max3A_1238, %gather3A_1188 : vector<16xf32>
        %swap3A_1240 = arith.index_cast %add3A_1192 : i32 to index
        %swap3A_1241 = arith.constant 48 : index
        %swap3A_1242 = tpu.vector_load %arg11[%swap3A_1240, %swap3A_1241] {strides = array<i32>} : memref<80x128xf32, #tpu.memory_space<vmem>>, vector<1x16xf32>,
        %swap3A_1243 = vector.shape_cast %swap3A_1242 : vector<1x16xf32> to vector<16xf32>
        %swap3A_1244 = vector.shape_cast %mul3A_1239 : vector<16xf32> to vector<1x16xf32>
        tpu.vector_store %arg11[%swap3A_1240, %swap3A_1241], %swap3A_1244 {strides = array<i32>} : memref<80x128xf32, #tpu.memory_space<vmem>>, vector<1x16xf32>,
        %get3A_1245 = arith.index_cast %add3A_1192 : i32 to index
        %get3A_1246 = arith.constant 64 : index
        %get3A_1247 = tpu.vector_load %arg11[%get3A_1245, %get3A_1246] {strides = array<i32>} : memref<80x128xf32, #tpu.memory_space<vmem>>, vector<1x16xf32>,
        %get3A_1248 = vector.shape_cast %get3A_1247 : vector<1x16xf32> to vector<16xf32>
        %max3A_1249 = arith.constant 0.000000e+00 : f32
        %max3A_1250 = vector.broadcast %max3A_1249 : f32 to vector<16xf32>
        %max3A_1251 = arith.maximumf %get3A_1248, %max3A_1250 : vector<16xf32>
        %mul3A_1252 = arith.mulf %max3A_1251, %gather3A_1188 : vector<16xf32>
        %swap3A_1253 = arith.index_cast %add3A_1192 : i32 to index
        %swap3A_1254 = arith.constant 64 : index
        %swap3A_1255 = tpu.vector_load %arg11[%swap3A_1253, %swap3A_1254] {strides = array<i32>} : memref<80x128xf32, #tpu.memory_space<vmem>>, vector<1x16xf32>,
        %swap3A_1256 = vector.shape_cast %swap3A_1255 : vector<1x16xf32> to vector<16xf32>
        %swap3A_1257 = vector.shape_cast %mul3A_1252 : vector<16xf32> to vector<1x16xf32>
        tpu.vector_store %arg11[%swap3A_1253, %swap3A_1254], %swap3A_1257 {strides = array<i32>} : memref<80x128xf32, #tpu.memory_space<vmem>>, vector<1x16xf32>,
        %get3A_1258 = arith.index_cast %add3A_1192 : i32 to index
        %get3A_1259 = arith.constant 80 : index
        %get3A_1260 = tpu.vector_load %arg11[%get3A_1258, %get3A_1259] {strides = array<i32>} : memref<80x128xf32, #tpu.memory_space<vmem>>, vector<1x16xf32>,
        %get3A_1261 = vector.shape_cast %get3A_1260 : vector<1x16xf32> to vector<16xf32>
        %max3A_1262 = arith.constant 0.000000e+00 : f32
        %max3A_1263 = vector.broadcast %max3A_1262 : f32 to vector<16xf32>
        %max3A_1264 = arith.maximumf %get3A_1261, %max3A_1263 : vector<16xf32>
        %mul3A_1265 = arith.mulf %max3A_1264, %gather3A_1188 : vector<16xf32>
        %swap3A_1266 = arith.index_cast %add3A_1192 : i32 to index
        %swap3A_1267 = arith.constant 80 : index
        %swap3A_1268 = tpu.vector_load %arg11[%swap3A_1266, %swap3A_1267] {strides = array<i32>} : memref<80x128xf32, #tpu.memory_space<vmem>>, vector<1x16xf32>,
        %swap3A_1269 = vector.shape_cast %swap3A_1268 : vector<1x16xf32> to vector<16xf32>
        %swap3A_1270 = vector.shape_cast %mul3A_1265 : vector<16xf32> to vector<1x16xf32>
        tpu.vector_store %arg11[%swap3A_1266, %swap3A_1267], %swap3A_1270 {strides = array<i32>} : memref<80x128xf32, #tpu.memory_space<vmem>>, vector<1x16xf32>,
        %get3A_1271 = arith.index_cast %add3A_1192 : i32 to index
        %get3A_1272 = arith.constant 96 : index
        %get3A_1273 = tpu.vector_load %arg11[%get3A_1271, %get3A_1272] {strides = array<i32>} : memref<80x128xf32, #tpu.memory_space<vmem>>, vector<1x16xf32>,
        %get3A_1274 = vector.shape_cast %get3A_1273 : vector<1x16xf32> to vector<16xf32>
        %max3A_1275 = arith.constant 0.000000e+00 : f32
        %max3A_1276 = vector.broadcast %max3A_1275 : f32 to vector<16xf32>
        %max3A_1277 = arith.maximumf %get3A_1274, %max3A_1276 : vector<16xf32>
        %mul3A_1278 = arith.mulf %max3A_1277, %gather3A_1188 : vector<16xf32>
        %swap3A_1279 = arith.index_cast %add3A_1192 : i32 to index
        %swap3A_1280 = arith.constant 96 : index
        %swap3A_1281 = tpu.vector_load %arg11[%swap3A_1279, %swap3A_1280] {strides = array<i32>} : memref<80x128xf32, #tpu.memory_space<vmem>>, vector<1x16xf32>,
        %swap3A_1282 = vector.shape_cast %swap3A_1281 : vector<1x16xf32> to vector<16xf32>
        %swap3A_1283 = vector.shape_cast %mul3A_1278 : vector<16xf32> to vector<1x16xf32>
        tpu.vector_store %arg11[%swap3A_1279, %swap3A_1280], %swap3A_1283 {strides = array<i32>} : memref<80x128xf32, #tpu.memory_space<vmem>>, vector<1x16xf32>,
        %get3A_1284 = arith.index_cast %add3A_1192 : i32 to index
        %get3A_1285 = arith.constant 112 : index
        %get3A_1286 = tpu.vector_load %arg11[%get3A_1284, %get3A_1285] {strides = array<i32>} : memref<80x128xf32, #tpu.memory_space<vmem>>, vector<1x16xf32>,
        %get3A_1287 = vector.shape_cast %get3A_1286 : vector<1x16xf32> to vector<16xf32>
        %max3A_1288 = arith.constant 0.000000e+00 : f32
        %max3A_1289 = vector.broadcast %max3A_1288 : f32 to vector<16xf32>
        %max3A_1290 = arith.maximumf %get3A_1287, %max3A_1289 : vector<16xf32>
        %mul3A_1291 = arith.mulf %max3A_1290, %gather3A_1188 : vector<16xf32>
        %swap3A_1292 = arith.index_cast %add3A_1192 : i32 to index
        %swap3A_1293 = arith.constant 112 : index
        %swap3A_1294 = tpu.vector_load %arg11[%swap3A_1292, %swap3A_1293] {strides = array<i32>} : memref<80x128xf32, #tpu.memory_space<vmem>>, vector<1x16xf32>,
        %swap3A_1295 = vector.shape_cast %swap3A_1294 : vector<1x16xf32> to vector<16xf32>
        %swap3A_1296 = vector.shape_cast %mul3A_1291 : vector<16xf32> to vector<1x16xf32>
        tpu.vector_store %arg11[%swap3A_1292, %swap3A_1293], %swap3A_1296 {strides = array<i32>} : memref<80x128xf32, #tpu.memory_space<vmem>>, vector<1x16xf32>,
        %broadcast_in_dim3A_1297 = arith.constant 11 : i32
        %broadcast_in_dim3A_1298 = vector.broadcast %broadcast_in_dim3A_1297 : i32 to vector<16x1xi32>
        %gather3A_1299 = vector.shape_cast %broadcast_in_dim3A_1298 : vector<16x1xi32> to vector<16xi32>
        %gather3A_1300 = tpu.dynamic_gather %get3A_67[%gather3A_1299] in [0] : vector<16xf32>, vector<16xi32> -> vector<16xf32>
        %mul3A_1301 = arith.constant 16 : i32
        %mul3A_1302 = arith.muli %scan3A_62, %mul3A_1301 : i32
        %add3A_1303 = arith.constant 11 : i32
        %add3A_1304 = arith.addi %mul3A_1302, %add3A_1303 : i32
        %get3A_1305 = arith.index_cast %add3A_1304 : i32 to index
        %get3A_1306 = arith.constant 0 : index
        %get3A_1307 = tpu.vector_load %arg11[%get3A_1305, %get3A_1306] {strides = array<i32>} : memref<80x128xf32, #tpu.memory_space<vmem>>, vector<1x16xf32>,
        %get3A_1308 = vector.shape_cast %get3A_1307 : vector<1x16xf32> to vector<16xf32>
        %max3A_1309 = arith.constant 0.000000e+00 : f32
        %max3A_1310 = vector.broadcast %max3A_1309 : f32 to vector<16xf32>
        %max3A_1311 = arith.maximumf %get3A_1308, %max3A_1310 : vector<16xf32>
        %mul3A_1312 = arith.mulf %max3A_1311, %gather3A_1300 : vector<16xf32>
        %swap3A_1313 = arith.index_cast %add3A_1304 : i32 to index
        %swap3A_1314 = arith.constant 0 : index
        %swap3A_1315 = tpu.vector_load %arg11[%swap3A_1313, %swap3A_1314] {strides = array<i32>} : memref<80x128xf32, #tpu.memory_space<vmem>>, vector<1x16xf32>,
        %swap3A_1316 = vector.shape_cast %swap3A_1315 : vector<1x16xf32> to vector<16xf32>
        %swap3A_1317 = vector.shape_cast %mul3A_1312 : vector<16xf32> to vector<1x16xf32>
        tpu.vector_store %arg11[%swap3A_1313, %swap3A_1314], %swap3A_1317 {strides = array<i32>} : memref<80x128xf32, #tpu.memory_space<vmem>>, vector<1x16xf32>,
        %get3A_1318 = arith.index_cast %add3A_1304 : i32 to index
        %get3A_1319 = arith.constant 16 : index
        %get3A_1320 = tpu.vector_load %arg11[%get3A_1318, %get3A_1319] {strides = array<i32>} : memref<80x128xf32, #tpu.memory_space<vmem>>, vector<1x16xf32>,
        %get3A_1321 = vector.shape_cast %get3A_1320 : vector<1x16xf32> to vector<16xf32>
        %max3A_1322 = arith.constant 0.000000e+00 : f32
        %max3A_1323 = vector.broadcast %max3A_1322 : f32 to vector<16xf32>
        %max3A_1324 = arith.maximumf %get3A_1321, %max3A_1323 : vector<16xf32>
        %mul3A_1325 = arith.mulf %max3A_1324, %gather3A_1300 : vector<16xf32>
        %swap3A_1326 = arith.index_cast %add3A_1304 : i32 to index
        %swap3A_1327 = arith.constant 16 : index
        %swap3A_1328 = tpu.vector_load %arg11[%swap3A_1326, %swap3A_1327] {strides = array<i32>} : memref<80x128xf32, #tpu.memory_space<vmem>>, vector<1x16xf32>,
        %swap3A_1329 = vector.shape_cast %swap3A_1328 : vector<1x16xf32> to vector<16xf32>
        %swap3A_1330 = vector.shape_cast %mul3A_1325 : vector<16xf32> to vector<1x16xf32>
        tpu.vector_store %arg11[%swap3A_1326, %swap3A_1327], %swap3A_1330 {strides = array<i32>} : memref<80x128xf32, #tpu.memory_space<vmem>>, vector<1x16xf32>,
        %get3A_1331 = arith.index_cast %add3A_1304 : i32 to index
        %get3A_1332 = arith.constant 32 : index
        %get3A_1333 = tpu.vector_load %arg11[%get3A_1331, %get3A_1332] {strides = array<i32>} : memref<80x128xf32, #tpu.memory_space<vmem>>, vector<1x16xf32>,
        %get3A_1334 = vector.shape_cast %get3A_1333 : vector<1x16xf32> to vector<16xf32>
        %max3A_1335 = arith.constant 0.000000e+00 : f32
        %max3A_1336 = vector.broadcast %max3A_1335 : f32 to vector<16xf32>
        %max3A_1337 = arith.maximumf %get3A_1334, %max3A_1336 : vector<16xf32>
        %mul3A_1338 = arith.mulf %max3A_1337, %gather3A_1300 : vector<16xf32>
        %swap3A_1339 = arith.index_cast %add3A_1304 : i32 to index
        %swap3A_1340 = arith.constant 32 : index
        %swap3A_1341 = tpu.vector_load %arg11[%swap3A_1339, %swap3A_1340] {strides = array<i32>} : memref<80x128xf32, #tpu.memory_space<vmem>>, vector<1x16xf32>,
        %swap3A_1342 = vector.shape_cast %swap3A_1341 : vector<1x16xf32> to vector<16xf32>
        %swap3A_1343 = vector.shape_cast %mul3A_1338 : vector<16xf32> to vector<1x16xf32>
        tpu.vector_store %arg11[%swap3A_1339, %swap3A_1340], %swap3A_1343 {strides = array<i32>} : memref<80x128xf32, #tpu.memory_space<vmem>>, vector<1x16xf32>,
        %get3A_1344 = arith.index_cast %add3A_1304 : i32 to index
        %get3A_1345 = arith.constant 48 : index
        %get3A_1346 = tpu.vector_load %arg11[%get3A_1344, %get3A_1345] {strides = array<i32>} : memref<80x128xf32, #tpu.memory_space<vmem>>, vector<1x16xf32>,
        %get3A_1347 = vector.shape_cast %get3A_1346 : vector<1x16xf32> to vector<16xf32>
        %max3A_1348 = arith.constant 0.000000e+00 : f32
        %max3A_1349 = vector.broadcast %max3A_1348 : f32 to vector<16xf32>
        %max3A_1350 = arith.maximumf %get3A_1347, %max3A_1349 : vector<16xf32>
        %mul3A_1351 = arith.mulf %max3A_1350, %gather3A_1300 : vector<16xf32>
        %swap3A_1352 = arith.index_cast %add3A_1304 : i32 to index
        %swap3A_1353 = arith.constant 48 : index
        %swap3A_1354 = tpu.vector_load %arg11[%swap3A_1352, %swap3A_1353] {strides = array<i32>} : memref<80x128xf32, #tpu.memory_space<vmem>>, vector<1x16xf32>,
        %swap3A_1355 = vector.shape_cast %swap3A_1354 : vector<1x16xf32> to vector<16xf32>
        %swap3A_1356 = vector.shape_cast %mul3A_1351 : vector<16xf32> to vector<1x16xf32>
        tpu.vector_store %arg11[%swap3A_1352, %swap3A_1353], %swap3A_1356 {strides = array<i32>} : memref<80x128xf32, #tpu.memory_space<vmem>>, vector<1x16xf32>,
        %get3A_1357 = arith.index_cast %add3A_1304 : i32 to index
        %get3A_1358 = arith.constant 64 : index
        %get3A_1359 = tpu.vector_load %arg11[%get3A_1357, %get3A_1358] {strides = array<i32>} : memref<80x128xf32, #tpu.memory_space<vmem>>, vector<1x16xf32>,
        %get3A_1360 = vector.shape_cast %get3A_1359 : vector<1x16xf32> to vector<16xf32>
        %max3A_1361 = arith.constant 0.000000e+00 : f32
        %max3A_1362 = vector.broadcast %max3A_1361 : f32 to vector<16xf32>
        %max3A_1363 = arith.maximumf %get3A_1360, %max3A_1362 : vector<16xf32>
        %mul3A_1364 = arith.mulf %max3A_1363, %gather3A_1300 : vector<16xf32>
        %swap3A_1365 = arith.index_cast %add3A_1304 : i32 to index
        %swap3A_1366 = arith.constant 64 : index
        %swap3A_1367 = tpu.vector_load %arg11[%swap3A_1365, %swap3A_1366] {strides = array<i32>} : memref<80x128xf32, #tpu.memory_space<vmem>>, vector<1x16xf32>,
        %swap3A_1368 = vector.shape_cast %swap3A_1367 : vector<1x16xf32> to vector<16xf32>
        %swap3A_1369 = vector.shape_cast %mul3A_1364 : vector<16xf32> to vector<1x16xf32>
        tpu.vector_store %arg11[%swap3A_1365, %swap3A_1366], %swap3A_1369 {strides = array<i32>} : memref<80x128xf32, #tpu.memory_space<vmem>>, vector<1x16xf32>,
        %get3A_1370 = arith.index_cast %add3A_1304 : i32 to index
        %get3A_1371 = arith.constant 80 : index
        %get3A_1372 = tpu.vector_load %arg11[%get3A_1370, %get3A_1371] {strides = array<i32>} : memref<80x128xf32, #tpu.memory_space<vmem>>, vector<1x16xf32>,
        %get3A_1373 = vector.shape_cast %get3A_1372 : vector<1x16xf32> to vector<16xf32>
        %max3A_1374 = arith.constant 0.000000e+00 : f32
        %max3A_1375 = vector.broadcast %max3A_1374 : f32 to vector<16xf32>
        %max3A_1376 = arith.maximumf %get3A_1373, %max3A_1375 : vector<16xf32>
        %mul3A_1377 = arith.mulf %max3A_1376, %gather3A_1300 : vector<16xf32>
        %swap3A_1378 = arith.index_cast %add3A_1304 : i32 to index
        %swap3A_1379 = arith.constant 80 : index
        %swap3A_1380 = tpu.vector_load %arg11[%swap3A_1378, %swap3A_1379] {strides = array<i32>} : memref<80x128xf32, #tpu.memory_space<vmem>>, vector<1x16xf32>,
        %swap3A_1381 = vector.shape_cast %swap3A_1380 : vector<1x16xf32> to vector<16xf32>
        %swap3A_1382 = vector.shape_cast %mul3A_1377 : vector<16xf32> to vector<1x16xf32>
        tpu.vector_store %arg11[%swap3A_1378, %swap3A_1379], %swap3A_1382 {strides = array<i32>} : memref<80x128xf32, #tpu.memory_space<vmem>>, vector<1x16xf32>,
        %get3A_1383 = arith.index_cast %add3A_1304 : i32 to index
        %get3A_1384 = arith.constant 96 : index
        %get3A_1385 = tpu.vector_load %arg11[%get3A_1383, %get3A_1384] {strides = array<i32>} : memref<80x128xf32, #tpu.memory_space<vmem>>, vector<1x16xf32>,
        %get3A_1386 = vector.shape_cast %get3A_1385 : vector<1x16xf32> to vector<16xf32>
        %max3A_1387 = arith.constant 0.000000e+00 : f32
        %max3A_1388 = vector.broadcast %max3A_1387 : f32 to vector<16xf32>
        %max3A_1389 = arith.maximumf %get3A_1386, %max3A_1388 : vector<16xf32>
        %mul3A_1390 = arith.mulf %max3A_1389, %gather3A_1300 : vector<16xf32>
        %swap3A_1391 = arith.index_cast %add3A_1304 : i32 to index
        %swap3A_1392 = arith.constant 96 : index
        %swap3A_1393 = tpu.vector_load %arg11[%swap3A_1391, %swap3A_1392] {strides = array<i32>} : memref<80x128xf32, #tpu.memory_space<vmem>>, vector<1x16xf32>,
        %swap3A_1394 = vector.shape_cast %swap3A_1393 : vector<1x16xf32> to vector<16xf32>
        %swap3A_1395 = vector.shape_cast %mul3A_1390 : vector<16xf32> to vector<1x16xf32>
        tpu.vector_store %arg11[%swap3A_1391, %swap3A_1392], %swap3A_1395 {strides = array<i32>} : memref<80x128xf32, #tpu.memory_space<vmem>>, vector<1x16xf32>,
        %get3A_1396 = arith.index_cast %add3A_1304 : i32 to index
        %get3A_1397 = arith.constant 112 : index
        %get3A_1398 = tpu.vector_load %arg11[%get3A_1396, %get3A_1397] {strides = array<i32>} : memref<80x128xf32, #tpu.memory_space<vmem>>, vector<1x16xf32>,
        %get3A_1399 = vector.shape_cast %get3A_1398 : vector<1x16xf32> to vector<16xf32>
        %max3A_1400 = arith.constant 0.000000e+00 : f32
        %max3A_1401 = vector.broadcast %max3A_1400 : f32 to vector<16xf32>
        %max3A_1402 = arith.maximumf %get3A_1399, %max3A_1401 : vector<16xf32>
        %mul3A_1403 = arith.mulf %max3A_1402, %gather3A_1300 : vector<16xf32>
        %swap3A_1404 = arith.index_cast %add3A_1304 : i32 to index
        %swap3A_1405 = arith.constant 112 : index
        %swap3A_1406 = tpu.vector_load %arg11[%swap3A_1404, %swap3A_1405] {strides = array<i32>} : memref<80x128xf32, #tpu.memory_space<vmem>>, vector<1x16xf32>,
        %swap3A_1407 = vector.shape_cast %swap3A_1406 : vector<1x16xf32> to vector<16xf32>
        %swap3A_1408 = vector.shape_cast %mul3A_1403 : vector<16xf32> to vector<1x16xf32>
        tpu.vector_store %arg11[%swap3A_1404, %swap3A_1405], %swap3A_1408 {strides = array<i32>} : memref<80x128xf32, #tpu.memory_space<vmem>>, vector<1x16xf32>,
        %broadcast_in_dim3A_1409 = arith.constant 12 : i32
        %broadcast_in_dim3A_1410 = vector.broadcast %broadcast_in_dim3A_1409 : i32 to vector<16x1xi32>
        %gather3A_1411 = vector.shape_cast %broadcast_in_dim3A_1410 : vector<16x1xi32> to vector<16xi32>
        %gather3A_1412 = tpu.dynamic_gather %get3A_67[%gather3A_1411] in [0] : vector<16xf32>, vector<16xi32> -> vector<16xf32>
        %mul3A_1413 = arith.constant 16 : i32
        %mul3A_1414 = arith.muli %scan3A_62, %mul3A_1413 : i32
        %add3A_1415 = arith.constant 12 : i32
        %add3A_1416 = arith.addi %mul3A_1414, %add3A_1415 : i32
        %get3A_1417 = arith.index_cast %add3A_1416 : i32 to index
        %get3A_1418 = arith.constant 0 : index
        %get3A_1419 = tpu.vector_load %arg11[%get3A_1417, %get3A_1418] {strides = array<i32>} : memref<80x128xf32, #tpu.memory_space<vmem>>, vector<1x16xf32>,
        %get3A_1420 = vector.shape_cast %get3A_1419 : vector<1x16xf32> to vector<16xf32>
        %max3A_1421 = arith.constant 0.000000e+00 : f32
        %max3A_1422 = vector.broadcast %max3A_1421 : f32 to vector<16xf32>
        %max3A_1423 = arith.maximumf %get3A_1420, %max3A_1422 : vector<16xf32>
        %mul3A_1424 = arith.mulf %max3A_1423, %gather3A_1412 : vector<16xf32>
        %swap3A_1425 = arith.index_cast %add3A_1416 : i32 to index
        %swap3A_1426 = arith.constant 0 : index
        %swap3A_1427 = tpu.vector_load %arg11[%swap3A_1425, %swap3A_1426] {strides = array<i32>} : memref<80x128xf32, #tpu.memory_space<vmem>>, vector<1x16xf32>,
        %swap3A_1428 = vector.shape_cast %swap3A_1427 : vector<1x16xf32> to vector<16xf32>
        %swap3A_1429 = vector.shape_cast %mul3A_1424 : vector<16xf32> to vector<1x16xf32>
        tpu.vector_store %arg11[%swap3A_1425, %swap3A_1426], %swap3A_1429 {strides = array<i32>} : memref<80x128xf32, #tpu.memory_space<vmem>>, vector<1x16xf32>,
        %get3A_1430 = arith.index_cast %add3A_1416 : i32 to index
        %get3A_1431 = arith.constant 16 : index
        %get3A_1432 = tpu.vector_load %arg11[%get3A_1430, %get3A_1431] {strides = array<i32>} : memref<80x128xf32, #tpu.memory_space<vmem>>, vector<1x16xf32>,
        %get3A_1433 = vector.shape_cast %get3A_1432 : vector<1x16xf32> to vector<16xf32>
        %max3A_1434 = arith.constant 0.000000e+00 : f32
        %max3A_1435 = vector.broadcast %max3A_1434 : f32 to vector<16xf32>
        %max3A_1436 = arith.maximumf %get3A_1433, %max3A_1435 : vector<16xf32>
        %mul3A_1437 = arith.mulf %max3A_1436, %gather3A_1412 : vector<16xf32>
        %swap3A_1438 = arith.index_cast %add3A_1416 : i32 to index
        %swap3A_1439 = arith.constant 16 : index
        %swap3A_1440 = tpu.vector_load %arg11[%swap3A_1438, %swap3A_1439] {strides = array<i32>} : memref<80x128xf32, #tpu.memory_space<vmem>>, vector<1x16xf32>,
        %swap3A_1441 = vector.shape_cast %swap3A_1440 : vector<1x16xf32> to vector<16xf32>
        %swap3A_1442 = vector.shape_cast %mul3A_1437 : vector<16xf32> to vector<1x16xf32>
        tpu.vector_store %arg11[%swap3A_1438, %swap3A_1439], %swap3A_1442 {strides = array<i32>} : memref<80x128xf32, #tpu.memory_space<vmem>>, vector<1x16xf32>,
        %get3A_1443 = arith.index_cast %add3A_1416 : i32 to index
        %get3A_1444 = arith.constant 32 : index
        %get3A_1445 = tpu.vector_load %arg11[%get3A_1443, %get3A_1444] {strides = array<i32>} : memref<80x128xf32, #tpu.memory_space<vmem>>, vector<1x16xf32>,
        %get3A_1446 = vector.shape_cast %get3A_1445 : vector<1x16xf32> to vector<16xf32>
        %max3A_1447 = arith.constant 0.000000e+00 : f32
        %max3A_1448 = vector.broadcast %max3A_1447 : f32 to vector<16xf32>
        %max3A_1449 = arith.maximumf %get3A_1446, %max3A_1448 : vector<16xf32>
        %mul3A_1450 = arith.mulf %max3A_1449, %gather3A_1412 : vector<16xf32>
        %swap3A_1451 = arith.index_cast %add3A_1416 : i32 to index
        %swap3A_1452 = arith.constant 32 : index
        %swap3A_1453 = tpu.vector_load %arg11[%swap3A_1451, %swap3A_1452] {strides = array<i32>} : memref<80x128xf32, #tpu.memory_space<vmem>>, vector<1x16xf32>,
        %swap3A_1454 = vector.shape_cast %swap3A_1453 : vector<1x16xf32> to vector<16xf32>
        %swap3A_1455 = vector.shape_cast %mul3A_1450 : vector<16xf32> to vector<1x16xf32>
        tpu.vector_store %arg11[%swap3A_1451, %swap3A_1452], %swap3A_1455 {strides = array<i32>} : memref<80x128xf32, #tpu.memory_space<vmem>>, vector<1x16xf32>,
        %get3A_1456 = arith.index_cast %add3A_1416 : i32 to index
        %get3A_1457 = arith.constant 48 : index
        %get3A_1458 = tpu.vector_load %arg11[%get3A_1456, %get3A_1457] {strides = array<i32>} : memref<80x128xf32, #tpu.memory_space<vmem>>, vector<1x16xf32>,
        %get3A_1459 = vector.shape_cast %get3A_1458 : vector<1x16xf32> to vector<16xf32>
        %max3A_1460 = arith.constant 0.000000e+00 : f32
        %max3A_1461 = vector.broadcast %max3A_1460 : f32 to vector<16xf32>
        %max3A_1462 = arith.maximumf %get3A_1459, %max3A_1461 : vector<16xf32>
        %mul3A_1463 = arith.mulf %max3A_1462, %gather3A_1412 : vector<16xf32>
        %swap3A_1464 = arith.index_cast %add3A_1416 : i32 to index
        %swap3A_1465 = arith.constant 48 : index
        %swap3A_1466 = tpu.vector_load %arg11[%swap3A_1464, %swap3A_1465] {strides = array<i32>} : memref<80x128xf32, #tpu.memory_space<vmem>>, vector<1x16xf32>,
        %swap3A_1467 = vector.shape_cast %swap3A_1466 : vector<1x16xf32> to vector<16xf32>
        %swap3A_1468 = vector.shape_cast %mul3A_1463 : vector<16xf32> to vector<1x16xf32>
        tpu.vector_store %arg11[%swap3A_1464, %swap3A_1465], %swap3A_1468 {strides = array<i32>} : memref<80x128xf32, #tpu.memory_space<vmem>>, vector<1x16xf32>,
        %get3A_1469 = arith.index_cast %add3A_1416 : i32 to index
        %get3A_1470 = arith.constant 64 : index
        %get3A_1471 = tpu.vector_load %arg11[%get3A_1469, %get3A_1470] {strides = array<i32>} : memref<80x128xf32, #tpu.memory_space<vmem>>, vector<1x16xf32>,
        %get3A_1472 = vector.shape_cast %get3A_1471 : vector<1x16xf32> to vector<16xf32>
        %max3A_1473 = arith.constant 0.000000e+00 : f32
        %max3A_1474 = vector.broadcast %max3A_1473 : f32 to vector<16xf32>
        %max3A_1475 = arith.maximumf %get3A_1472, %max3A_1474 : vector<16xf32>
        %mul3A_1476 = arith.mulf %max3A_1475, %gather3A_1412 : vector<16xf32>
        %swap3A_1477 = arith.index_cast %add3A_1416 : i32 to index
        %swap3A_1478 = arith.constant 64 : index
        %swap3A_1479 = tpu.vector_load %arg11[%swap3A_1477, %swap3A_1478] {strides = array<i32>} : memref<80x128xf32, #tpu.memory_space<vmem>>, vector<1x16xf32>,
        %swap3A_1480 = vector.shape_cast %swap3A_1479 : vector<1x16xf32> to vector<16xf32>
        %swap3A_1481 = vector.shape_cast %mul3A_1476 : vector<16xf32> to vector<1x16xf32>
        tpu.vector_store %arg11[%swap3A_1477, %swap3A_1478], %swap3A_1481 {strides = array<i32>} : memref<80x128xf32, #tpu.memory_space<vmem>>, vector<1x16xf32>,
        %get3A_1482 = arith.index_cast %add3A_1416 : i32 to index
        %get3A_1483 = arith.constant 80 : index
        %get3A_1484 = tpu.vector_load %arg11[%get3A_1482, %get3A_1483] {strides = array<i32>} : memref<80x128xf32, #tpu.memory_space<vmem>>, vector<1x16xf32>,
        %get3A_1485 = vector.shape_cast %get3A_1484 : vector<1x16xf32> to vector<16xf32>
        %max3A_1486 = arith.constant 0.000000e+00 : f32
        %max3A_1487 = vector.broadcast %max3A_1486 : f32 to vector<16xf32>
        %max3A_1488 = arith.maximumf %get3A_1485, %max3A_1487 : vector<16xf32>
        %mul3A_1489 = arith.mulf %max3A_1488, %gather3A_1412 : vector<16xf32>
        %swap3A_1490 = arith.index_cast %add3A_1416 : i32 to index
        %swap3A_1491 = arith.constant 80 : index
        %swap3A_1492 = tpu.vector_load %arg11[%swap3A_1490, %swap3A_1491] {strides = array<i32>} : memref<80x128xf32, #tpu.memory_space<vmem>>, vector<1x16xf32>,
        %swap3A_1493 = vector.shape_cast %swap3A_1492 : vector<1x16xf32> to vector<16xf32>
        %swap3A_1494 = vector.shape_cast %mul3A_1489 : vector<16xf32> to vector<1x16xf32>
        tpu.vector_store %arg11[%swap3A_1490, %swap3A_1491], %swap3A_1494 {strides = array<i32>} : memref<80x128xf32, #tpu.memory_space<vmem>>, vector<1x16xf32>,
        %get3A_1495 = arith.index_cast %add3A_1416 : i32 to index
        %get3A_1496 = arith.constant 96 : index
        %get3A_1497 = tpu.vector_load %arg11[%get3A_1495, %get3A_1496] {strides = array<i32>} : memref<80x128xf32, #tpu.memory_space<vmem>>, vector<1x16xf32>,
        %get3A_1498 = vector.shape_cast %get3A_1497 : vector<1x16xf32> to vector<16xf32>
        %max3A_1499 = arith.constant 0.000000e+00 : f32
        %max3A_1500 = vector.broadcast %max3A_1499 : f32 to vector<16xf32>
        %max3A_1501 = arith.maximumf %get3A_1498, %max3A_1500 : vector<16xf32>
        %mul3A_1502 = arith.mulf %max3A_1501, %gather3A_1412 : vector<16xf32>
        %swap3A_1503 = arith.index_cast %add3A_1416 : i32 to index
        %swap3A_1504 = arith.constant 96 : index
        %swap3A_1505 = tpu.vector_load %arg11[%swap3A_1503, %swap3A_1504] {strides = array<i32>} : memref<80x128xf32, #tpu.memory_space<vmem>>, vector<1x16xf32>,
        %swap3A_1506 = vector.shape_cast %swap3A_1505 : vector<1x16xf32> to vector<16xf32>
        %swap3A_1507 = vector.shape_cast %mul3A_1502 : vector<16xf32> to vector<1x16xf32>
        tpu.vector_store %arg11[%swap3A_1503, %swap3A_1504], %swap3A_1507 {strides = array<i32>} : memref<80x128xf32, #tpu.memory_space<vmem>>, vector<1x16xf32>,
        %get3A_1508 = arith.index_cast %add3A_1416 : i32 to index
        %get3A_1509 = arith.constant 112 : index
        %get3A_1510 = tpu.vector_load %arg11[%get3A_1508, %get3A_1509] {strides = array<i32>} : memref<80x128xf32, #tpu.memory_space<vmem>>, vector<1x16xf32>,
        %get3A_1511 = vector.shape_cast %get3A_1510 : vector<1x16xf32> to vector<16xf32>
        %max3A_1512 = arith.constant 0.000000e+00 : f32
        %max3A_1513 = vector.broadcast %max3A_1512 : f32 to vector<16xf32>
        %max3A_1514 = arith.maximumf %get3A_1511, %max3A_1513 : vector<16xf32>
        %mul3A_1515 = arith.mulf %max3A_1514, %gather3A_1412 : vector<16xf32>
        %swap3A_1516 = arith.index_cast %add3A_1416 : i32 to index
        %swap3A_1517 = arith.constant 112 : index
        %swap3A_1518 = tpu.vector_load %arg11[%swap3A_1516, %swap3A_1517] {strides = array<i32>} : memref<80x128xf32, #tpu.memory_space<vmem>>, vector<1x16xf32>,
        %swap3A_1519 = vector.shape_cast %swap3A_1518 : vector<1x16xf32> to vector<16xf32>
        %swap3A_1520 = vector.shape_cast %mul3A_1515 : vector<16xf32> to vector<1x16xf32>
        tpu.vector_store %arg11[%swap3A_1516, %swap3A_1517], %swap3A_1520 {strides = array<i32>} : memref<80x128xf32, #tpu.memory_space<vmem>>, vector<1x16xf32>,
        %broadcast_in_dim3A_1521 = arith.constant 13 : i32
        %broadcast_in_dim3A_1522 = vector.broadcast %broadcast_in_dim3A_1521 : i32 to vector<16x1xi32>
        %gather3A_1523 = vector.shape_cast %broadcast_in_dim3A_1522 : vector<16x1xi32> to vector<16xi32>
        %gather3A_1524 = tpu.dynamic_gather %get3A_67[%gather3A_1523] in [0] : vector<16xf32>, vector<16xi32> -> vector<16xf32>
        %mul3A_1525 = arith.constant 16 : i32
        %mul3A_1526 = arith.muli %scan3A_62, %mul3A_1525 : i32
        %add3A_1527 = arith.constant 13 : i32
        %add3A_1528 = arith.addi %mul3A_1526, %add3A_1527 : i32
        %get3A_1529 = arith.index_cast %add3A_1528 : i32 to index
        %get3A_1530 = arith.constant 0 : index
        %get3A_1531 = tpu.vector_load %arg11[%get3A_1529, %get3A_1530] {strides = array<i32>} : memref<80x128xf32, #tpu.memory_space<vmem>>, vector<1x16xf32>,
        %get3A_1532 = vector.shape_cast %get3A_1531 : vector<1x16xf32> to vector<16xf32>
        %max3A_1533 = arith.constant 0.000000e+00 : f32
        %max3A_1534 = vector.broadcast %max3A_1533 : f32 to vector<16xf32>
        %max3A_1535 = arith.maximumf %get3A_1532, %max3A_1534 : vector<16xf32>
        %mul3A_1536 = arith.mulf %max3A_1535, %gather3A_1524 : vector<16xf32>
        %swap3A_1537 = arith.index_cast %add3A_1528 : i32 to index
        %swap3A_1538 = arith.constant 0 : index
        %swap3A_1539 = tpu.vector_load %arg11[%swap3A_1537, %swap3A_1538] {strides = array<i32>} : memref<80x128xf32, #tpu.memory_space<vmem>>, vector<1x16xf32>,
        %swap3A_1540 = vector.shape_cast %swap3A_1539 : vector<1x16xf32> to vector<16xf32>
        %swap3A_1541 = vector.shape_cast %mul3A_1536 : vector<16xf32> to vector<1x16xf32>
        tpu.vector_store %arg11[%swap3A_1537, %swap3A_1538], %swap3A_1541 {strides = array<i32>} : memref<80x128xf32, #tpu.memory_space<vmem>>, vector<1x16xf32>,
        %get3A_1542 = arith.index_cast %add3A_1528 : i32 to index
        %get3A_1543 = arith.constant 16 : index
        %get3A_1544 = tpu.vector_load %arg11[%get3A_1542, %get3A_1543] {strides = array<i32>} : memref<80x128xf32, #tpu.memory_space<vmem>>, vector<1x16xf32>,
        %get3A_1545 = vector.shape_cast %get3A_1544 : vector<1x16xf32> to vector<16xf32>
        %max3A_1546 = arith.constant 0.000000e+00 : f32
        %max3A_1547 = vector.broadcast %max3A_1546 : f32 to vector<16xf32>
        %max3A_1548 = arith.maximumf %get3A_1545, %max3A_1547 : vector<16xf32>
        %mul3A_1549 = arith.mulf %max3A_1548, %gather3A_1524 : vector<16xf32>
        %swap3A_1550 = arith.index_cast %add3A_1528 : i32 to index
        %swap3A_1551 = arith.constant 16 : index
        %swap3A_1552 = tpu.vector_load %arg11[%swap3A_1550, %swap3A_1551] {strides = array<i32>} : memref<80x128xf32, #tpu.memory_space<vmem>>, vector<1x16xf32>,
        %swap3A_1553 = vector.shape_cast %swap3A_1552 : vector<1x16xf32> to vector<16xf32>
        %swap3A_1554 = vector.shape_cast %mul3A_1549 : vector<16xf32> to vector<1x16xf32>
        tpu.vector_store %arg11[%swap3A_1550, %swap3A_1551], %swap3A_1554 {strides = array<i32>} : memref<80x128xf32, #tpu.memory_space<vmem>>, vector<1x16xf32>,
        %get3A_1555 = arith.index_cast %add3A_1528 : i32 to index
        %get3A_1556 = arith.constant 32 : index
        %get3A_1557 = tpu.vector_load %arg11[%get3A_1555, %get3A_1556] {strides = array<i32>} : memref<80x128xf32, #tpu.memory_space<vmem>>, vector<1x16xf32>,
        %get3A_1558 = vector.shape_cast %get3A_1557 : vector<1x16xf32> to vector<16xf32>
        %max3A_1559 = arith.constant 0.000000e+00 : f32
        %max3A_1560 = vector.broadcast %max3A_1559 : f32 to vector<16xf32>
        %max3A_1561 = arith.maximumf %get3A_1558, %max3A_1560 : vector<16xf32>
        %mul3A_1562 = arith.mulf %max3A_1561, %gather3A_1524 : vector<16xf32>
        %swap3A_1563 = arith.index_cast %add3A_1528 : i32 to index
        %swap3A_1564 = arith.constant 32 : index
        %swap3A_1565 = tpu.vector_load %arg11[%swap3A_1563, %swap3A_1564] {strides = array<i32>} : memref<80x128xf32, #tpu.memory_space<vmem>>, vector<1x16xf32>,
        %swap3A_1566 = vector.shape_cast %swap3A_1565 : vector<1x16xf32> to vector<16xf32>
        %swap3A_1567 = vector.shape_cast %mul3A_1562 : vector<16xf32> to vector<1x16xf32>
        tpu.vector_store %arg11[%swap3A_1563, %swap3A_1564], %swap3A_1567 {strides = array<i32>} : memref<80x128xf32, #tpu.memory_space<vmem>>, vector<1x16xf32>,
        %get3A_1568 = arith.index_cast %add3A_1528 : i32 to index
        %get3A_1569 = arith.constant 48 : index
        %get3A_1570 = tpu.vector_load %arg11[%get3A_1568, %get3A_1569] {strides = array<i32>} : memref<80x128xf32, #tpu.memory_space<vmem>>, vector<1x16xf32>,
        %get3A_1571 = vector.shape_cast %get3A_1570 : vector<1x16xf32> to vector<16xf32>
        %max3A_1572 = arith.constant 0.000000e+00 : f32
        %max3A_1573 = vector.broadcast %max3A_1572 : f32 to vector<16xf32>
        %max3A_1574 = arith.maximumf %get3A_1571, %max3A_1573 : vector<16xf32>
        %mul3A_1575 = arith.mulf %max3A_1574, %gather3A_1524 : vector<16xf32>
        %swap3A_1576 = arith.index_cast %add3A_1528 : i32 to index
        %swap3A_1577 = arith.constant 48 : index
        %swap3A_1578 = tpu.vector_load %arg11[%swap3A_1576, %swap3A_1577] {strides = array<i32>} : memref<80x128xf32, #tpu.memory_space<vmem>>, vector<1x16xf32>,
        %swap3A_1579 = vector.shape_cast %swap3A_1578 : vector<1x16xf32> to vector<16xf32>
        %swap3A_1580 = vector.shape_cast %mul3A_1575 : vector<16xf32> to vector<1x16xf32>
        tpu.vector_store %arg11[%swap3A_1576, %swap3A_1577], %swap3A_1580 {strides = array<i32>} : memref<80x128xf32, #tpu.memory_space<vmem>>, vector<1x16xf32>,
        %get3A_1581 = arith.index_cast %add3A_1528 : i32 to index
        %get3A_1582 = arith.constant 64 : index
        %get3A_1583 = tpu.vector_load %arg11[%get3A_1581, %get3A_1582] {strides = array<i32>} : memref<80x128xf32, #tpu.memory_space<vmem>>, vector<1x16xf32>,
        %get3A_1584 = vector.shape_cast %get3A_1583 : vector<1x16xf32> to vector<16xf32>
        %max3A_1585 = arith.constant 0.000000e+00 : f32
        %max3A_1586 = vector.broadcast %max3A_1585 : f32 to vector<16xf32>
        %max3A_1587 = arith.maximumf %get3A_1584, %max3A_1586 : vector<16xf32>
        %mul3A_1588 = arith.mulf %max3A_1587, %gather3A_1524 : vector<16xf32>
        %swap3A_1589 = arith.index_cast %add3A_1528 : i32 to index
        %swap3A_1590 = arith.constant 64 : index
        %swap3A_1591 = tpu.vector_load %arg11[%swap3A_1589, %swap3A_1590] {strides = array<i32>} : memref<80x128xf32, #tpu.memory_space<vmem>>, vector<1x16xf32>,
        %swap3A_1592 = vector.shape_cast %swap3A_1591 : vector<1x16xf32> to vector<16xf32>
        %swap3A_1593 = vector.shape_cast %mul3A_1588 : vector<16xf32> to vector<1x16xf32>
        tpu.vector_store %arg11[%swap3A_1589, %swap3A_1590], %swap3A_1593 {strides = array<i32>} : memref<80x128xf32, #tpu.memory_space<vmem>>, vector<1x16xf32>,
        %get3A_1594 = arith.index_cast %add3A_1528 : i32 to index
        %get3A_1595 = arith.constant 80 : index
        %get3A_1596 = tpu.vector_load %arg11[%get3A_1594, %get3A_1595] {strides = array<i32>} : memref<80x128xf32, #tpu.memory_space<vmem>>, vector<1x16xf32>,
        %get3A_1597 = vector.shape_cast %get3A_1596 : vector<1x16xf32> to vector<16xf32>
        %max3A_1598 = arith.constant 0.000000e+00 : f32
        %max3A_1599 = vector.broadcast %max3A_1598 : f32 to vector<16xf32>
        %max3A_1600 = arith.maximumf %get3A_1597, %max3A_1599 : vector<16xf32>
        %mul3A_1601 = arith.mulf %max3A_1600, %gather3A_1524 : vector<16xf32>
        %swap3A_1602 = arith.index_cast %add3A_1528 : i32 to index
        %swap3A_1603 = arith.constant 80 : index
        %swap3A_1604 = tpu.vector_load %arg11[%swap3A_1602, %swap3A_1603] {strides = array<i32>} : memref<80x128xf32, #tpu.memory_space<vmem>>, vector<1x16xf32>,
        %swap3A_1605 = vector.shape_cast %swap3A_1604 : vector<1x16xf32> to vector<16xf32>
        %swap3A_1606 = vector.shape_cast %mul3A_1601 : vector<16xf32> to vector<1x16xf32>
        tpu.vector_store %arg11[%swap3A_1602, %swap3A_1603], %swap3A_1606 {strides = array<i32>} : memref<80x128xf32, #tpu.memory_space<vmem>>, vector<1x16xf32>,
        %get3A_1607 = arith.index_cast %add3A_1528 : i32 to index
        %get3A_1608 = arith.constant 96 : index
        %get3A_1609 = tpu.vector_load %arg11[%get3A_1607, %get3A_1608] {strides = array<i32>} : memref<80x128xf32, #tpu.memory_space<vmem>>, vector<1x16xf32>,
        %get3A_1610 = vector.shape_cast %get3A_1609 : vector<1x16xf32> to vector<16xf32>
        %max3A_1611 = arith.constant 0.000000e+00 : f32
        %max3A_1612 = vector.broadcast %max3A_1611 : f32 to vector<16xf32>
        %max3A_1613 = arith.maximumf %get3A_1610, %max3A_1612 : vector<16xf32>
        %mul3A_1614 = arith.mulf %max3A_1613, %gather3A_1524 : vector<16xf32>
        %swap3A_1615 = arith.index_cast %add3A_1528 : i32 to index
        %swap3A_1616 = arith.constant 96 : index
        %swap3A_1617 = tpu.vector_load %arg11[%swap3A_1615, %swap3A_1616] {strides = array<i32>} : memref<80x128xf32, #tpu.memory_space<vmem>>, vector<1x16xf32>,
        %swap3A_1618 = vector.shape_cast %swap3A_1617 : vector<1x16xf32> to vector<16xf32>
        %swap3A_1619 = vector.shape_cast %mul3A_1614 : vector<16xf32> to vector<1x16xf32>
        tpu.vector_store %arg11[%swap3A_1615, %swap3A_1616], %swap3A_1619 {strides = array<i32>} : memref<80x128xf32, #tpu.memory_space<vmem>>, vector<1x16xf32>,
        %get3A_1620 = arith.index_cast %add3A_1528 : i32 to index
        %get3A_1621 = arith.constant 112 : index
        %get3A_1622 = tpu.vector_load %arg11[%get3A_1620, %get3A_1621] {strides = array<i32>} : memref<80x128xf32, #tpu.memory_space<vmem>>, vector<1x16xf32>,
        %get3A_1623 = vector.shape_cast %get3A_1622 : vector<1x16xf32> to vector<16xf32>
        %max3A_1624 = arith.constant 0.000000e+00 : f32
        %max3A_1625 = vector.broadcast %max3A_1624 : f32 to vector<16xf32>
        %max3A_1626 = arith.maximumf %get3A_1623, %max3A_1625 : vector<16xf32>
        %mul3A_1627 = arith.mulf %max3A_1626, %gather3A_1524 : vector<16xf32>
        %swap3A_1628 = arith.index_cast %add3A_1528 : i32 to index
        %swap3A_1629 = arith.constant 112 : index
        %swap3A_1630 = tpu.vector_load %arg11[%swap3A_1628, %swap3A_1629] {strides = array<i32>} : memref<80x128xf32, #tpu.memory_space<vmem>>, vector<1x16xf32>,
        %swap3A_1631 = vector.shape_cast %swap3A_1630 : vector<1x16xf32> to vector<16xf32>
        %swap3A_1632 = vector.shape_cast %mul3A_1627 : vector<16xf32> to vector<1x16xf32>
        tpu.vector_store %arg11[%swap3A_1628, %swap3A_1629], %swap3A_1632 {strides = array<i32>} : memref<80x128xf32, #tpu.memory_space<vmem>>, vector<1x16xf32>,
        %broadcast_in_dim3A_1633 = arith.constant 14 : i32
        %broadcast_in_dim3A_1634 = vector.broadcast %broadcast_in_dim3A_1633 : i32 to vector<16x1xi32>
        %gather3A_1635 = vector.shape_cast %broadcast_in_dim3A_1634 : vector<16x1xi32> to vector<16xi32>
        %gather3A_1636 = tpu.dynamic_gather %get3A_67[%gather3A_1635] in [0] : vector<16xf32>, vector<16xi32> -> vector<16xf32>
        %mul3A_1637 = arith.constant 16 : i32
        %mul3A_1638 = arith.muli %scan3A_62, %mul3A_1637 : i32
        %add3A_1639 = arith.constant 14 : i32
        %add3A_1640 = arith.addi %mul3A_1638, %add3A_1639 : i32
        %get3A_1641 = arith.index_cast %add3A_1640 : i32 to index
        %get3A_1642 = arith.constant 0 : index
        %get3A_1643 = tpu.vector_load %arg11[%get3A_1641, %get3A_1642] {strides = array<i32>} : memref<80x128xf32, #tpu.memory_space<vmem>>, vector<1x16xf32>,
        %get3A_1644 = vector.shape_cast %get3A_1643 : vector<1x16xf32> to vector<16xf32>
        %max3A_1645 = arith.constant 0.000000e+00 : f32
        %max3A_1646 = vector.broadcast %max3A_1645 : f32 to vector<16xf32>
        %max3A_1647 = arith.maximumf %get3A_1644, %max3A_1646 : vector<16xf32>
        %mul3A_1648 = arith.mulf %max3A_1647, %gather3A_1636 : vector<16xf32>
        %swap3A_1649 = arith.index_cast %add3A_1640 : i32 to index
        %swap3A_1650 = arith.constant 0 : index
        %swap3A_1651 = tpu.vector_load %arg11[%swap3A_1649, %swap3A_1650] {strides = array<i32>} : memref<80x128xf32, #tpu.memory_space<vmem>>, vector<1x16xf32>,
        %swap3A_1652 = vector.shape_cast %swap3A_1651 : vector<1x16xf32> to vector<16xf32>
        %swap3A_1653 = vector.shape_cast %mul3A_1648 : vector<16xf32> to vector<1x16xf32>
        tpu.vector_store %arg11[%swap3A_1649, %swap3A_1650], %swap3A_1653 {strides = array<i32>} : memref<80x128xf32, #tpu.memory_space<vmem>>, vector<1x16xf32>,
        %get3A_1654 = arith.index_cast %add3A_1640 : i32 to index
        %get3A_1655 = arith.constant 16 : index
        %get3A_1656 = tpu.vector_load %arg11[%get3A_1654, %get3A_1655] {strides = array<i32>} : memref<80x128xf32, #tpu.memory_space<vmem>>, vector<1x16xf32>,
        %get3A_1657 = vector.shape_cast %get3A_1656 : vector<1x16xf32> to vector<16xf32>
        %max3A_1658 = arith.constant 0.000000e+00 : f32
        %max3A_1659 = vector.broadcast %max3A_1658 : f32 to vector<16xf32>
        %max3A_1660 = arith.maximumf %get3A_1657, %max3A_1659 : vector<16xf32>
        %mul3A_1661 = arith.mulf %max3A_1660, %gather3A_1636 : vector<16xf32>
        %swap3A_1662 = arith.index_cast %add3A_1640 : i32 to index
        %swap3A_1663 = arith.constant 16 : index
        %swap3A_1664 = tpu.vector_load %arg11[%swap3A_1662, %swap3A_1663] {strides = array<i32>} : memref<80x128xf32, #tpu.memory_space<vmem>>, vector<1x16xf32>,
        %swap3A_1665 = vector.shape_cast %swap3A_1664 : vector<1x16xf32> to vector<16xf32>
        %swap3A_1666 = vector.shape_cast %mul3A_1661 : vector<16xf32> to vector<1x16xf32>
        tpu.vector_store %arg11[%swap3A_1662, %swap3A_1663], %swap3A_1666 {strides = array<i32>} : memref<80x128xf32, #tpu.memory_space<vmem>>, vector<1x16xf32>,
        %get3A_1667 = arith.index_cast %add3A_1640 : i32 to index
        %get3A_1668 = arith.constant 32 : index
        %get3A_1669 = tpu.vector_load %arg11[%get3A_1667, %get3A_1668] {strides = array<i32>} : memref<80x128xf32, #tpu.memory_space<vmem>>, vector<1x16xf32>,
        %get3A_1670 = vector.shape_cast %get3A_1669 : vector<1x16xf32> to vector<16xf32>
        %max3A_1671 = arith.constant 0.000000e+00 : f32
        %max3A_1672 = vector.broadcast %max3A_1671 : f32 to vector<16xf32>
        %max3A_1673 = arith.maximumf %get3A_1670, %max3A_1672 : vector<16xf32>
        %mul3A_1674 = arith.mulf %max3A_1673, %gather3A_1636 : vector<16xf32>
        %swap3A_1675 = arith.index_cast %add3A_1640 : i32 to index
        %swap3A_1676 = arith.constant 32 : index
        %swap3A_1677 = tpu.vector_load %arg11[%swap3A_1675, %swap3A_1676] {strides = array<i32>} : memref<80x128xf32, #tpu.memory_space<vmem>>, vector<1x16xf32>,
        %swap3A_1678 = vector.shape_cast %swap3A_1677 : vector<1x16xf32> to vector<16xf32>
        %swap3A_1679 = vector.shape_cast %mul3A_1674 : vector<16xf32> to vector<1x16xf32>
        tpu.vector_store %arg11[%swap3A_1675, %swap3A_1676], %swap3A_1679 {strides = array<i32>} : memref<80x128xf32, #tpu.memory_space<vmem>>, vector<1x16xf32>,
        %get3A_1680 = arith.index_cast %add3A_1640 : i32 to index
        %get3A_1681 = arith.constant 48 : index
        %get3A_1682 = tpu.vector_load %arg11[%get3A_1680, %get3A_1681] {strides = array<i32>} : memref<80x128xf32, #tpu.memory_space<vmem>>, vector<1x16xf32>,
        %get3A_1683 = vector.shape_cast %get3A_1682 : vector<1x16xf32> to vector<16xf32>
        %max3A_1684 = arith.constant 0.000000e+00 : f32
        %max3A_1685 = vector.broadcast %max3A_1684 : f32 to vector<16xf32>
        %max3A_1686 = arith.maximumf %get3A_1683, %max3A_1685 : vector<16xf32>
        %mul3A_1687 = arith.mulf %max3A_1686, %gather3A_1636 : vector<16xf32>
        %swap3A_1688 = arith.index_cast %add3A_1640 : i32 to index
        %swap3A_1689 = arith.constant 48 : index
        %swap3A_1690 = tpu.vector_load %arg11[%swap3A_1688, %swap3A_1689] {strides = array<i32>} : memref<80x128xf32, #tpu.memory_space<vmem>>, vector<1x16xf32>,
        %swap3A_1691 = vector.shape_cast %swap3A_1690 : vector<1x16xf32> to vector<16xf32>
        %swap3A_1692 = vector.shape_cast %mul3A_1687 : vector<16xf32> to vector<1x16xf32>
        tpu.vector_store %arg11[%swap3A_1688, %swap3A_1689], %swap3A_1692 {strides = array<i32>} : memref<80x128xf32, #tpu.memory_space<vmem>>, vector<1x16xf32>,
        %get3A_1693 = arith.index_cast %add3A_1640 : i32 to index
        %get3A_1694 = arith.constant 64 : index
        %get3A_1695 = tpu.vector_load %arg11[%get3A_1693, %get3A_1694] {strides = array<i32>} : memref<80x128xf32, #tpu.memory_space<vmem>>, vector<1x16xf32>,
        %get3A_1696 = vector.shape_cast %get3A_1695 : vector<1x16xf32> to vector<16xf32>
        %max3A_1697 = arith.constant 0.000000e+00 : f32
        %max3A_1698 = vector.broadcast %max3A_1697 : f32 to vector<16xf32>
        %max3A_1699 = arith.maximumf %get3A_1696, %max3A_1698 : vector<16xf32>
        %mul3A_1700 = arith.mulf %max3A_1699, %gather3A_1636 : vector<16xf32>
        %swap3A_1701 = arith.index_cast %add3A_1640 : i32 to index
        %swap3A_1702 = arith.constant 64 : index
        %swap3A_1703 = tpu.vector_load %arg11[%swap3A_1701, %swap3A_1702] {strides = array<i32>} : memref<80x128xf32, #tpu.memory_space<vmem>>, vector<1x16xf32>,
        %swap3A_1704 = vector.shape_cast %swap3A_1703 : vector<1x16xf32> to vector<16xf32>
        %swap3A_1705 = vector.shape_cast %mul3A_1700 : vector<16xf32> to vector<1x16xf32>
        tpu.vector_store %arg11[%swap3A_1701, %swap3A_1702], %swap3A_1705 {strides = array<i32>} : memref<80x128xf32, #tpu.memory_space<vmem>>, vector<1x16xf32>,
        %get3A_1706 = arith.index_cast %add3A_1640 : i32 to index
        %get3A_1707 = arith.constant 80 : index
        %get3A_1708 = tpu.vector_load %arg11[%get3A_1706, %get3A_1707] {strides = array<i32>} : memref<80x128xf32, #tpu.memory_space<vmem>>, vector<1x16xf32>,
        %get3A_1709 = vector.shape_cast %get3A_1708 : vector<1x16xf32> to vector<16xf32>
        %max3A_1710 = arith.constant 0.000000e+00 : f32
        %max3A_1711 = vector.broadcast %max3A_1710 : f32 to vector<16xf32>
        %max3A_1712 = arith.maximumf %get3A_1709, %max3A_1711 : vector<16xf32>
        %mul3A_1713 = arith.mulf %max3A_1712, %gather3A_1636 : vector<16xf32>
        %swap3A_1714 = arith.index_cast %add3A_1640 : i32 to index
        %swap3A_1715 = arith.constant 80 : index
        %swap3A_1716 = tpu.vector_load %arg11[%swap3A_1714, %swap3A_1715] {strides = array<i32>} : memref<80x128xf32, #tpu.memory_space<vmem>>, vector<1x16xf32>,
        %swap3A_1717 = vector.shape_cast %swap3A_1716 : vector<1x16xf32> to vector<16xf32>
        %swap3A_1718 = vector.shape_cast %mul3A_1713 : vector<16xf32> to vector<1x16xf32>
        tpu.vector_store %arg11[%swap3A_1714, %swap3A_1715], %swap3A_1718 {strides = array<i32>} : memref<80x128xf32, #tpu.memory_space<vmem>>, vector<1x16xf32>,
        %get3A_1719 = arith.index_cast %add3A_1640 : i32 to index
        %get3A_1720 = arith.constant 96 : index
        %get3A_1721 = tpu.vector_load %arg11[%get3A_1719, %get3A_1720] {strides = array<i32>} : memref<80x128xf32, #tpu.memory_space<vmem>>, vector<1x16xf32>,
        %get3A_1722 = vector.shape_cast %get3A_1721 : vector<1x16xf32> to vector<16xf32>
        %max3A_1723 = arith.constant 0.000000e+00 : f32
        %max3A_1724 = vector.broadcast %max3A_1723 : f32 to vector<16xf32>
        %max3A_1725 = arith.maximumf %get3A_1722, %max3A_1724 : vector<16xf32>
        %mul3A_1726 = arith.mulf %max3A_1725, %gather3A_1636 : vector<16xf32>
        %swap3A_1727 = arith.index_cast %add3A_1640 : i32 to index
        %swap3A_1728 = arith.constant 96 : index
        %swap3A_1729 = tpu.vector_load %arg11[%swap3A_1727, %swap3A_1728] {strides = array<i32>} : memref<80x128xf32, #tpu.memory_space<vmem>>, vector<1x16xf32>,
        %swap3A_1730 = vector.shape_cast %swap3A_1729 : vector<1x16xf32> to vector<16xf32>
        %swap3A_1731 = vector.shape_cast %mul3A_1726 : vector<16xf32> to vector<1x16xf32>
        tpu.vector_store %arg11[%swap3A_1727, %swap3A_1728], %swap3A_1731 {strides = array<i32>} : memref<80x128xf32, #tpu.memory_space<vmem>>, vector<1x16xf32>,
        %get3A_1732 = arith.index_cast %add3A_1640 : i32 to index
        %get3A_1733 = arith.constant 112 : index
        %get3A_1734 = tpu.vector_load %arg11[%get3A_1732, %get3A_1733] {strides = array<i32>} : memref<80x128xf32, #tpu.memory_space<vmem>>, vector<1x16xf32>,
        %get3A_1735 = vector.shape_cast %get3A_1734 : vector<1x16xf32> to vector<16xf32>
        %max3A_1736 = arith.constant 0.000000e+00 : f32
        %max3A_1737 = vector.broadcast %max3A_1736 : f32 to vector<16xf32>
        %max3A_1738 = arith.maximumf %get3A_1735, %max3A_1737 : vector<16xf32>
        %mul3A_1739 = arith.mulf %max3A_1738, %gather3A_1636 : vector<16xf32>
        %swap3A_1740 = arith.index_cast %add3A_1640 : i32 to index
        %swap3A_1741 = arith.constant 112 : index
        %swap3A_1742 = tpu.vector_load %arg11[%swap3A_1740, %swap3A_1741] {strides = array<i32>} : memref<80x128xf32, #tpu.memory_space<vmem>>, vector<1x16xf32>,
        %swap3A_1743 = vector.shape_cast %swap3A_1742 : vector<1x16xf32> to vector<16xf32>
        %swap3A_1744 = vector.shape_cast %mul3A_1739 : vector<16xf32> to vector<1x16xf32>
        tpu.vector_store %arg11[%swap3A_1740, %swap3A_1741], %swap3A_1744 {strides = array<i32>} : memref<80x128xf32, #tpu.memory_space<vmem>>, vector<1x16xf32>,
        %broadcast_in_dim3A_1745 = arith.constant 15 : i32
        %broadcast_in_dim3A_1746 = vector.broadcast %broadcast_in_dim3A_1745 : i32 to vector<16x1xi32>
        %gather3A_1747 = vector.shape_cast %broadcast_in_dim3A_1746 : vector<16x1xi32> to vector<16xi32>
        %gather3A_1748 = tpu.dynamic_gather %get3A_67[%gather3A_1747] in [0] : vector<16xf32>, vector<16xi32> -> vector<16xf32>
        %mul3A_1749 = arith.constant 16 : i32
        %mul3A_1750 = arith.muli %scan3A_62, %mul3A_1749 : i32
        %add3A_1751 = arith.constant 15 : i32
        %add3A_1752 = arith.addi %mul3A_1750, %add3A_1751 : i32
        %get3A_1753 = arith.index_cast %add3A_1752 : i32 to index
        %get3A_1754 = arith.constant 0 : index
        %get3A_1755 = tpu.vector_load %arg11[%get3A_1753, %get3A_1754] {strides = array<i32>} : memref<80x128xf32, #tpu.memory_space<vmem>>, vector<1x16xf32>,
        %get3A_1756 = vector.shape_cast %get3A_1755 : vector<1x16xf32> to vector<16xf32>
        %max3A_1757 = arith.constant 0.000000e+00 : f32
        %max3A_1758 = vector.broadcast %max3A_1757 : f32 to vector<16xf32>
        %max3A_1759 = arith.maximumf %get3A_1756, %max3A_1758 : vector<16xf32>
        %mul3A_1760 = arith.mulf %max3A_1759, %gather3A_1748 : vector<16xf32>
        %swap3A_1761 = arith.index_cast %add3A_1752 : i32 to index
        %swap3A_1762 = arith.constant 0 : index
        %swap3A_1763 = tpu.vector_load %arg11[%swap3A_1761, %swap3A_1762] {strides = array<i32>} : memref<80x128xf32, #tpu.memory_space<vmem>>, vector<1x16xf32>,
        %swap3A_1764 = vector.shape_cast %swap3A_1763 : vector<1x16xf32> to vector<16xf32>
        %swap3A_1765 = vector.shape_cast %mul3A_1760 : vector<16xf32> to vector<1x16xf32>
        tpu.vector_store %arg11[%swap3A_1761, %swap3A_1762], %swap3A_1765 {strides = array<i32>} : memref<80x128xf32, #tpu.memory_space<vmem>>, vector<1x16xf32>,
        %get3A_1766 = arith.index_cast %add3A_1752 : i32 to index
        %get3A_1767 = arith.constant 16 : index
        %get3A_1768 = tpu.vector_load %arg11[%get3A_1766, %get3A_1767] {strides = array<i32>} : memref<80x128xf32, #tpu.memory_space<vmem>>, vector<1x16xf32>,
        %get3A_1769 = vector.shape_cast %get3A_1768 : vector<1x16xf32> to vector<16xf32>
        %max3A_1770 = arith.constant 0.000000e+00 : f32
        %max3A_1771 = vector.broadcast %max3A_1770 : f32 to vector<16xf32>
        %max3A_1772 = arith.maximumf %get3A_1769, %max3A_1771 : vector<16xf32>
        %mul3A_1773 = arith.mulf %max3A_1772, %gather3A_1748 : vector<16xf32>
        %swap3A_1774 = arith.index_cast %add3A_1752 : i32 to index
        %swap3A_1775 = arith.constant 16 : index
        %swap3A_1776 = tpu.vector_load %arg11[%swap3A_1774, %swap3A_1775] {strides = array<i32>} : memref<80x128xf32, #tpu.memory_space<vmem>>, vector<1x16xf32>,
        %swap3A_1777 = vector.shape_cast %swap3A_1776 : vector<1x16xf32> to vector<16xf32>
        %swap3A_1778 = vector.shape_cast %mul3A_1773 : vector<16xf32> to vector<1x16xf32>
        tpu.vector_store %arg11[%swap3A_1774, %swap3A_1775], %swap3A_1778 {strides = array<i32>} : memref<80x128xf32, #tpu.memory_space<vmem>>, vector<1x16xf32>,
        %get3A_1779 = arith.index_cast %add3A_1752 : i32 to index
        %get3A_1780 = arith.constant 32 : index
        %get3A_1781 = tpu.vector_load %arg11[%get3A_1779, %get3A_1780] {strides = array<i32>} : memref<80x128xf32, #tpu.memory_space<vmem>>, vector<1x16xf32>,
        %get3A_1782 = vector.shape_cast %get3A_1781 : vector<1x16xf32> to vector<16xf32>
        %max3A_1783 = arith.constant 0.000000e+00 : f32
        %max3A_1784 = vector.broadcast %max3A_1783 : f32 to vector<16xf32>
        %max3A_1785 = arith.maximumf %get3A_1782, %max3A_1784 : vector<16xf32>
        %mul3A_1786 = arith.mulf %max3A_1785, %gather3A_1748 : vector<16xf32>
        %swap3A_1787 = arith.index_cast %add3A_1752 : i32 to index
        %swap3A_1788 = arith.constant 32 : index
        %swap3A_1789 = tpu.vector_load %arg11[%swap3A_1787, %swap3A_1788] {strides = array<i32>} : memref<80x128xf32, #tpu.memory_space<vmem>>, vector<1x16xf32>,
        %swap3A_1790 = vector.shape_cast %swap3A_1789 : vector<1x16xf32> to vector<16xf32>
        %swap3A_1791 = vector.shape_cast %mul3A_1786 : vector<16xf32> to vector<1x16xf32>
        tpu.vector_store %arg11[%swap3A_1787, %swap3A_1788], %swap3A_1791 {strides = array<i32>} : memref<80x128xf32, #tpu.memory_space<vmem>>, vector<1x16xf32>,
        %get3A_1792 = arith.index_cast %add3A_1752 : i32 to index
        %get3A_1793 = arith.constant 48 : index
        %get3A_1794 = tpu.vector_load %arg11[%get3A_1792, %get3A_1793] {strides = array<i32>} : memref<80x128xf32, #tpu.memory_space<vmem>>, vector<1x16xf32>,
        %get3A_1795 = vector.shape_cast %get3A_1794 : vector<1x16xf32> to vector<16xf32>
        %max3A_1796 = arith.constant 0.000000e+00 : f32
        %max3A_1797 = vector.broadcast %max3A_1796 : f32 to vector<16xf32>
        %max3A_1798 = arith.maximumf %get3A_1795, %max3A_1797 : vector<16xf32>
        %mul3A_1799 = arith.mulf %max3A_1798, %gather3A_1748 : vector<16xf32>
        %swap3A_1800 = arith.index_cast %add3A_1752 : i32 to index
        %swap3A_1801 = arith.constant 48 : index
        %swap3A_1802 = tpu.vector_load %arg11[%swap3A_1800, %swap3A_1801] {strides = array<i32>} : memref<80x128xf32, #tpu.memory_space<vmem>>, vector<1x16xf32>,
        %swap3A_1803 = vector.shape_cast %swap3A_1802 : vector<1x16xf32> to vector<16xf32>
        %swap3A_1804 = vector.shape_cast %mul3A_1799 : vector<16xf32> to vector<1x16xf32>
        tpu.vector_store %arg11[%swap3A_1800, %swap3A_1801], %swap3A_1804 {strides = array<i32>} : memref<80x128xf32, #tpu.memory_space<vmem>>, vector<1x16xf32>,
        %get3A_1805 = arith.index_cast %add3A_1752 : i32 to index
        %get3A_1806 = arith.constant 64 : index
        %get3A_1807 = tpu.vector_load %arg11[%get3A_1805, %get3A_1806] {strides = array<i32>} : memref<80x128xf32, #tpu.memory_space<vmem>>, vector<1x16xf32>,
        %get3A_1808 = vector.shape_cast %get3A_1807 : vector<1x16xf32> to vector<16xf32>
        %max3A_1809 = arith.constant 0.000000e+00 : f32
        %max3A_1810 = vector.broadcast %max3A_1809 : f32 to vector<16xf32>
        %max3A_1811 = arith.maximumf %get3A_1808, %max3A_1810 : vector<16xf32>
        %mul3A_1812 = arith.mulf %max3A_1811, %gather3A_1748 : vector<16xf32>
        %swap3A_1813 = arith.index_cast %add3A_1752 : i32 to index
        %swap3A_1814 = arith.constant 64 : index
        %swap3A_1815 = tpu.vector_load %arg11[%swap3A_1813, %swap3A_1814] {strides = array<i32>} : memref<80x128xf32, #tpu.memory_space<vmem>>, vector<1x16xf32>,
        %swap3A_1816 = vector.shape_cast %swap3A_1815 : vector<1x16xf32> to vector<16xf32>
        %swap3A_1817 = vector.shape_cast %mul3A_1812 : vector<16xf32> to vector<1x16xf32>
        tpu.vector_store %arg11[%swap3A_1813, %swap3A_1814], %swap3A_1817 {strides = array<i32>} : memref<80x128xf32, #tpu.memory_space<vmem>>, vector<1x16xf32>,
        %get3A_1818 = arith.index_cast %add3A_1752 : i32 to index
        %get3A_1819 = arith.constant 80 : index
        %get3A_1820 = tpu.vector_load %arg11[%get3A_1818, %get3A_1819] {strides = array<i32>} : memref<80x128xf32, #tpu.memory_space<vmem>>, vector<1x16xf32>,
        %get3A_1821 = vector.shape_cast %get3A_1820 : vector<1x16xf32> to vector<16xf32>
        %max3A_1822 = arith.constant 0.000000e+00 : f32
        %max3A_1823 = vector.broadcast %max3A_1822 : f32 to vector<16xf32>
        %max3A_1824 = arith.maximumf %get3A_1821, %max3A_1823 : vector<16xf32>
        %mul3A_1825 = arith.mulf %max3A_1824, %gather3A_1748 : vector<16xf32>
        %swap3A_1826 = arith.index_cast %add3A_1752 : i32 to index
        %swap3A_1827 = arith.constant 80 : index
        %swap3A_1828 = tpu.vector_load %arg11[%swap3A_1826, %swap3A_1827] {strides = array<i32>} : memref<80x128xf32, #tpu.memory_space<vmem>>, vector<1x16xf32>,
        %swap3A_1829 = vector.shape_cast %swap3A_1828 : vector<1x16xf32> to vector<16xf32>
        %swap3A_1830 = vector.shape_cast %mul3A_1825 : vector<16xf32> to vector<1x16xf32>
        tpu.vector_store %arg11[%swap3A_1826, %swap3A_1827], %swap3A_1830 {strides = array<i32>} : memref<80x128xf32, #tpu.memory_space<vmem>>, vector<1x16xf32>,
        %get3A_1831 = arith.index_cast %add3A_1752 : i32 to index
        %get3A_1832 = arith.constant 96 : index
        %get3A_1833 = tpu.vector_load %arg11[%get3A_1831, %get3A_1832] {strides = array<i32>} : memref<80x128xf32, #tpu.memory_space<vmem>>, vector<1x16xf32>,
        %get3A_1834 = vector.shape_cast %get3A_1833 : vector<1x16xf32> to vector<16xf32>
        %max3A_1835 = arith.constant 0.000000e+00 : f32
        %max3A_1836 = vector.broadcast %max3A_1835 : f32 to vector<16xf32>
        %max3A_1837 = arith.maximumf %get3A_1834, %max3A_1836 : vector<16xf32>
        %mul3A_1838 = arith.mulf %max3A_1837, %gather3A_1748 : vector<16xf32>
        %swap3A_1839 = arith.index_cast %add3A_1752 : i32 to index
        %swap3A_1840 = arith.constant 96 : index
        %swap3A_1841 = tpu.vector_load %arg11[%swap3A_1839, %swap3A_1840] {strides = array<i32>} : memref<80x128xf32, #tpu.memory_space<vmem>>, vector<1x16xf32>,
        %swap3A_1842 = vector.shape_cast %swap3A_1841 : vector<1x16xf32> to vector<16xf32>
        %swap3A_1843 = vector.shape_cast %mul3A_1838 : vector<16xf32> to vector<1x16xf32>
        tpu.vector_store %arg11[%swap3A_1839, %swap3A_1840], %swap3A_1843 {strides = array<i32>} : memref<80x128xf32, #tpu.memory_space<vmem>>, vector<1x16xf32>,
        %get3A_1844 = arith.index_cast %add3A_1752 : i32 to index
        %get3A_1845 = arith.constant 112 : index
        %get3A_1846 = tpu.vector_load %arg11[%get3A_1844, %get3A_1845] {strides = array<i32>} : memref<80x128xf32, #tpu.memory_space<vmem>>, vector<1x16xf32>,
        %get3A_1847 = vector.shape_cast %get3A_1846 : vector<1x16xf32> to vector<16xf32>
        %max3A_1848 = arith.constant 0.000000e+00 : f32
        %max3A_1849 = vector.broadcast %max3A_1848 : f32 to vector<16xf32>
        %max3A_1850 = arith.maximumf %get3A_1847, %max3A_1849 : vector<16xf32>
        %mul3A_1851 = arith.mulf %max3A_1850, %gather3A_1748 : vector<16xf32>
        %swap3A_1852 = arith.index_cast %add3A_1752 : i32 to index
        %swap3A_1853 = arith.constant 112 : index
        %swap3A_1854 = tpu.vector_load %arg11[%swap3A_1852, %swap3A_1853] {strides = array<i32>} : memref<80x128xf32, #tpu.memory_space<vmem>>, vector<1x16xf32>,
        %swap3A_1855 = vector.shape_cast %swap3A_1854 : vector<1x16xf32> to vector<16xf32>
        %swap3A_1856 = vector.shape_cast %mul3A_1851 : vector<16xf32> to vector<1x16xf32>
        tpu.vector_store %arg11[%swap3A_1852, %swap3A_1853], %swap3A_1856 {strides = array<i32>} : memref<80x128xf32, #tpu.memory_space<vmem>>, vector<1x16xf32>,
        %scan3A_1857 = arith.constant 0 : i32
        scf.yield %scan3A_1857 : i32
      }
      %scan3A_60 = arith.constant 5 : i32
      "tpu.region"() ({
        %run_scoped3A = tpu.sem_alloc : memref<!tpu.dma_semaphore, #tpu.memory_space<semaphore_mem>>
        %dma_start3A_62 = arith.constant 0 : i32
        %dma_start3A_63 = tpu.memref_slice %arg9[%scan3A_36, %dma_start3A_62] : memref<125x80xi32, #tpu.memory_space<vmem>> -> memref<1x80xi32, #tpu.memory_space<vmem>>
        %dma_start3A_64 = tpu.memref_squeeze %dma_start3A_63 : memref<1x80xi32, #tpu.memory_space<vmem>> -> memref<80xi32, #tpu.memory_space<vmem>>
        %dma_start3A_65 = arith.constant 0 : i32
        %dma_start3A_66 = arith.constant 0 : i32
        %dma_start3A_67 = tpu.memref_slice %arg12[%dma_start3A_65, %dma_start3A_66] : memref<10240x128xf32, #tpu.memory_space<vmem_shared>> -> memref<10240x128xf32, #tpu.memory_space<vmem_shared>>
        tpu.enqueue_indirect_dma source(%arg11 : memref<80x128xf32, #tpu.memory_space<vmem>>) target(%dma_start3A_67 : memref<10240x128xf32, #tpu.memory_space<vmem_shared>>) offsets(%dma_start3A_64 : memref<80xi32, #tpu.memory_space<vmem>>) semaphore(%run_scoped3A : memref<!tpu.dma_semaphore, #tpu.memory_space<semaphore_mem>>) {add = true}
        %dma_wait3A_68 = arith.constant 0 : i32
        %dma_wait3A_69 = tpu.memref_slice %arg9[%scan3A_36, %dma_wait3A_68] : memref<125x80xi32, #tpu.memory_space<vmem>> -> memref<1x80xi32, #tpu.memory_space<vmem>>
        %dma_wait3A_70 = tpu.memref_squeeze %dma_wait3A_69 : memref<1x80xi32, #tpu.memory_space<vmem>> -> memref<80xi32, #tpu.memory_space<vmem>>
        %dma_wait3A_71 = arith.constant 0 : i32
        %dma_wait3A_72 = arith.constant 0 : i32
        %dma_wait3A_73 = tpu.memref_slice %arg12[%dma_wait3A_71, %dma_wait3A_72] : memref<10240x128xf32, #tpu.memory_space<vmem_shared>> -> memref<10240x128xf32, #tpu.memory_space<vmem_shared>>
        tpu.wait_indirect_dma semaphore(%run_scoped3A : memref<!tpu.dma_semaphore, #tpu.memory_space<semaphore_mem>>) src(%arg11 : memref<80x128xf32, #tpu.memory_space<vmem>>) dst(%dma_wait3A_73 : memref<10240x128xf32, #tpu.memory_space<vmem_shared>>)
        tpu.yield
      }) : () -> ()
      %scan3A_61 = arith.constant 0 : i32
      scf.yield %scan3A_61 : i32
    }
    %scan3A_34 = arith.constant 125 : i32
    %barrier3A_35 = arith.constant 0 : index
    tpu.barrier barrier_id(%barrier3A_35)
    "tpu.region"() ({
      %run_scoped3A = tpu.sem_alloc : memref<!tpu.dma_semaphore, #tpu.memory_space<semaphore_mem>>
      %dma_start3A = arith.constant 0 : i32
      %dma_start3A_36 = arith.constant 0 : i32
      %dma_start3A_37 = tpu.memref_slice %arg7[%arg0, %dma_start3A, %dma_start3A_36] : memref<2x10240x128xf32, #tpu.memory_space<hbm>> -> memref<1x10240x128xf32, #tpu.memory_space<hbm>>
      %dma_start3A_38 = tpu.memref_squeeze %dma_start3A_37 : memref<1x10240x128xf32, #tpu.memory_space<hbm>> -> memref<10240x128xf32, #tpu.memory_space<hbm>>
      %dma_start3A_39 = arith.constant 0 : i32
      %dma_start3A_40 = tpu.memref_slice %dma_start3A_38[%mul3A_9, %dma_start3A_39] : memref<10240x128xf32, #tpu.memory_space<hbm>> -> memref<640x128xf32, #tpu.memory_space<hbm>>
      %dma_start3A_41 = arith.constant 0 : i32
      %dma_start3A_42 = tpu.memref_slice %arg12[%mul3A_9, %dma_start3A_41] : memref<10240x128xf32, #tpu.memory_space<vmem_shared>> -> memref<640x128xf32, #tpu.memory_space<vmem_shared>>
      tpu.enqueue_dma source(%dma_start3A_42 : memref<640x128xf32, #tpu.memory_space<vmem_shared>>) target(%dma_start3A_40 : memref<640x128xf32, #tpu.memory_space<hbm>>) target_semaphore(%run_scoped3A : memref<!tpu.dma_semaphore, #tpu.memory_space<semaphore_mem>>)
      %dma_wait3A = arith.constant 0 : i32
      %dma_wait3A_43 = arith.constant 0 : i32
      %dma_wait3A_44 = tpu.memref_slice %arg7[%arg0, %dma_wait3A, %dma_wait3A_43] : memref<2x10240x128xf32, #tpu.memory_space<hbm>> -> memref<1x10240x128xf32, #tpu.memory_space<hbm>>
      %dma_wait3A_45 = tpu.memref_squeeze %dma_wait3A_44 : memref<1x10240x128xf32, #tpu.memory_space<hbm>> -> memref<10240x128xf32, #tpu.memory_space<hbm>>
      %dma_wait3A_46 = arith.constant 0 : i32
      %dma_wait3A_47 = tpu.memref_slice %dma_wait3A_45[%mul3A_9, %dma_wait3A_46] : memref<10240x128xf32, #tpu.memory_space<hbm>> -> memref<640x128xf32, #tpu.memory_space<hbm>>
      %dma_wait3A_48 = arith.constant 0 : i32
      %dma_wait3A_49 = tpu.memref_slice %arg12[%mul3A_9, %dma_wait3A_48] : memref<10240x128xf32, #tpu.memory_space<vmem_shared>> -> memref<640x128xf32, #tpu.memory_space<vmem_shared>>
      tpu.wait_dma2 semaphore(%run_scoped3A : memref<!tpu.dma_semaphore, #tpu.memory_space<semaphore_mem>>) src(%dma_wait3A_49 : memref<640x128xf32, #tpu.memory_space<vmem_shared>>) dst(%dma_wait3A_47 : memref<640x128xf32, #tpu.memory_space<hbm>>)
      tpu.yield
    }) : () -> ()
    return
  }
}

#map = affine_map<(d0, d1) -> (0, 0)>
#map1 = affine_map<(d0, d1) -> (0, 0, 0)>
module attributes {stable_mosaic.version = 14 : i64} {
  func.func @body(%arg0: i32, %arg1: i32, %arg2: memref<320000x128xf32, #tpu.memory_space<hbm>>, %arg3: memref<10000x128xf32, #tpu.memory_space<hbm>>, %arg4: memref<32x125x80xi32, #tpu.memory_space<hbm>>, %arg5: memref<32x125x80xi32, #tpu.memory_space<hbm>>, %arg6: memref<2x10240x128xf32, #tpu.memory_space<hbm>>, %arg7: memref<125x80xi32, #tpu.memory_space<vmem>>, %arg8: memref<125x80xi32, #tpu.memory_space<vmem>>, %arg9: memref<80x128xf32, #tpu.memory_space<vmem>>, %arg10: memref<10240x128xf32, #tpu.memory_space<vmem_shared>>, %arg11: memref<!tpu.dma_semaphore, #tpu.memory_space<semaphore_mem>>) attributes {dimension_semantics = [#tpu.dimension_semantics<core_parallel>, #tpu.dimension_semantics<subcore_parallel>], iteration_bounds = array<i64: 2, 16>, scalar_prefetch = 0 : i64, scratch_operands = 5 : i64, tpu.core_type = #tpu.core_type<sc_vector_subcore>, window_params = [{transform_indices = #map}, {transform_indices = #map}, {transform_indices = #map1}, {transform_indices = #map1}, {transform_indices = #map1}]} {
    %mul3A = arith.constant 16 : i32
    %mul3A_0 = arith.muli %arg0, %mul3A : i32
    %add3A = arith.addi %mul3A_0, %arg1 : i32
    "tpu.region"() ({
      %run_scoped3A = tpu.sem_alloc : memref<!tpu.dma_semaphore, #tpu.memory_space<semaphore_mem>>
      %dma_start3A = arith.constant 0 : i32
      %dma_start3A_36 = arith.constant 0 : i32
      %dma_start3A_37 = tpu.memref_slice %arg4[%add3A, %dma_start3A, %dma_start3A_36] : memref<32x125x80xi32, #tpu.memory_space<hbm>> -> memref<1x125x80xi32, #tpu.memory_space<hbm>>
      %dma_start3A_38 = tpu.memref_squeeze %dma_start3A_37 : memref<1x125x80xi32, #tpu.memory_space<hbm>> -> memref<125x80xi32, #tpu.memory_space<hbm>>
      %dma_start3A_39 = arith.constant 0 : i32
      %dma_start3A_40 = arith.constant 0 : i32
      %dma_start3A_41 = tpu.memref_slice %arg4[%add3A, %dma_start3A_39, %dma_start3A_40] : memref<32x125x80xi32, #tpu.memory_space<hbm>> -> memref<1x125x80xi32, #tpu.memory_space<hbm>>
      %dma_start3A_42 = tpu.memref_squeeze %dma_start3A_41 : memref<1x125x80xi32, #tpu.memory_space<hbm>> -> memref<125x80xi32, #tpu.memory_space<hbm>>
      tpu.enqueue_dma source(%dma_start3A_42 : memref<125x80xi32, #tpu.memory_space<hbm>>) target(%arg7 : memref<125x80xi32, #tpu.memory_space<vmem>>) target_semaphore(%run_scoped3A : memref<!tpu.dma_semaphore, #tpu.memory_space<semaphore_mem>>)
      %dma_wait3A = arith.constant 0 : i32
      %dma_wait3A_43 = arith.constant 0 : i32
      %dma_wait3A_44 = tpu.memref_slice %arg4[%add3A, %dma_wait3A, %dma_wait3A_43] : memref<32x125x80xi32, #tpu.memory_space<hbm>> -> memref<1x125x80xi32, #tpu.memory_space<hbm>>
      %dma_wait3A_45 = tpu.memref_squeeze %dma_wait3A_44 : memref<1x125x80xi32, #tpu.memory_space<hbm>> -> memref<125x80xi32, #tpu.memory_space<hbm>>
      %dma_wait3A_46 = arith.constant 0 : i32
      %dma_wait3A_47 = arith.constant 0 : i32
      %dma_wait3A_48 = tpu.memref_slice %arg4[%add3A, %dma_wait3A_46, %dma_wait3A_47] : memref<32x125x80xi32, #tpu.memory_space<hbm>> -> memref<1x125x80xi32, #tpu.memory_space<hbm>>
      %dma_wait3A_49 = tpu.memref_squeeze %dma_wait3A_48 : memref<1x125x80xi32, #tpu.memory_space<hbm>> -> memref<125x80xi32, #tpu.memory_space<hbm>>
      tpu.wait_dma2 semaphore(%run_scoped3A : memref<!tpu.dma_semaphore, #tpu.memory_space<semaphore_mem>>) src(%dma_wait3A_49 : memref<125x80xi32, #tpu.memory_space<hbm>>) dst(%arg7 : memref<125x80xi32, #tpu.memory_space<vmem>>)
      tpu.yield
    }) : () -> ()
    "tpu.region"() ({
      %run_scoped3A = tpu.sem_alloc : memref<!tpu.dma_semaphore, #tpu.memory_space<semaphore_mem>>
      %dma_start3A = arith.constant 0 : i32
      %dma_start3A_36 = arith.constant 0 : i32
      %dma_start3A_37 = tpu.memref_slice %arg5[%add3A, %dma_start3A, %dma_start3A_36] : memref<32x125x80xi32, #tpu.memory_space<hbm>> -> memref<1x125x80xi32, #tpu.memory_space<hbm>>
      %dma_start3A_38 = tpu.memref_squeeze %dma_start3A_37 : memref<1x125x80xi32, #tpu.memory_space<hbm>> -> memref<125x80xi32, #tpu.memory_space<hbm>>
      %dma_start3A_39 = arith.constant 0 : i32
      %dma_start3A_40 = arith.constant 0 : i32
      %dma_start3A_41 = tpu.memref_slice %arg5[%add3A, %dma_start3A_39, %dma_start3A_40] : memref<32x125x80xi32, #tpu.memory_space<hbm>> -> memref<1x125x80xi32, #tpu.memory_space<hbm>>
      %dma_start3A_42 = tpu.memref_squeeze %dma_start3A_41 : memref<1x125x80xi32, #tpu.memory_space<hbm>> -> memref<125x80xi32, #tpu.memory_space<hbm>>
      tpu.enqueue_dma source(%dma_start3A_42 : memref<125x80xi32, #tpu.memory_space<hbm>>) target(%arg8 : memref<125x80xi32, #tpu.memory_space<vmem>>) target_semaphore(%run_scoped3A : memref<!tpu.dma_semaphore, #tpu.memory_space<semaphore_mem>>)
      %dma_wait3A = arith.constant 0 : i32
      %dma_wait3A_43 = arith.constant 0 : i32
      %dma_wait3A_44 = tpu.memref_slice %arg5[%add3A, %dma_wait3A, %dma_wait3A_43] : memref<32x125x80xi32, #tpu.memory_space<hbm>> -> memref<1x125x80xi32, #tpu.memory_space<hbm>>
      %dma_wait3A_45 = tpu.memref_squeeze %dma_wait3A_44 : memref<1x125x80xi32, #tpu.memory_space<hbm>> -> memref<125x80xi32, #tpu.memory_space<hbm>>
      %dma_wait3A_46 = arith.constant 0 : i32
      %dma_wait3A_47 = arith.constant 0 : i32
      %dma_wait3A_48 = tpu.memref_slice %arg5[%add3A, %dma_wait3A_46, %dma_wait3A_47] : memref<32x125x80xi32, #tpu.memory_space<hbm>> -> memref<1x125x80xi32, #tpu.memory_space<hbm>>
      %dma_wait3A_49 = tpu.memref_squeeze %dma_wait3A_48 : memref<1x125x80xi32, #tpu.memory_space<hbm>> -> memref<125x80xi32, #tpu.memory_space<hbm>>
      tpu.wait_dma2 semaphore(%run_scoped3A : memref<!tpu.dma_semaphore, #tpu.memory_space<semaphore_mem>>) src(%dma_wait3A_49 : memref<125x80xi32, #tpu.memory_space<hbm>>) dst(%arg8 : memref<125x80xi32, #tpu.memory_space<vmem>>)
      tpu.yield
    }) : () -> ()
    %broadcast_in_dim3A = arith.constant 0.000000e+00 : f32
    %broadcast_in_dim3A_1 = vector.broadcast %broadcast_in_dim3A : f32 to vector<16xf32>
    %scan3A = arith.constant 0 : i32
    %scan3A_2 = arith.constant 0 : i32
    %scan3A_3 = arith.constant 80 : i32
    %scan3A_4 = arith.addi %scan3A_2, %scan3A_3 : i32
    %scan3A_5 = arith.constant 1 : i32
    %scan3A_6 = scf.for %scan3A_36 = %scan3A_2 to %scan3A_4 step %scan3A_5 iter_args(%scan3A_37 = %scan3A) -> (i32)  : i32 {
      %swap3A = arith.index_cast %scan3A_36 : i32 to index
      %swap3A_38 = arith.constant 0 : index
      %swap3A_39 = tpu.vector_load %arg9[%swap3A, %swap3A_38] {strides = array<i32>} : memref<80x128xf32, #tpu.memory_space<vmem>>, vector<1x16xf32>,
      %swap3A_40 = vector.shape_cast %swap3A_39 : vector<1x16xf32> to vector<16xf32>
      %swap3A_41 = vector.shape_cast %broadcast_in_dim3A_1 : vector<16xf32> to vector<1x16xf32>
      tpu.vector_store %arg9[%swap3A, %swap3A_38], %swap3A_41 {strides = array<i32>} : memref<80x128xf32, #tpu.memory_space<vmem>>, vector<1x16xf32>,
      %swap3A_42 = arith.index_cast %scan3A_36 : i32 to index
      %swap3A_43 = arith.constant 16 : index
      %swap3A_44 = tpu.vector_load %arg9[%swap3A_42, %swap3A_43] {strides = array<i32>} : memref<80x128xf32, #tpu.memory_space<vmem>>, vector<1x16xf32>,
      %swap3A_45 = vector.shape_cast %swap3A_44 : vector<1x16xf32> to vector<16xf32>
      %swap3A_46 = vector.shape_cast %broadcast_in_dim3A_1 : vector<16xf32> to vector<1x16xf32>
      tpu.vector_store %arg9[%swap3A_42, %swap3A_43], %swap3A_46 {strides = array<i32>} : memref<80x128xf32, #tpu.memory_space<vmem>>, vector<1x16xf32>,
      %swap3A_47 = arith.index_cast %scan3A_36 : i32 to index
      %swap3A_48 = arith.constant 32 : index
      %swap3A_49 = tpu.vector_load %arg9[%swap3A_47, %swap3A_48] {strides = array<i32>} : memref<80x128xf32, #tpu.memory_space<vmem>>, vector<1x16xf32>,
      %swap3A_50 = vector.shape_cast %swap3A_49 : vector<1x16xf32> to vector<16xf32>
      %swap3A_51 = vector.shape_cast %broadcast_in_dim3A_1 : vector<16xf32> to vector<1x16xf32>
      tpu.vector_store %arg9[%swap3A_47, %swap3A_48], %swap3A_51 {strides = array<i32>} : memref<80x128xf32, #tpu.memory_space<vmem>>, vector<1x16xf32>,
      %swap3A_52 = arith.index_cast %scan3A_36 : i32 to index
      %swap3A_53 = arith.constant 48 : index
      %swap3A_54 = tpu.vector_load %arg9[%swap3A_52, %swap3A_53] {strides = array<i32>} : memref<80x128xf32, #tpu.memory_space<vmem>>, vector<1x16xf32>,
      %swap3A_55 = vector.shape_cast %swap3A_54 : vector<1x16xf32> to vector<16xf32>
      %swap3A_56 = vector.shape_cast %broadcast_in_dim3A_1 : vector<16xf32> to vector<1x16xf32>
      tpu.vector_store %arg9[%swap3A_52, %swap3A_53], %swap3A_56 {strides = array<i32>} : memref<80x128xf32, #tpu.memory_space<vmem>>, vector<1x16xf32>,
      %swap3A_57 = arith.index_cast %scan3A_36 : i32 to index
      %swap3A_58 = arith.constant 64 : index
      %swap3A_59 = tpu.vector_load %arg9[%swap3A_57, %swap3A_58] {strides = array<i32>} : memref<80x128xf32, #tpu.memory_space<vmem>>, vector<1x16xf32>,
      %swap3A_60 = vector.shape_cast %swap3A_59 : vector<1x16xf32> to vector<16xf32>
      %swap3A_61 = vector.shape_cast %broadcast_in_dim3A_1 : vector<16xf32> to vector<1x16xf32>
      tpu.vector_store %arg9[%swap3A_57, %swap3A_58], %swap3A_61 {strides = array<i32>} : memref<80x128xf32, #tpu.memory_space<vmem>>, vector<1x16xf32>,
      %swap3A_62 = arith.index_cast %scan3A_36 : i32 to index
      %swap3A_63 = arith.constant 80 : index
      %swap3A_64 = tpu.vector_load %arg9[%swap3A_62, %swap3A_63] {strides = array<i32>} : memref<80x128xf32, #tpu.memory_space<vmem>>, vector<1x16xf32>,
      %swap3A_65 = vector.shape_cast %swap3A_64 : vector<1x16xf32> to vector<16xf32>
      %swap3A_66 = vector.shape_cast %broadcast_in_dim3A_1 : vector<16xf32> to vector<1x16xf32>
      tpu.vector_store %arg9[%swap3A_62, %swap3A_63], %swap3A_66 {strides = array<i32>} : memref<80x128xf32, #tpu.memory_space<vmem>>, vector<1x16xf32>,
      %swap3A_67 = arith.index_cast %scan3A_36 : i32 to index
      %swap3A_68 = arith.constant 96 : index
      %swap3A_69 = tpu.vector_load %arg9[%swap3A_67, %swap3A_68] {strides = array<i32>} : memref<80x128xf32, #tpu.memory_space<vmem>>, vector<1x16xf32>,
      %swap3A_70 = vector.shape_cast %swap3A_69 : vector<1x16xf32> to vector<16xf32>
      %swap3A_71 = vector.shape_cast %broadcast_in_dim3A_1 : vector<16xf32> to vector<1x16xf32>
      tpu.vector_store %arg9[%swap3A_67, %swap3A_68], %swap3A_71 {strides = array<i32>} : memref<80x128xf32, #tpu.memory_space<vmem>>, vector<1x16xf32>,
      %swap3A_72 = arith.index_cast %scan3A_36 : i32 to index
      %swap3A_73 = arith.constant 112 : index
      %swap3A_74 = tpu.vector_load %arg9[%swap3A_72, %swap3A_73] {strides = array<i32>} : memref<80x128xf32, #tpu.memory_space<vmem>>, vector<1x16xf32>,
      %swap3A_75 = vector.shape_cast %swap3A_74 : vector<1x16xf32> to vector<16xf32>
      %swap3A_76 = vector.shape_cast %broadcast_in_dim3A_1 : vector<16xf32> to vector<1x16xf32>
      tpu.vector_store %arg9[%swap3A_72, %swap3A_73], %swap3A_76 {strides = array<i32>} : memref<80x128xf32, #tpu.memory_space<vmem>>, vector<1x16xf32>,
      %scan3A_77 = arith.constant 0 : i32
      scf.yield %scan3A_77 : i32
    }
    %scan3A_7 = arith.constant 80 : i32
    %mul3A_8 = arith.constant 640 : i32
    %mul3A_9 = arith.muli %arg1, %mul3A_8 : i32
    %add3A_10 = arith.constant 0 : i32
    %add3A_11 = arith.addi %mul3A_9, %add3A_10 : i32
    "tpu.region"() ({
      %run_scoped3A = tpu.sem_alloc : memref<!tpu.dma_semaphore, #tpu.memory_space<semaphore_mem>>
      %dma_start3A = arith.constant 0 : i32
      %dma_start3A_36 = tpu.memref_slice %arg10[%add3A_11, %dma_start3A] : memref<10240x128xf32, #tpu.memory_space<vmem_shared>> -> memref<80x128xf32, #tpu.memory_space<vmem_shared>>
      %dma_start3A_37 = arith.constant 0 : i32
      %dma_start3A_38 = tpu.memref_slice %arg10[%add3A_11, %dma_start3A_37] : memref<10240x128xf32, #tpu.memory_space<vmem_shared>> -> memref<80x128xf32, #tpu.memory_space<vmem_shared>>
      tpu.enqueue_dma source(%arg9 : memref<80x128xf32, #tpu.memory_space<vmem>>) target(%dma_start3A_38 : memref<80x128xf32, #tpu.memory_space<vmem_shared>>) target_semaphore(%run_scoped3A : memref<!tpu.dma_semaphore, #tpu.memory_space<semaphore_mem>>)
      %dma_wait3A = arith.constant 0 : i32
      %dma_wait3A_39 = tpu.memref_slice %arg10[%add3A_11, %dma_wait3A] : memref<10240x128xf32, #tpu.memory_space<vmem_shared>> -> memref<80x128xf32, #tpu.memory_space<vmem_shared>>
      %dma_wait3A_40 = arith.constant 0 : i32
      %dma_wait3A_41 = tpu.memref_slice %arg10[%add3A_11, %dma_wait3A_40] : memref<10240x128xf32, #tpu.memory_space<vmem_shared>> -> memref<80x128xf32, #tpu.memory_space<vmem_shared>>
      tpu.wait_dma2 semaphore(%run_scoped3A : memref<!tpu.dma_semaphore, #tpu.memory_space<semaphore_mem>>) src(%arg9 : memref<80x128xf32, #tpu.memory_space<vmem>>) dst(%dma_wait3A_41 : memref<80x128xf32, #tpu.memory_space<vmem_shared>>)
      tpu.yield
    }) : () -> ()
    %add3A_12 = arith.constant 80 : i32
    %add3A_13 = arith.addi %mul3A_9, %add3A_12 : i32
    "tpu.region"() ({
      %run_scoped3A = tpu.sem_alloc : memref<!tpu.dma_semaphore, #tpu.memory_space<semaphore_mem>>
      %dma_start3A = arith.constant 0 : i32
      %dma_start3A_36 = tpu.memref_slice %arg10[%add3A_13, %dma_start3A] : memref<10240x128xf32, #tpu.memory_space<vmem_shared>> -> memref<80x128xf32, #tpu.memory_space<vmem_shared>>
      %dma_start3A_37 = arith.constant 0 : i32
      %dma_start3A_38 = tpu.memref_slice %arg10[%add3A_13, %dma_start3A_37] : memref<10240x128xf32, #tpu.memory_space<vmem_shared>> -> memref<80x128xf32, #tpu.memory_space<vmem_shared>>
      tpu.enqueue_dma source(%arg9 : memref<80x128xf32, #tpu.memory_space<vmem>>) target(%dma_start3A_38 : memref<80x128xf32, #tpu.memory_space<vmem_shared>>) target_semaphore(%run_scoped3A : memref<!tpu.dma_semaphore, #tpu.memory_space<semaphore_mem>>)
      %dma_wait3A = arith.constant 0 : i32
      %dma_wait3A_39 = tpu.memref_slice %arg10[%add3A_13, %dma_wait3A] : memref<10240x128xf32, #tpu.memory_space<vmem_shared>> -> memref<80x128xf32, #tpu.memory_space<vmem_shared>>
      %dma_wait3A_40 = arith.constant 0 : i32
      %dma_wait3A_41 = tpu.memref_slice %arg10[%add3A_13, %dma_wait3A_40] : memref<10240x128xf32, #tpu.memory_space<vmem_shared>> -> memref<80x128xf32, #tpu.memory_space<vmem_shared>>
      tpu.wait_dma2 semaphore(%run_scoped3A : memref<!tpu.dma_semaphore, #tpu.memory_space<semaphore_mem>>) src(%arg9 : memref<80x128xf32, #tpu.memory_space<vmem>>) dst(%dma_wait3A_41 : memref<80x128xf32, #tpu.memory_space<vmem_shared>>)
      tpu.yield
    }) : () -> ()
    %add3A_14 = arith.constant 160 : i32
    %add3A_15 = arith.addi %mul3A_9, %add3A_14 : i32
    "tpu.region"() ({
      %run_scoped3A = tpu.sem_alloc : memref<!tpu.dma_semaphore, #tpu.memory_space<semaphore_mem>>
      %dma_start3A = arith.constant 0 : i32
      %dma_start3A_36 = tpu.memref_slice %arg10[%add3A_15, %dma_start3A] : memref<10240x128xf32, #tpu.memory_space<vmem_shared>> -> memref<80x128xf32, #tpu.memory_space<vmem_shared>>
      %dma_start3A_37 = arith.constant 0 : i32
      %dma_start3A_38 = tpu.memref_slice %arg10[%add3A_15, %dma_start3A_37] : memref<10240x128xf32, #tpu.memory_space<vmem_shared>> -> memref<80x128xf32, #tpu.memory_space<vmem_shared>>
      tpu.enqueue_dma source(%arg9 : memref<80x128xf32, #tpu.memory_space<vmem>>) target(%dma_start3A_38 : memref<80x128xf32, #tpu.memory_space<vmem_shared>>) target_semaphore(%run_scoped3A : memref<!tpu.dma_semaphore, #tpu.memory_space<semaphore_mem>>)
      %dma_wait3A = arith.constant 0 : i32
      %dma_wait3A_39 = tpu.memref_slice %arg10[%add3A_15, %dma_wait3A] : memref<10240x128xf32, #tpu.memory_space<vmem_shared>> -> memref<80x128xf32, #tpu.memory_space<vmem_shared>>
      %dma_wait3A_40 = arith.constant 0 : i32
      %dma_wait3A_41 = tpu.memref_slice %arg10[%add3A_15, %dma_wait3A_40] : memref<10240x128xf32, #tpu.memory_space<vmem_shared>> -> memref<80x128xf32, #tpu.memory_space<vmem_shared>>
      tpu.wait_dma2 semaphore(%run_scoped3A : memref<!tpu.dma_semaphore, #tpu.memory_space<semaphore_mem>>) src(%arg9 : memref<80x128xf32, #tpu.memory_space<vmem>>) dst(%dma_wait3A_41 : memref<80x128xf32, #tpu.memory_space<vmem_shared>>)
      tpu.yield
    }) : () -> ()
    %add3A_16 = arith.constant 240 : i32
    %add3A_17 = arith.addi %mul3A_9, %add3A_16 : i32
    "tpu.region"() ({
      %run_scoped3A = tpu.sem_alloc : memref<!tpu.dma_semaphore, #tpu.memory_space<semaphore_mem>>
      %dma_start3A = arith.constant 0 : i32
      %dma_start3A_36 = tpu.memref_slice %arg10[%add3A_17, %dma_start3A] : memref<10240x128xf32, #tpu.memory_space<vmem_shared>> -> memref<80x128xf32, #tpu.memory_space<vmem_shared>>
      %dma_start3A_37 = arith.constant 0 : i32
      %dma_start3A_38 = tpu.memref_slice %arg10[%add3A_17, %dma_start3A_37] : memref<10240x128xf32, #tpu.memory_space<vmem_shared>> -> memref<80x128xf32, #tpu.memory_space<vmem_shared>>
      tpu.enqueue_dma source(%arg9 : memref<80x128xf32, #tpu.memory_space<vmem>>) target(%dma_start3A_38 : memref<80x128xf32, #tpu.memory_space<vmem_shared>>) target_semaphore(%run_scoped3A : memref<!tpu.dma_semaphore, #tpu.memory_space<semaphore_mem>>)
      %dma_wait3A = arith.constant 0 : i32
      %dma_wait3A_39 = tpu.memref_slice %arg10[%add3A_17, %dma_wait3A] : memref<10240x128xf32, #tpu.memory_space<vmem_shared>> -> memref<80x128xf32, #tpu.memory_space<vmem_shared>>
      %dma_wait3A_40 = arith.constant 0 : i32
      %dma_wait3A_41 = tpu.memref_slice %arg10[%add3A_17, %dma_wait3A_40] : memref<10240x128xf32, #tpu.memory_space<vmem_shared>> -> memref<80x128xf32, #tpu.memory_space<vmem_shared>>
      tpu.wait_dma2 semaphore(%run_scoped3A : memref<!tpu.dma_semaphore, #tpu.memory_space<semaphore_mem>>) src(%arg9 : memref<80x128xf32, #tpu.memory_space<vmem>>) dst(%dma_wait3A_41 : memref<80x128xf32, #tpu.memory_space<vmem_shared>>)
      tpu.yield
    }) : () -> ()
    %add3A_18 = arith.constant 320 : i32
    %add3A_19 = arith.addi %mul3A_9, %add3A_18 : i32
    "tpu.region"() ({
      %run_scoped3A = tpu.sem_alloc : memref<!tpu.dma_semaphore, #tpu.memory_space<semaphore_mem>>
      %dma_start3A = arith.constant 0 : i32
      %dma_start3A_36 = tpu.memref_slice %arg10[%add3A_19, %dma_start3A] : memref<10240x128xf32, #tpu.memory_space<vmem_shared>> -> memref<80x128xf32, #tpu.memory_space<vmem_shared>>
      %dma_start3A_37 = arith.constant 0 : i32
      %dma_start3A_38 = tpu.memref_slice %arg10[%add3A_19, %dma_start3A_37] : memref<10240x128xf32, #tpu.memory_space<vmem_shared>> -> memref<80x128xf32, #tpu.memory_space<vmem_shared>>
      tpu.enqueue_dma source(%arg9 : memref<80x128xf32, #tpu.memory_space<vmem>>) target(%dma_start3A_38 : memref<80x128xf32, #tpu.memory_space<vmem_shared>>) target_semaphore(%run_scoped3A : memref<!tpu.dma_semaphore, #tpu.memory_space<semaphore_mem>>)
      %dma_wait3A = arith.constant 0 : i32
      %dma_wait3A_39 = tpu.memref_slice %arg10[%add3A_19, %dma_wait3A] : memref<10240x128xf32, #tpu.memory_space<vmem_shared>> -> memref<80x128xf32, #tpu.memory_space<vmem_shared>>
      %dma_wait3A_40 = arith.constant 0 : i32
      %dma_wait3A_41 = tpu.memref_slice %arg10[%add3A_19, %dma_wait3A_40] : memref<10240x128xf32, #tpu.memory_space<vmem_shared>> -> memref<80x128xf32, #tpu.memory_space<vmem_shared>>
      tpu.wait_dma2 semaphore(%run_scoped3A : memref<!tpu.dma_semaphore, #tpu.memory_space<semaphore_mem>>) src(%arg9 : memref<80x128xf32, #tpu.memory_space<vmem>>) dst(%dma_wait3A_41 : memref<80x128xf32, #tpu.memory_space<vmem_shared>>)
      tpu.yield
    }) : () -> ()
    %add3A_20 = arith.constant 400 : i32
    %add3A_21 = arith.addi %mul3A_9, %add3A_20 : i32
    "tpu.region"() ({
      %run_scoped3A = tpu.sem_alloc : memref<!tpu.dma_semaphore, #tpu.memory_space<semaphore_mem>>
      %dma_start3A = arith.constant 0 : i32
      %dma_start3A_36 = tpu.memref_slice %arg10[%add3A_21, %dma_start3A] : memref<10240x128xf32, #tpu.memory_space<vmem_shared>> -> memref<80x128xf32, #tpu.memory_space<vmem_shared>>
      %dma_start3A_37 = arith.constant 0 : i32
      %dma_start3A_38 = tpu.memref_slice %arg10[%add3A_21, %dma_start3A_37] : memref<10240x128xf32, #tpu.memory_space<vmem_shared>> -> memref<80x128xf32, #tpu.memory_space<vmem_shared>>
      tpu.enqueue_dma source(%arg9 : memref<80x128xf32, #tpu.memory_space<vmem>>) target(%dma_start3A_38 : memref<80x128xf32, #tpu.memory_space<vmem_shared>>) target_semaphore(%run_scoped3A : memref<!tpu.dma_semaphore, #tpu.memory_space<semaphore_mem>>)
      %dma_wait3A = arith.constant 0 : i32
      %dma_wait3A_39 = tpu.memref_slice %arg10[%add3A_21, %dma_wait3A] : memref<10240x128xf32, #tpu.memory_space<vmem_shared>> -> memref<80x128xf32, #tpu.memory_space<vmem_shared>>
      %dma_wait3A_40 = arith.constant 0 : i32
      %dma_wait3A_41 = tpu.memref_slice %arg10[%add3A_21, %dma_wait3A_40] : memref<10240x128xf32, #tpu.memory_space<vmem_shared>> -> memref<80x128xf32, #tpu.memory_space<vmem_shared>>
      tpu.wait_dma2 semaphore(%run_scoped3A : memref<!tpu.dma_semaphore, #tpu.memory_space<semaphore_mem>>) src(%arg9 : memref<80x128xf32, #tpu.memory_space<vmem>>) dst(%dma_wait3A_41 : memref<80x128xf32, #tpu.memory_space<vmem_shared>>)
      tpu.yield
    }) : () -> ()
    %add3A_22 = arith.constant 480 : i32
    %add3A_23 = arith.addi %mul3A_9, %add3A_22 : i32
    "tpu.region"() ({
      %run_scoped3A = tpu.sem_alloc : memref<!tpu.dma_semaphore, #tpu.memory_space<semaphore_mem>>
      %dma_start3A = arith.constant 0 : i32
      %dma_start3A_36 = tpu.memref_slice %arg10[%add3A_23, %dma_start3A] : memref<10240x128xf32, #tpu.memory_space<vmem_shared>> -> memref<80x128xf32, #tpu.memory_space<vmem_shared>>
      %dma_start3A_37 = arith.constant 0 : i32
      %dma_start3A_38 = tpu.memref_slice %arg10[%add3A_23, %dma_start3A_37] : memref<10240x128xf32, #tpu.memory_space<vmem_shared>> -> memref<80x128xf32, #tpu.memory_space<vmem_shared>>
      tpu.enqueue_dma source(%arg9 : memref<80x128xf32, #tpu.memory_space<vmem>>) target(%dma_start3A_38 : memref<80x128xf32, #tpu.memory_space<vmem_shared>>) target_semaphore(%run_scoped3A : memref<!tpu.dma_semaphore, #tpu.memory_space<semaphore_mem>>)
      %dma_wait3A = arith.constant 0 : i32
      %dma_wait3A_39 = tpu.memref_slice %arg10[%add3A_23, %dma_wait3A] : memref<10240x128xf32, #tpu.memory_space<vmem_shared>> -> memref<80x128xf32, #tpu.memory_space<vmem_shared>>
      %dma_wait3A_40 = arith.constant 0 : i32
      %dma_wait3A_41 = tpu.memref_slice %arg10[%add3A_23, %dma_wait3A_40] : memref<10240x128xf32, #tpu.memory_space<vmem_shared>> -> memref<80x128xf32, #tpu.memory_space<vmem_shared>>
      tpu.wait_dma2 semaphore(%run_scoped3A : memref<!tpu.dma_semaphore, #tpu.memory_space<semaphore_mem>>) src(%arg9 : memref<80x128xf32, #tpu.memory_space<vmem>>) dst(%dma_wait3A_41 : memref<80x128xf32, #tpu.memory_space<vmem_shared>>)
      tpu.yield
    }) : () -> ()
    %add3A_24 = arith.constant 560 : i32
    %add3A_25 = arith.addi %mul3A_9, %add3A_24 : i32
    "tpu.region"() ({
      %run_scoped3A = tpu.sem_alloc : memref<!tpu.dma_semaphore, #tpu.memory_space<semaphore_mem>>
      %dma_start3A = arith.constant 0 : i32
      %dma_start3A_36 = tpu.memref_slice %arg10[%add3A_25, %dma_start3A] : memref<10240x128xf32, #tpu.memory_space<vmem_shared>> -> memref<80x128xf32, #tpu.memory_space<vmem_shared>>
      %dma_start3A_37 = arith.constant 0 : i32
      %dma_start3A_38 = tpu.memref_slice %arg10[%add3A_25, %dma_start3A_37] : memref<10240x128xf32, #tpu.memory_space<vmem_shared>> -> memref<80x128xf32, #tpu.memory_space<vmem_shared>>
      tpu.enqueue_dma source(%arg9 : memref<80x128xf32, #tpu.memory_space<vmem>>) target(%dma_start3A_38 : memref<80x128xf32, #tpu.memory_space<vmem_shared>>) target_semaphore(%run_scoped3A : memref<!tpu.dma_semaphore, #tpu.memory_space<semaphore_mem>>)
      %dma_wait3A = arith.constant 0 : i32
      %dma_wait3A_39 = tpu.memref_slice %arg10[%add3A_25, %dma_wait3A] : memref<10240x128xf32, #tpu.memory_space<vmem_shared>> -> memref<80x128xf32, #tpu.memory_space<vmem_shared>>
      %dma_wait3A_40 = arith.constant 0 : i32
      %dma_wait3A_41 = tpu.memref_slice %arg10[%add3A_25, %dma_wait3A_40] : memref<10240x128xf32, #tpu.memory_space<vmem_shared>> -> memref<80x128xf32, #tpu.memory_space<vmem_shared>>
      tpu.wait_dma2 semaphore(%run_scoped3A : memref<!tpu.dma_semaphore, #tpu.memory_space<semaphore_mem>>) src(%arg9 : memref<80x128xf32, #tpu.memory_space<vmem>>) dst(%dma_wait3A_41 : memref<80x128xf32, #tpu.memory_space<vmem_shared>>)
      tpu.yield
    }) : () -> ()
    %barrier3A = arith.constant 0 : index
    tpu.barrier barrier_id(%barrier3A)
    %mul3A_26 = arith.constant 10000 : i32
    %mul3A_27 = arith.muli %add3A, %mul3A_26 : i32
    %scan3A_28 = arith.constant 0 : i32
    %scan3A_29 = arith.constant 0 : i32
    %scan3A_30 = arith.constant 125 : i32
    %scan3A_31 = arith.addi %scan3A_29, %scan3A_30 : i32
    %scan3A_32 = arith.constant 1 : i32
    %scan3A_33 = scf.for %scan3A_36 = %scan3A_29 to %scan3A_31 step %scan3A_32 iter_args(%scan3A_37 = %scan3A_28) -> (i32)  : i32 {
      %mul3A_38 = arith.constant 80 : i32
      %mul3A_39 = arith.muli %scan3A_36, %mul3A_38 : i32
      %add3A_40 = arith.addi %mul3A_27, %mul3A_39 : i32
      "tpu.region"() ({
        %run_scoped3A = tpu.sem_alloc : memref<!tpu.dma_semaphore, #tpu.memory_space<semaphore_mem>>
        %dma_start3A_59 = arith.constant 0 : i32
        %dma_start3A_60 = tpu.memref_slice %arg2[%add3A_40, %dma_start3A_59] : memref<320000x128xf32, #tpu.memory_space<hbm>> -> memref<80x128xf32, #tpu.memory_space<hbm>>
        %dma_start3A_61 = arith.constant 0 : i32
        %dma_start3A_62 = tpu.memref_slice %arg2[%add3A_40, %dma_start3A_61] : memref<320000x128xf32, #tpu.memory_space<hbm>> -> memref<80x128xf32, #tpu.memory_space<hbm>>
        tpu.enqueue_dma source(%dma_start3A_62 : memref<80x128xf32, #tpu.memory_space<hbm>>) target(%arg9 : memref<80x128xf32, #tpu.memory_space<vmem>>) target_semaphore(%run_scoped3A : memref<!tpu.dma_semaphore, #tpu.memory_space<semaphore_mem>>)
        %dma_wait3A_63 = arith.constant 0 : i32
        %dma_wait3A_64 = tpu.memref_slice %arg2[%add3A_40, %dma_wait3A_63] : memref<320000x128xf32, #tpu.memory_space<hbm>> -> memref<80x128xf32, #tpu.memory_space<hbm>>
        %dma_wait3A_65 = arith.constant 0 : i32
        %dma_wait3A_66 = tpu.memref_slice %arg2[%add3A_40, %dma_wait3A_65] : memref<320000x128xf32, #tpu.memory_space<hbm>> -> memref<80x128xf32, #tpu.memory_space<hbm>>
        tpu.wait_dma2 semaphore(%run_scoped3A : memref<!tpu.dma_semaphore, #tpu.memory_space<semaphore_mem>>) src(%dma_wait3A_66 : memref<80x128xf32, #tpu.memory_space<hbm>>) dst(%arg9 : memref<80x128xf32, #tpu.memory_space<vmem>>)
        tpu.yield
      }) : () -> ()
      %dma_start3A = arith.constant 0 : i32
      %dma_start3A_41 = tpu.memref_slice %arg7[%scan3A_36, %dma_start3A] : memref<125x80xi32, #tpu.memory_space<vmem>> -> memref<1x80xi32, #tpu.memory_space<vmem>>
      %dma_start3A_42 = tpu.memref_squeeze %dma_start3A_41 : memref<1x80xi32, #tpu.memory_space<vmem>> -> memref<80xi32, #tpu.memory_space<vmem>>
      %dma_start3A_43 = arith.constant 0 : i32
      %dma_start3A_44 = arith.constant 0 : i32
      %dma_start3A_45 = tpu.memref_slice %arg3[%dma_start3A_43, %dma_start3A_44] : memref<10000x128xf32, #tpu.memory_space<hbm>> -> memref<10000x128xf32, #tpu.memory_space<hbm>>
      tpu.enqueue_indirect_dma source(%dma_start3A_45 : memref<10000x128xf32, #tpu.memory_space<hbm>>) target(%arg9 : memref<80x128xf32, #tpu.memory_space<vmem>>) offsets(%dma_start3A_42 : memref<80xi32, #tpu.memory_space<vmem>>) semaphore(%arg11 : memref<!tpu.dma_semaphore, #tpu.memory_space<semaphore_mem>>) {add = true}
      %dma_wait3A = arith.constant 0 : i32
      %dma_wait3A_46 = tpu.memref_slice %arg7[%scan3A_36, %dma_wait3A] : memref<125x80xi32, #tpu.memory_space<vmem>> -> memref<1x80xi32, #tpu.memory_space<vmem>>
      %dma_wait3A_47 = tpu.memref_squeeze %dma_wait3A_46 : memref<1x80xi32, #tpu.memory_space<vmem>> -> memref<80xi32, #tpu.memory_space<vmem>>
      %dma_wait3A_48 = arith.constant 0 : i32
      %dma_wait3A_49 = arith.constant 0 : i32
      %dma_wait3A_50 = tpu.memref_slice %arg3[%dma_wait3A_48, %dma_wait3A_49] : memref<10000x128xf32, #tpu.memory_space<hbm>> -> memref<10000x128xf32, #tpu.memory_space<hbm>>
      tpu.wait_indirect_dma semaphore(%arg11 : memref<!tpu.dma_semaphore, #tpu.memory_space<semaphore_mem>>) src(%dma_wait3A_50 : memref<10000x128xf32, #tpu.memory_space<hbm>>) dst(%arg9 : memref<80x128xf32, #tpu.memory_space<vmem>>)
      %scan3A_51 = arith.constant 0 : i32
      %scan3A_52 = arith.constant 0 : i32
      %scan3A_53 = arith.constant 80 : i32
      %scan3A_54 = arith.addi %scan3A_52, %scan3A_53 : i32
      %scan3A_55 = arith.constant 1 : i32
      %scan3A_56 = scf.for %scan3A_59 = %scan3A_52 to %scan3A_54 step %scan3A_55 iter_args(%scan3A_60 = %scan3A_51) -> (i32)  : i32 {
        %get3A = arith.index_cast %scan3A_59 : i32 to index
        %get3A_61 = arith.constant 0 : index
        %get3A_62 = tpu.vector_load %arg9[%get3A, %get3A_61] {strides = array<i32>} : memref<80x128xf32, #tpu.memory_space<vmem>>, vector<1x16xf32>,
        %get3A_63 = vector.shape_cast %get3A_62 : vector<1x16xf32> to vector<16xf32>
        %max3A = arith.constant 0.000000e+00 : f32
        %max3A_64 = vector.broadcast %max3A : f32 to vector<16xf32>
        %max3A_65 = arith.maximumf %get3A_63, %max3A_64 : vector<16xf32>
        %swap3A = arith.index_cast %scan3A_59 : i32 to index
        %swap3A_66 = arith.constant 0 : index
        %swap3A_67 = tpu.vector_load %arg9[%swap3A, %swap3A_66] {strides = array<i32>} : memref<80x128xf32, #tpu.memory_space<vmem>>, vector<1x16xf32>,
        %swap3A_68 = vector.shape_cast %swap3A_67 : vector<1x16xf32> to vector<16xf32>
        %swap3A_69 = vector.shape_cast %max3A_65 : vector<16xf32> to vector<1x16xf32>
        tpu.vector_store %arg9[%swap3A, %swap3A_66], %swap3A_69 {strides = array<i32>} : memref<80x128xf32, #tpu.memory_space<vmem>>, vector<1x16xf32>,
        %get3A_70 = arith.index_cast %scan3A_59 : i32 to index
        %get3A_71 = arith.constant 16 : index
        %get3A_72 = tpu.vector_load %arg9[%get3A_70, %get3A_71] {strides = array<i32>} : memref<80x128xf32, #tpu.memory_space<vmem>>, vector<1x16xf32>,
        %get3A_73 = vector.shape_cast %get3A_72 : vector<1x16xf32> to vector<16xf32>
        %max3A_74 = arith.constant 0.000000e+00 : f32
        %max3A_75 = vector.broadcast %max3A_74 : f32 to vector<16xf32>
        %max3A_76 = arith.maximumf %get3A_73, %max3A_75 : vector<16xf32>
        %swap3A_77 = arith.index_cast %scan3A_59 : i32 to index
        %swap3A_78 = arith.constant 16 : index
        %swap3A_79 = tpu.vector_load %arg9[%swap3A_77, %swap3A_78] {strides = array<i32>} : memref<80x128xf32, #tpu.memory_space<vmem>>, vector<1x16xf32>,
        %swap3A_80 = vector.shape_cast %swap3A_79 : vector<1x16xf32> to vector<16xf32>
        %swap3A_81 = vector.shape_cast %max3A_76 : vector<16xf32> to vector<1x16xf32>
        tpu.vector_store %arg9[%swap3A_77, %swap3A_78], %swap3A_81 {strides = array<i32>} : memref<80x128xf32, #tpu.memory_space<vmem>>, vector<1x16xf32>,
        %get3A_82 = arith.index_cast %scan3A_59 : i32 to index
        %get3A_83 = arith.constant 32 : index
        %get3A_84 = tpu.vector_load %arg9[%get3A_82, %get3A_83] {strides = array<i32>} : memref<80x128xf32, #tpu.memory_space<vmem>>, vector<1x16xf32>,
        %get3A_85 = vector.shape_cast %get3A_84 : vector<1x16xf32> to vector<16xf32>
        %max3A_86 = arith.constant 0.000000e+00 : f32
        %max3A_87 = vector.broadcast %max3A_86 : f32 to vector<16xf32>
        %max3A_88 = arith.maximumf %get3A_85, %max3A_87 : vector<16xf32>
        %swap3A_89 = arith.index_cast %scan3A_59 : i32 to index
        %swap3A_90 = arith.constant 32 : index
        %swap3A_91 = tpu.vector_load %arg9[%swap3A_89, %swap3A_90] {strides = array<i32>} : memref<80x128xf32, #tpu.memory_space<vmem>>, vector<1x16xf32>,
        %swap3A_92 = vector.shape_cast %swap3A_91 : vector<1x16xf32> to vector<16xf32>
        %swap3A_93 = vector.shape_cast %max3A_88 : vector<16xf32> to vector<1x16xf32>
        tpu.vector_store %arg9[%swap3A_89, %swap3A_90], %swap3A_93 {strides = array<i32>} : memref<80x128xf32, #tpu.memory_space<vmem>>, vector<1x16xf32>,
        %get3A_94 = arith.index_cast %scan3A_59 : i32 to index
        %get3A_95 = arith.constant 48 : index
        %get3A_96 = tpu.vector_load %arg9[%get3A_94, %get3A_95] {strides = array<i32>} : memref<80x128xf32, #tpu.memory_space<vmem>>, vector<1x16xf32>,
        %get3A_97 = vector.shape_cast %get3A_96 : vector<1x16xf32> to vector<16xf32>
        %max3A_98 = arith.constant 0.000000e+00 : f32
        %max3A_99 = vector.broadcast %max3A_98 : f32 to vector<16xf32>
        %max3A_100 = arith.maximumf %get3A_97, %max3A_99 : vector<16xf32>
        %swap3A_101 = arith.index_cast %scan3A_59 : i32 to index
        %swap3A_102 = arith.constant 48 : index
        %swap3A_103 = tpu.vector_load %arg9[%swap3A_101, %swap3A_102] {strides = array<i32>} : memref<80x128xf32, #tpu.memory_space<vmem>>, vector<1x16xf32>,
        %swap3A_104 = vector.shape_cast %swap3A_103 : vector<1x16xf32> to vector<16xf32>
        %swap3A_105 = vector.shape_cast %max3A_100 : vector<16xf32> to vector<1x16xf32>
        tpu.vector_store %arg9[%swap3A_101, %swap3A_102], %swap3A_105 {strides = array<i32>} : memref<80x128xf32, #tpu.memory_space<vmem>>, vector<1x16xf32>,
        %get3A_106 = arith.index_cast %scan3A_59 : i32 to index
        %get3A_107 = arith.constant 64 : index
        %get3A_108 = tpu.vector_load %arg9[%get3A_106, %get3A_107] {strides = array<i32>} : memref<80x128xf32, #tpu.memory_space<vmem>>, vector<1x16xf32>,
        %get3A_109 = vector.shape_cast %get3A_108 : vector<1x16xf32> to vector<16xf32>
        %max3A_110 = arith.constant 0.000000e+00 : f32
        %max3A_111 = vector.broadcast %max3A_110 : f32 to vector<16xf32>
        %max3A_112 = arith.maximumf %get3A_109, %max3A_111 : vector<16xf32>
        %swap3A_113 = arith.index_cast %scan3A_59 : i32 to index
        %swap3A_114 = arith.constant 64 : index
        %swap3A_115 = tpu.vector_load %arg9[%swap3A_113, %swap3A_114] {strides = array<i32>} : memref<80x128xf32, #tpu.memory_space<vmem>>, vector<1x16xf32>,
        %swap3A_116 = vector.shape_cast %swap3A_115 : vector<1x16xf32> to vector<16xf32>
        %swap3A_117 = vector.shape_cast %max3A_112 : vector<16xf32> to vector<1x16xf32>
        tpu.vector_store %arg9[%swap3A_113, %swap3A_114], %swap3A_117 {strides = array<i32>} : memref<80x128xf32, #tpu.memory_space<vmem>>, vector<1x16xf32>,
        %get3A_118 = arith.index_cast %scan3A_59 : i32 to index
        %get3A_119 = arith.constant 80 : index
        %get3A_120 = tpu.vector_load %arg9[%get3A_118, %get3A_119] {strides = array<i32>} : memref<80x128xf32, #tpu.memory_space<vmem>>, vector<1x16xf32>,
        %get3A_121 = vector.shape_cast %get3A_120 : vector<1x16xf32> to vector<16xf32>
        %max3A_122 = arith.constant 0.000000e+00 : f32
        %max3A_123 = vector.broadcast %max3A_122 : f32 to vector<16xf32>
        %max3A_124 = arith.maximumf %get3A_121, %max3A_123 : vector<16xf32>
        %swap3A_125 = arith.index_cast %scan3A_59 : i32 to index
        %swap3A_126 = arith.constant 80 : index
        %swap3A_127 = tpu.vector_load %arg9[%swap3A_125, %swap3A_126] {strides = array<i32>} : memref<80x128xf32, #tpu.memory_space<vmem>>, vector<1x16xf32>,
        %swap3A_128 = vector.shape_cast %swap3A_127 : vector<1x16xf32> to vector<16xf32>
        %swap3A_129 = vector.shape_cast %max3A_124 : vector<16xf32> to vector<1x16xf32>
        tpu.vector_store %arg9[%swap3A_125, %swap3A_126], %swap3A_129 {strides = array<i32>} : memref<80x128xf32, #tpu.memory_space<vmem>>, vector<1x16xf32>,
        %get3A_130 = arith.index_cast %scan3A_59 : i32 to index
        %get3A_131 = arith.constant 96 : index
        %get3A_132 = tpu.vector_load %arg9[%get3A_130, %get3A_131] {strides = array<i32>} : memref<80x128xf32, #tpu.memory_space<vmem>>, vector<1x16xf32>,
        %get3A_133 = vector.shape_cast %get3A_132 : vector<1x16xf32> to vector<16xf32>
        %max3A_134 = arith.constant 0.000000e+00 : f32
        %max3A_135 = vector.broadcast %max3A_134 : f32 to vector<16xf32>
        %max3A_136 = arith.maximumf %get3A_133, %max3A_135 : vector<16xf32>
        %swap3A_137 = arith.index_cast %scan3A_59 : i32 to index
        %swap3A_138 = arith.constant 96 : index
        %swap3A_139 = tpu.vector_load %arg9[%swap3A_137, %swap3A_138] {strides = array<i32>} : memref<80x128xf32, #tpu.memory_space<vmem>>, vector<1x16xf32>,
        %swap3A_140 = vector.shape_cast %swap3A_139 : vector<1x16xf32> to vector<16xf32>
        %swap3A_141 = vector.shape_cast %max3A_136 : vector<16xf32> to vector<1x16xf32>
        tpu.vector_store %arg9[%swap3A_137, %swap3A_138], %swap3A_141 {strides = array<i32>} : memref<80x128xf32, #tpu.memory_space<vmem>>, vector<1x16xf32>,
        %get3A_142 = arith.index_cast %scan3A_59 : i32 to index
        %get3A_143 = arith.constant 112 : index
        %get3A_144 = tpu.vector_load %arg9[%get3A_142, %get3A_143] {strides = array<i32>} : memref<80x128xf32, #tpu.memory_space<vmem>>, vector<1x16xf32>,
        %get3A_145 = vector.shape_cast %get3A_144 : vector<1x16xf32> to vector<16xf32>
        %max3A_146 = arith.constant 0.000000e+00 : f32
        %max3A_147 = vector.broadcast %max3A_146 : f32 to vector<16xf32>
        %max3A_148 = arith.maximumf %get3A_145, %max3A_147 : vector<16xf32>
        %swap3A_149 = arith.index_cast %scan3A_59 : i32 to index
        %swap3A_150 = arith.constant 112 : index
        %swap3A_151 = tpu.vector_load %arg9[%swap3A_149, %swap3A_150] {strides = array<i32>} : memref<80x128xf32, #tpu.memory_space<vmem>>, vector<1x16xf32>,
        %swap3A_152 = vector.shape_cast %swap3A_151 : vector<1x16xf32> to vector<16xf32>
        %swap3A_153 = vector.shape_cast %max3A_148 : vector<16xf32> to vector<1x16xf32>
        tpu.vector_store %arg9[%swap3A_149, %swap3A_150], %swap3A_153 {strides = array<i32>} : memref<80x128xf32, #tpu.memory_space<vmem>>, vector<1x16xf32>,
        %scan3A_154 = arith.constant 0 : i32
        scf.yield %scan3A_154 : i32
      }
      %scan3A_57 = arith.constant 80 : i32
      "tpu.region"() ({
        %run_scoped3A = tpu.sem_alloc : memref<!tpu.dma_semaphore, #tpu.memory_space<semaphore_mem>>
        %dma_start3A_59 = arith.constant 0 : i32
        %dma_start3A_60 = tpu.memref_slice %arg8[%scan3A_36, %dma_start3A_59] : memref<125x80xi32, #tpu.memory_space<vmem>> -> memref<1x80xi32, #tpu.memory_space<vmem>>
        %dma_start3A_61 = tpu.memref_squeeze %dma_start3A_60 : memref<1x80xi32, #tpu.memory_space<vmem>> -> memref<80xi32, #tpu.memory_space<vmem>>
        %dma_start3A_62 = arith.constant 0 : i32
        %dma_start3A_63 = arith.constant 0 : i32
        %dma_start3A_64 = tpu.memref_slice %arg10[%dma_start3A_62, %dma_start3A_63] : memref<10240x128xf32, #tpu.memory_space<vmem_shared>> -> memref<10240x128xf32, #tpu.memory_space<vmem_shared>>
        tpu.enqueue_indirect_dma source(%arg9 : memref<80x128xf32, #tpu.memory_space<vmem>>) target(%dma_start3A_64 : memref<10240x128xf32, #tpu.memory_space<vmem_shared>>) offsets(%dma_start3A_61 : memref<80xi32, #tpu.memory_space<vmem>>) semaphore(%run_scoped3A : memref<!tpu.dma_semaphore, #tpu.memory_space<semaphore_mem>>) {add = true}
        %dma_wait3A_65 = arith.constant 0 : i32
        %dma_wait3A_66 = tpu.memref_slice %arg8[%scan3A_36, %dma_wait3A_65] : memref<125x80xi32, #tpu.memory_space<vmem>> -> memref<1x80xi32, #tpu.memory_space<vmem>>
        %dma_wait3A_67 = tpu.memref_squeeze %dma_wait3A_66 : memref<1x80xi32, #tpu.memory_space<vmem>> -> memref<80xi32, #tpu.memory_space<vmem>>
        %dma_wait3A_68 = arith.constant 0 : i32
        %dma_wait3A_69 = arith.constant 0 : i32
        %dma_wait3A_70 = tpu.memref_slice %arg10[%dma_wait3A_68, %dma_wait3A_69] : memref<10240x128xf32, #tpu.memory_space<vmem_shared>> -> memref<10240x128xf32, #tpu.memory_space<vmem_shared>>
        tpu.wait_indirect_dma semaphore(%run_scoped3A : memref<!tpu.dma_semaphore, #tpu.memory_space<semaphore_mem>>) src(%arg9 : memref<80x128xf32, #tpu.memory_space<vmem>>) dst(%dma_wait3A_70 : memref<10240x128xf32, #tpu.memory_space<vmem_shared>>)
        tpu.yield
      }) : () -> ()
      %scan3A_58 = arith.constant 0 : i32
      scf.yield %scan3A_58 : i32
    }
    %scan3A_34 = arith.constant 125 : i32
    %barrier3A_35 = arith.constant 0 : index
    tpu.barrier barrier_id(%barrier3A_35)
    "tpu.region"() ({
      %run_scoped3A = tpu.sem_alloc : memref<!tpu.dma_semaphore, #tpu.memory_space<semaphore_mem>>
      %dma_start3A = arith.constant 0 : i32
      %dma_start3A_36 = arith.constant 0 : i32
      %dma_start3A_37 = tpu.memref_slice %arg6[%arg0, %dma_start3A, %dma_start3A_36] : memref<2x10240x128xf32, #tpu.memory_space<hbm>> -> memref<1x10240x128xf32, #tpu.memory_space<hbm>>
      %dma_start3A_38 = tpu.memref_squeeze %dma_start3A_37 : memref<1x10240x128xf32, #tpu.memory_space<hbm>> -> memref<10240x128xf32, #tpu.memory_space<hbm>>
      %dma_start3A_39 = arith.constant 0 : i32
      %dma_start3A_40 = tpu.memref_slice %dma_start3A_38[%mul3A_9, %dma_start3A_39] : memref<10240x128xf32, #tpu.memory_space<hbm>> -> memref<640x128xf32, #tpu.memory_space<hbm>>
      %dma_start3A_41 = arith.constant 0 : i32
      %dma_start3A_42 = tpu.memref_slice %arg10[%mul3A_9, %dma_start3A_41] : memref<10240x128xf32, #tpu.memory_space<vmem_shared>> -> memref<640x128xf32, #tpu.memory_space<vmem_shared>>
      tpu.enqueue_dma source(%dma_start3A_42 : memref<640x128xf32, #tpu.memory_space<vmem_shared>>) target(%dma_start3A_40 : memref<640x128xf32, #tpu.memory_space<hbm>>) target_semaphore(%run_scoped3A : memref<!tpu.dma_semaphore, #tpu.memory_space<semaphore_mem>>)
      %dma_wait3A = arith.constant 0 : i32
      %dma_wait3A_43 = arith.constant 0 : i32
      %dma_wait3A_44 = tpu.memref_slice %arg6[%arg0, %dma_wait3A, %dma_wait3A_43] : memref<2x10240x128xf32, #tpu.memory_space<hbm>> -> memref<1x10240x128xf32, #tpu.memory_space<hbm>>
      %dma_wait3A_45 = tpu.memref_squeeze %dma_wait3A_44 : memref<1x10240x128xf32, #tpu.memory_space<hbm>> -> memref<10240x128xf32, #tpu.memory_space<hbm>>
      %dma_wait3A_46 = arith.constant 0 : i32
      %dma_wait3A_47 = tpu.memref_slice %dma_wait3A_45[%mul3A_9, %dma_wait3A_46] : memref<10240x128xf32, #tpu.memory_space<hbm>> -> memref<640x128xf32, #tpu.memory_space<hbm>>
      %dma_wait3A_48 = arith.constant 0 : i32
      %dma_wait3A_49 = tpu.memref_slice %arg10[%mul3A_9, %dma_wait3A_48] : memref<10240x128xf32, #tpu.memory_space<vmem_shared>> -> memref<640x128xf32, #tpu.memory_space<vmem_shared>>
      tpu.wait_dma2 semaphore(%run_scoped3A : memref<!tpu.dma_semaphore, #tpu.memory_space<semaphore_mem>>) src(%dma_wait3A_49 : memref<640x128xf32, #tpu.memory_space<vmem_shared>>) dst(%dma_wait3A_47 : memref<640x128xf32, #tpu.memory_space<hbm>>)
      tpu.yield
    }) : () -> ()
    return
  }
}

module attributes {stable_mosaic.version = 14 : i64} {
  func.func @_edge_mlp_body(%arg0: i32, %arg1: memref<2000x128xf32, #tpu.memory_space<vmem>>, %arg2: memref<128x1024xf32, #tpu.memory_space<vmem>>, %arg3: memref<1x1024xf32, #tpu.memory_space<vmem>>, %arg4: memref<2000x1024xf32, #tpu.memory_space<vmem>>) attributes {dimension_semantics = [#tpu.dimension_semantics<arbitrary>], iteration_bounds = array<i64: 20>, scalar_prefetch = 0 : i64, scratch_operands = 0 : i64, tpu.core_type = #tpu.core_type<tc>, window_params = [{transform_indices = @transform_0, window_bounds = array<i64: 2000, 128>}, {pipeline_mode = #tpu.pipeline_mode<synchronous>, transform_indices = @transform_1, window_bounds = array<i64: 128, 1024>}, {pipeline_mode = #tpu.pipeline_mode<synchronous>, transform_indices = @transform_2, window_bounds = array<i64: 1, 1024>}, {transform_indices = @transform_3, window_bounds = array<i64: 2000, 1024>}]} {
    %get3A = arith.constant 0 : index
    %get3A_0 = arith.constant 0 : index
    %get3A_1 = vector.load %arg1[%get3A, %get3A_0] : memref<2000x128xf32, #tpu.memory_space<vmem>>, vector<2000x128xf32>
    %get3A_2 = arith.constant 0 : index
    %get3A_3 = arith.constant 0 : index
    %get3A_4 = vector.load %arg2[%get3A_2, %get3A_3] : memref<128x1024xf32, #tpu.memory_space<vmem>>, vector<128x1024xf32>
    %dot_general3A = arith.constant dense<0.000000e+00> : vector<2000x1024xf32>
    %dot_general3A_5 = tpu.matmul %get3A_1, %get3A_4, %dot_general3A {dimension_numbers = #tpu.dot_dimension_numbers<[1], [0], [0], [1], [0, 0, 1, 1], [], []>, transpose_lhs_hint = false} : vector<2000x128xf32>, vector<128x1024xf32>, vector<2000x1024xf32> -> vector<2000x1024xf32>
    %get3A_6 = arith.constant 0 : index
    %get3A_7 = arith.constant 0 : index
    %get3A_8 = vector.load %arg3[%get3A_6, %get3A_7] : memref<1x1024xf32, #tpu.memory_space<vmem>>, vector<1x1024xf32>
    %add3A = vector.broadcast %get3A_8 : vector<1x1024xf32> to vector<2000x1024xf32>
    %add3A_9 = arith.addf %dot_general3A_5, %add3A : vector<2000x1024xf32>
    %max3A = arith.constant 0.000000e+00 : f32
    %max3A_10 = vector.broadcast %max3A : f32 to vector<2000x1024xf32>
    %max3A_11 = arith.maximumf %add3A_9, %max3A_10 : vector<2000x1024xf32>
    %swap3A = arith.constant 0 : index
    %swap3A_12 = arith.constant 0 : index
    %swap3A_13 = vector.load %arg4[%swap3A, %swap3A_12] : memref<2000x1024xf32, #tpu.memory_space<vmem>>, vector<2000x1024xf32>
    tpu.vector_store %arg4[%swap3A, %swap3A_12], %max3A_11 {strides = array<i32>} : memref<2000x1024xf32, #tpu.memory_space<vmem>>, vector<2000x1024xf32>,
    return
  }
  func.func @transform_0(%arg0: i32) -> (i32, i32) {
    %c0_i32 = arith.constant 0 : i32
    %c0_i32_0 = arith.constant 0 : i32
    return %arg0, %c0_i32 : i32, i32
  }
  func.func @transform_1(%arg0: i32) -> (i32, i32) {
    %c0_i32 = arith.constant 0 : i32
    %c0_i32_0 = arith.constant 0 : i32
    %c0_i32_1 = arith.constant 0 : i32
    return %c0_i32, %c0_i32_0 : i32, i32
  }
  func.func @transform_2(%arg0: i32) -> (i32, i32) {
    %c0_i32 = arith.constant 0 : i32
    %c0_i32_0 = arith.constant 0 : i32
    %c0_i32_1 = arith.constant 0 : i32
    return %c0_i32, %c0_i32_0 : i32, i32
  }
  func.func @transform_3(%arg0: i32) -> (i32, i32) {
    %c0_i32 = arith.constant 0 : i32
    %c0_i32_0 = arith.constant 0 : i32
    return %arg0, %c0_i32 : i32, i32
  }
}

module attributes {stable_mosaic.version = 14 : i64} {
  func.func @_encode_body(%arg0: memref<10000x1xi32, #tpu.memory_space<vmem>>, %arg1: memref<10000x128xf32, #tpu.memory_space<vmem>>, %arg2: memref<100x128xf32, #tpu.memory_space<vmem>>, %arg3: memref<10000x128xf32, #tpu.memory_space<vmem>>) attributes {dimension_semantics = [], scalar_prefetch = 0 : i64, scratch_operands = 0 : i64, tpu.core_type = #tpu.core_type<tc>} {
    %get3A = arith.constant 0 : index
    %get3A_0 = arith.constant 0 : index
    %get3A_1 = vector.load %arg0[%get3A, %get3A_0] : memref<10000x1xi32, #tpu.memory_space<vmem>>, vector<10000x1xi32>
    %iota3A = tpu.iota {dimensions = array<i32: 1>} : vector<10000x100xi32>
    %eq3A = vector.broadcast %get3A_1 : vector<10000x1xi32> to vector<10000x100xi32>
    %eq3A_2 = arith.cmpi eq, %eq3A, %iota3A : vector<10000x100xi32>
    %convert_element_type3A = arith.extui %eq3A_2 : vector<10000x100xi1> to vector<10000x100xi32>
    %convert_element_type3A_3 = arith.sitofp %convert_element_type3A : vector<10000x100xi32> to vector<10000x100xf32>
    %get3A_4 = arith.constant 0 : index
    %get3A_5 = arith.constant 0 : index
    %get3A_6 = vector.load %arg2[%get3A_4, %get3A_5] : memref<100x128xf32, #tpu.memory_space<vmem>>, vector<100x128xf32>
    %dot_general3A = arith.constant dense<0.000000e+00> : vector<10000x128xf32>
    %dot_general3A_7 = tpu.matmul %convert_element_type3A_3, %get3A_6, %dot_general3A {dimension_numbers = #tpu.dot_dimension_numbers<[1], [0], [0], [1], [0, 0, 1, 1], [], []>, precision = #tpu.contract_precision<fp32>, transpose_lhs_hint = false} : vector<10000x100xf32>, vector<100x128xf32>, vector<10000x128xf32> -> vector<10000x128xf32>
    %get3A_8 = arith.constant 0 : index
    %get3A_9 = arith.constant 0 : index
    %get3A_10 = vector.load %arg1[%get3A_8, %get3A_9] : memref<10000x128xf32, #tpu.memory_space<vmem>>, vector<10000x128xf32>
    %add3A = arith.addf %dot_general3A_7, %get3A_10 : vector<10000x128xf32>
    %swap3A = arith.constant 0 : index
    %swap3A_11 = arith.constant 0 : index
    %swap3A_12 = vector.load %arg3[%swap3A, %swap3A_11] : memref<10000x128xf32, #tpu.memory_space<vmem>>, vector<10000x128xf32>
    tpu.vector_store %arg3[%swap3A, %swap3A_11], %add3A {strides = array<i32>} : memref<10000x128xf32, #tpu.memory_space<vmem>>, vector<10000x128xf32>,
    return
  }
}

module attributes {stable_mosaic.version = 14 : i64} {
  func.func @_conv_mm_body(%arg0: memref<10000x128xf32, #tpu.memory_space<vmem>>, %arg1: memref<2x10240x128xf32, #tpu.memory_space<vmem>>, %arg2: memref<128x128xf32, #tpu.memory_space<vmem>>, %arg3: memref<10000x128xf32, #tpu.memory_space<vmem>>) attributes {dimension_semantics = [], scalar_prefetch = 0 : i64, scratch_operands = 0 : i64, tpu.core_type = #tpu.core_type<tc>} {
    %get3A = arith.constant 0 : index
    %get3A_0 = arith.constant 0 : index
    %get3A_1 = vector.load %arg0[%get3A, %get3A_0] : memref<10000x128xf32, #tpu.memory_space<vmem>>, vector<10000x128xf32>
    %get3A_2 = arith.constant 0 : index
    %get3A_3 = arith.constant 0 : index
    %get3A_4 = arith.constant 0 : index
    %get3A_5 = vector.load %arg1[%get3A_2, %get3A_3, %get3A_4] : memref<2x10240x128xf32, #tpu.memory_space<vmem>>, vector<1x10000x128xf32>
    %get3A_6 = vector.shape_cast %get3A_5 : vector<1x10000x128xf32> to vector<10000x128xf32>
    %add3A = arith.addf %get3A_1, %get3A_6 : vector<10000x128xf32>
    %get3A_7 = arith.constant 1 : index
    %get3A_8 = arith.constant 0 : index
    %get3A_9 = arith.constant 0 : index
    %get3A_10 = vector.load %arg1[%get3A_7, %get3A_8, %get3A_9] : memref<2x10240x128xf32, #tpu.memory_space<vmem>>, vector<1x10000x128xf32>
    %get3A_11 = vector.shape_cast %get3A_10 : vector<1x10000x128xf32> to vector<10000x128xf32>
    %add3A_12 = arith.addf %add3A, %get3A_11 : vector<10000x128xf32>
    %get3A_13 = arith.constant 0 : index
    %get3A_14 = arith.constant 0 : index
    %get3A_15 = vector.load %arg2[%get3A_13, %get3A_14] : memref<128x128xf32, #tpu.memory_space<vmem>>, vector<128x128xf32>
    %dot_general3A = arith.constant dense<0.000000e+00> : vector<10000x128xf32>
    %dot_general3A_16 = tpu.matmul %add3A_12, %get3A_15, %dot_general3A {dimension_numbers = #tpu.dot_dimension_numbers<[1], [0], [0], [1], [0, 0, 1, 1], [], []>, transpose_lhs_hint = false} : vector<10000x128xf32>, vector<128x128xf32>, vector<10000x128xf32> -> vector<10000x128xf32>
    %swap3A = arith.constant 0 : index
    %swap3A_17 = arith.constant 0 : index
    %swap3A_18 = vector.load %arg3[%swap3A, %swap3A_17] : memref<10000x128xf32, #tpu.memory_space<vmem>>, vector<10000x128xf32>
    tpu.vector_store %arg3[%swap3A, %swap3A_17], %dot_general3A_16 {strides = array<i32>} : memref<10000x128xf32, #tpu.memory_space<vmem>>, vector<10000x128xf32>,
    return
  }
}

module attributes {stable_mosaic.version = 14 : i64} {
  func.func @_head_body(%arg0: memref<10000x128xf32, #tpu.memory_space<vmem>>, %arg1: memref<1x10000xi32, #tpu.memory_space<vmem>>, %arg2: memref<128x128xf32, #tpu.memory_space<vmem>>, %arg3: memref<1x128xf32, #tpu.memory_space<vmem>>, %arg4: memref<1x128xf32, #tpu.memory_space<vmem>>, %arg5: memref<1x128xf32, #tpu.memory_space<vmem>>, %arg6: memref<128x128xf32, #tpu.memory_space<vmem>>, %arg7: memref<1x128xf32, #tpu.memory_space<vmem>>, %arg8: memref<16x128xf32, #tpu.memory_space<vmem>>) attributes {dimension_semantics = [], scalar_prefetch = 0 : i64, scratch_operands = 0 : i64, tpu.core_type = #tpu.core_type<tc>} {
    %get3A = arith.constant 0 : index
    %get3A_0 = arith.constant 0 : index
    %get3A_1 = vector.load %arg1[%get3A, %get3A_0] : memref<1x10000xi32, #tpu.memory_space<vmem>>, vector<1x10000xi32>
    %iota3A = tpu.iota {dimensions = array<i32: 0>} : vector<16x10000xi32>
    %eq3A = vector.broadcast %get3A_1 : vector<1x10000xi32> to vector<16x10000xi32>
    %eq3A_2 = arith.cmpi eq, %eq3A, %iota3A : vector<16x10000xi32>
    %convert_element_type3A = arith.extui %eq3A_2 : vector<16x10000xi1> to vector<16x10000xi32>
    %convert_element_type3A_3 = arith.sitofp %convert_element_type3A : vector<16x10000xi32> to vector<16x10000xf32>
    %get3A_4 = arith.constant 0 : index
    %get3A_5 = arith.constant 0 : index
    %get3A_6 = vector.load %arg0[%get3A_4, %get3A_5] : memref<10000x128xf32, #tpu.memory_space<vmem>>, vector<10000x128xf32>
    %dot_general3A = arith.constant dense<0.000000e+00> : vector<16x128xf32>
    %dot_general3A_7 = tpu.matmul %convert_element_type3A_3, %get3A_6, %dot_general3A {dimension_numbers = #tpu.dot_dimension_numbers<[1], [0], [0], [1], [0, 0, 1, 1], [], []>, precision = #tpu.contract_precision<fp32>, transpose_lhs_hint = false} : vector<16x10000xf32>, vector<10000x128xf32>, vector<16x128xf32> -> vector<16x128xf32>
    %get3A_8 = arith.constant 0 : index
    %get3A_9 = arith.constant 0 : index
    %get3A_10 = vector.load %arg2[%get3A_8, %get3A_9] : memref<128x128xf32, #tpu.memory_space<vmem>>, vector<128x128xf32>
    %dot_general3A_11 = arith.constant dense<0.000000e+00> : vector<16x128xf32>
    %dot_general3A_12 = tpu.matmul %dot_general3A_7, %get3A_10, %dot_general3A_11 {dimension_numbers = #tpu.dot_dimension_numbers<[1], [0], [0], [1], [0, 0, 1, 1], [], []>, transpose_lhs_hint = false} : vector<16x128xf32>, vector<128x128xf32>, vector<16x128xf32> -> vector<16x128xf32>
    %get3A_13 = arith.constant 0 : index
    %get3A_14 = arith.constant 0 : index
    %get3A_15 = vector.load %arg3[%get3A_13, %get3A_14] : memref<1x128xf32, #tpu.memory_space<vmem>>, vector<1x128xf32>
    %add3A = vector.broadcast %get3A_15 : vector<1x128xf32> to vector<16x128xf32>
    %add3A_16 = arith.addf %dot_general3A_12, %add3A : vector<16x128xf32>
    %reduce_sum3A = arith.constant dense<0.000000e+00> : vector<128xf32>
    %reduce_sum3A_17 = vector.multi_reduction <add>, %add3A_16, %reduce_sum3A [0] : vector<16x128xf32> to vector<128xf32>
    %broadcast_in_dim3A = vector.shape_cast %reduce_sum3A_17 : vector<128xf32> to vector<1x128xf32>
    %div3A = arith.constant 1.600000e+01 : f32
    %div3A_18 = vector.broadcast %div3A : f32 to vector<1x128xf32>
    %div3A_19 = arith.divf %broadcast_in_dim3A, %div3A_18 : vector<1x128xf32>
    %sub3A = vector.broadcast %div3A_19 : vector<1x128xf32> to vector<16x128xf32>
    %sub3A_20 = arith.subf %add3A_16, %sub3A : vector<16x128xf32>
    %square3A = arith.mulf %sub3A_20, %sub3A_20 : vector<16x128xf32>
    %reduce_sum3A_21 = arith.constant dense<0.000000e+00> : vector<128xf32>
    %reduce_sum3A_22 = vector.multi_reduction <add>, %square3A, %reduce_sum3A_21 [0] : vector<16x128xf32> to vector<128xf32>
    %broadcast_in_dim3A_23 = vector.shape_cast %reduce_sum3A_22 : vector<128xf32> to vector<1x128xf32>
    %div3A_24 = arith.constant 1.600000e+01 : f32
    %div3A_25 = vector.broadcast %div3A_24 : f32 to vector<1x128xf32>
    %div3A_26 = arith.divf %broadcast_in_dim3A_23, %div3A_25 : vector<1x128xf32>
    %sub3A_27 = vector.broadcast %div3A_19 : vector<1x128xf32> to vector<16x128xf32>
    %sub3A_28 = arith.subf %add3A_16, %sub3A_27 : vector<16x128xf32>
    %add3A_29 = arith.constant 9.99999974E-6 : f32
    %add3A_30 = vector.broadcast %add3A_29 : f32 to vector<1x128xf32>
    %add3A_31 = arith.addf %div3A_26, %add3A_30 : vector<1x128xf32>
    %sqrt3A = math.sqrt %add3A_31 : vector<1x128xf32>
    %div3A_32 = vector.broadcast %sqrt3A : vector<1x128xf32> to vector<16x128xf32>
    %div3A_33 = arith.divf %sub3A_28, %div3A_32 : vector<16x128xf32>
    %get3A_34 = arith.constant 0 : index
    %get3A_35 = arith.constant 0 : index
    %get3A_36 = vector.load %arg4[%get3A_34, %get3A_35] : memref<1x128xf32, #tpu.memory_space<vmem>>, vector<1x128xf32>
    %mul3A = vector.broadcast %get3A_36 : vector<1x128xf32> to vector<16x128xf32>
    %mul3A_37 = arith.mulf %div3A_33, %mul3A : vector<16x128xf32>
    %get3A_38 = arith.constant 0 : index
    %get3A_39 = arith.constant 0 : index
    %get3A_40 = vector.load %arg5[%get3A_38, %get3A_39] : memref<1x128xf32, #tpu.memory_space<vmem>>, vector<1x128xf32>
    %add3A_41 = vector.broadcast %get3A_40 : vector<1x128xf32> to vector<16x128xf32>
    %add3A_42 = arith.addf %mul3A_37, %add3A_41 : vector<16x128xf32>
    %max3A = arith.constant 0.000000e+00 : f32
    %max3A_43 = vector.broadcast %max3A : f32 to vector<16x128xf32>
    %max3A_44 = arith.maximumf %add3A_42, %max3A_43 : vector<16x128xf32>
    %get3A_45 = arith.constant 0 : index
    %get3A_46 = arith.constant 0 : index
    %get3A_47 = vector.load %arg6[%get3A_45, %get3A_46] : memref<128x128xf32, #tpu.memory_space<vmem>>, vector<128x128xf32>
    %dot_general3A_48 = arith.constant dense<0.000000e+00> : vector<16x128xf32>
    %dot_general3A_49 = tpu.matmul %max3A_44, %get3A_47, %dot_general3A_48 {dimension_numbers = #tpu.dot_dimension_numbers<[1], [0], [0], [1], [0, 0, 1, 1], [], []>, transpose_lhs_hint = false} : vector<16x128xf32>, vector<128x128xf32>, vector<16x128xf32> -> vector<16x128xf32>
    %get3A_50 = arith.constant 0 : index
    %get3A_51 = arith.constant 0 : index
    %get3A_52 = vector.load %arg7[%get3A_50, %get3A_51] : memref<1x128xf32, #tpu.memory_space<vmem>>, vector<1x128xf32>
    %add3A_53 = vector.broadcast %get3A_52 : vector<1x128xf32> to vector<16x128xf32>
    %add3A_54 = arith.addf %dot_general3A_49, %add3A_53 : vector<16x128xf32>
    %swap3A = arith.constant 0 : index
    %swap3A_55 = arith.constant 0 : index
    %swap3A_56 = vector.load %arg8[%swap3A, %swap3A_55] : memref<16x128xf32, #tpu.memory_space<vmem>>, vector<16x128xf32>
    tpu.vector_store %arg8[%swap3A, %swap3A_55], %add3A_54 {strides = array<i32>} : memref<16x128xf32, #tpu.memory_space<vmem>>, vector<16x128xf32>,
    return
  }
}

</mosaic_0001>

<sc_bundles>
// kernel: kernel.13.cloned.1.call-start
scs
__scs_entry_jumppad:
0x0: {  	(pc) =	sbr.rel $0x88, $3  }
0x1: {  	(tag) =	ssettag $0x0;
	lr =	simm.s32 $0x1  }
0x2: {  	[smem:$0x3F90] =	sst lr;
	_ =	strace $0xD0000000  }
0x3: {  	_ = 	snop  }
0x4: {  	_ = 	snop  }
0x5: {  	_ = 	snop  }
0x6: {  	_ = 	snop  }
0x7: {  	_ = 	snop  }
__scs_overlays_trampoline_lowered:
0x8: {  	[smem:$0x3F9F] =	sst s0  }
0x9: {  	[smem:$0x3FA0] =	sst s1  }
0xa: {  	[smem:$0x3FA1] =	sst s2  }
0xb: {  	[smem:$0x3FA2] =	sst s3  }
0xc: {  	[smem:$0x3FA3] =	sst s4  }
0xd: {  	[smem:$0x3FA4] =	sst s5  }
0xe: {  	[smem:$0x3FA5] =	sst s6  }
0xf: {  	[smem:$0x3FA6] =	sst s7  }
0x10: {  	[smem:$0x3FA7] =	sst s8  }
0x11: {  	[smem:$0x3FA8] =	sst s9;
	s0 =	simm.s32 @!p0 $0x0  }
0x12: {  	s1 =	sld [smem:$0x3F8E];
	s0 =	simm.s32 @p0 $0x1  }
0x13: {  	[smem:$0x3FA9] =	sst s0;
	s0 =	simm.s32 @!p1 $0x0  }
0x14: {  	s2 =	sld [smem:$0x3F8D];
	s0 =	simm.s32 @p1 $0x1  }
0x15: {  	[smem:$0x3FAA] =	sst s0;
	s0 =	simm.s32 @!p2 $0x0  }
0x16: {  	s3 =	sld [smem:$0x3FDB];
	s0 =	simm.s32 @p2 $0x1  }
0x17: {  	s4 =	simm.s32 $0x1BF5;
	[smem:$0x3FAC] =	sst s0  }
0x18: {  	s0 =	sld [smem:$0x3F8F];
	_ =	swait.ge [sflag:s4], $0x0  }
0x19: {  	s7 =	sld [smem:$0x3F90]  }
0x1a: {  	s8 =	sadd.s32 $0xFFFFE003, lr  }
0x1b: {  	s9 =	sadd.s32 $0xFFFFFEF7, lr;
	s5 =	simm.s32 $0xFFFFFFFF;
	p2 =	slt.u32 s8, $0xFFFFF086  }
0x1c: {  	p1 =	slt.u32 s9, $0xF7A;
	s5 =	simm.s32 @!p2 $0x0  }
0x1d: {  	s5 =	simm.s32 @p1 $0x1;
	p0 =	seq.s32 s7, s2  }
0x1e: {  	s7 =	smul.u32 @!p0 $0xF7A, s2;
	p2 =	seq.s32 @!p0 s5, $0x0  }
0x1f: {  	s9 =	smul.u32 $0xF7A, s1;
	s8 =	simm.s32 @!p0 $0x1BF5;
	p2 =	por !p2, p0  }
0x20: {  	[sflag:s8] =	ssyncset.s32 @!p0 $0xFFFFF086;
	s6 =	sadd.s32 @!p0 s3, s7;
	s7 =	simm.s32 @!p0 $0x108  }
0x21: {  	s3 =	sadd.s32 s3, s9;
	s6 =	sadd.s32 @!p0 $0x88, s6;
	s7 =	simm.s32 @p2 $0x1082  }
0x22: {  	[simem:s7], [sflag:s8] =	dma.local @!p0 [hbm:s6], $0xF7A  }
0x23: {  	s9 =	sor.u32 $0xD0000000, s2;
	s6 =	simm.s32 $0x108;
	_ =	swait.ge @!p0 [sflag:s8], $0x0  }
0x24: {  	s3 =	sadd.s32 $0x88, s3;
	s6 =	simm.s32 @!p1 $0x1082;
	[sflag:s4] =	ssyncset.s32 $0xFFFFF086  }
0x25: {  	[simem:s6], [sflag:s4] =	dma.local [hbm:s3], $0xF7A  }
0x26: {  	[smem:$0x3F90] =	sst s1;
	(tag) =	ssettag s2;
	_ =	strace s9  }
0x27: {  	s1 =	sld [smem:$0x3FA0]  }
0x28: {  	s2 =	sld [smem:$0x3FA1]  }
0x29: {  	s4 =	sld [smem:$0x3FA3]  }
0x2a: {  	p0 =	seq.s32 s5, $0x0;
	s5 =	sld [smem:$0x3FA4]  }
0x2b: {  	s6 =	sld [smem:$0x3FA5]  }
0x2c: {  	s7 =	sld [smem:$0x3FA6]  }
0x2d: {  	s3 =	simm.s32 $0x108;
	s8 =	sld [smem:$0x3FA7]  }
0x2e: {  	s3 =	simm.s32 @!p0 $0x1082;
	s9 =	sld [smem:$0x3FA8]  }
0x2f: {  	lr =	sadd.s32 s0, s3;
	s0 =	sld [smem:$0x3F9F]  }
0x30: {  	s3 =	sld [smem:$0x3FA2]  }
0x31: {  	[smem:$0x3FAB] =	sst s10  }
0x32: {  	s10 =	sld [smem:$0x3FA9];
	_ =	sdelay $0x3  }
0x33: {  	p0 =	seq.s32 s10, $0x1;
	s10 =	sld [smem:$0x3FAB];
	_ =	sdelay $0x3  }
0x34: {  	[smem:$0x3FAB] =	sst s10  }
0x35: {  	s10 =	sld [smem:$0x3FAA];
	_ =	sdelay $0x3  }
0x36: {  	p1 =	seq.s32 s10, $0x1;
	s10 =	sld [smem:$0x3FAB];
	_ =	sdelay $0x3  }
0x37: {  	[smem:$0x3FAB] =	sst s10  }
0x38: {  	s10 =	sld [smem:$0x3FAC]  }
0x39: {  	_ = 	snop;
	(pc) =	sbr.ind lr, $3  }
0x3a: {  	_ = 	snop  }
0x3b: {  	_ = 	snop  }
0x3c: {  	p2 =	seq.s32 s10, $0x1;
	s10 =	sld [smem:$0x3FAB]  }
0x3d: {  	_ =	shalt  }
0x3e: {  	_ =	shalt  }
0x3f: {  	_ =	shalt  }
0x40: {  	_ =	shalt  }
0x41: {  	_ =	shalt  }
0x42: {  	_ =	shalt  }
0x43: {  	_ =	shalt  }
0x44: {  	_ =	shalt  }
0x45: {  	_ =	shalt  }
0x46: {  	_ =	shalt  }
0x47: {  	_ =	shalt  }
0x48: {  	_ =	shalt  }
0x49: {  	_ =	shalt  }
0x4a: {  	_ =	shalt  }
0x4b: {  	_ =	shalt  }
0x4c: {  	_ =	shalt  }
0x4d: {  	_ =	shalt  }
0x4e: {  	_ =	shalt  }
0x4f: {  	_ =	shalt  }
0x50: {  	_ =	shalt  }
0x51: {  	_ =	shalt  }
0x52: {  	_ =	shalt  }
0x53: {  	_ =	shalt  }
0x54: {  	_ =	shalt  }
0x55: {  	_ =	shalt  }
0x56: {  	_ =	shalt  }
0x57: {  	_ =	shalt  }
0x58: {  	_ =	shalt  }
0x59: {  	_ =	shalt  }
0x5a: {  	_ =	shalt  }
0x5b: {  	_ =	shalt  }
0x5c: {  	_ =	shalt  }
0x5d: {  	_ =	shalt  }
0x5e: {  	_ =	shalt  }
0x5f: {  	_ =	shalt  }
0x60: {  	_ =	shalt  }
0x61: {  	_ =	shalt  }
0x62: {  	_ =	shalt  }
0x63: {  	_ =	shalt  }
0x64: {  	_ =	shalt  }
0x65: {  	_ =	shalt  }
0x66: {  	_ =	shalt  }
0x67: {  	_ =	shalt  }
0x68: {  	_ =	shalt  }
0x69: {  	_ =	shalt  }
0x6a: {  	_ =	shalt  }
0x6b: {  	_ =	shalt  }
0x6c: {  	_ =	shalt  }
0x6d: {  	_ =	shalt  }
0x6e: {  	_ =	shalt  }
0x6f: {  	_ =	shalt  }
0x70: {  	_ =	shalt  }
0x71: {  	_ =	shalt  }
0x72: {  	_ =	shalt  }
0x73: {  	_ =	shalt  }
0x74: {  	_ =	shalt  }
0x75: {  	_ =	shalt  }
0x76: {  	_ =	shalt  }
0x77: {  	_ =	shalt  }
0x78: {  	_ =	shalt  }
0x79: {  	_ =	shalt  }
0x7a: {  	_ =	shalt  }
0x7b: {  	_ =	shalt  }
0x7c: {  	_ =	shalt  }
0x7d: {  	_ =	shalt  }
0x7e: {  	_ =	shalt  }
0x7f: {  	_ =	shalt  }
0x80: {  	_ =	shalt  }
0x81: {  	_ =	shalt  }
0x82: {  	_ =	shalt  }
0x83: {  	_ =	shalt  }
0x84: {  	_ =	shalt  }
0x85: {  	_ =	shalt  }
0x86: {  	_ =	shalt  }
0x87: {  	_ =	shalt  }
.Lfunc_end0:
.L_simem_size_0:
called_computation_lowered:
.L_overlay_start_0:
0x88: {  	s2 =	sld [smem:$0x3FD9]  }
0x89: {  	s3 =	sld [smem:$0x3FFE];
	_ =	sdelay $0x1  }
0x8a: {  	s1 =	srdreg.scid  }
0x8b: {  	s0 =	sand.u32 $0x1, s1  }
0x8c: {  	s16 =	sshll.u32 s0, $0xA;
	s2 =	sadd.s32 s3, s2  }
0x8d: {  	s2 =	sadd.s32 s2, s16  }
0x8e: {  	[smem:$0x3FB7] =	sst s2  }
0x8f: {  	_ = 	snop  }
0x90: {  	(tm) =	ssettm $0x1  }
0x91: {  	s17 =	sld [smem:$0x3FFB];
	_ =	sdelay $0x3  }
0x92: {  	_ =	strace s17  }
0x93: {  	s2 =	sld [smem:$0x3FFC];
	_ =	sdelay $0x3  }
0x94: {  	_ =	strace s2  }
0x95: {  	s2 =	sld [smem:$0x3FFD];
	_ =	sdelay $0x3  }
0x96: {  	_ =	strace s2  }
0x97: {  	_ =	strace $0x8FFFFFFF  }
0x98: {  	s18 =	sld [smem:$0x3FDB];
	_ =	sdelay $0x1  }
0x99: {  	s19 =	simm.s32 $_scs_section_size  }
0x9a: {  	s4 =	simm.s32 $_size__tile_overlayer_lowered;
	s5 =	simm.s32 $_tile_overlayer_lowered  }
0x9b: {  	s22 =	simm.s32 $0x1BFF;
	s21 =	sshll.u32 s5, $0x1;
	s2 =	sadd.s32 s19, s18  }
0x9c: {  	s6 =	simm.s32 $0x0;
	s20 =	sshll.u32 s4, $0x1;
	s4 =	sadd.s32 s21, s2  }
0x9d: {  	[timem:s6], [sflag:s22] =	dma.local [hbm:s4], s20  }
0x9e: {  	_ =	swait.ge [sflag:s22], s20  }
0x9f: {  	s3 =	ssub.s32 $0x0, s20;
	[sflag:s22] =	ssyncset.done $0x0  }
0xa0: {  	[sflag:s22] =	ssyncadd.s32 s3;
	_ =	sdelay $0x1  }
0xa1: {  	s23 =	simm.s32 $0x1B8B  }
0xa2: {  	_ =	swait.ge [sflag:s23], $0x1  }
0xa3: {  	[sflag:s23] =	ssyncset.done $0x0  }
0xa4: {  	s25 =	simm.s32 $0x1B8E;
	s24 =	sld [smem:$0x3FFE];
	[sflag:s23] =	ssyncadd.s32 $0xFFFFFFFF  }
0xa5: {  	s26 =	simm.s32 $execute0_lowered;
	[smem:$0x3FD2] =	sst s25  }
0xa6: {  	s4 =	sshll.u32 s26, $0x1;
	_ =	strace $0x80000046;
	[dreg:$0x1] =	wrdreg $0xFFFFFFFF  }
0xa7: {  	s28 =	simm.s32 $_size_execute0_lowered;
	s2 =	sadd.s32 s2, s4;
	[dreg:$0x0] =	wrdreg $0x0  }
0xa8: {  	s4 =	sshll.u32 s28, $0x1;
	[dreg:$0x2] =	wrdreg s2  }
0xa9: {  	[dreg:$0x3] =	wrdreg s4  }
0xaa: {  	[dreg:$0x4] =	wrdreg $0xC0  }
0xab: {  	_ =	task [dreg:s6], $0x5FFFF  }
0xac: {  	[dreg:$0x1] =	wrdreg $0xFFFFFFFF  }
0xad: {  	[dreg:$0x0] =	wrdreg $0x60  }
0xae: {  	[dreg:$0x2] =	wrdreg s24  }
0xaf: {  	[dreg:$0x3] =	wrdreg $0xA8800  }
0xb0: {  	[dreg:$0x4] =	wrdreg $0x9  }
0xb1: {  	_ =	task.clear_ibuf [dreg:s6], $0x5FFFF;
	_ =	strace $0x90000046  }
0xb2: {  	s29 =	simm.s32 $0x9;
	_ =	strace $0x80000048  }
0xb3: {  	_ =	swait.ge [sflag:s29], $0x1  }
0xb4: {  	[sflag:s29] =	ssyncadd.s32 $0xFFFFFFFF  }
0xb5: {  	_ =	strace $0x90000048  }
0xb6: {  	_ =	sfence  }
0xb7: {  	s30 =	sld [smem:$0x0];
	_ =	sdelay $0x2  }
0xb8: {  	s31 =	sshll.u32 s1, $0xD;
	s1 =	sshrl.u32 s1, $0x2  }
0xb9: {  	s3 =	sand.u32 $0x4000, s31;
	s1 =	sadd.s32 s1, s30  }
0xba: {  	s0 =	sor.u32 s3, s0;
	s1 =	sshll.u32 s1, $0x11  }
0xbb: {  	s0 =	sor.u32 s1, s0  }
0xbc: {  	s0 =	sadd.s32 $0x8F2B, s0  }
0xbd: {  	[sflag:s0] =	ssyncadd.remote.s32 $0x1  }
0xbe: {  	_ =	sfence.sel $0xFFFF  }
0xbf: {  	[dreg:$0x0] =	wrdreg $0xFFFFFFFF;
	(pc) =	sbr.abs _section_cstart, $3  }
0xc0: {  	[dreg:$0x1] =	wrdreg $0xFFFFFFFF  }
0xc1: {  	_ =	task.clear_ibuf [dreg:s6], $0x2FFFF;
	_ =	strace $0x9FFFFFFF  }
0xc2: {  	(tm) =	ssettm $0x7FFFFFFF  }
0xc3: {  	_ =	shalt  }
tec
execute0_lowered:
.L_overlay_start_1:
0x0: {  	(tag) =	ssettag $0x1  }
0x1: {  	s0 =	rddreg [dreg:$0x0]  }
0x2: {  	s1 =	rddreg [dreg:$0x1];
	s2 =	srdreg.scid;
	s3 =	simm.s32 $0x0  }
0x3: {  	s19 =	simm.s32 $0x2;
	s21 =	simm.s32 $0x8080;
	s22 =	simm.s32 $0x50  }
0x4: {  	s23 =	simm.s32 $0x1;
	s25 =	simm.s32 $0x8000;
	s26 =	simm.s32 $0x0  }
0x5: {  	s6 =	sand.u32 $0x1, s2;
	[smem:$0x7FF] =	sst s3;
	s2 =	stileid.u32  }
0x6: {  	s4 =	sadd.s32 $0x9D1C00, s0;
	s5 =	sshll.u32 s6, $0x4;
	s8 =	smul.u32 $0x50000, s2  }
0x7: {  	_ =	strace $0x80000047;
	s31 =	smul.u32 $0x28000, s6;
	s10 =	ssub.s32 $0x2, s6  }
0x8: {  	s6 =	sadd.s32 $0x4E5E00, s0;
	s24 =	smul.u32 $0x2800, s2;
	s16 =	sor.u32 s2, s5  }
0x9: {  	s5 =	sadd.s32 $0xC8200, s0;
	s11 =	sshrl.u32 s10, $0x1;
	s7 =	sshll.u32 s16, $0xB  }
0xa: {  	v0 =	vimm.f32 $0.0e+00;
	v1 =	vimm.s32 $0x0;
	s8 =	sshrl.u32 s8, $0x2;
	s18 =	ssub.s32 s10, s11;
	s16 =	smul.u32 $0x2710, s16  }
0xb: {  	v2 =	vimm.s32 $0x1;
	v3 =	vimm.s32 $0x2;
	v4 =	vimm.s32 $0x3;
	s9 =	sadd.s32 s7, s0;
	s0 =	sadd.s32 s31, s0;
	s7 =	sadd.s32 s8, s1  }
0xc: {  	v5 =	vimm.s32 $0x4;
	v6 =	vimm.s32 $0x5;
	v7 =	vimm.s32 $0x6;
	s18 =	smax.u32 s18, $0x1;
	s8 =	sadd.s32 $0xA8200, s9;
	s9 =	sadd.s32 $0xB8200, s9  }
0xd: {  	v8 =	vimm.s32 $0x7;
	v9 =	vimm.s32 $0x8;
	v10 =	vimm.s32 $0x9;
	s10 =	sadd.s32 $0x2800, s7;
	s11 =	sadd.s32 $0x5000, s7;
	s12 =	sadd.s32 $0x7800, s7  }
0xe: {  	v11 =	vimm.s32 $0xA;
	v12 =	vimm.s32 $0xB;
	v13 =	vimm.s32 $0xC;
	s13 =	sadd.s32 $0xA000, s7;
	s14 =	sadd.s32 $0xC800, s7;
	s0 =	sadd.s32 $0xEF400, s0  }
0xf: {  	v14 =	vimm.s32 $0xD;
	v15 =	vimm.s32 $0xE;
	v16 =	vimm.s32 $0xF;
	s15 =	sadd.s32 $0xF000, s7;
	s17 =	sadd.s32 $0x11800, s7;
	s24 =	sadd.s32 s24, s0  }
.LBB2_1:
0x10: {  	[tilespmem:s3], [sflag:$0x2] =	stream.linear.gather [hbm4b:s8+s3], $0x3E80, $0x38;
	[tilespmem:$0x1E880] =	vst v63  }
0x11: {  	_ =	swait.ge [sflag:s19], $0x3E80  }
0x12: {  	[sflag:s19] =	ssyncset.done $0x0  }
0x13: {  	s0 =	simm.s32 $0x4000;
	[sflag:s19] =	ssyncadd.s32 $0xFFFFC180  }
0x14: {  	[tilespmem:s0], [sflag:$0x2] =	stream.linear.gather [hbm4b:s9+s3], $0x3E80, $0x38;
	[tilespmem:$0x1E880] =	vst v63  }
0x15: {  	_ =	swait.ge [sflag:s19], $0x3E80  }
0x16: {  	[sflag:s19] =	ssyncset.done $0x0  }
0x17: {  	s28 =	simm.s32 $0x200;
	s0 =	simm.s32 $0x0;
	[sflag:s19] =	ssyncadd.s32 $0xFFFFC180  }
.LBB2_2:
0x18: {  	p0 =	sne.s32 s28, $0x9E00;
	[tilespmem:s0+$0x80F0] =	vst v0  }
0x19: {  	[tilespmem:s0+$0x8080] =	vst v0  }
0x1a: {  	[tilespmem:s0+$0x8090] =	vst v0  }
.Ltmp0:
0x1b: {  	[tilespmem:s0+$0x80A0] =	vst v0;
	(pc) =	sbr.rel @p0 .LBB2_2-.Ltmp0, $4  }
0x1c: {  	[tilespmem:s0+$0x80B0] =	vst v0  }
0x1d: {  	[tilespmem:s0+$0x80C0] =	vst v0  }
0x1e: {  	[tilespmem:s0+$0x80D0] =	vst v0  }
0x1f: {  	[tilespmem:s0+$0x80E0] =	vst v0;
	s0 =	sshra.s32 s28, $0x2;
	s28 =	sadd.s32 $0x200, s28  }
0x20: {  	[tilespmem:s0+$0x80F0] =	vst v0  }
0x21: {  	[tilespmem:s0+$0x8080] =	vst v0  }
0x22: {  	[tilespmem:s0+$0x8090] =	vst v0  }
0x23: {  	[tilespmem:s0+$0x80A0] =	vst v0  }
0x24: {  	[tilespmem:s0+$0x80B0] =	vst v0  }
0x25: {  	[tilespmem:s0+$0x80C0] =	vst v0  }
0x26: {  	[tilespmem:s0+$0x80D0] =	vst v0  }
0x27: {  	[tilespmem:s0+$0x80E0] =	vst v0  }
0x28: {  	[spmem:s7] =	stream.linear.scatter [tilespmem:s21], [sflag:$0x2], $0x2800, $0x38;
	[tilespmem:$0x1E880] =	vst v63  }
0x29: {  	_ =	swait.ge [sflag:s19], $0x2800  }
0x2a: {  	[sflag:s19] =	ssyncset.done $0x0  }
0x2b: {  	[sflag:s19] =	ssyncadd.s32 $0xFFFFD800  }
0x2c: {  	[spmem:s10] =	stream.linear.scatter [tilespmem:s21], [sflag:$0x2], $0x2800, $0x38;
	[tilespmem:$0x1E880] =	vst v63  }
0x2d: {  	_ =	swait.ge [sflag:s19], $0x2800  }
0x2e: {  	[sflag:s19] =	ssyncset.done $0x0  }
0x2f: {  	[sflag:s19] =	ssyncadd.s32 $0xFFFFD800  }
0x30: {  	[spmem:s11] =	stream.linear.scatter [tilespmem:s21], [sflag:$0x2], $0x2800, $0x38;
	[tilespmem:$0x1E880] =	vst v63  }
0x31: {  	_ =	swait.ge [sflag:s19], $0x2800  }
0x32: {  	[sflag:s19] =	ssyncset.done $0x0  }
0x33: {  	[sflag:s19] =	ssyncadd.s32 $0xFFFFD800  }
0x34: {  	[spmem:s12] =	stream.linear.scatter [tilespmem:s21], [sflag:$0x2], $0x2800, $0x38;
	[tilespmem:$0x1E880] =	vst v63  }
0x35: {  	_ =	swait.ge [sflag:s19], $0x2800  }
0x36: {  	[sflag:s19] =	ssyncset.done $0x0  }
0x37: {  	[sflag:s19] =	ssyncadd.s32 $0xFFFFD800  }
0x38: {  	[spmem:s13] =	stream.linear.scatter [tilespmem:s21], [sflag:$0x2], $0x2800, $0x38;
	[tilespmem:$0x1E880] =	vst v63  }
0x39: {  	_ =	swait.ge [sflag:s19], $0x2800  }
0x3a: {  	[sflag:s19] =	ssyncset.done $0x0  }
0x3b: {  	[sflag:s19] =	ssyncadd.s32 $0xFFFFD800  }
0x3c: {  	[spmem:s14] =	stream.linear.scatter [tilespmem:s21], [sflag:$0x2], $0x2800, $0x38;
	[tilespmem:$0x1E880] =	vst v63  }
0x3d: {  	_ =	swait.ge [sflag:s19], $0x2800  }
0x3e: {  	[sflag:s19] =	ssyncset.done $0x0  }
0x3f: {  	[sflag:s19] =	ssyncadd.s32 $0xFFFFD800  }
0x40: {  	[spmem:s15] =	stream.linear.scatter [tilespmem:s21], [sflag:$0x2], $0x2800, $0x38;
	[tilespmem:$0x1E880] =	vst v63  }
0x41: {  	_ =	swait.ge [sflag:s19], $0x2800  }
0x42: {  	[sflag:s19] =	ssyncset.done $0x0  }
0x43: {  	[sflag:s19] =	ssyncadd.s32 $0xFFFFD800  }
0x44: {  	[spmem:s17] =	stream.linear.scatter [tilespmem:s21], [sflag:$0x2], $0x2800, $0x38;
	[tilespmem:$0x1E880] =	vst v63  }
0x45: {  	_ =	swait.ge [sflag:s19], $0x2800  }
0x46: {  	[sflag:s19] =	ssyncset.done $0x0  }
0x47: {  	[sflag:s19] =	ssyncadd.s32 $0xFFFFD800  }
0x48: {  	s28 =	simm.s32 $0x0;
	s29 =	simm.s32 $0x0;
	[bflag:$0x0] =	sbarrier.arrive $0xFFFF  }
.LBB2_4:
0x49: {  	s0 =	smul.u32 $0x50, s29;
	_ =	sdelay $0x1  }
0x4a: {  	s0 =	sadd.s32 s16, s0  }
0x4b: {  	s30 =	sshll.u32 s0, $0x4  }
0x4c: {  	s30 =	sadd.s32 s4, s30  }
0x4d: {  	[tilespmem:s21], [sflag:$0x2] =	stream.linear.gather [hbm4b:s30+s28], $0x2800, $0x38;
	[tilespmem:$0x1E880] =	vst v63  }
0x4e: {  	_ =	swait.ge [sflag:s19], $0x2800  }
0x4f: {  	[sflag:s19] =	ssyncset.done $0x0  }
0x50: {  	s30 =	sshll.u32 s29, $0x7;
	[sflag:s19] =	ssyncadd.s32 $0xFFFFD800  }
0x51: {  	[tilespmem:s21], [sflag:$0x1] =	stream.indirect.gather.add.f32 [hbm:s5], $0x80, s30, s22, $0xb8;
	[tilespmem:$0x1E880] =	vst v63  }
0x52: {  	_ =	swait.ge [sflag:s23], $0x2800  }
0x53: {  	s0 =	sshrl.u32 s0, $0x3;
	[sflag:s23] =	ssyncset.done $0x0  }
0x54: {  	s0 =	sadd.s32 s6, s0;
	[sflag:s23] =	ssyncadd.s32 $0xFFFFD800  }
0x55: {  	[tilespmem:s25], [sflag:$0x2] =	stream.linear.gather [hbm4b:s0+s28], $0x50, $0x38;
	[tilespmem:$0x1E880] =	vst v63  }
0x56: {  	_ =	swait.ge [sflag:s19], $0x50  }
0x57: {  	[sflag:s19] =	ssyncset.done $0x0  }
0x58: {  	s31 =	simm.s32 $0x0;
	[sflag:s19] =	ssyncadd.s32 $0xFFFFFFB0  }
.LBB2_5:
0x59: {  	s0 =	sshll.u32 s31, $0x4  }
0x5a: {  	s20 =	sshll.u32 s31, $0xB;
	s0 =	sand.u32 $0x3FFFFFF0, s0  }
0x5b: {  	s20 =	sand.u32 $0x3FFFF800, s20;
	v17 =	vld [tilespmem:s0+$0x8000]  }
0x5c: {  	v18 =	vld [tilespmem:s20+$0x8080]  }
0x5d: {  	v19 =	vld [tilespmem:s20+$0x8090]  }
0x5e: {  	v20 =	vld [tilespmem:s20+$0x80A0]  }
0x5f: {  	v21 =	vld [tilespmem:s20+$0x80B0]  }
0x60: {  	v23 =	vld [tilespmem:s20+$0x80C0];
	v22 =	vperm.xlane v17, v1  }
0x61: {  	v24 =	vld [tilespmem:s20+$0x80D0];
	v18 =	vmax.f32 v18, $0.0e+00  }
0x62: {  	v25 =	vld [tilespmem:s20+$0x80E0];
	v19 =	vmax.f32 v19, $0.0e+00;
	v18 =	vmul.f32 v18, v22  }
0x63: {  	v26 =	vld [tilespmem:s20+$0x80F0];
	v20 =	vmax.f32 v20, $0.0e+00;
	v19 =	vmul.f32 v19, v22  }
0x64: {  	v45 =	vld [tilespmem:s20+$0x8100];
	v44 =	vmax.f32 v21, $0.0e+00;
	[tilespmem:s20+$0x8080] =	vst v18;
	v18 =	vmul.f32 v20, v22  }
0x65: {  	v47 =	vld [tilespmem:s20+$0x8110];
	v46 =	vmax.f32 v23, $0.0e+00;
	[tilespmem:s20+$0x8090] =	vst v19;
	v19 =	vmul.f32 v44, v22  }
0x66: {  	v49 =	vld [tilespmem:s20+$0x8120];
	v48 =	vmax.f32 v24, $0.0e+00;
	[tilespmem:s20+$0x80A0] =	vst v18;
	v18 =	vmul.f32 v46, v22  }
0x67: {  	v51 =	vld [tilespmem:s20+$0x8130];
	v50 =	vmax.f32 v25, $0.0e+00;
	[tilespmem:s20+$0x80B0] =	vst v19;
	v19 =	vmul.f32 v48, v22  }
0x68: {  	v27 =	vld [tilespmem:s20+$0x8140];
	v52 =	vmax.f32 v26, $0.0e+00;
	v53 =	vperm.xlane v17, v2;
	[tilespmem:s20+$0x80C0] =	vst v18;
	v18 =	vmul.f32 v50, v22  }
0x69: {  	v55 =	vld [tilespmem:s20+$0x8150];
	v54 =	vmax.f32 v45, $0.0e+00;
	[tilespmem:s20+$0x80D0] =	vst v19;
	v19 =	vmul.f32 v52, v22  }
0x6a: {  	v57 =	vld [tilespmem:s20+$0x8160];
	v56 =	vmax.f32 v47, $0.0e+00;
	[tilespmem:s20+$0x80E0] =	vst v18;
	v18 =	vmul.f32 v54, v53  }
0x6b: {  	v59 =	vld [tilespmem:s20+$0x8170];
	v58 =	vmax.f32 v49, $0.0e+00;
	[tilespmem:s20+$0x80F0] =	vst v19;
	v19 =	vmul.f32 v56, v53  }
0x6c: {  	v61 =	vld [tilespmem:s20+$0x8180];
	v60 =	vmax.f32 v51, $0.0e+00;
	[tilespmem:s20+$0x8100] =	vst v18;
	v18 =	vmul.f32 v58, v53  }
0x6d: {  	v63 =	vld [tilespmem:s20+$0x8190];
	v62 =	vmax.f32 v27, $0.0e+00;
	[tilespmem:s20+$0x8110] =	vst v19;
	v19 =	vmul.f32 v60, v53  }
0x6e: {  	v31 =	vld [tilespmem:s20+$0x81A0];
	v30 =	vmax.f32 v55, $0.0e+00;
	[tilespmem:s20+$0x8120] =	vst v18;
	v18 =	vmul.f32 v62, v53  }
0x6f: {  	v33 =	vld [tilespmem:s20+$0x81B0];
	v32 =	vmax.f32 v57, $0.0e+00;
	[tilespmem:s20+$0x8130] =	vst v19;
	v19 =	vmul.f32 v30, v53  }
0x70: {  	v36 =	vld [tilespmem:s20+$0x81C0];
	v34 =	vmax.f32 v59, $0.0e+00;
	v35 =	vperm.xlane v17, v3;
	[tilespmem:s20+$0x8140] =	vst v18;
	v18 =	vmul.f32 v32, v53  }
0x71: {  	v38 =	vld [tilespmem:s20+$0x81D0];
	v37 =	vmax.f32 v61, $0.0e+00;
	[tilespmem:s20+$0x8150] =	vst v19;
	v19 =	vmul.f32 v34, v53  }
0x72: {  	v40 =	vld [tilespmem:s20+$0x81E0];
	v39 =	vmax.f32 v63, $0.0e+00;
	[tilespmem:s20+$0x8160] =	vst v18;
	v18 =	vmul.f32 v37, v35  }
0x73: {  	v42 =	vld [tilespmem:s20+$0x81F0];
	v41 =	vmax.f32 v31, $0.0e+00;
	[tilespmem:s20+$0x8170] =	vst v19;
	v19 =	vmul.f32 v39, v35  }
0x74: {  	v43 =	vmax.f32 v33, $0.0e+00;
	v44 =	vld [tilespmem:s20+$0x8200];
	[tilespmem:s20+$0x8180] =	vst v18;
	v18 =	vmul.f32 v41, v35  }
0x75: {  	v45 =	vmax.f32 v36, $0.0e+00;
	v46 =	vld [tilespmem:s20+$0x8210];
	[tilespmem:s20+$0x8190] =	vst v19;
	v19 =	vmul.f32 v43, v35  }
0x76: {  	v47 =	vmax.f32 v38, $0.0e+00;
	v48 =	vld [tilespmem:s20+$0x8220];
	[tilespmem:s20+$0x81A0] =	vst v18;
	v18 =	vmul.f32 v45, v35  }
0x77: {  	v49 =	vmax.f32 v40, $0.0e+00;
	v50 =	vld [tilespmem:s20+$0x8230];
	[tilespmem:s20+$0x81B0] =	vst v19;
	v19 =	vmul.f32 v47, v35  }
0x78: {  	v51 =	vmax.f32 v42, $0.0e+00;
	v52 =	vperm.xlane v17, v4;
	v53 =	vld [tilespmem:s20+$0x8240];
	[tilespmem:s20+$0x81C0] =	vst v18;
	v18 =	vmul.f32 v49, v35  }
0x79: {  	v55 =	vld [tilespmem:s20+$0x8250];
	v54 =	vmax.f32 v44, $0.0e+00;
	[tilespmem:s20+$0x81D0] =	vst v19;
	v19 =	vmul.f32 v51, v35  }
0x7a: {  	v57 =	vld [tilespmem:s20+$0x8260];
	v56 =	vmax.f32 v46, $0.0e+00;
	[tilespmem:s20+$0x81E0] =	vst v18;
	v18 =	vmul.f32 v54, v52  }
0x7b: {  	v59 =	vld [tilespmem:s20+$0x8270];
	v58 =	vmax.f32 v48, $0.0e+00;
	[tilespmem:s20+$0x81F0] =	vst v19;
	v19 =	vmul.f32 v56, v52  }
0x7c: {  	v61 =	vld [tilespmem:s20+$0x8280];
	v60 =	vmax.f32 v50, $0.0e+00;
	[tilespmem:s20+$0x8200] =	vst v18;
	v18 =	vmul.f32 v58, v52  }
0x7d: {  	v63 =	vld [tilespmem:s20+$0x8290];
	v62 =	vmax.f32 v53, $0.0e+00;
	[tilespmem:s20+$0x8210] =	vst v19;
	v19 =	vmul.f32 v60, v52  }
0x7e: {  	v31 =	vld [tilespmem:s20+$0x82A0];
	v30 =	vmax.f32 v55, $0.0e+00;
	[tilespmem:s20+$0x8220] =	vst v18;
	v18 =	vmul.f32 v62, v52  }
0x7f: {  	v33 =	vld [tilespmem:s20+$0x82B0];
	v32 =	vmax.f32 v57, $0.0e+00;
	[tilespmem:s20+$0x8230] =	vst v19;
	v19 =	vmul.f32 v30, v52  }
0x80: {  	v36 =	vld [tilespmem:s20+$0x82C0];
	v34 =	vmax.f32 v59, $0.0e+00;
	v35 =	vperm.xlane v17, v5;
	[tilespmem:s20+$0x8240] =	vst v18;
	v18 =	vmul.f32 v32, v52  }
0x81: {  	v38 =	vld [tilespmem:s20+$0x82D0];
	v37 =	vmax.f32 v61, $0.0e+00;
	[tilespmem:s20+$0x8250] =	vst v19;
	v19 =	vmul.f32 v34, v52  }
0x82: {  	v40 =	vld [tilespmem:s20+$0x82E0];
	v39 =	vmax.f32 v63, $0.0e+00;
	[tilespmem:s20+$0x8260] =	vst v18;
	v18 =	vmul.f32 v37, v35  }
0x83: {  	v42 =	vld [tilespmem:s20+$0x82F0];
	v41 =	vmax.f32 v31, $0.0e+00;
	[tilespmem:s20+$0x8270] =	vst v19;
	v19 =	vmul.f32 v39, v35  }
0x84: {  	v44 =	vld [tilespmem:s20+$0x8300];
	v43 =	vmax.f32 v33, $0.0e+00;
	[tilespmem:s20+$0x8280] =	vst v18;
	v18 =	vmul.f32 v41, v35  }
0x85: {  	v46 =	vld [tilespmem:s20+$0x8310];
	v45 =	vmax.f32 v36, $0.0e+00;
	[tilespmem:s20+$0x8290] =	vst v19;
	v19 =	vmul.f32 v43, v35  }
0x86: {  	v48 =	vld [tilespmem:s20+$0x8320];
	v47 =	vmax.f32 v38, $0.0e+00;
	[tilespmem:s20+$0x82A0] =	vst v18;
	v18 =	vmul.f32 v45, v35  }
0x87: {  	v50 =	vld [tilespmem:s20+$0x8330];
	v49 =	vmax.f32 v40, $0.0e+00;
	[tilespmem:s20+$0x82B0] =	vst v19;
	v19 =	vmul.f32 v47, v35  }
0x88: {  	v53 =	vld [tilespmem:s20+$0x8340];
	v51 =	vmax.f32 v42, $0.0e+00;
	v52 =	vperm.xlane v17, v6;
	[tilespmem:s20+$0x82C0] =	vst v18;
	v18 =	vmul.f32 v49, v35  }
0x89: {  	v55 =	vld [tilespmem:s20+$0x8350];
	v54 =	vmax.f32 v44, $0.0e+00;
	[tilespmem:s20+$0x82D0] =	vst v19;
	v19 =	vmul.f32 v51, v35  }
0x8a: {  	v57 =	vld [tilespmem:s20+$0x8360];
	v56 =	vmax.f32 v46, $0.0e+00;
	[tilespmem:s20+$0x82E0] =	vst v18;
	v18 =	vmul.f32 v54, v52  }
0x8b: {  	v59 =	vld [tilespmem:s20+$0x8370];
	v58 =	vmax.f32 v48, $0.0e+00;
	[tilespmem:s20+$0x82F0] =	vst v19;
	v19 =	vmul.f32 v56, v52  }
0x8c: {  	v61 =	vld [tilespmem:s20+$0x8380];
	v60 =	vmax.f32 v50, $0.0e+00;
	[tilespmem:s20+$0x8300] =	vst v18;
	v18 =	vmul.f32 v58, v52  }
0x8d: {  	v63 =	vld [tilespmem:s20+$0x8390];
	v62 =	vmax.f32 v53, $0.0e+00;
	[tilespmem:s20+$0x8310] =	vst v19;
	v19 =	vmul.f32 v60, v52  }
0x8e: {  	v31 =	vld [tilespmem:s20+$0x83A0];
	v30 =	vmax.f32 v55, $0.0e+00;
	[tilespmem:s20+$0x8320] =	vst v18;
	v18 =	vmul.f32 v62, v52  }
0x8f: {  	v33 =	vld [tilespmem:s20+$0x83B0];
	v32 =	vmax.f32 v57, $0.0e+00;
	[tilespmem:s20+$0x8330] =	vst v19;
	v19 =	vmul.f32 v30, v52  }
0x90: {  	v36 =	vld [tilespmem:s20+$0x83C0];
	v34 =	vmax.f32 v59, $0.0e+00;
	v35 =	vperm.xlane v17, v7;
	[tilespmem:s20+$0x8340] =	vst v18;
	v18 =	vmul.f32 v32, v52  }
0x91: {  	v38 =	vld [tilespmem:s20+$0x83D0];
	v37 =	vmax.f32 v61, $0.0e+00;
	[tilespmem:s20+$0x8350] =	vst v19;
	v19 =	vmul.f32 v34, v52  }
0x92: {  	v40 =	vld [tilespmem:s20+$0x83E0];
	v39 =	vmax.f32 v63, $0.0e+00;
	[tilespmem:s20+$0x8360] =	vst v18;
	v18 =	vmul.f32 v37, v35  }
0x93: {  	v42 =	vld [tilespmem:s20+$0x83F0];
	v41 =	vmax.f32 v31, $0.0e+00;
	[tilespmem:s20+$0x8370] =	vst v19;
	v19 =	vmul.f32 v39, v35  }
0x94: {  	v44 =	vld [tilespmem:s20+$0x8400];
	v43 =	vmax.f32 v33, $0.0e+00;
	[tilespmem:s20+$0x8380] =	vst v18;
	v18 =	vmul.f32 v41, v35  }
0x95: {  	v46 =	vld [tilespmem:s20+$0x8410];
	v45 =	vmax.f32 v36, $0.0e+00;
	[tilespmem:s20+$0x8390] =	vst v19;
	v19 =	vmul.f32 v43, v35  }
0x96: {  	v48 =	vld [tilespmem:s20+$0x8420];
	v47 =	vmax.f32 v38, $0.0e+00;
	[tilespmem:s20+$0x83A0] =	vst v18;
	v18 =	vmul.f32 v45, v35  }
0x97: {  	v50 =	vld [tilespmem:s20+$0x8430];
	v49 =	vmax.f32 v40, $0.0e+00;
	[tilespmem:s20+$0x83B0] =	vst v19;
	v19 =	vmul.f32 v47, v35  }
0x98: {  	v53 =	vld [tilespmem:s20+$0x8440];
	v51 =	vmax.f32 v42, $0.0e+00;
	v52 =	vperm.xlane v17, v8;
	[tilespmem:s20+$0x83C0] =	vst v18;
	v18 =	vmul.f32 v49, v35  }
0x99: {  	v55 =	vld [tilespmem:s20+$0x8450];
	v54 =	vmax.f32 v44, $0.0e+00;
	[tilespmem:s20+$0x83D0] =	vst v19;
	v19 =	vmul.f32 v51, v35  }
0x9a: {  	v57 =	vld [tilespmem:s20+$0x8460];
	v56 =	vmax.f32 v46, $0.0e+00;
	[tilespmem:s20+$0x83E0] =	vst v18;
	v18 =	vmul.f32 v54, v52  }
0x9b: {  	v59 =	vld [tilespmem:s20+$0x8470];
	v58 =	vmax.f32 v48, $0.0e+00;
	[tilespmem:s20+$0x83F0] =	vst v19;
	v19 =	vmul.f32 v56, v52  }
0x9c: {  	v61 =	vld [tilespmem:s20+$0x8480];
	v60 =	vmax.f32 v50, $0.0e+00;
	[tilespmem:s20+$0x8400] =	vst v18;
	v18 =	vmul.f32 v58, v52  }
0x9d: {  	v63 =	vld [tilespmem:s20+$0x8490];
	v62 =	vmax.f32 v53, $0.0e+00;
	[tilespmem:s20+$0x8410] =	vst v19;
	v19 =	vmul.f32 v60, v52  }
0x9e: {  	v31 =	vld [tilespmem:s20+$0x84A0];
	v30 =	vmax.f32 v55, $0.0e+00;
	[tilespmem:s20+$0x8420] =	vst v18;
	v18 =	vmul.f32 v62, v52  }
0x9f: {  	v33 =	vld [tilespmem:s20+$0x84B0];
	v32 =	vmax.f32 v57, $0.0e+00;
	[tilespmem:s20+$0x8430] =	vst v19;
	v19 =	vmul.f32 v30, v52  }
0xa0: {  	v36 =	vld [tilespmem:s20+$0x84C0];
	v34 =	vmax.f32 v59, $0.0e+00;
	v35 =	vperm.xlane v17, v9;
	[tilespmem:s20+$0x8440] =	vst v18;
	v18 =	vmul.f32 v32, v52  }
0xa1: {  	v38 =	vld [tilespmem:s20+$0x84D0];
	v37 =	vmax.f32 v61, $0.0e+00;
	[tilespmem:s20+$0x8450] =	vst v19;
	v19 =	vmul.f32 v34, v52  }
0xa2: {  	v40 =	vld [tilespmem:s20+$0x84E0];
	v39 =	vmax.f32 v63, $0.0e+00;
	[tilespmem:s20+$0x8460] =	vst v18;
	v18 =	vmul.f32 v37, v35  }
0xa3: {  	v42 =	vld [tilespmem:s20+$0x84F0];
	v41 =	vmax.f32 v31, $0.0e+00;
	[tilespmem:s20+$0x8470] =	vst v19;
	v19 =	vmul.f32 v39, v35  }
0xa4: {  	v44 =	vld [tilespmem:s20+$0x8500];
	v43 =	vmax.f32 v33, $0.0e+00;
	[tilespmem:s20+$0x8480] =	vst v18;
	v18 =	vmul.f32 v41, v35  }
0xa5: {  	v46 =	vld [tilespmem:s20+$0x8510];
	v45 =	vmax.f32 v36, $0.0e+00;
	[tilespmem:s20+$0x8490] =	vst v19;
	v19 =	vmul.f32 v43, v35  }
0xa6: {  	v48 =	vld [tilespmem:s20+$0x8520];
	v47 =	vmax.f32 v38, $0.0e+00;
	[tilespmem:s20+$0x84A0] =	vst v18;
	v18 =	vmul.f32 v45, v35  }
0xa7: {  	v50 =	vld [tilespmem:s20+$0x8530];
	v49 =	vmax.f32 v40, $0.0e+00;
	[tilespmem:s20+$0x84B0] =	vst v19;
	v19 =	vmul.f32 v47, v35  }
0xa8: {  	v53 =	vld [tilespmem:s20+$0x8540];
	v51 =	vmax.f32 v42, $0.0e+00;
	v52 =	vperm.xlane v17, v10;
	[tilespmem:s20+$0x84C0] =	vst v18;
	v18 =	vmul.f32 v49, v35  }
0xa9: {  	v55 =	vld [tilespmem:s20+$0x8550];
	v54 =	vmax.f32 v44, $0.0e+00;
	[tilespmem:s20+$0x84D0] =	vst v19;
	v19 =	vmul.f32 v51, v35  }
0xaa: {  	v57 =	vld [tilespmem:s20+$0x8560];
	v56 =	vmax.f32 v46, $0.0e+00;
	[tilespmem:s20+$0x84E0] =	vst v18;
	v18 =	vmul.f32 v54, v52  }
0xab: {  	v59 =	vld [tilespmem:s20+$0x8570];
	v58 =	vmax.f32 v48, $0.0e+00;
	[tilespmem:s20+$0x84F0] =	vst v19;
	v19 =	vmul.f32 v56, v52  }
0xac: {  	v61 =	vld [tilespmem:s20+$0x8580];
	v60 =	vmax.f32 v50, $0.0e+00;
	[tilespmem:s20+$0x8500] =	vst v18;
	v18 =	vmul.f32 v58, v52  }
0xad: {  	v63 =	vld [tilespmem:s20+$0x8590];
	v62 =	vmax.f32 v53, $0.0e+00;
	[tilespmem:s20+$0x8510] =	vst v19;
	v19 =	vmul.f32 v60, v52  }
0xae: {  	v31 =	vld [tilespmem:s20+$0x85A0];
	v30 =	vmax.f32 v55, $0.0e+00;
	[tilespmem:s20+$0x8520] =	vst v18;
	v18 =	vmul.f32 v62, v52  }
0xaf: {  	v33 =	vld [tilespmem:s20+$0x85B0];
	v32 =	vmax.f32 v57, $0.0e+00;
	[tilespmem:s20+$0x8530] =	vst v19;
	v19 =	vmul.f32 v30, v52  }
0xb0: {  	v36 =	vld [tilespmem:s20+$0x85C0];
	v34 =	vmax.f32 v59, $0.0e+00;
	v35 =	vperm.xlane v17, v11;
	[tilespmem:s20+$0x8540] =	vst v18;
	v18 =	vmul.f32 v32, v52  }
0xb1: {  	v38 =	vld [tilespmem:s20+$0x85D0];
	v37 =	vmax.f32 v61, $0.0e+00;
	[tilespmem:s20+$0x8550] =	vst v19;
	v19 =	vmul.f32 v34, v52  }
0xb2: {  	v40 =	vld [tilespmem:s20+$0x85E0];
	v39 =	vmax.f32 v63, $0.0e+00;
	[tilespmem:s20+$0x8560] =	vst v18;
	v18 =	vmul.f32 v37, v35  }
0xb3: {  	v42 =	vld [tilespmem:s20+$0x85F0];
	v41 =	vmax.f32 v31, $0.0e+00;
	[tilespmem:s20+$0x8570] =	vst v19;
	v19 =	vmul.f32 v39, v35  }
0xb4: {  	v44 =	vld [tilespmem:s20+$0x8600];
	v43 =	vmax.f32 v33, $0.0e+00;
	[tilespmem:s20+$0x8580] =	vst v18;
	v18 =	vmul.f32 v41, v35  }
0xb5: {  	v46 =	vld [tilespmem:s20+$0x8610];
	v45 =	vmax.f32 v36, $0.0e+00;
	[tilespmem:s20+$0x8590] =	vst v19;
	v19 =	vmul.f32 v43, v35  }
0xb6: {  	v48 =	vld [tilespmem:s20+$0x8620];
	v47 =	vmax.f32 v38, $0.0e+00;
	[tilespmem:s20+$0x85A0] =	vst v18;
	v18 =	vmul.f32 v45, v35  }
0xb7: {  	v50 =	vld [tilespmem:s20+$0x8630];
	v49 =	vmax.f32 v40, $0.0e+00;
	[tilespmem:s20+$0x85B0] =	vst v19;
	v19 =	vmul.f32 v47, v35  }
0xb8: {  	v53 =	vld [tilespmem:s20+$0x8640];
	v51 =	vmax.f32 v42, $0.0e+00;
	v52 =	vperm.xlane v17, v12;
	[tilespmem:s20+$0x85C0] =	vst v18;
	v18 =	vmul.f32 v49, v35  }
0xb9: {  	v55 =	vld [tilespmem:s20+$0x8650];
	v54 =	vmax.f32 v44, $0.0e+00;
	[tilespmem:s20+$0x85D0] =	vst v19;
	v19 =	vmul.f32 v51, v35  }
0xba: {  	v57 =	vld [tilespmem:s20+$0x8660];
	v56 =	vmax.f32 v46, $0.0e+00;
	[tilespmem:s20+$0x85E0] =	vst v18;
	v18 =	vmul.f32 v54, v52  }
0xbb: {  	v59 =	vld [tilespmem:s20+$0x8670];
	v58 =	vmax.f32 v48, $0.0e+00;
	[tilespmem:s20+$0x85F0] =	vst v19;
	v19 =	vmul.f32 v56, v52  }
0xbc: {  	v61 =	vld [tilespmem:s20+$0x8680];
	v60 =	vmax.f32 v50, $0.0e+00;
	[tilespmem:s20+$0x8600] =	vst v18;
	v18 =	vmul.f32 v58, v52  }
0xbd: {  	v63 =	vld [tilespmem:s20+$0x8690];
	v62 =	vmax.f32 v53, $0.0e+00;
	[tilespmem:s20+$0x8610] =	vst v19;
	v19 =	vmul.f32 v60, v52  }
0xbe: {  	v31 =	vld [tilespmem:s20+$0x86A0];
	v30 =	vmax.f32 v55, $0.0e+00;
	[tilespmem:s20+$0x8620] =	vst v18;
	v18 =	vmul.f32 v62, v52  }
0xbf: {  	v33 =	vld [tilespmem:s20+$0x86B0];
	v32 =	vmax.f32 v57, $0.0e+00;
	[tilespmem:s20+$0x8630] =	vst v19;
	v19 =	vmul.f32 v30, v52  }
0xc0: {  	v36 =	vld [tilespmem:s20+$0x86C0];
	v34 =	vmax.f32 v59, $0.0e+00;
	v35 =	vperm.xlane v17, v13;
	[tilespmem:s20+$0x8640] =	vst v18;
	v18 =	vmul.f32 v32, v52  }
0xc1: {  	v38 =	vld [tilespmem:s20+$0x86D0];
	v37 =	vmax.f32 v61, $0.0e+00;
	[tilespmem:s20+$0x8650] =	vst v19;
	v19 =	vmul.f32 v34, v52  }
0xc2: {  	v40 =	vld [tilespmem:s20+$0x86E0];
	v39 =	vmax.f32 v63, $0.0e+00;
	[tilespmem:s20+$0x8660] =	vst v18;
	v18 =	vmul.f32 v37, v35  }
0xc3: {  	v42 =	vld [tilespmem:s20+$0x86F0];
	v41 =	vmax.f32 v31, $0.0e+00;
	[tilespmem:s20+$0x8670] =	vst v19;
	v19 =	vmul.f32 v39, v35  }
0xc4: {  	v44 =	vld [tilespmem:s20+$0x8700];
	v43 =	vmax.f32 v33, $0.0e+00;
	[tilespmem:s20+$0x8680] =	vst v18;
	v18 =	vmul.f32 v41, v35  }
0xc5: {  	v46 =	vld [tilespmem:s20+$0x8710];
	v45 =	vmax.f32 v36, $0.0e+00;
	[tilespmem:s20+$0x8690] =	vst v19;
	v19 =	vmul.f32 v43, v35  }
0xc6: {  	v48 =	vld [tilespmem:s20+$0x8720];
	v47 =	vmax.f32 v38, $0.0e+00;
	[tilespmem:s20+$0x86A0] =	vst v18;
	v18 =	vmul.f32 v45, v35  }
0xc7: {  	v50 =	vld [tilespmem:s20+$0x8730];
	v49 =	vmax.f32 v40, $0.0e+00;
	[tilespmem:s20+$0x86B0] =	vst v19;
	v19 =	vmul.f32 v47, v35  }
0xc8: {  	v53 =	vld [tilespmem:s20+$0x8740];
	v51 =	vmax.f32 v42, $0.0e+00;
	v52 =	vperm.xlane v17, v14;
	[tilespmem:s20+$0x86C0] =	vst v18;
	v18 =	vmul.f32 v49, v35  }
0xc9: {  	v55 =	vld [tilespmem:s20+$0x8750];
	v54 =	vmax.f32 v44, $0.0e+00;
	[tilespmem:s20+$0x86D0] =	vst v19;
	v19 =	vmul.f32 v51, v35  }
0xca: {  	v57 =	vld [tilespmem:s20+$0x8760];
	v56 =	vmax.f32 v46, $0.0e+00;
	[tilespmem:s20+$0x86E0] =	vst v18;
	v18 =	vmul.f32 v54, v52  }
0xcb: {  	v59 =	vld [tilespmem:s20+$0x8770];
	v58 =	vmax.f32 v48, $0.0e+00;
	[tilespmem:s20+$0x86F0] =	vst v19;
	v19 =	vmul.f32 v56, v52  }
0xcc: {  	v61 =	vld [tilespmem:s20+$0x8780];
	v60 =	vmax.f32 v50, $0.0e+00;
	[tilespmem:s20+$0x8700] =	vst v18;
	v18 =	vmul.f32 v58, v52  }
0xcd: {  	v63 =	vld [tilespmem:s20+$0x8790];
	v62 =	vmax.f32 v53, $0.0e+00;
	[tilespmem:s20+$0x8710] =	vst v19;
	v19 =	vmul.f32 v60, v52  }
0xce: {  	v31 =	vld [tilespmem:s20+$0x87A0];
	v30 =	vmax.f32 v55, $0.0e+00;
	[tilespmem:s20+$0x8720] =	vst v18;
	v18 =	vmul.f32 v62, v52  }
0xcf: {  	v33 =	vld [tilespmem:s20+$0x87B0];
	v32 =	vmax.f32 v57, $0.0e+00;
	[tilespmem:s20+$0x8730] =	vst v19;
	v19 =	vmul.f32 v30, v52  }
0xd0: {  	v36 =	vld [tilespmem:s20+$0x87C0];
	v34 =	vmax.f32 v59, $0.0e+00;
	v35 =	vperm.xlane v17, v15;
	[tilespmem:s20+$0x8740] =	vst v18;
	v18 =	vmul.f32 v32, v52  }
0xd1: {  	v38 =	vld [tilespmem:s20+$0x87D0];
	v37 =	vmax.f32 v61, $0.0e+00;
	[tilespmem:s20+$0x8750] =	vst v19;
	v19 =	vmul.f32 v34, v52  }
0xd2: {  	v40 =	vld [tilespmem:s20+$0x87E0];
	v39 =	vmax.f32 v63, $0.0e+00;
	[tilespmem:s20+$0x8760] =	vst v18;
	v18 =	vmul.f32 v37, v35  }
0xd3: {  	v42 =	vld [tilespmem:s20+$0x87F0];
	v41 =	vmax.f32 v31, $0.0e+00;
	[tilespmem:s20+$0x8770] =	vst v19;
	v19 =	vmul.f32 v39, v35  }
0xd4: {  	v44 =	vld [tilespmem:s20+$0x8800];
	v43 =	vmax.f32 v33, $0.0e+00;
	[tilespmem:s20+$0x8780] =	vst v18;
	v18 =	vmul.f32 v41, v35  }
0xd5: {  	v46 =	vld [tilespmem:s20+$0x8810];
	v45 =	vmax.f32 v36, $0.0e+00;
	[tilespmem:s20+$0x8790] =	vst v19;
	v19 =	vmul.f32 v43, v35  }
0xd6: {  	v48 =	vld [tilespmem:s20+$0x8820];
	v47 =	vmax.f32 v38, $0.0e+00;
	[tilespmem:s20+$0x87A0] =	vst v18;
	v18 =	vmul.f32 v45, v35  }
0xd7: {  	v50 =	vld [tilespmem:s20+$0x8830];
	v49 =	vmax.f32 v40, $0.0e+00;
	[tilespmem:s20+$0x87B0] =	vst v19;
	v19 =	vmul.f32 v47, v35  }
0xd8: {  	v51 =	vmax.f32 v42, $0.0e+00;
	v17 =	vperm.xlane v17, v16;
	v52 =	vld [tilespmem:s20+$0x8840];
	[tilespmem:s20+$0x87C0] =	vst v18;
	v18 =	vmul.f32 v49, v35  }
0xd9: {  	v53 =	vmax.f32 v44, $0.0e+00;
	v54 =	vld [tilespmem:s20+$0x8850];
	[tilespmem:s20+$0x87D0] =	vst v19;
	v19 =	vmul.f32 v51, v35  }
0xda: {  	v55 =	vmax.f32 v46, $0.0e+00;
	v56 =	vld [tilespmem:s20+$0x8860];
	[tilespmem:s20+$0x87E0] =	vst v18;
	v18 =	vmul.f32 v53, v17  }
0xdb: {  	v57 =	vmax.f32 v48, $0.0e+00;
	v58 =	vld [tilespmem:s20+$0x8870];
	[tilespmem:s20+$0x87F0] =	vst v19;
	v19 =	vmul.f32 v55, v17  }
0xdc: {  	v59 =	vmax.f32 v50, $0.0e+00;
	[tilespmem:s20+$0x8800] =	vst v18;
	v18 =	vmul.f32 v57, v17  }
0xdd: {  	v60 =	vmax.f32 v52, $0.0e+00;
	[tilespmem:s20+$0x8810] =	vst v19;
	v19 =	vmul.f32 v59, v17  }
0xde: {  	p0 =	sne.s32 s31, $0x4;
	v61 =	vmax.f32 v54, $0.0e+00;
	[tilespmem:s20+$0x8820] =	vst v18;
	v18 =	vmul.f32 v60, v17  }
.Ltmp1:
0xdf: {  	v62 =	vmax.f32 v56, $0.0e+00;
	[tilespmem:s20+$0x8830] =	vst v19;
	v19 =	vmul.f32 v61, v17;
	(pc) =	sbr.rel @p0 .LBB2_5-.Ltmp1, $4  }
0xe0: {  	v63 =	vmax.f32 v58, $0.0e+00;
	[tilespmem:s20+$0x8840] =	vst v18;
	v18 =	vmul.f32 v62, v17  }
0xe1: {  	[tilespmem:s20+$0x8850] =	vst v19;
	v17 =	vmul.f32 v63, v17  }
0xe2: {  	[tilespmem:s20+$0x8860] =	vst v18  }
0xe3: {  	s31 =	sadd.s32 $0x1, s31;
	[tilespmem:s20+$0x8870] =	vst v17  }
0xe4: {  	s29 =	sadd.s32 $0x1, s29  }
0xe5: {  	p0 =	sne.s32 s29, $0x7D  }
.Ltmp2:
0xe6: {  	s0 =	sadd.s32 $0x4000, s30;
	(pc) =	sbr.rel @p0 .LBB2_4-.Ltmp2, $4  }
0xe7: {  	[spmem:s1] =	stream.indirect.scatter.add.f32 [tilespmem:s21], [sflag:$0x2], $0x80, s0, s22, $0xb8;
	[tilespmem:$0x1E880] =	vst v63  }
0xe8: {  	_ =	swait.ge [sflag:s19], $0x2800  }
0xe9: {  	[sflag:s19] =	ssyncset.done $0x0  }
0xea: {  	[sflag:s19] =	ssyncadd.s32 $0xFFFFD800  }
0xeb: {  	s26 =	sadd.s32 $0x1, s26  }
0xec: {  	s0 =	sshll.u32 s2, $0x6;
	[bflag:$0x0] =	sbarrier.arrive $0xFFFF;
	p0 =	sne.s32 s26, s18  }
.Ltmp3:
0xed: {  	s20 =	sshrl.u32 s7, $0x3;
	s0 =	sor.u32 $0x1C02, s0;
	(pc) =	sbr.rel @p0 .LBB2_1-.Ltmp3, $4  }
0xee: {  	[hbm:s24], [sflag:s0] =	dma.local [spmem:s20], $0x2800  }
0xef: {  	_ =	swait.ge [sflag:s19], $0x2800  }
0xf0: {  	[sflag:s19] =	ssyncset.done $0x0  }
0xf1: {  	[sflag:s19] =	ssyncadd.s32 $0xFFFFD800  }
0xf2: {  	_ =	sfence.sel $0x180000  }
0xf3: {  	[bflag:$0x0] =	sbarrier.arrive $0xFFFF  }
0xf4: {  	_ =	strace $0x90000047  }
0xf5: {  	[bflag:$0x2] =	sbarrier.arrive $0xFFFF  }
0xf6: {  	p0 =	sne.s32 s2, $0x0;
	s0 =	rddreg [dreg:$0x2]  }
0xf7: {  	s0 =	sadd.s32 @!p0 $0x100000, s0  }
0xf8: {  	[sflag:s0] =	ssyncadd.tile.s32 @!p0 $0x1;
	_ =	shalt  }
.Lfunc_end2:
_tile_overlayer_lowered:
.L_overlay_start_2:
0xf9: {  	(tag) =	ssettag $0x2  }
0xfa: {  	s0 =	rddreg [dreg:$0x0];
	s2 =	stileid.u32  }
0xfb: {  	s1 =	rddreg [dreg:$0x1];
	p0 =	sne.s32 s2, $0x0  }
0xfc: {  	s3 =	rddreg [dreg:$0x2];
	[bflag:$0x3] =	sbarrier.arrive $0xFFFF;
	s2 =	simm.s32 @!p0 $0x1C02  }
0xfd: {  	[timem:s3], [sflag:s2] =	dma.local @!p0 [hbm:s0], s1  }
0xfe: {  	s0 =	simm.s32 @!p0 $0x2  }
0xff: {  	_ =	swait.ge @!p0 [sflag:s0], s1  }
0x100: {  	s1 =	ssub.s32 @!p0 $0x0, s1;
	[sflag:s0] =	ssyncset.done @!p0 $0x0  }
0x101: {  	[sflag:s0] =	ssyncadd.s32 @!p0 s1  }
0x102: {  	[bflag:$0x3] =	sbarrier.arrive $0xFFFF  }
0x103: {  	_ =	shalt  }

// kernel: kernel.16.cloned.1.call-start
scs
__scs_entry_jumppad:
0x0: {  	(pc) =	sbr.rel $0x88, $3  }
0x1: {  	(tag) =	ssettag $0x0;
	lr =	simm.s32 $0x1  }
0x2: {  	[smem:$0x3F90] =	sst lr;
	_ =	strace $0xD0000000  }
0x3: {  	_ = 	snop  }
0x4: {  	_ = 	snop  }
0x5: {  	_ = 	snop  }
0x6: {  	_ = 	snop  }
0x7: {  	_ = 	snop  }
__scs_overlays_trampoline_lowered:
0x8: {  	[smem:$0x3F9F] =	sst s0  }
0x9: {  	[smem:$0x3FA0] =	sst s1  }
0xa: {  	[smem:$0x3FA1] =	sst s2  }
0xb: {  	[smem:$0x3FA2] =	sst s3  }
0xc: {  	[smem:$0x3FA3] =	sst s4  }
0xd: {  	[smem:$0x3FA4] =	sst s5  }
0xe: {  	[smem:$0x3FA5] =	sst s6  }
0xf: {  	[smem:$0x3FA6] =	sst s7  }
0x10: {  	[smem:$0x3FA7] =	sst s8  }
0x11: {  	[smem:$0x3FA8] =	sst s9;
	s0 =	simm.s32 @!p0 $0x0  }
0x12: {  	s1 =	sld [smem:$0x3F8E];
	s0 =	simm.s32 @p0 $0x1  }
0x13: {  	[smem:$0x3FA9] =	sst s0;
	s0 =	simm.s32 @!p1 $0x0  }
0x14: {  	s2 =	sld [smem:$0x3F8D];
	s0 =	simm.s32 @p1 $0x1  }
0x15: {  	[smem:$0x3FAA] =	sst s0;
	s0 =	simm.s32 @!p2 $0x0  }
0x16: {  	s3 =	sld [smem:$0x3FDB];
	s0 =	simm.s32 @p2 $0x1  }
0x17: {  	s4 =	simm.s32 $0x1BF5;
	[smem:$0x3FAC] =	sst s0  }
0x18: {  	s0 =	sld [smem:$0x3F8F];
	_ =	swait.ge [sflag:s4], $0x0  }
0x19: {  	s7 =	sld [smem:$0x3F90]  }
0x1a: {  	s8 =	sadd.s32 $0xFFFFE003, lr  }
0x1b: {  	s9 =	sadd.s32 $0xFFFFFEF7, lr;
	s5 =	simm.s32 $0xFFFFFFFF;
	p2 =	slt.u32 s8, $0xFFFFF086  }
0x1c: {  	p1 =	slt.u32 s9, $0xF7A;
	s5 =	simm.s32 @!p2 $0x0  }
0x1d: {  	s5 =	simm.s32 @p1 $0x1;
	p0 =	seq.s32 s7, s2  }
0x1e: {  	s7 =	smul.u32 @!p0 $0xF7A, s2;
	p2 =	seq.s32 @!p0 s5, $0x0  }
0x1f: {  	s9 =	smul.u32 $0xF7A, s1;
	s8 =	simm.s32 @!p0 $0x1BF5;
	p2 =	por !p2, p0  }
0x20: {  	[sflag:s8] =	ssyncset.s32 @!p0 $0xFFFFF086;
	s6 =	sadd.s32 @!p0 s3, s7;
	s7 =	simm.s32 @!p0 $0x108  }
0x21: {  	s3 =	sadd.s32 s3, s9;
	s6 =	sadd.s32 @!p0 $0x88, s6;
	s7 =	simm.s32 @p2 $0x1082  }
0x22: {  	[simem:s7], [sflag:s8] =	dma.local @!p0 [hbm:s6], $0xF7A  }
0x23: {  	s9 =	sor.u32 $0xD0000000, s2;
	s6 =	simm.s32 $0x108;
	_ =	swait.ge @!p0 [sflag:s8], $0x0  }
0x24: {  	s3 =	sadd.s32 $0x88, s3;
	s6 =	simm.s32 @!p1 $0x1082;
	[sflag:s4] =	ssyncset.s32 $0xFFFFF086  }
0x25: {  	[simem:s6], [sflag:s4] =	dma.local [hbm:s3], $0xF7A  }
0x26: {  	[smem:$0x3F90] =	sst s1;
	(tag) =	ssettag s2;
	_ =	strace s9  }
0x27: {  	s1 =	sld [smem:$0x3FA0]  }
0x28: {  	s2 =	sld [smem:$0x3FA1]  }
0x29: {  	s4 =	sld [smem:$0x3FA3]  }
0x2a: {  	p0 =	seq.s32 s5, $0x0;
	s5 =	sld [smem:$0x3FA4]  }
0x2b: {  	s6 =	sld [smem:$0x3FA5]  }
0x2c: {  	s7 =	sld [smem:$0x3FA6]  }
0x2d: {  	s3 =	simm.s32 $0x108;
	s8 =	sld [smem:$0x3FA7]  }
0x2e: {  	s3 =	simm.s32 @!p0 $0x1082;
	s9 =	sld [smem:$0x3FA8]  }
0x2f: {  	lr =	sadd.s32 s0, s3;
	s0 =	sld [smem:$0x3F9F]  }
0x30: {  	s3 =	sld [smem:$0x3FA2]  }
0x31: {  	[smem:$0x3FAB] =	sst s10  }
0x32: {  	s10 =	sld [smem:$0x3FA9];
	_ =	sdelay $0x3  }
0x33: {  	p0 =	seq.s32 s10, $0x1;
	s10 =	sld [smem:$0x3FAB];
	_ =	sdelay $0x3  }
0x34: {  	[smem:$0x3FAB] =	sst s10  }
0x35: {  	s10 =	sld [smem:$0x3FAA];
	_ =	sdelay $0x3  }
0x36: {  	p1 =	seq.s32 s10, $0x1;
	s10 =	sld [smem:$0x3FAB];
	_ =	sdelay $0x3  }
0x37: {  	[smem:$0x3FAB] =	sst s10  }
0x38: {  	s10 =	sld [smem:$0x3FAC]  }
0x39: {  	_ = 	snop;
	(pc) =	sbr.ind lr, $3  }
0x3a: {  	_ = 	snop  }
0x3b: {  	_ = 	snop  }
0x3c: {  	p2 =	seq.s32 s10, $0x1;
	s10 =	sld [smem:$0x3FAB]  }
0x3d: {  	_ =	shalt  }
0x3e: {  	_ =	shalt  }
0x3f: {  	_ =	shalt  }
0x40: {  	_ =	shalt  }
0x41: {  	_ =	shalt  }
0x42: {  	_ =	shalt  }
0x43: {  	_ =	shalt  }
0x44: {  	_ =	shalt  }
0x45: {  	_ =	shalt  }
0x46: {  	_ =	shalt  }
0x47: {  	_ =	shalt  }
0x48: {  	_ =	shalt  }
0x49: {  	_ =	shalt  }
0x4a: {  	_ =	shalt  }
0x4b: {  	_ =	shalt  }
0x4c: {  	_ =	shalt  }
0x4d: {  	_ =	shalt  }
0x4e: {  	_ =	shalt  }
0x4f: {  	_ =	shalt  }
0x50: {  	_ =	shalt  }
0x51: {  	_ =	shalt  }
0x52: {  	_ =	shalt  }
0x53: {  	_ =	shalt  }
0x54: {  	_ =	shalt  }
0x55: {  	_ =	shalt  }
0x56: {  	_ =	shalt  }
0x57: {  	_ =	shalt  }
0x58: {  	_ =	shalt  }
0x59: {  	_ =	shalt  }
0x5a: {  	_ =	shalt  }
0x5b: {  	_ =	shalt  }
0x5c: {  	_ =	shalt  }
0x5d: {  	_ =	shalt  }
0x5e: {  	_ =	shalt  }
0x5f: {  	_ =	shalt  }
0x60: {  	_ =	shalt  }
0x61: {  	_ =	shalt  }
0x62: {  	_ =	shalt  }
0x63: {  	_ =	shalt  }
0x64: {  	_ =	shalt  }
0x65: {  	_ =	shalt  }
0x66: {  	_ =	shalt  }
0x67: {  	_ =	shalt  }
0x68: {  	_ =	shalt  }
0x69: {  	_ =	shalt  }
0x6a: {  	_ =	shalt  }
0x6b: {  	_ =	shalt  }
0x6c: {  	_ =	shalt  }
0x6d: {  	_ =	shalt  }
0x6e: {  	_ =	shalt  }
0x6f: {  	_ =	shalt  }
0x70: {  	_ =	shalt  }
0x71: {  	_ =	shalt  }
0x72: {  	_ =	shalt  }
0x73: {  	_ =	shalt  }
0x74: {  	_ =	shalt  }
0x75: {  	_ =	shalt  }
0x76: {  	_ =	shalt  }
0x77: {  	_ =	shalt  }
0x78: {  	_ =	shalt  }
0x79: {  	_ =	shalt  }
0x7a: {  	_ =	shalt  }
0x7b: {  	_ =	shalt  }
0x7c: {  	_ =	shalt  }
0x7d: {  	_ =	shalt  }
0x7e: {  	_ =	shalt  }
0x7f: {  	_ =	shalt  }
0x80: {  	_ =	shalt  }
0x81: {  	_ =	shalt  }
0x82: {  	_ =	shalt  }
0x83: {  	_ =	shalt  }
0x84: {  	_ =	shalt  }
0x85: {  	_ =	shalt  }
0x86: {  	_ =	shalt  }
0x87: {  	_ =	shalt  }
.Lfunc_end0:
.L_simem_size_0:
called_computation.1_lowered:
.L_overlay_start_0:
0x88: {  	s2 =	sld [smem:$0x3FD9]  }
0x89: {  	s3 =	sld [smem:$0x3FFE];
	_ =	sdelay $0x1  }
0x8a: {  	s1 =	srdreg.scid  }
0x8b: {  	s0 =	sand.u32 $0x1, s1  }
0x8c: {  	s16 =	sshll.u32 s0, $0xA;
	s2 =	sadd.s32 s3, s2  }
0x8d: {  	s2 =	sadd.s32 s2, s16  }
0x8e: {  	[smem:$0x3FB7] =	sst s2  }
0x8f: {  	_ = 	snop  }
0x90: {  	(tm) =	ssettm $0x1  }
0x91: {  	s17 =	sld [smem:$0x3FFB];
	_ =	sdelay $0x3  }
0x92: {  	_ =	strace s17  }
0x93: {  	s2 =	sld [smem:$0x3FFC];
	_ =	sdelay $0x3  }
0x94: {  	_ =	strace s2  }
0x95: {  	s2 =	sld [smem:$0x3FFD];
	_ =	sdelay $0x3  }
0x96: {  	_ =	strace s2  }
0x97: {  	_ =	strace $0x8FFFFFFF  }
0x98: {  	s18 =	sld [smem:$0x3FDB];
	_ =	sdelay $0x1  }
0x99: {  	s19 =	simm.s32 $_scs_section_size  }
0x9a: {  	s4 =	simm.s32 $_size__tile_overlayer_lowered;
	s5 =	simm.s32 $_tile_overlayer_lowered  }
0x9b: {  	s22 =	simm.s32 $0x1BFF;
	s21 =	sshll.u32 s5, $0x1;
	s2 =	sadd.s32 s19, s18  }
0x9c: {  	s6 =	simm.s32 $0x0;
	s20 =	sshll.u32 s4, $0x1;
	s4 =	sadd.s32 s21, s2  }
0x9d: {  	[timem:s6], [sflag:s22] =	dma.local [hbm:s4], s20  }
0x9e: {  	_ =	swait.ge [sflag:s22], s20  }
0x9f: {  	s3 =	ssub.s32 $0x0, s20;
	[sflag:s22] =	ssyncset.done $0x0  }
0xa0: {  	[sflag:s22] =	ssyncadd.s32 s3;
	_ =	sdelay $0x1  }
0xa1: {  	s23 =	simm.s32 $0x1B8B  }
0xa2: {  	_ =	swait.ge [sflag:s23], $0x1  }
0xa3: {  	[sflag:s23] =	ssyncset.done $0x0  }
0xa4: {  	s25 =	simm.s32 $0x1B8E;
	s24 =	sld [smem:$0x3FFE];
	[sflag:s23] =	ssyncadd.s32 $0xFFFFFFFF  }
0xa5: {  	s26 =	simm.s32 $execute0_lowered;
	[smem:$0x3FD2] =	sst s25  }
0xa6: {  	s4 =	sshll.u32 s26, $0x1;
	_ =	strace $0x80000049;
	[dreg:$0x1] =	wrdreg $0xFFFFFFFF  }
0xa7: {  	s28 =	simm.s32 $_size_execute0_lowered;
	s2 =	sadd.s32 s2, s4;
	[dreg:$0x0] =	wrdreg $0x0  }
0xa8: {  	s4 =	sshll.u32 s28, $0x1;
	[dreg:$0x2] =	wrdreg s2  }
0xa9: {  	[dreg:$0x3] =	wrdreg s4  }
0xaa: {  	[dreg:$0x4] =	wrdreg $0xC0  }
0xab: {  	_ =	task [dreg:s6], $0x5FFFF  }
0xac: {  	[dreg:$0x1] =	wrdreg $0xFFFFFFFF  }
0xad: {  	[dreg:$0x0] =	wrdreg $0x60  }
0xae: {  	[dreg:$0x2] =	wrdreg s24  }
0xaf: {  	[dreg:$0x3] =	wrdreg $0xA8000  }
0xb0: {  	[dreg:$0x4] =	wrdreg $0x9  }
0xb1: {  	_ =	task.clear_ibuf [dreg:s6], $0x5FFFF;
	_ =	strace $0x90000049  }
0xb2: {  	s29 =	simm.s32 $0x9;
	_ =	strace $0x8000004B  }
0xb3: {  	_ =	swait.ge [sflag:s29], $0x1  }
0xb4: {  	[sflag:s29] =	ssyncadd.s32 $0xFFFFFFFF  }
0xb5: {  	_ =	strace $0x9000004B  }
0xb6: {  	_ =	sfence  }
0xb7: {  	s30 =	sld [smem:$0x0];
	_ =	sdelay $0x2  }
0xb8: {  	s31 =	sshll.u32 s1, $0xD;
	s1 =	sshrl.u32 s1, $0x2  }
0xb9: {  	s3 =	sand.u32 $0x4000, s31;
	s1 =	sadd.s32 s1, s30  }
0xba: {  	s0 =	sor.u32 s3, s0;
	s1 =	sshll.u32 s1, $0x11  }
0xbb: {  	s0 =	sor.u32 s1, s0  }
0xbc: {  	s0 =	sadd.s32 $0x8F2B, s0  }
0xbd: {  	[sflag:s0] =	ssyncadd.remote.s32 $0x1  }
0xbe: {  	_ =	sfence.sel $0xFFFF  }
0xbf: {  	[dreg:$0x0] =	wrdreg $0xFFFFFFFF;
	(pc) =	sbr.abs _section_cstart, $3  }
0xc0: {  	[dreg:$0x1] =	wrdreg $0xFFFFFFFF  }
0xc1: {  	_ =	task.clear_ibuf [dreg:s6], $0x2FFFF;
	_ =	strace $0x9FFFFFFF  }
0xc2: {  	(tm) =	ssettm $0x7FFFFFFF  }
0xc3: {  	_ =	shalt  }
tec
execute0_lowered:
.L_overlay_start_1:
0x0: {  	(tag) =	ssettag $0x1  }
0x1: {  	s6 =	rddreg [dreg:$0x0]  }
0x2: {  	s1 =	rddreg [dreg:$0x1]  }
0x3: {  	s0 =	rddreg [dreg:$0x2];
	s2 =	simm.s32 $0x0  }
0x4: {  	s3 =	srdreg.scid;
	s19 =	simm.s32 $0x4000;
	s20 =	simm.s32 $0x8000  }
0x5: {  	s21 =	simm.s32 $0x50;
	s22 =	simm.s32 $0x1;
	[smem:$0x7FF] =	sst s2  }
0x6: {  	s5 =	sand.u32 $0x1, s3;
	s3 =	stileid.u32;
	s4 =	sadd.s32 $0xEB3C00, s6  }
0x7: {  	_ =	strace $0x8000004A;
	s7 =	sshll.u32 s5, $0x4;
	s30 =	smul.u32 $0x28000, s5  }
0x8: {  	s9 =	ssub.s32 $0x2, s5;
	s10 =	smul.u32 $0x50000, s3;
	s5 =	sadd.s32 $0xC8200, s6  }
0x9: {  	s24 =	smul.u32 $0x2800, s3;
	s16 =	sor.u32 s3, s7;
	s11 =	sshrl.u32 s9, $0x1  }
0xa: {  	s8 =	sshll.u32 s16, $0xB;
	s17 =	sadd.s32 s30, s6;
	s18 =	ssub.s32 s9, s11  }
0xb: {  	s31 =	sshrl.u32 s10, $0x2;
	s16 =	smul.u32 $0x2710, s16;
	s8 =	sadd.s32 s8, s6  }
0xc: {  	s23 =	sadd.s32 $0xEF400, s17;
	s17 =	smax.u32 s18, $0x1;
	s18 =	simm.s32 $0x2  }
0xd: {  	s6 =	sadd.s32 $0xA8200, s8;
	s7 =	sadd.s32 $0xB8200, s8;
	s8 =	sadd.s32 s31, s1  }
0xe: {  	s23 =	sadd.s32 s24, s23;
	s24 =	simm.s32 $0x0;
	s9 =	sadd.s32 $0x2800, s8  }
0xf: {  	s10 =	sadd.s32 $0x5000, s8;
	s11 =	sadd.s32 $0x7800, s8;
	s12 =	sadd.s32 $0xA000, s8  }
0x10: {  	v0 =	vimm.f32 $0.0e+00;
	s13 =	sadd.s32 $0xC800, s8;
	s14 =	sadd.s32 $0xF000, s8;
	s15 =	sadd.s32 $0x11800, s8  }
.LBB2_1:
0x11: {  	[tilespmem:s2], [sflag:$0x2] =	stream.linear.gather [hbm4b:s6+s2], $0x3E80, $0x38;
	[tilespmem:$0x1E800] =	vst v63  }
0x12: {  	_ =	swait.ge [sflag:s18], $0x3E80  }
0x13: {  	[sflag:s18] =	ssyncset.done $0x0  }
0x14: {  	[sflag:s18] =	ssyncadd.s32 $0xFFFFC180  }
0x15: {  	[tilespmem:s19], [sflag:$0x2] =	stream.linear.gather [hbm4b:s7+s2], $0x3E80, $0x38;
	[tilespmem:$0x1E800] =	vst v63  }
0x16: {  	_ =	swait.ge [sflag:s18], $0x3E80  }
0x17: {  	[sflag:s18] =	ssyncset.done $0x0  }
0x18: {  	s25 =	simm.s32 $0x0;
	s26 =	simm.s32 $0x200;
	[sflag:s18] =	ssyncadd.s32 $0xFFFFC180  }
.LBB2_2:
0x19: {  	p0 =	sne.s32 s26, $0x9E00;
	[tilespmem:s25+$0x8070] =	vst v0  }
0x1a: {  	[tilespmem:s25+$0x8000] =	vst v0  }
0x1b: {  	[tilespmem:s25+$0x8010] =	vst v0  }
.Ltmp0:
0x1c: {  	[tilespmem:s25+$0x8020] =	vst v0;
	(pc) =	sbr.rel @p0 .LBB2_2-.Ltmp0, $4  }
0x1d: {  	[tilespmem:s25+$0x8030] =	vst v0  }
0x1e: {  	[tilespmem:s25+$0x8040] =	vst v0  }
0x1f: {  	[tilespmem:s25+$0x8050] =	vst v0  }
0x20: {  	[tilespmem:s25+$0x8060] =	vst v0;
	s25 =	sshra.s32 s26, $0x2;
	s26 =	sadd.s32 $0x200, s26  }
0x21: {  	[tilespmem:s25+$0x8070] =	vst v0  }
0x22: {  	[tilespmem:s25+$0x8000] =	vst v0  }
0x23: {  	[tilespmem:s25+$0x8010] =	vst v0  }
0x24: {  	[tilespmem:s25+$0x8020] =	vst v0  }
0x25: {  	[tilespmem:s25+$0x8030] =	vst v0  }
0x26: {  	[tilespmem:s25+$0x8040] =	vst v0  }
0x27: {  	[tilespmem:s25+$0x8050] =	vst v0  }
0x28: {  	[tilespmem:s25+$0x8060] =	vst v0  }
0x29: {  	[spmem:s8] =	stream.linear.scatter [tilespmem:s20], [sflag:$0x2], $0x2800, $0x38;
	[tilespmem:$0x1E800] =	vst v63  }
0x2a: {  	_ =	swait.ge [sflag:s18], $0x2800  }
0x2b: {  	[sflag:s18] =	ssyncset.done $0x0  }
0x2c: {  	[sflag:s18] =	ssyncadd.s32 $0xFFFFD800  }
0x2d: {  	[spmem:s9] =	stream.linear.scatter [tilespmem:s20], [sflag:$0x2], $0x2800, $0x38;
	[tilespmem:$0x1E800] =	vst v63  }
0x2e: {  	_ =	swait.ge [sflag:s18], $0x2800  }
0x2f: {  	[sflag:s18] =	ssyncset.done $0x0  }
0x30: {  	[sflag:s18] =	ssyncadd.s32 $0xFFFFD800  }
0x31: {  	[spmem:s10] =	stream.linear.scatter [tilespmem:s20], [sflag:$0x2], $0x2800, $0x38;
	[tilespmem:$0x1E800] =	vst v63  }
0x32: {  	_ =	swait.ge [sflag:s18], $0x2800  }
0x33: {  	[sflag:s18] =	ssyncset.done $0x0  }
0x34: {  	[sflag:s18] =	ssyncadd.s32 $0xFFFFD800  }
0x35: {  	[spmem:s11] =	stream.linear.scatter [tilespmem:s20], [sflag:$0x2], $0x2800, $0x38;
	[tilespmem:$0x1E800] =	vst v63  }
0x36: {  	_ =	swait.ge [sflag:s18], $0x2800  }
0x37: {  	[sflag:s18] =	ssyncset.done $0x0  }
0x38: {  	[sflag:s18] =	ssyncadd.s32 $0xFFFFD800  }
0x39: {  	[spmem:s12] =	stream.linear.scatter [tilespmem:s20], [sflag:$0x2], $0x2800, $0x38;
	[tilespmem:$0x1E800] =	vst v63  }
0x3a: {  	_ =	swait.ge [sflag:s18], $0x2800  }
0x3b: {  	[sflag:s18] =	ssyncset.done $0x0  }
0x3c: {  	[sflag:s18] =	ssyncadd.s32 $0xFFFFD800  }
0x3d: {  	[spmem:s13] =	stream.linear.scatter [tilespmem:s20], [sflag:$0x2], $0x2800, $0x38;
	[tilespmem:$0x1E800] =	vst v63  }
0x3e: {  	_ =	swait.ge [sflag:s18], $0x2800  }
0x3f: {  	[sflag:s18] =	ssyncset.done $0x0  }
0x40: {  	[sflag:s18] =	ssyncadd.s32 $0xFFFFD800  }
0x41: {  	[spmem:s14] =	stream.linear.scatter [tilespmem:s20], [sflag:$0x2], $0x2800, $0x38;
	[tilespmem:$0x1E800] =	vst v63  }
0x42: {  	_ =	swait.ge [sflag:s18], $0x2800  }
0x43: {  	[sflag:s18] =	ssyncset.done $0x0  }
0x44: {  	[sflag:s18] =	ssyncadd.s32 $0xFFFFD800  }
0x45: {  	[spmem:s15] =	stream.linear.scatter [tilespmem:s20], [sflag:$0x2], $0x2800, $0x38;
	[tilespmem:$0x1E800] =	vst v63  }
0x46: {  	_ =	swait.ge [sflag:s18], $0x2800  }
0x47: {  	[sflag:s18] =	ssyncset.done $0x0  }
0x48: {  	[sflag:s18] =	ssyncadd.s32 $0xFFFFD800  }
0x49: {  	s25 =	simm.s32 $0x0;
	s26 =	simm.s32 $0x0;
	[bflag:$0x0] =	sbarrier.arrive $0xFFFF  }
.LBB2_4:
0x4a: {  	s28 =	smul.u32 $0x50, s26;
	_ =	sdelay $0x1  }
0x4b: {  	s28 =	sadd.s32 s16, s28  }
0x4c: {  	s28 =	sshll.u32 s28, $0x4  }
0x4d: {  	s28 =	sadd.s32 s4, s28  }
0x4e: {  	[tilespmem:s20], [sflag:$0x2] =	stream.linear.gather [hbm4b:s28+s25], $0x2800, $0x38;
	[tilespmem:$0x1E800] =	vst v63  }
0x4f: {  	_ =	swait.ge [sflag:s18], $0x2800  }
0x50: {  	[sflag:s18] =	ssyncset.done $0x0  }
0x51: {  	s28 =	sshll.u32 s26, $0x7;
	[sflag:s18] =	ssyncadd.s32 $0xFFFFD800  }
0x52: {  	[tilespmem:s20], [sflag:$0x1] =	stream.indirect.gather.add.f32 [hbm:s5], $0x80, s28, s21, $0xb8;
	[tilespmem:$0x1E800] =	vst v63  }
0x53: {  	_ =	swait.ge [sflag:s22], $0x2800  }
0x54: {  	[sflag:s22] =	ssyncset.done $0x0  }
0x55: {  	s29 =	simm.s32 $0x0;
	[sflag:s22] =	ssyncadd.s32 $0xFFFFD800  }
0x56: {  	v3 =	vld [tilespmem:s29+$0x8000]  }
0x57: {  	v5 =	vld [tilespmem:s29+$0x8010]  }
0x58: {  	v4 =	vld [tilespmem:s29+$0x8020]  }
0x59: {  	v2 =	vld [tilespmem:s29+$0x8030]  }
0x5a: {  	v1 =	vld [tilespmem:s29+$0x8040]  }
0x5b: {  	v6 =	vmax.f32 v3, $0.0e+00;
	v3 =	vld [tilespmem:s29+$0x8050]  }
0x5c: {  	s30 =	simm.s32 $0x200;
	[tilespmem:s29+$0x8000] =	vst v6;
	v6 =	vmax.f32 v5, $0.0e+00;
	v5 =	vld [tilespmem:s29+$0x8060]  }
.LBB2_5:
0x5d: {  	s31 =	sshra.s32 s30, $0x2;
	p0 =	sne.s32 s30, $0x9E00;
	[tilespmem:s29+$0x8010] =	vst v6;
	v4 =	vmax.f32 v4, $0.0e+00;
	v6 =	vld [tilespmem:s29+$0x8070]  }
0x5e: {  	v7 =	vld [tilespmem:s31+$0x8000];
	[tilespmem:s29+$0x8020] =	vst v4;
	v2 =	vmax.f32 v2, $0.0e+00  }
0x5f: {  	v8 =	vld [tilespmem:s31+$0x8010];
	[tilespmem:s29+$0x8030] =	vst v2;
	v1 =	vmax.f32 v1, $0.0e+00  }
.Ltmp1:
0x60: {  	v4 =	vld [tilespmem:s31+$0x8020];
	[tilespmem:s29+$0x8040] =	vst v1;
	v1 =	vmax.f32 v3, $0.0e+00;
	(pc) =	sbr.rel @p0 .LBB2_5-.Ltmp1, $4  }
0x61: {  	v2 =	vld [tilespmem:s31+$0x8030];
	[tilespmem:s29+$0x8050] =	vst v1;
	v3 =	vmax.f32 v5, $0.0e+00  }
0x62: {  	v1 =	vld [tilespmem:s31+$0x8040];
	[tilespmem:s29+$0x8060] =	vst v3;
	v5 =	vmax.f32 v6, $0.0e+00  }
0x63: {  	v6 =	vmax.f32 v7, $0.0e+00;
	v3 =	vld [tilespmem:s31+$0x8050];
	[tilespmem:s29+$0x8070] =	vst v5;
	s29 =	smov.u32 s31  }
0x64: {  	s30 =	sadd.s32 $0x200, s30;
	[tilespmem:s29+$0x8000] =	vst v6;
	v6 =	vmax.f32 v8, $0.0e+00;
	v5 =	vld [tilespmem:s29+$0x8060]  }
0x65: {  	[tilespmem:s29+$0x8010] =	vst v6;
	v4 =	vmax.f32 v4, $0.0e+00;
	v63 =	vld [tilespmem:s29+$0x8070]  }
0x66: {  	[tilespmem:s29+$0x8020] =	vst v4;
	v2 =	vmax.f32 v2, $0.0e+00  }
0x67: {  	[tilespmem:s29+$0x8030] =	vst v2;
	v1 =	vmax.f32 v1, $0.0e+00  }
0x68: {  	[tilespmem:s29+$0x8040] =	vst v1;
	v1 =	vmax.f32 v3, $0.0e+00  }
0x69: {  	s26 =	sadd.s32 $0x1, s26;
	[tilespmem:s29+$0x8050] =	vst v1;
	v1 =	vmax.f32 v5, $0.0e+00  }
0x6a: {  	p0 =	sne.s32 s26, $0x7D;
	[tilespmem:s29+$0x8060] =	vst v1;
	v1 =	vmax.f32 v63, $0.0e+00  }
.Ltmp2:
0x6b: {  	s28 =	sadd.s32 $0x4000, s28;
	[tilespmem:s29+$0x8070] =	vst v1;
	(pc) =	sbr.rel @p0 .LBB2_4-.Ltmp2, $4  }
0x6c: {  	[spmem:s1] =	stream.indirect.scatter.add.f32 [tilespmem:s20], [sflag:$0x2], $0x80, s28, s21, $0xb8;
	[tilespmem:$0x1E800] =	vst v63  }
0x6d: {  	_ =	swait.ge [sflag:s18], $0x2800  }
0x6e: {  	[sflag:s18] =	ssyncset.done $0x0  }
0x6f: {  	[sflag:s18] =	ssyncadd.s32 $0xFFFFD800  }
0x70: {  	s24 =	sadd.s32 $0x1, s24  }
0x71: {  	s25 =	sshll.u32 s3, $0x6;
	[bflag:$0x0] =	sbarrier.arrive $0xFFFF;
	p0 =	sne.s32 s24, s17  }
.Ltmp3:
0x72: {  	s26 =	sshrl.u32 s8, $0x3;
	s25 =	sor.u32 $0x1C02, s25;
	(pc) =	sbr.rel @p0 .LBB2_1-.Ltmp3, $4  }
0x73: {  	[hbm:s23], [sflag:s25] =	dma.local [spmem:s26], $0x2800  }
0x74: {  	_ =	swait.ge [sflag:s18], $0x2800  }
0x75: {  	[sflag:s18] =	ssyncset.done $0x0  }
0x76: {  	[sflag:s18] =	ssyncadd.s32 $0xFFFFD800  }
0x77: {  	_ =	sfence.sel $0x180000  }
0x78: {  	[bflag:$0x0] =	sbarrier.arrive $0xFFFF  }
0x79: {  	p0 =	sne.s32 s3, $0x0;
	_ =	strace $0x9000004A  }
0x7a: {  	s0 =	sadd.s32 @!p0 $0x100000, s0;
	[bflag:$0x2] =	sbarrier.arrive $0xFFFF  }
0x7b: {  	[sflag:s0] =	ssyncadd.tile.s32 @!p0 $0x1;
	_ =	shalt  }
.Lfunc_end2:
_tile_overlayer_lowered:
.L_overlay_start_2:
0x7c: {  	(tag) =	ssettag $0x2  }
0x7d: {  	s0 =	rddreg [dreg:$0x0];
	s2 =	stileid.u32  }
0x7e: {  	s1 =	rddreg [dreg:$0x1];
	p0 =	sne.s32 s2, $0x0  }
0x7f: {  	s3 =	rddreg [dreg:$0x2];
	[bflag:$0x3] =	sbarrier.arrive $0xFFFF;
	s2 =	simm.s32 @!p0 $0x1C02  }
0x80: {  	[timem:s3], [sflag:s2] =	dma.local @!p0 [hbm:s0], s1  }
0x81: {  	s0 =	simm.s32 @!p0 $0x2  }
0x82: {  	_ =	swait.ge @!p0 [sflag:s0], s1  }
0x83: {  	s1 =	ssub.s32 @!p0 $0x0, s1;
	[sflag:s0] =	ssyncset.done @!p0 $0x0  }
0x84: {  	[sflag:s0] =	ssyncadd.s32 @!p0 s1  }
0x85: {  	[bflag:$0x3] =	sbarrier.arrive $0xFFFF  }
0x86: {  	_ =	shalt  }

// kernel: kernel.19.cloned.1.call-start
scs
__scs_entry_jumppad:
0x0: {  	(pc) =	sbr.rel $0x88, $3  }
0x1: {  	(tag) =	ssettag $0x0;
	lr =	simm.s32 $0x1  }
0x2: {  	[smem:$0x3F90] =	sst lr;
	_ =	strace $0xD0000000  }
0x3: {  	_ = 	snop  }
0x4: {  	_ = 	snop  }
0x5: {  	_ = 	snop  }
0x6: {  	_ = 	snop  }
0x7: {  	_ = 	snop  }
__scs_overlays_trampoline_lowered:
0x8: {  	[smem:$0x3F9F] =	sst s0  }
0x9: {  	[smem:$0x3FA0] =	sst s1  }
0xa: {  	[smem:$0x3FA1] =	sst s2  }
0xb: {  	[smem:$0x3FA2] =	sst s3  }
0xc: {  	[smem:$0x3FA3] =	sst s4  }
0xd: {  	[smem:$0x3FA4] =	sst s5  }
0xe: {  	[smem:$0x3FA5] =	sst s6  }
0xf: {  	[smem:$0x3FA6] =	sst s7  }
0x10: {  	[smem:$0x3FA7] =	sst s8  }
0x11: {  	[smem:$0x3FA8] =	sst s9;
	s0 =	simm.s32 @!p0 $0x0  }
0x12: {  	s1 =	sld [smem:$0x3F8E];
	s0 =	simm.s32 @p0 $0x1  }
0x13: {  	[smem:$0x3FA9] =	sst s0;
	s0 =	simm.s32 @!p1 $0x0  }
0x14: {  	s2 =	sld [smem:$0x3F8D];
	s0 =	simm.s32 @p1 $0x1  }
0x15: {  	[smem:$0x3FAA] =	sst s0;
	s0 =	simm.s32 @!p2 $0x0  }
0x16: {  	s3 =	sld [smem:$0x3FDB];
	s0 =	simm.s32 @p2 $0x1  }
0x17: {  	s4 =	simm.s32 $0x1BF5;
	[smem:$0x3FAC] =	sst s0  }
0x18: {  	s0 =	sld [smem:$0x3F8F];
	_ =	swait.ge [sflag:s4], $0x0  }
0x19: {  	s7 =	sld [smem:$0x3F90]  }
0x1a: {  	s8 =	sadd.s32 $0xFFFFE003, lr  }
0x1b: {  	s9 =	sadd.s32 $0xFFFFFEF7, lr;
	s5 =	simm.s32 $0xFFFFFFFF;
	p2 =	slt.u32 s8, $0xFFFFF086  }
0x1c: {  	p1 =	slt.u32 s9, $0xF7A;
	s5 =	simm.s32 @!p2 $0x0  }
0x1d: {  	s5 =	simm.s32 @p1 $0x1;
	p0 =	seq.s32 s7, s2  }
0x1e: {  	s7 =	smul.u32 @!p0 $0xF7A, s2;
	p2 =	seq.s32 @!p0 s5, $0x0  }
0x1f: {  	s9 =	smul.u32 $0xF7A, s1;
	s8 =	simm.s32 @!p0 $0x1BF5;
	p2 =	por !p2, p0  }
0x20: {  	[sflag:s8] =	ssyncset.s32 @!p0 $0xFFFFF086;
	s6 =	sadd.s32 @!p0 s3, s7;
	s7 =	simm.s32 @!p0 $0x108  }
0x21: {  	s3 =	sadd.s32 s3, s9;
	s6 =	sadd.s32 @!p0 $0x88, s6;
	s7 =	simm.s32 @p2 $0x1082  }
0x22: {  	[simem:s7], [sflag:s8] =	dma.local @!p0 [hbm:s6], $0xF7A  }
0x23: {  	s9 =	sor.u32 $0xD0000000, s2;
	s6 =	simm.s32 $0x108;
	_ =	swait.ge @!p0 [sflag:s8], $0x0  }
0x24: {  	s3 =	sadd.s32 $0x88, s3;
	s6 =	simm.s32 @!p1 $0x1082;
	[sflag:s4] =	ssyncset.s32 $0xFFFFF086  }
0x25: {  	[simem:s6], [sflag:s4] =	dma.local [hbm:s3], $0xF7A  }
0x26: {  	[smem:$0x3F90] =	sst s1;
	(tag) =	ssettag s2;
	_ =	strace s9  }
0x27: {  	s1 =	sld [smem:$0x3FA0]  }
0x28: {  	s2 =	sld [smem:$0x3FA1]  }
0x29: {  	s4 =	sld [smem:$0x3FA3]  }
0x2a: {  	p0 =	seq.s32 s5, $0x0;
	s5 =	sld [smem:$0x3FA4]  }
0x2b: {  	s6 =	sld [smem:$0x3FA5]  }
0x2c: {  	s7 =	sld [smem:$0x3FA6]  }
0x2d: {  	s3 =	simm.s32 $0x108;
	s8 =	sld [smem:$0x3FA7]  }
0x2e: {  	s3 =	simm.s32 @!p0 $0x1082;
	s9 =	sld [smem:$0x3FA8]  }
0x2f: {  	lr =	sadd.s32 s0, s3;
	s0 =	sld [smem:$0x3F9F]  }
0x30: {  	s3 =	sld [smem:$0x3FA2]  }
0x31: {  	[smem:$0x3FAB] =	sst s10  }
0x32: {  	s10 =	sld [smem:$0x3FA9];
	_ =	sdelay $0x3  }
0x33: {  	p0 =	seq.s32 s10, $0x1;
	s10 =	sld [smem:$0x3FAB];
	_ =	sdelay $0x3  }
0x34: {  	[smem:$0x3FAB] =	sst s10  }
0x35: {  	s10 =	sld [smem:$0x3FAA];
	_ =	sdelay $0x3  }
0x36: {  	p1 =	seq.s32 s10, $0x1;
	s10 =	sld [smem:$0x3FAB];
	_ =	sdelay $0x3  }
0x37: {  	[smem:$0x3FAB] =	sst s10  }
0x38: {  	s10 =	sld [smem:$0x3FAC]  }
0x39: {  	_ = 	snop;
	(pc) =	sbr.ind lr, $3  }
0x3a: {  	_ = 	snop  }
0x3b: {  	_ = 	snop  }
0x3c: {  	p2 =	seq.s32 s10, $0x1;
	s10 =	sld [smem:$0x3FAB]  }
0x3d: {  	_ =	shalt  }
0x3e: {  	_ =	shalt  }
0x3f: {  	_ =	shalt  }
0x40: {  	_ =	shalt  }
0x41: {  	_ =	shalt  }
0x42: {  	_ =	shalt  }
0x43: {  	_ =	shalt  }
0x44: {  	_ =	shalt  }
0x45: {  	_ =	shalt  }
0x46: {  	_ =	shalt  }
0x47: {  	_ =	shalt  }
0x48: {  	_ =	shalt  }
0x49: {  	_ =	shalt  }
0x4a: {  	_ =	shalt  }
0x4b: {  	_ =	shalt  }
0x4c: {  	_ =	shalt  }
0x4d: {  	_ =	shalt  }
0x4e: {  	_ =	shalt  }
0x4f: {  	_ =	shalt  }
0x50: {  	_ =	shalt  }
0x51: {  	_ =	shalt  }
0x52: {  	_ =	shalt  }
0x53: {  	_ =	shalt  }
0x54: {  	_ =	shalt  }
0x55: {  	_ =	shalt  }
0x56: {  	_ =	shalt  }
0x57: {  	_ =	shalt  }
0x58: {  	_ =	shalt  }
0x59: {  	_ =	shalt  }
0x5a: {  	_ =	shalt  }
0x5b: {  	_ =	shalt  }
0x5c: {  	_ =	shalt  }
0x5d: {  	_ =	shalt  }
0x5e: {  	_ =	shalt  }
0x5f: {  	_ =	shalt  }
0x60: {  	_ =	shalt  }
0x61: {  	_ =	shalt  }
0x62: {  	_ =	shalt  }
0x63: {  	_ =	shalt  }
0x64: {  	_ =	shalt  }
0x65: {  	_ =	shalt  }
0x66: {  	_ =	shalt  }
0x67: {  	_ =	shalt  }
0x68: {  	_ =	shalt  }
0x69: {  	_ =	shalt  }
0x6a: {  	_ =	shalt  }
0x6b: {  	_ =	shalt  }
0x6c: {  	_ =	shalt  }
0x6d: {  	_ =	shalt  }
0x6e: {  	_ =	shalt  }
0x6f: {  	_ =	shalt  }
0x70: {  	_ =	shalt  }
0x71: {  	_ =	shalt  }
0x72: {  	_ =	shalt  }
0x73: {  	_ =	shalt  }
0x74: {  	_ =	shalt  }
0x75: {  	_ =	shalt  }
0x76: {  	_ =	shalt  }
0x77: {  	_ =	shalt  }
0x78: {  	_ =	shalt  }
0x79: {  	_ =	shalt  }
0x7a: {  	_ =	shalt  }
0x7b: {  	_ =	shalt  }
0x7c: {  	_ =	shalt  }
0x7d: {  	_ =	shalt  }
0x7e: {  	_ =	shalt  }
0x7f: {  	_ =	shalt  }
0x80: {  	_ =	shalt  }
0x81: {  	_ =	shalt  }
0x82: {  	_ =	shalt  }
0x83: {  	_ =	shalt  }
0x84: {  	_ =	shalt  }
0x85: {  	_ =	shalt  }
0x86: {  	_ =	shalt  }
0x87: {  	_ =	shalt  }
.Lfunc_end0:
.L_simem_size_0:
called_computation.2_lowered:
.L_overlay_start_0:
0x88: {  	s2 =	sld [smem:$0x3FD9]  }
0x89: {  	s3 =	sld [smem:$0x3FFE];
	_ =	sdelay $0x1  }
0x8a: {  	s1 =	srdreg.scid  }
0x8b: {  	s0 =	sand.u32 $0x1, s1  }
0x8c: {  	s16 =	sshll.u32 s0, $0xA;
	s2 =	sadd.s32 s3, s2  }
0x8d: {  	s2 =	sadd.s32 s2, s16  }
0x8e: {  	[smem:$0x3FB7] =	sst s2  }
0x8f: {  	_ = 	snop  }
0x90: {  	(tm) =	ssettm $0x1  }
0x91: {  	s17 =	sld [smem:$0x3FFB];
	_ =	sdelay $0x3  }
0x92: {  	_ =	strace s17  }
0x93: {  	s2 =	sld [smem:$0x3FFC];
	_ =	sdelay $0x3  }
0x94: {  	_ =	strace s2  }
0x95: {  	s2 =	sld [smem:$0x3FFD];
	_ =	sdelay $0x3  }
0x96: {  	_ =	strace s2  }
0x97: {  	_ =	strace $0x8FFFFFFF  }
0x98: {  	s18 =	sld [smem:$0x3FDB];
	_ =	sdelay $0x1  }
0x99: {  	s19 =	simm.s32 $_scs_section_size  }
0x9a: {  	s4 =	simm.s32 $_size__tile_overlayer_lowered;
	s5 =	simm.s32 $_tile_overlayer_lowered  }
0x9b: {  	s22 =	simm.s32 $0x1BFF;
	s21 =	sshll.u32 s5, $0x1;
	s2 =	sadd.s32 s19, s18  }
0x9c: {  	s6 =	simm.s32 $0x0;
	s20 =	sshll.u32 s4, $0x1;
	s4 =	sadd.s32 s21, s2  }
0x9d: {  	[timem:s6], [sflag:s22] =	dma.local [hbm:s4], s20  }
0x9e: {  	_ =	swait.ge [sflag:s22], s20  }
0x9f: {  	s3 =	ssub.s32 $0x0, s20;
	[sflag:s22] =	ssyncset.done $0x0  }
0xa0: {  	[sflag:s22] =	ssyncadd.s32 s3;
	_ =	sdelay $0x1  }
0xa1: {  	s23 =	simm.s32 $0x1B8B  }
0xa2: {  	_ =	swait.ge [sflag:s23], $0x1  }
0xa3: {  	[sflag:s23] =	ssyncset.done $0x0  }
0xa4: {  	s25 =	simm.s32 $0x1B8E;
	s24 =	sld [smem:$0x3FFE];
	[sflag:s23] =	ssyncadd.s32 $0xFFFFFFFF  }
0xa5: {  	s26 =	simm.s32 $execute0_lowered;
	[smem:$0x3FD2] =	sst s25  }
0xa6: {  	s4 =	sshll.u32 s26, $0x1;
	_ =	strace $0x8000004C;
	[dreg:$0x1] =	wrdreg $0xFFFFFFFF  }
0xa7: {  	s28 =	simm.s32 $_size_execute0_lowered;
	s2 =	sadd.s32 s2, s4;
	[dreg:$0x0] =	wrdreg $0x0  }
0xa8: {  	s4 =	sshll.u32 s28, $0x1;
	[dreg:$0x2] =	wrdreg s2  }
0xa9: {  	[dreg:$0x3] =	wrdreg s4  }
0xaa: {  	[dreg:$0x4] =	wrdreg $0xC0  }
0xab: {  	_ =	task [dreg:s6], $0x5FFFF  }
0xac: {  	[dreg:$0x1] =	wrdreg $0xFFFFFFFF  }
0xad: {  	[dreg:$0x0] =	wrdreg $0x60  }
0xae: {  	[dreg:$0x2] =	wrdreg s24  }
0xaf: {  	[dreg:$0x3] =	wrdreg $0xA8000  }
0xb0: {  	[dreg:$0x4] =	wrdreg $0x9  }
0xb1: {  	_ =	task.clear_ibuf [dreg:s6], $0x5FFFF;
	_ =	strace $0x9000004C  }
0xb2: {  	s29 =	simm.s32 $0x9;
	_ =	strace $0x8000004E  }
0xb3: {  	_ =	swait.ge [sflag:s29], $0x1  }
0xb4: {  	[sflag:s29] =	ssyncadd.s32 $0xFFFFFFFF  }
0xb5: {  	_ =	strace $0x9000004E  }
0xb6: {  	_ =	sfence  }
0xb7: {  	s30 =	sld [smem:$0x0];
	_ =	sdelay $0x2  }
0xb8: {  	s31 =	sshll.u32 s1, $0xD;
	s1 =	sshrl.u32 s1, $0x2  }
0xb9: {  	s3 =	sand.u32 $0x4000, s31;
	s1 =	sadd.s32 s1, s30  }
0xba: {  	s0 =	sor.u32 s3, s0;
	s1 =	sshll.u32 s1, $0x11  }
0xbb: {  	s0 =	sor.u32 s1, s0  }
0xbc: {  	s0 =	sadd.s32 $0x8F2B, s0  }
0xbd: {  	[sflag:s0] =	ssyncadd.remote.s32 $0x1  }
0xbe: {  	_ =	sfence.sel $0xFFFF  }
0xbf: {  	[dreg:$0x0] =	wrdreg $0xFFFFFFFF;
	(pc) =	sbr.abs _section_cstart, $3  }
0xc0: {  	[dreg:$0x1] =	wrdreg $0xFFFFFFFF  }
0xc1: {  	_ =	task.clear_ibuf [dreg:s6], $0x2FFFF;
	_ =	strace $0x9FFFFFFF  }
0xc2: {  	(tm) =	ssettm $0x7FFFFFFF  }
0xc3: {  	_ =	shalt  }
tec
execute0_lowered:
.L_overlay_start_1:
0x0: {  	(tag) =	ssettag $0x1  }
0x1: {  	s6 =	rddreg [dreg:$0x0]  }
0x2: {  	s1 =	rddreg [dreg:$0x1]  }
0x3: {  	s0 =	rddreg [dreg:$0x2];
	s2 =	simm.s32 $0x0  }
0x4: {  	s3 =	srdreg.scid;
	s19 =	simm.s32 $0x4000;
	s20 =	simm.s32 $0x8000  }
0x5: {  	s21 =	simm.s32 $0x50;
	s22 =	simm.s32 $0x1;
	[smem:$0x7FF] =	sst s2  }
0x6: {  	s5 =	sand.u32 $0x1, s3;
	s3 =	stileid.u32;
	s4 =	sadd.s32 $0x621400, s6  }
0x7: {  	_ =	strace $0x8000004D;
	s7 =	sshll.u32 s5, $0x4;
	s30 =	smul.u32 $0x28000, s5  }
0x8: {  	s9 =	ssub.s32 $0x2, s5;
	s10 =	smul.u32 $0x50000, s3;
	s5 =	sadd.s32 $0x3E00, s6  }
0x9: {  	s24 =	smul.u32 $0x2800, s3;
	s16 =	sor.u32 s3, s7;
	s11 =	sshrl.u32 s9, $0x1  }
0xa: {  	s8 =	sshll.u32 s16, $0xB;
	s17 =	sadd.s32 s30, s6;
	s18 =	ssub.s32 s9, s11  }
0xb: {  	s31 =	sshrl.u32 s10, $0x2;
	s16 =	smul.u32 $0x2710, s16;
	s8 =	sadd.s32 s8, s6  }
0xc: {  	s23 =	sadd.s32 $0x2B000, s17;
	s17 =	smax.u32 s18, $0x1;
	s18 =	simm.s32 $0x2  }
0xd: {  	s6 =	sadd.s32 $0xA8200, s8;
	s7 =	sadd.s32 $0xB8200, s8;
	s8 =	sadd.s32 s31, s1  }
0xe: {  	s23 =	sadd.s32 s24, s23;
	s24 =	simm.s32 $0x0;
	s9 =	sadd.s32 $0x2800, s8  }
0xf: {  	s10 =	sadd.s32 $0x5000, s8;
	s11 =	sadd.s32 $0x7800, s8;
	s12 =	sadd.s32 $0xA000, s8  }
0x10: {  	v0 =	vimm.f32 $0.0e+00;
	s13 =	sadd.s32 $0xC800, s8;
	s14 =	sadd.s32 $0xF000, s8;
	s15 =	sadd.s32 $0x11800, s8  }
.LBB2_1:
0x11: {  	[tilespmem:s2], [sflag:$0x2] =	stream.linear.gather [hbm4b:s6+s2], $0x3E80, $0x38;
	[tilespmem:$0x1E800] =	vst v63  }
0x12: {  	_ =	swait.ge [sflag:s18], $0x3E80  }
0x13: {  	[sflag:s18] =	ssyncset.done $0x0  }
0x14: {  	[sflag:s18] =	ssyncadd.s32 $0xFFFFC180  }
0x15: {  	[tilespmem:s19], [sflag:$0x2] =	stream.linear.gather [hbm4b:s7+s2], $0x3E80, $0x38;
	[tilespmem:$0x1E800] =	vst v63  }
0x16: {  	_ =	swait.ge [sflag:s18], $0x3E80  }
0x17: {  	[sflag:s18] =	ssyncset.done $0x0  }
0x18: {  	s25 =	simm.s32 $0x0;
	s26 =	simm.s32 $0x200;
	[sflag:s18] =	ssyncadd.s32 $0xFFFFC180  }
.LBB2_2:
0x19: {  	p0 =	sne.s32 s26, $0x9E00;
	[tilespmem:s25+$0x8070] =	vst v0  }
0x1a: {  	[tilespmem:s25+$0x8000] =	vst v0  }
0x1b: {  	[tilespmem:s25+$0x8010] =	vst v0  }
.Ltmp0:
0x1c: {  	[tilespmem:s25+$0x8020] =	vst v0;
	(pc) =	sbr.rel @p0 .LBB2_2-.Ltmp0, $4  }
0x1d: {  	[tilespmem:s25+$0x8030] =	vst v0  }
0x1e: {  	[tilespmem:s25+$0x8040] =	vst v0  }
0x1f: {  	[tilespmem:s25+$0x8050] =	vst v0  }
0x20: {  	[tilespmem:s25+$0x8060] =	vst v0;
	s25 =	sshra.s32 s26, $0x2;
	s26 =	sadd.s32 $0x200, s26  }
0x21: {  	[tilespmem:s25+$0x8070] =	vst v0  }
0x22: {  	[tilespmem:s25+$0x8000] =	vst v0  }
0x23: {  	[tilespmem:s25+$0x8010] =	vst v0  }
0x24: {  	[tilespmem:s25+$0x8020] =	vst v0  }
0x25: {  	[tilespmem:s25+$0x8030] =	vst v0  }
0x26: {  	[tilespmem:s25+$0x8040] =	vst v0  }
0x27: {  	[tilespmem:s25+$0x8050] =	vst v0  }
0x28: {  	[tilespmem:s25+$0x8060] =	vst v0  }
0x29: {  	[spmem:s8] =	stream.linear.scatter [tilespmem:s20], [sflag:$0x2], $0x2800, $0x38;
	[tilespmem:$0x1E800] =	vst v63  }
0x2a: {  	_ =	swait.ge [sflag:s18], $0x2800  }
0x2b: {  	[sflag:s18] =	ssyncset.done $0x0  }
0x2c: {  	[sflag:s18] =	ssyncadd.s32 $0xFFFFD800  }
0x2d: {  	[spmem:s9] =	stream.linear.scatter [tilespmem:s20], [sflag:$0x2], $0x2800, $0x38;
	[tilespmem:$0x1E800] =	vst v63  }
0x2e: {  	_ =	swait.ge [sflag:s18], $0x2800  }
0x2f: {  	[sflag:s18] =	ssyncset.done $0x0  }
0x30: {  	[sflag:s18] =	ssyncadd.s32 $0xFFFFD800  }
0x31: {  	[spmem:s10] =	stream.linear.scatter [tilespmem:s20], [sflag:$0x2], $0x2800, $0x38;
	[tilespmem:$0x1E800] =	vst v63  }
0x32: {  	_ =	swait.ge [sflag:s18], $0x2800  }
0x33: {  	[sflag:s18] =	ssyncset.done $0x0  }
0x34: {  	[sflag:s18] =	ssyncadd.s32 $0xFFFFD800  }
0x35: {  	[spmem:s11] =	stream.linear.scatter [tilespmem:s20], [sflag:$0x2], $0x2800, $0x38;
	[tilespmem:$0x1E800] =	vst v63  }
0x36: {  	_ =	swait.ge [sflag:s18], $0x2800  }
0x37: {  	[sflag:s18] =	ssyncset.done $0x0  }
0x38: {  	[sflag:s18] =	ssyncadd.s32 $0xFFFFD800  }
0x39: {  	[spmem:s12] =	stream.linear.scatter [tilespmem:s20], [sflag:$0x2], $0x2800, $0x38;
	[tilespmem:$0x1E800] =	vst v63  }
0x3a: {  	_ =	swait.ge [sflag:s18], $0x2800  }
0x3b: {  	[sflag:s18] =	ssyncset.done $0x0  }
0x3c: {  	[sflag:s18] =	ssyncadd.s32 $0xFFFFD800  }
0x3d: {  	[spmem:s13] =	stream.linear.scatter [tilespmem:s20], [sflag:$0x2], $0x2800, $0x38;
	[tilespmem:$0x1E800] =	vst v63  }
0x3e: {  	_ =	swait.ge [sflag:s18], $0x2800  }
0x3f: {  	[sflag:s18] =	ssyncset.done $0x0  }
0x40: {  	[sflag:s18] =	ssyncadd.s32 $0xFFFFD800  }
0x41: {  	[spmem:s14] =	stream.linear.scatter [tilespmem:s20], [sflag:$0x2], $0x2800, $0x38;
	[tilespmem:$0x1E800] =	vst v63  }
0x42: {  	_ =	swait.ge [sflag:s18], $0x2800  }
0x43: {  	[sflag:s18] =	ssyncset.done $0x0  }
0x44: {  	[sflag:s18] =	ssyncadd.s32 $0xFFFFD800  }
0x45: {  	[spmem:s15] =	stream.linear.scatter [tilespmem:s20], [sflag:$0x2], $0x2800, $0x38;
	[tilespmem:$0x1E800] =	vst v63  }
0x46: {  	_ =	swait.ge [sflag:s18], $0x2800  }
0x47: {  	[sflag:s18] =	ssyncset.done $0x0  }
0x48: {  	[sflag:s18] =	ssyncadd.s32 $0xFFFFD800  }
0x49: {  	s25 =	simm.s32 $0x0;
	s26 =	simm.s32 $0x0;
	[bflag:$0x0] =	sbarrier.arrive $0xFFFF  }
.LBB2_4:
0x4a: {  	s28 =	smul.u32 $0x50, s26;
	_ =	sdelay $0x1  }
0x4b: {  	s28 =	sadd.s32 s16, s28  }
0x4c: {  	s28 =	sshll.u32 s28, $0x4  }
0x4d: {  	s28 =	sadd.s32 s4, s28  }
0x4e: {  	[tilespmem:s20], [sflag:$0x2] =	stream.linear.gather [hbm4b:s28+s25], $0x2800, $0x38;
	[tilespmem:$0x1E800] =	vst v63  }
0x4f: {  	_ =	swait.ge [sflag:s18], $0x2800  }
0x50: {  	[sflag:s18] =	ssyncset.done $0x0  }
0x51: {  	s28 =	sshll.u32 s26, $0x7;
	[sflag:s18] =	ssyncadd.s32 $0xFFFFD800  }
0x52: {  	[tilespmem:s20], [sflag:$0x1] =	stream.indirect.gather.add.f32 [hbm:s5], $0x80, s28, s21, $0xb8;
	[tilespmem:$0x1E800] =	vst v63  }
0x53: {  	_ =	swait.ge [sflag:s22], $0x2800  }
0x54: {  	[sflag:s22] =	ssyncset.done $0x0  }
0x55: {  	s29 =	simm.s32 $0x0;
	[sflag:s22] =	ssyncadd.s32 $0xFFFFD800  }
0x56: {  	v3 =	vld [tilespmem:s29+$0x8000]  }
0x57: {  	v5 =	vld [tilespmem:s29+$0x8010]  }
0x58: {  	v4 =	vld [tilespmem:s29+$0x8020]  }
0x59: {  	v2 =	vld [tilespmem:s29+$0x8030]  }
0x5a: {  	v1 =	vld [tilespmem:s29+$0x8040]  }
0x5b: {  	v6 =	vmax.f32 v3, $0.0e+00;
	v3 =	vld [tilespmem:s29+$0x8050]  }
0x5c: {  	s30 =	simm.s32 $0x200;
	[tilespmem:s29+$0x8000] =	vst v6;
	v6 =	vmax.f32 v5, $0.0e+00;
	v5 =	vld [tilespmem:s29+$0x8060]  }
.LBB2_5:
0x5d: {  	s31 =	sshra.s32 s30, $0x2;
	p0 =	sne.s32 s30, $0x9E00;
	[tilespmem:s29+$0x8010] =	vst v6;
	v4 =	vmax.f32 v4, $0.0e+00;
	v6 =	vld [tilespmem:s29+$0x8070]  }
0x5e: {  	v7 =	vld [tilespmem:s31+$0x8000];
	[tilespmem:s29+$0x8020] =	vst v4;
	v2 =	vmax.f32 v2, $0.0e+00  }
0x5f: {  	v8 =	vld [tilespmem:s31+$0x8010];
	[tilespmem:s29+$0x8030] =	vst v2;
	v1 =	vmax.f32 v1, $0.0e+00  }
.Ltmp1:
0x60: {  	v4 =	vld [tilespmem:s31+$0x8020];
	[tilespmem:s29+$0x8040] =	vst v1;
	v1 =	vmax.f32 v3, $0.0e+00;
	(pc) =	sbr.rel @p0 .LBB2_5-.Ltmp1, $4  }
0x61: {  	v2 =	vld [tilespmem:s31+$0x8030];
	[tilespmem:s29+$0x8050] =	vst v1;
	v3 =	vmax.f32 v5, $0.0e+00  }
0x62: {  	v1 =	vld [tilespmem:s31+$0x8040];
	[tilespmem:s29+$0x8060] =	vst v3;
	v5 =	vmax.f32 v6, $0.0e+00  }
0x63: {  	v6 =	vmax.f32 v7, $0.0e+00;
	v3 =	vld [tilespmem:s31+$0x8050];
	[tilespmem:s29+$0x8070] =	vst v5;
	s29 =	smov.u32 s31  }
0x64: {  	s30 =	sadd.s32 $0x200, s30;
	[tilespmem:s29+$0x8000] =	vst v6;
	v6 =	vmax.f32 v8, $0.0e+00;
	v5 =	vld [tilespmem:s29+$0x8060]  }
0x65: {  	[tilespmem:s29+$0x8010] =	vst v6;
	v4 =	vmax.f32 v4, $0.0e+00;
	v63 =	vld [tilespmem:s29+$0x8070]  }
0x66: {  	[tilespmem:s29+$0x8020] =	vst v4;
	v2 =	vmax.f32 v2, $0.0e+00  }
0x67: {  	[tilespmem:s29+$0x8030] =	vst v2;
	v1 =	vmax.f32 v1, $0.0e+00  }
0x68: {  	[tilespmem:s29+$0x8040] =	vst v1;
	v1 =	vmax.f32 v3, $0.0e+00  }
0x69: {  	s26 =	sadd.s32 $0x1, s26;
	[tilespmem:s29+$0x8050] =	vst v1;
	v1 =	vmax.f32 v5, $0.0e+00  }
0x6a: {  	p0 =	sne.s32 s26, $0x7D;
	[tilespmem:s29+$0x8060] =	vst v1;
	v1 =	vmax.f32 v63, $0.0e+00  }
.Ltmp2:
0x6b: {  	s28 =	sadd.s32 $0x4000, s28;
	[tilespmem:s29+$0x8070] =	vst v1;
	(pc) =	sbr.rel @p0 .LBB2_4-.Ltmp2, $4  }
0x6c: {  	[spmem:s1] =	stream.indirect.scatter.add.f32 [tilespmem:s20], [sflag:$0x2], $0x80, s28, s21, $0xb8;
	[tilespmem:$0x1E800] =	vst v63  }
0x6d: {  	_ =	swait.ge [sflag:s18], $0x2800  }
0x6e: {  	[sflag:s18] =	ssyncset.done $0x0  }
0x6f: {  	[sflag:s18] =	ssyncadd.s32 $0xFFFFD800  }
0x70: {  	s24 =	sadd.s32 $0x1, s24  }
0x71: {  	s25 =	sshll.u32 s3, $0x6;
	[bflag:$0x0] =	sbarrier.arrive $0xFFFF;
	p0 =	sne.s32 s24, s17  }
.Ltmp3:
0x72: {  	s26 =	sshrl.u32 s8, $0x3;
	s25 =	sor.u32 $0x1C02, s25;
	(pc) =	sbr.rel @p0 .LBB2_1-.Ltmp3, $4  }
0x73: {  	[hbm:s23], [sflag:s25] =	dma.local [spmem:s26], $0x2800  }
0x74: {  	_ =	swait.ge [sflag:s18], $0x2800  }
0x75: {  	[sflag:s18] =	ssyncset.done $0x0  }
0x76: {  	[sflag:s18] =	ssyncadd.s32 $0xFFFFD800  }
0x77: {  	_ =	sfence.sel $0x180000  }
0x78: {  	[bflag:$0x0] =	sbarrier.arrive $0xFFFF  }
0x79: {  	p0 =	sne.s32 s3, $0x0;
	_ =	strace $0x9000004D  }
0x7a: {  	s0 =	sadd.s32 @!p0 $0x100000, s0;
	[bflag:$0x2] =	sbarrier.arrive $0xFFFF  }
0x7b: {  	[sflag:s0] =	ssyncadd.tile.s32 @!p0 $0x1;
	_ =	shalt  }
.Lfunc_end2:
_tile_overlayer_lowered:
.L_overlay_start_2:
0x7c: {  	(tag) =	ssettag $0x2  }
0x7d: {  	s0 =	rddreg [dreg:$0x0];
	s2 =	stileid.u32  }
0x7e: {  	s1 =	rddreg [dreg:$0x1];
	p0 =	sne.s32 s2, $0x0  }
0x7f: {  	s3 =	rddreg [dreg:$0x2];
	[bflag:$0x3] =	sbarrier.arrive $0xFFFF;
	s2 =	simm.s32 @!p0 $0x1C02  }
0x80: {  	[timem:s3], [sflag:s2] =	dma.local @!p0 [hbm:s0], s1  }
0x81: {  	s0 =	simm.s32 @!p0 $0x2  }
0x82: {  	_ =	swait.ge @!p0 [sflag:s0], s1  }
0x83: {  	s1 =	ssub.s32 @!p0 $0x0, s1;
	[sflag:s0] =	ssyncset.done @!p0 $0x0  }
0x84: {  	[sflag:s0] =	ssyncadd.s32 @!p0 s1  }
0x85: {  	[bflag:$0x3] =	sbarrier.arrive $0xFFFF  }
0x86: {  	_ =	shalt  }

</sc_bundles>
